<compile_context>
chip_gen: v7x
topology: tpu7x:2x2x1
jax: 0.10.2.dev20260603
libtpu: 0.0.44.dev20260713+nightly
codegen_flags: <defaults>
</compile_context>

<pallas_src>
import functools

import jax
import jax.numpy as jnp
from jax import lax
from jax.experimental import pallas as pl
from jax.experimental.pallas import tpu as pltpu
from jax.experimental.pallas import tpu_sc as plsc

NC = 2
NS = 16
NW = NC * NS
L = 16

EC = 1280
KC = 1568
PC = 3920
BLK = 65536

_SC_PARAMS = dict(
    compiler_params=pltpu.CompilerParams(
        needs_layout_passes=False, use_tc_tiling_on_sc=False))


def _sc_mesh():
    return plsc.VectorSubcoreMesh(core_axis_name="c", subcore_axis_name="s",
                                  num_cores=NC, num_subcores=NS)


def _build_pack(n_nodes):
    n_full = n_nodes // KC
    tail = n_nodes - n_full * KC
    assert tail % L == 0

    @functools.partial(
        pl.kernel,
        out_type=jax.ShapeDtypeStruct(((n_nodes + 1) * 8,), jnp.float32),
        mesh=_sc_mesh(),
        scratch_types=[
            pltpu.VMEM((KC,), jnp.float32),
            pltpu.VMEM((KC,), jnp.float32),
            pltpu.VMEM((KC,), jnp.float32),
            pltpu.VMEM((KC,), jnp.float32),
            pltpu.VMEM((KC * 8,), jnp.float32),
        ],
        **_SC_PARAMS,
    )
    def pack(coord_t_hbm, nv_hbm, node_hbm, cx, cy, v0, v1, node_v):
        wid = lax.axis_index("s") * NC + lax.axis_index("c")
        iota = lax.iota(jnp.int32, L)

        def do_chunk(base, n):
            sl = pl.ds(0, n)
            pltpu.sync_copy(coord_t_hbm.at[0, pl.ds(base, n)], cx.at[sl])
            pltpu.sync_copy(coord_t_hbm.at[1, pl.ds(base, n)], cy.at[sl])
            pltpu.sync_copy(nv_hbm.at[0, pl.ds(base, n)], v0.at[sl])
            pltpu.sync_copy(nv_hbm.at[1, pl.ds(base, n)], v1.at[sl])

            @pl.loop(0, n // L)
            def _ilv(g):
                lane = iota + g * L
                s = pl.ds(g * L, L)
                lane8 = lane * 8
                plsc.store_scatter(node_v, [lane8], cx[s])
                plsc.store_scatter(node_v, [lane8 + 1], cy[s])
                plsc.store_scatter(node_v, [lane8 + 2], v0[s])
                plsc.store_scatter(node_v, [lane8 + 3], v1[s])

            pltpu.sync_copy(node_v.at[pl.ds(0, n * 8)],
                            node_hbm.at[pl.ds((base + 1) * 8, n * 8)])

        @pl.loop(wid, n_full, step=NW)
        def _main(c):
            do_chunk(c * KC, KC)

        if tail:
            @pl.when(wid == n_full % NW)
            def _tail():
                do_chunk(n_full * KC, tail)

    return pack


def _build_stage_a(n_elem):
    n_full = n_elem // EC
    tail = n_elem - n_full * EC
    tail_worker = n_full % NW
    assert tail % L == 0

    @functools.partial(
        pl.kernel,
        out_type=jax.ShapeDtypeStruct((n_elem * 8,), jnp.float32),
        mesh=_sc_mesh(),
        scratch_types=[
            pltpu.VMEM((3 * EC,), jnp.int32),
            pltpu.VMEM((3 * EC,), jnp.int32),
            pltpu.VMEM((3 * EC, 8), jnp.float32),
            pltpu.VMEM((3 * EC, 8), jnp.float32),
            pltpu.VMEM((EC * 8,), jnp.float32),
            pltpu.VMEM((EC * 8,), jnp.float32),
            pltpu.SemaphoreType.DMA,
            pltpu.SemaphoreType.DMA,
            pltpu.SemaphoreType.DMA,
            pltpu.SemaphoreType.DMA,
            pltpu.SemaphoreType.DMA,
            pltpu.SemaphoreType.DMA,
        ],
        **_SC_PARAMS,
    )
    def stage_a(conn_t_hbm, node_hbm, m_hbm,
                idx_a, idx_b, rows_a, rows_b, m_a, m_b,
                isem_a, isem_b, gsem_a, gsem_b, wsem_a, wsem_b):
        wid = lax.axis_index("s") * NC + lax.axis_index("c")
        iota = lax.iota(jnp.int32, L)
        idx_ = (idx_a, idx_b)
        rows_ = (rows_a, rows_b)
        m_ = (m_a, m_b)
        isem_ = (isem_a, isem_b)
        gsem_ = (gsem_a, gsem_b)
        wsem_ = (wsem_a, wsem_b)

        def issue_idx(c, b):
            for k in range(3):
                pltpu.async_copy(conn_t_hbm.at[k, pl.ds(c * EC, EC)],
                                 idx_[b].at[pl.ds(k * EC, EC)], isem_[b])

        def issue_gather(b):
            for k in range(3):
                pltpu.make_async_copy(conn_t_hbm.at[k, pl.ds(0, EC)],
                                      idx_[b].at[pl.ds(k * EC, EC)],
                                      isem_[b]).wait()
            pltpu.async_copy(node_hbm.at[idx_[b]], rows_[b], gsem_[b])

        def wait_gather(b):
            pltpu.make_async_copy(node_hbm.at[idx_[b]], rows_[b],
                                  gsem_[b]).wait()

        def issue_wb(c, b):
            pltpu.async_copy(m_[b], m_hbm.at[pl.ds(c * EC * 8, EC * 8)],
                             wsem_[b])

        def wait_wb(b):
            pltpu.make_async_copy(m_[b], m_hbm.at[pl.ds(0, EC * 8)],
                                  wsem_[b]).wait()

        def compute(b, n):
            rows = rows_[b]
            m_v = m_[b]

            @pl.loop(0, n // L)
            def _compute(g):
                lane = iota + g * L
                z = jnp.zeros((L,), jnp.int32)

                def fld(k, c):
                    return plsc.load_gather(rows, [lane + k * EC, z + c])

                x1 = fld(0, 0); y1 = fld(0, 1); u1 = fld(0, 2); w1 = fld(0, 3)
                x2 = fld(1, 0); y2 = fld(1, 1); u2 = fld(1, 2); w2 = fld(1, 3)
                x3 = fld(2, 0); y3 = fld(2, 1); u3 = fld(2, 2); w3 = fld(2, 3)

                d1 = x1 * (y3 - y2) + x2 * (y1 - y3) + x3 * (y2 - y1)
                d2 = -x1 * y2 + x1 * y3 + x2 * y1 - x2 * y3 - x3 * y1 + x3 * y2
                d3 = x1 * (y2 - y3) + x2 * (y3 - y1) + x3 * (y1 - y2)
                m00 = (y3 - y2) / d1
                m10 = (x2 - x3) / d2
                m20 = (x3 * y2 - x2 * y3) / d2
                m01 = (y1 - y3) / d2
                m11 = (x1 - x3) / d3
                m21 = (x3 * y1 - x1 * y3) / d3
                m02 = (y1 - y2) / d3
                m12 = (x1 - x2) / d2
                m22 = (x2 * y1 - x1 * y2) / d2

                a0 = m00 * u1 + m01 * u2 + m02 * u3
                b0 = m10 * u1 + m11 * u2 + m12 * u3
                c0 = m20 * u1 + m21 * u2 + m22 * u3
                a1 = m00 * w1 + m01 * w2 + m02 * w3
                b1 = m10 * w1 + m11 * w2 + m12 * w3
                c1 = m20 * w1 + m21 * w2 + m22 * w3

                lane8 = lane * 8
                plsc.store_scatter(m_v, [lane8], a0)
                plsc.store_scatter(m_v, [lane8 + 1], b0)
                plsc.store_scatter(m_v, [lane8 + 2], c0)
                plsc.store_scatter(m_v, [lane8 + 3], a1)
                plsc.store_scatter(m_v, [lane8 + 4], b1)
                plsc.store_scatter(m_v, [lane8 + 5], c1)

        @pl.when(wid < n_full)
        def _p0():
            issue_idx(wid, 0)

        @pl.when(wid + NW < n_full)
        def _p1():
            issue_idx(wid + NW, 1)

        @pl.when(wid < n_full)
        def _p2():
            issue_gather(0)

        @pl.loop(wid, n_full, step=2 * NW)
        def _main(c0):
            c1 = c0 + NW
            c2 = c0 + 2 * NW
            c3 = c0 + 3 * NW

            @pl.when(c1 < n_full)
            def _g1():
                issue_gather(1)

            wait_gather(0)

            @pl.when(c2 < n_full)
            def _i0():
                issue_idx(c2, 0)

            @pl.when(c0 > wid)
            def _w0():
                wait_wb(0)

            compute(0, EC)
            issue_wb(c0, 0)

            @pl.when(c1 < n_full)
            def _s1():
                @pl.when(c2 < n_full)
                def _g0():
                    issue_gather(0)

                wait_gather(1)

                @pl.when(c3 < n_full)
                def _i1():
                    issue_idx(c3, 1)

                @pl.when(c1 > wid + NW)
                def _w1():
                    wait_wb(1)

                compute(1, EC)
                issue_wb(c1, 1)

        @pl.when(wid < n_full)
        def _d0():
            wait_wb(0)

        @pl.when(wid + NW < n_full)
        def _d1():
            wait_wb(1)

        if tail:
            @pl.when(wid == tail_worker)
            def _tail():
                base = n_full * EC
                for k in range(3):
                    pltpu.sync_copy(conn_t_hbm.at[k, pl.ds(base, tail)],
                                    idx_[0].at[pl.ds(k * EC, tail)])
                cps = [pltpu.async_copy(
                           node_hbm.at[idx_[0].at[pl.ds(k * EC, tail)]],
                           rows_[0].at[pl.ds(k * EC, tail), :], gsem_[0])
                       for k in range(3)]
                for cp in cps:
                    cp.wait()
                compute(0, tail)
                pltpu.sync_copy(m_[0].at[pl.ds(0, tail * 8)],
                                m_hbm.at[pl.ds(base * 8, tail * 8)])

    return stage_a


def _build_stage_b(n_pts):
    n_full = n_pts // PC
    tail = n_pts - n_full * PC
    tail_worker = n_full % NW
    assert tail % L == 0
    plane = jax.ShapeDtypeStruct((n_pts,), jnp.float32)

    @functools.partial(
        pl.kernel,
        out_type=(plane,) * 6,
        mesh=_sc_mesh(),
        scratch_types=[
            pltpu.VMEM((PC,), jnp.int32),
            pltpu.VMEM((PC,), jnp.int32),
            pltpu.VMEM((PC, 8), jnp.float32),
            pltpu.VMEM((PC, 8), jnp.float32),
            pltpu.VMEM((PC,), jnp.float32),
            pltpu.VMEM((PC,), jnp.float32),
            pltpu.VMEM((PC,), jnp.float32),
            pltpu.VMEM((PC,), jnp.float32),
            pltpu.VMEM((PC,), jnp.float32),
            pltpu.VMEM((PC,), jnp.float32),
            pltpu.VMEM((PC,), jnp.float32),
            pltpu.VMEM((PC,), jnp.float32),
            pltpu.VMEM((PC,), jnp.float32),
            pltpu.VMEM((PC,), jnp.float32),
            pltpu.VMEM((PC,), jnp.float32),
            pltpu.VMEM((PC,), jnp.float32),
            pltpu.SemaphoreType.DMA,
            pltpu.SemaphoreType.DMA,
            pltpu.SemaphoreType.DMA,
            pltpu.SemaphoreType.DMA,
            pltpu.SemaphoreType.DMA,
            pltpu.SemaphoreType.DMA,
        ],
        **_SC_PARAMS,
    )
    def stage_b(cid_hbm, m_hbm, oa0, ob0, oc0, oa1, ob1, oc1,
                cid_a, cid_b, rows_a, rows_b,
                p00, p01, p02, p03, p04, p05,
                p10, p11, p12, p13, p14, p15,
                csem_a, csem_b, gsem_a, gsem_b, wsem_a, wsem_b):
        wid = lax.axis_index("s") * NC + lax.axis_index("c")
        iota = lax.iota(jnp.int32, L)
        cid_ = (cid_a, cid_b)
        rows_ = (rows_a, rows_b)
        pl_ = ((p00, p01, p02, p03, p04, p05),
               (p10, p11, p12, p13, p14, p15))
        out_ = (oa0, ob0, oc0, oa1, ob1, oc1)
        csem_ = (csem_a, csem_b)
        gsem_ = (gsem_a, gsem_b)
        wsem_ = (wsem_a, wsem_b)

        def issue_cid(c, b):
            pltpu.async_copy(cid_hbm.at[pl.ds(c * PC, PC)], cid_[b], csem_[b])

        def issue_gather(b):
            pltpu.make_async_copy(cid_hbm.at[pl.ds(0, PC)], cid_[b],
                                  csem_[b]).wait()
            pltpu.async_copy(m_hbm.at[cid_[b]], rows_[b], gsem_[b])

        def wait_gather(b):
            pltpu.make_async_copy(m_hbm.at[cid_[b]], rows_[b],
                                  gsem_[b]).wait()

        def issue_wb(c, b):
            for j in range(6):
                pltpu.async_copy(pl_[b][j], out_[j].at[pl.ds(c * PC, PC)],
                                 wsem_[b])

        def wait_wb(b):
            for j in range(6):
                pltpu.make_async_copy(pl_[b][j], out_[j].at[pl.ds(0, PC)],
                                      wsem_[b]).wait()

        def compute(b, n):
            rows = rows_[b]
            planes = pl_[b]

            @pl.loop(0, n // L)
            def _cmp(g):
                lane = iota + g * L
                z = jnp.zeros((L,), jnp.int32)
                s = pl.ds(g * L, L)
                planes[0][s] = plsc.load_gather(rows, [lane, z])
                planes[1][s] = plsc.load_gather(rows, [lane, z + 1])
                planes[2][s] = plsc.load_gather(rows, [lane, z + 2])
                planes[3][s] = plsc.load_gather(rows, [lane, z + 3])
                planes[4][s] = plsc.load_gather(rows, [lane, z + 4])
                planes[5][s] = plsc.load_gather(rows, [lane, z + 5])

        @pl.when(wid < n_full)
        def _p0():
            issue_cid(wid, 0)

        @pl.when(wid + NW < n_full)
        def _p1():
            issue_cid(wid + NW, 1)

        @pl.when(wid < n_full)
        def _p2():
            issue_gather(0)

        @pl.loop(wid, n_full, step=2 * NW)
        def _main(c0):
            c1 = c0 + NW
            c2 = c0 + 2 * NW
            c3 = c0 + 3 * NW

            @pl.when(c1 < n_full)
            def _g1():
                issue_gather(1)

            wait_gather(0)

            @pl.when(c2 < n_full)
            def _i0():
                issue_cid(c2, 0)

            @pl.when(c0 > wid)
            def _w0():
                wait_wb(0)

            compute(0, PC)
            issue_wb(c0, 0)

            @pl.when(c1 < n_full)
            def _s1():
                @pl.when(c2 < n_full)
                def _g0():
                    issue_gather(0)

                wait_gather(1)

                @pl.when(c3 < n_full)
                def _i1():
                    issue_cid(c3, 1)

                @pl.when(c1 > wid + NW)
                def _w1():
                    wait_wb(1)

                compute(1, PC)
                issue_wb(c1, 1)

        @pl.when(wid < n_full)
        def _d0():
            wait_wb(0)

        @pl.when(wid + NW < n_full)
        def _d1():
            wait_wb(1)

        if tail:
            @pl.when(wid == tail_worker)
            def _tail():
                base = n_full * PC
                sl = pl.ds(0, tail)
                pltpu.sync_copy(cid_hbm.at[pl.ds(base, tail)], cid_[0].at[sl])
                pltpu.async_copy(m_hbm.at[cid_[0].at[sl]],
                                 rows_[0].at[sl, :], gsem_[0]).wait()
                compute(0, tail)
                for j in range(6):
                    pltpu.sync_copy(pl_[0][j].at[sl],
                                    out_[j].at[pl.ds(base, tail)])

    return stage_b


def _build_stage_c(n_pts):
    def body(xt_ref, a0, b0, c0, a1, b1, c1, out_ref):
        xx = xt_ref[0, :]
        yy = xt_ref[1, :]
        out_ref[0, :] = xx * a0[:] + yy * b0[:] + c0[:]
        out_ref[1, :] = xx * a1[:] + yy * b1[:] + c1[:]

    pspec = pl.BlockSpec((BLK,), lambda i: (i,))
    return pl.pallas_call(
        body,
        grid=(pl.cdiv(n_pts, BLK),),
        in_specs=[pl.BlockSpec((2, BLK), lambda i: (0, i))] + [pspec] * 6,
        out_specs=pl.BlockSpec((2, BLK), lambda i: (0, i)),
        out_shape=jax.ShapeDtypeStruct((2, n_pts), jnp.float32),
    )


def kernel(x, coordinates, nodal_values, connectivity, cell_id):
    n_pts = x.shape[0]
    n_elem = connectivity.shape[0]
    n_nodes = coordinates.shape[0]

    coord_t = coordinates.T
    conn_t = connectivity.astype(jnp.int32).T
    xt = x.T

    node_flat = _build_pack(n_nodes)(coord_t, nodal_values.astype(jnp.float32))
    node_tab = node_flat.reshape(n_nodes + 1, 8)

    m_flat = _build_stage_a(n_elem)(conn_t, node_tab)
    m_tab = m_flat.reshape(n_elem, 8)

    planes = _build_stage_b(n_pts)(cell_id.astype(jnp.int32), m_tab)
    return _build_stage_c(n_pts)(xt, *planes)

# --- scband reference (transcript-rebuilt; emitter-appended) ---
"""Pipeline reference for scband-mesh-nn-71889162600997 (READ-ONLY COPY).

The authoritative reference and input builder live on the scoring server;
editing this copy changes nothing except your own understanding.
"""

import jax, jax.numpy as jnp
import numpy as np

N_NODES = 100000
N_ELEM = 200000
N_PTS = 1000000


def get_ref_coord(x, y, x1, x2, x3, y1, y2, y3):
    # Faithful translation of GetRefCoord: build per-point 3x3 inverse mapping
    d1 = x1 * (y3 - y2) + x2 * (y1 - y3) + x3 * (y2 - y1)
    d2 = -x1 * y2 + x1 * y3 + x2 * y1 - x2 * y3 - x3 * y1 + x3 * y2
    d3 = x1 * (y2 - y3) + x2 * (y3 - y1) + x3 * (y1 - y2)
    m00 = (y3 - y2) / d1
    m10 = (x2 - x3) / d2
    m20 = (x3 * y2 - x2 * y3) / d2
    m01 = (y1 - y3) / d2
    m11 = (x1 - x3) / d3
    m21 = (x3 * y1 - x1 * y3) / d3
    m02 = (y1 - y2) / d3
    m12 = (x1 - x2) / d2
    m22 = (x2 * y1 - x1 * y2) / d2
    row0 = jnp.stack((m00, m01, m02), axis=1)
    row1 = jnp.stack((m10, m11, m12), axis=1)
    row2 = jnp.stack((m20, m21, m22), axis=1)
    inv = jnp.stack((row0, row1, row2), axis=1)  # [P, 3, 3]
    x_ext = jnp.stack((x, y, jnp.ones_like(y)), axis=1)[:, None, :]  # [P, 1, 3]
    return jnp.matmul(x_ext, inv).squeeze(1)  # [P, 3]


def setup_inputs(seed: int = 0):
    key = jax.random.key(seed)
    k1, k2, k3, k4, k5 = jax.random.split(key, 5)
    coordinates = jax.random.uniform(k1, (N_NODES, 2), dtype=jnp.float32)
    nodal_values = jax.random.normal(k2, (2, N_NODES), dtype=jnp.float32)
    # 1-indexed connectivity (original code does coordinates[row - 1])
    connectivity = jax.random.randint(k3, (N_ELEM, 3), 1, N_NODES + 1)
    cell_id = jax.random.randint(k4, (N_PTS,), 0, N_ELEM)
    x = jax.random.uniform(k5, (N_PTS, 2), dtype=jnp.float32)
    return {"x": x, "coordinates": coordinates, "nodal_values": nodal_values,
            "connectivity": connectivity, "cell_id": cell_id}


def reference(x, coordinates, nodal_values, connectivity, cell_id):
    # ElementBlock2D_Lin: gather per-element node coordinates
    ids = jnp.take(connectivity, cell_id, axis=0)  # [P, 3] (1-indexed)
    n1 = jnp.take(coordinates, ids[:, 0] - 1, axis=0)  # [P, 2]
    n2 = jnp.take(coordinates, ids[:, 1] - 1, axis=0)
    n3 = jnp.take(coordinates, ids[:, 2] - 1, axis=0)
    ref = get_ref_coord(x[:, 0], x[:, 1], n1[:, 0], n2[:, 0], n3[:, 0],
                        n1[:, 1], n2[:, 1], n3[:, 1])
    shape_functions = jnp.stack((ref[:, 0], ref[:, 1], ref[:, 2]), axis=1)  # [P, 3]
    # InterpolationBlock_Lin: gather nodal values (0-indexed after -1)
    ids0 = ids - 1
    v1 = jnp.take(nodal_values, ids0[:, 0], axis=1)  # [2, P]
    v2 = jnp.take(nodal_values, ids0[:, 1], axis=1)
    v3 = jnp.take(nodal_values, ids0[:, 2], axis=1)
    out = shape_functions[:, 0] * v1 + shape_functions[:, 1] * v2 + shape_functions[:, 2] * v3
    return out  # [2, P]

if __name__ == "__main__":
    import jax
    _d = setup_inputs()
    print(jax.jit(kernel)(*tuple(_d.values())))

</pallas_src>

<mosaic_0001>
#map = affine_map<(d0, d1) -> (0, 0)>
#map1 = affine_map<(d0, d1) -> (0)>
module attributes {stable_mosaic.version = 14 : i64} {
  func.func @stage_a(%arg0: i32, %arg1: i32, %arg2: memref<3x200000xi32, #tpu.memory_space<hbm>>, %arg3: memref<100001x8xf32, #tpu.memory_space<hbm>>, %arg4: memref<1600000xf32, #tpu.memory_space<hbm>>, %arg5: memref<3840xi32, #tpu.memory_space<vmem>>, %arg6: memref<3840xi32, #tpu.memory_space<vmem>>, %arg7: memref<3840x8xf32, #tpu.memory_space<vmem>>, %arg8: memref<3840x8xf32, #tpu.memory_space<vmem>>, %arg9: memref<10240xf32, #tpu.memory_space<vmem>>, %arg10: memref<10240xf32, #tpu.memory_space<vmem>>, %arg11: memref<!tpu.dma_semaphore, #tpu.memory_space<semaphore_mem>>, %arg12: memref<!tpu.dma_semaphore, #tpu.memory_space<semaphore_mem>>, %arg13: memref<!tpu.dma_semaphore, #tpu.memory_space<semaphore_mem>>, %arg14: memref<!tpu.dma_semaphore, #tpu.memory_space<semaphore_mem>>, %arg15: memref<!tpu.dma_semaphore, #tpu.memory_space<semaphore_mem>>, %arg16: memref<!tpu.dma_semaphore, #tpu.memory_space<semaphore_mem>>) attributes {dimension_semantics = [#tpu.dimension_semantics<core_parallel>, #tpu.dimension_semantics<subcore_parallel>], iteration_bounds = array<i64: 2, 16>, scalar_prefetch = 0 : i64, scratch_operands = 12 : i64, tpu.core_type = #tpu.core_type<sc_vector_subcore>, window_params = [{transform_indices = #map}, {transform_indices = #map}, {transform_indices = #map1}]} {
    %mul3A = arith.constant 2 : i32
    %mul3A_0 = arith.muli %arg1, %mul3A : i32
    %add3A = arith.addi %mul3A_0, %arg0 : i32
    %iota3A = tpu.iota {dimensions = array<i32: 0>} : vector<16xi32>
    %lt3A = arith.constant 156 : i32
    %lt3A_1 = arith.cmpi slt, %add3A, %lt3A : i32
    %convert_element_type3A = arith.extui %lt3A_1 : i1 to i32
    %cond3A = arith.constant 0 : i32
    %cond3A_2 = arith.cmpi ne, %convert_element_type3A, %cond3A : i32
    scf.if %cond3A_2 {
      %mul3A_46 = arith.constant 1280 : i32
      %mul3A_47 = arith.muli %add3A, %mul3A_46 : i32
      %dma_start3A = arith.constant 0 : i32
      %dma_start3A_48 = arith.constant 0 : i32
      %dma_start3A_49 = tpu.memref_slice %arg5[%dma_start3A_48] : memref<3840xi32, #tpu.memory_space<vmem>> -> memref<1280xi32, #tpu.memory_space<vmem>>
      %dma_start3A_50 = tpu.memref_slice %arg2[%dma_start3A, %mul3A_47] : memref<3x200000xi32, #tpu.memory_space<hbm>> -> memref<1x1280xi32, #tpu.memory_space<hbm>>
      %dma_start3A_51 = tpu.memref_squeeze %dma_start3A_50 : memref<1x1280xi32, #tpu.memory_space<hbm>> -> memref<1280xi32, #tpu.memory_space<hbm>>
      %dma_start3A_52 = arith.constant 0 : i32
      %dma_start3A_53 = tpu.memref_slice %arg5[%dma_start3A_52] : memref<3840xi32, #tpu.memory_space<vmem>> -> memref<1280xi32, #tpu.memory_space<vmem>>
      %dma_start3A_54 = tpu.memref_slice %arg2[%dma_start3A, %mul3A_47] : memref<3x200000xi32, #tpu.memory_space<hbm>> -> memref<1x1280xi32, #tpu.memory_space<hbm>>
      %dma_start3A_55 = tpu.memref_squeeze %dma_start3A_54 : memref<1x1280xi32, #tpu.memory_space<hbm>> -> memref<1280xi32, #tpu.memory_space<hbm>>
      tpu.enqueue_dma source(%dma_start3A_55 : memref<1280xi32, #tpu.memory_space<hbm>>) target(%dma_start3A_53 : memref<1280xi32, #tpu.memory_space<vmem>>) target_semaphore(%arg11 : memref<!tpu.dma_semaphore, #tpu.memory_space<semaphore_mem>>)
      %mul3A_56 = arith.constant 1280 : i32
      %mul3A_57 = arith.muli %add3A, %mul3A_56 : i32
      %dma_start3A_58 = arith.constant 1 : i32
      %dma_start3A_59 = arith.constant 1280 : i32
      %dma_start3A_60 = tpu.memref_slice %arg5[%dma_start3A_59] : memref<3840xi32, #tpu.memory_space<vmem>> -> memref<1280xi32, #tpu.memory_space<vmem>>
      %dma_start3A_61 = tpu.memref_slice %arg2[%dma_start3A_58, %mul3A_57] : memref<3x200000xi32, #tpu.memory_space<hbm>> -> memref<1x1280xi32, #tpu.memory_space<hbm>>
      %dma_start3A_62 = tpu.memref_squeeze %dma_start3A_61 : memref<1x1280xi32, #tpu.memory_space<hbm>> -> memref<1280xi32, #tpu.memory_space<hbm>>
      %dma_start3A_63 = arith.constant 1280 : i32
      %dma_start3A_64 = tpu.memref_slice %arg5[%dma_start3A_63] : memref<3840xi32, #tpu.memory_space<vmem>> -> memref<1280xi32, #tpu.memory_space<vmem>>
      %dma_start3A_65 = tpu.memref_slice %arg2[%dma_start3A_58, %mul3A_57] : memref<3x200000xi32, #tpu.memory_space<hbm>> -> memref<1x1280xi32, #tpu.memory_space<hbm>>
      %dma_start3A_66 = tpu.memref_squeeze %dma_start3A_65 : memref<1x1280xi32, #tpu.memory_space<hbm>> -> memref<1280xi32, #tpu.memory_space<hbm>>
      tpu.enqueue_dma source(%dma_start3A_66 : memref<1280xi32, #tpu.memory_space<hbm>>) target(%dma_start3A_64 : memref<1280xi32, #tpu.memory_space<vmem>>) target_semaphore(%arg11 : memref<!tpu.dma_semaphore, #tpu.memory_space<semaphore_mem>>)
      %mul3A_67 = arith.constant 1280 : i32
      %mul3A_68 = arith.muli %add3A, %mul3A_67 : i32
      %dma_start3A_69 = arith.constant 2 : i32
      %dma_start3A_70 = arith.constant 2560 : i32
      %dma_start3A_71 = tpu.memref_slice %arg5[%dma_start3A_70] : memref<3840xi32, #tpu.memory_space<vmem>> -> memref<1280xi32, #tpu.memory_space<vmem>>
      %dma_start3A_72 = tpu.memref_slice %arg2[%dma_start3A_69, %mul3A_68] : memref<3x200000xi32, #tpu.memory_space<hbm>> -> memref<1x1280xi32, #tpu.memory_space<hbm>>
      %dma_start3A_73 = tpu.memref_squeeze %dma_start3A_72 : memref<1x1280xi32, #tpu.memory_space<hbm>> -> memref<1280xi32, #tpu.memory_space<hbm>>
      %dma_start3A_74 = arith.constant 2560 : i32
      %dma_start3A_75 = tpu.memref_slice %arg5[%dma_start3A_74] : memref<3840xi32, #tpu.memory_space<vmem>> -> memref<1280xi32, #tpu.memory_space<vmem>>
      %dma_start3A_76 = tpu.memref_slice %arg2[%dma_start3A_69, %mul3A_68] : memref<3x200000xi32, #tpu.memory_space<hbm>> -> memref<1x1280xi32, #tpu.memory_space<hbm>>
      %dma_start3A_77 = tpu.memref_squeeze %dma_start3A_76 : memref<1x1280xi32, #tpu.memory_space<hbm>> -> memref<1280xi32, #tpu.memory_space<hbm>>
      tpu.enqueue_dma source(%dma_start3A_77 : memref<1280xi32, #tpu.memory_space<hbm>>) target(%dma_start3A_75 : memref<1280xi32, #tpu.memory_space<vmem>>) target_semaphore(%arg11 : memref<!tpu.dma_semaphore, #tpu.memory_space<semaphore_mem>>)
    } else {
    }
    %add3A_3 = arith.constant 32 : i32
    %add3A_4 = arith.addi %add3A, %add3A_3 : i32
    %lt3A_5 = arith.constant 156 : i32
    %lt3A_6 = arith.cmpi slt, %add3A_4, %lt3A_5 : i32
    %convert_element_type3A_7 = arith.extui %lt3A_6 : i1 to i32
    %cond3A_8 = arith.constant 0 : i32
    %cond3A_9 = arith.cmpi ne, %convert_element_type3A_7, %cond3A_8 : i32
    scf.if %cond3A_9 {
      %add3A_46 = arith.constant 32 : i32
      %add3A_47 = arith.addi %add3A, %add3A_46 : i32
      %mul3A_48 = arith.constant 1280 : i32
      %mul3A_49 = arith.muli %add3A_47, %mul3A_48 : i32
      %dma_start3A = arith.constant 0 : i32
      %dma_start3A_50 = arith.constant 0 : i32
      %dma_start3A_51 = tpu.memref_slice %arg6[%dma_start3A_50] : memref<3840xi32, #tpu.memory_space<vmem>> -> memref<1280xi32, #tpu.memory_space<vmem>>
      %dma_start3A_52 = tpu.memref_slice %arg2[%dma_start3A, %mul3A_49] : memref<3x200000xi32, #tpu.memory_space<hbm>> -> memref<1x1280xi32, #tpu.memory_space<hbm>>
      %dma_start3A_53 = tpu.memref_squeeze %dma_start3A_52 : memref<1x1280xi32, #tpu.memory_space<hbm>> -> memref<1280xi32, #tpu.memory_space<hbm>>
      %dma_start3A_54 = arith.constant 0 : i32
      %dma_start3A_55 = tpu.memref_slice %arg6[%dma_start3A_54] : memref<3840xi32, #tpu.memory_space<vmem>> -> memref<1280xi32, #tpu.memory_space<vmem>>
      %dma_start3A_56 = tpu.memref_slice %arg2[%dma_start3A, %mul3A_49] : memref<3x200000xi32, #tpu.memory_space<hbm>> -> memref<1x1280xi32, #tpu.memory_space<hbm>>
      %dma_start3A_57 = tpu.memref_squeeze %dma_start3A_56 : memref<1x1280xi32, #tpu.memory_space<hbm>> -> memref<1280xi32, #tpu.memory_space<hbm>>
      tpu.enqueue_dma source(%dma_start3A_57 : memref<1280xi32, #tpu.memory_space<hbm>>) target(%dma_start3A_55 : memref<1280xi32, #tpu.memory_space<vmem>>) target_semaphore(%arg12 : memref<!tpu.dma_semaphore, #tpu.memory_space<semaphore_mem>>)
      %mul3A_58 = arith.constant 1280 : i32
      %mul3A_59 = arith.muli %add3A_47, %mul3A_58 : i32
      %dma_start3A_60 = arith.constant 1 : i32
      %dma_start3A_61 = arith.constant 1280 : i32
      %dma_start3A_62 = tpu.memref_slice %arg6[%dma_start3A_61] : memref<3840xi32, #tpu.memory_space<vmem>> -> memref<1280xi32, #tpu.memory_space<vmem>>
      %dma_start3A_63 = tpu.memref_slice %arg2[%dma_start3A_60, %mul3A_59] : memref<3x200000xi32, #tpu.memory_space<hbm>> -> memref<1x1280xi32, #tpu.memory_space<hbm>>
      %dma_start3A_64 = tpu.memref_squeeze %dma_start3A_63 : memref<1x1280xi32, #tpu.memory_space<hbm>> -> memref<1280xi32, #tpu.memory_space<hbm>>
      %dma_start3A_65 = arith.constant 1280 : i32
      %dma_start3A_66 = tpu.memref_slice %arg6[%dma_start3A_65] : memref<3840xi32, #tpu.memory_space<vmem>> -> memref<1280xi32, #tpu.memory_space<vmem>>
      %dma_start3A_67 = tpu.memref_slice %arg2[%dma_start3A_60, %mul3A_59] : memref<3x200000xi32, #tpu.memory_space<hbm>> -> memref<1x1280xi32, #tpu.memory_space<hbm>>
      %dma_start3A_68 = tpu.memref_squeeze %dma_start3A_67 : memref<1x1280xi32, #tpu.memory_space<hbm>> -> memref<1280xi32, #tpu.memory_space<hbm>>
      tpu.enqueue_dma source(%dma_start3A_68 : memref<1280xi32, #tpu.memory_space<hbm>>) target(%dma_start3A_66 : memref<1280xi32, #tpu.memory_space<vmem>>) target_semaphore(%arg12 : memref<!tpu.dma_semaphore, #tpu.memory_space<semaphore_mem>>)
      %mul3A_69 = arith.constant 1280 : i32
      %mul3A_70 = arith.muli %add3A_47, %mul3A_69 : i32
      %dma_start3A_71 = arith.constant 2 : i32
      %dma_start3A_72 = arith.constant 2560 : i32
      %dma_start3A_73 = tpu.memref_slice %arg6[%dma_start3A_72] : memref<3840xi32, #tpu.memory_space<vmem>> -> memref<1280xi32, #tpu.memory_space<vmem>>
      %dma_start3A_74 = tpu.memref_slice %arg2[%dma_start3A_71, %mul3A_70] : memref<3x200000xi32, #tpu.memory_space<hbm>> -> memref<1x1280xi32, #tpu.memory_space<hbm>>
      %dma_start3A_75 = tpu.memref_squeeze %dma_start3A_74 : memref<1x1280xi32, #tpu.memory_space<hbm>> -> memref<1280xi32, #tpu.memory_space<hbm>>
      %dma_start3A_76 = arith.constant 2560 : i32
      %dma_start3A_77 = tpu.memref_slice %arg6[%dma_start3A_76] : memref<3840xi32, #tpu.memory_space<vmem>> -> memref<1280xi32, #tpu.memory_space<vmem>>
      %dma_start3A_78 = tpu.memref_slice %arg2[%dma_start3A_71, %mul3A_70] : memref<3x200000xi32, #tpu.memory_space<hbm>> -> memref<1x1280xi32, #tpu.memory_space<hbm>>
      %dma_start3A_79 = tpu.memref_squeeze %dma_start3A_78 : memref<1x1280xi32, #tpu.memory_space<hbm>> -> memref<1280xi32, #tpu.memory_space<hbm>>
      tpu.enqueue_dma source(%dma_start3A_79 : memref<1280xi32, #tpu.memory_space<hbm>>) target(%dma_start3A_77 : memref<1280xi32, #tpu.memory_space<vmem>>) target_semaphore(%arg12 : memref<!tpu.dma_semaphore, #tpu.memory_space<semaphore_mem>>)
    } else {
    }
    %lt3A_10 = arith.constant 156 : i32
    %lt3A_11 = arith.cmpi slt, %add3A, %lt3A_10 : i32
    %convert_element_type3A_12 = arith.extui %lt3A_11 : i1 to i32
    %cond3A_13 = arith.constant 0 : i32
    %cond3A_14 = arith.cmpi ne, %convert_element_type3A_12, %cond3A_13 : i32
    scf.if %cond3A_14 {
      %dma_wait3A = arith.constant 0 : i32
      %dma_wait3A_46 = arith.constant 0 : i32
      %dma_wait3A_47 = tpu.memref_slice %arg5[%dma_wait3A_46] : memref<3840xi32, #tpu.memory_space<vmem>> -> memref<1280xi32, #tpu.memory_space<vmem>>
      %dma_wait3A_48 = arith.constant 0 : i32
      %dma_wait3A_49 = tpu.memref_slice %arg2[%dma_wait3A, %dma_wait3A_48] : memref<3x200000xi32, #tpu.memory_space<hbm>> -> memref<1x1280xi32, #tpu.memory_space<hbm>>
      %dma_wait3A_50 = tpu.memref_squeeze %dma_wait3A_49 : memref<1x1280xi32, #tpu.memory_space<hbm>> -> memref<1280xi32, #tpu.memory_space<hbm>>
      %dma_wait3A_51 = arith.constant 0 : i32
      %dma_wait3A_52 = tpu.memref_slice %arg5[%dma_wait3A_51] : memref<3840xi32, #tpu.memory_space<vmem>> -> memref<1280xi32, #tpu.memory_space<vmem>>
      %dma_wait3A_53 = arith.constant 0 : i32
      %dma_wait3A_54 = tpu.memref_slice %arg2[%dma_wait3A, %dma_wait3A_53] : memref<3x200000xi32, #tpu.memory_space<hbm>> -> memref<1x1280xi32, #tpu.memory_space<hbm>>
      %dma_wait3A_55 = tpu.memref_squeeze %dma_wait3A_54 : memref<1x1280xi32, #tpu.memory_space<hbm>> -> memref<1280xi32, #tpu.memory_space<hbm>>
      tpu.wait_dma2 semaphore(%arg11 : memref<!tpu.dma_semaphore, #tpu.memory_space<semaphore_mem>>) src(%dma_wait3A_55 : memref<1280xi32, #tpu.memory_space<hbm>>) dst(%dma_wait3A_52 : memref<1280xi32, #tpu.memory_space<vmem>>)
      %dma_wait3A_56 = arith.constant 1 : i32
      %dma_wait3A_57 = arith.constant 1280 : i32
      %dma_wait3A_58 = tpu.memref_slice %arg5[%dma_wait3A_57] : memref<3840xi32, #tpu.memory_space<vmem>> -> memref<1280xi32, #tpu.memory_space<vmem>>
      %dma_wait3A_59 = arith.constant 0 : i32
      %dma_wait3A_60 = tpu.memref_slice %arg2[%dma_wait3A_56, %dma_wait3A_59] : memref<3x200000xi32, #tpu.memory_space<hbm>> -> memref<1x1280xi32, #tpu.memory_space<hbm>>
      %dma_wait3A_61 = tpu.memref_squeeze %dma_wait3A_60 : memref<1x1280xi32, #tpu.memory_space<hbm>> -> memref<1280xi32, #tpu.memory_space<hbm>>
      %dma_wait3A_62 = arith.constant 1280 : i32
      %dma_wait3A_63 = tpu.memref_slice %arg5[%dma_wait3A_62] : memref<3840xi32, #tpu.memory_space<vmem>> -> memref<1280xi32, #tpu.memory_space<vmem>>
      %dma_wait3A_64 = arith.constant 0 : i32
      %dma_wait3A_65 = tpu.memref_slice %arg2[%dma_wait3A_56, %dma_wait3A_64] : memref<3x200000xi32, #tpu.memory_space<hbm>> -> memref<1x1280xi32, #tpu.memory_space<hbm>>
      %dma_wait3A_66 = tpu.memref_squeeze %dma_wait3A_65 : memref<1x1280xi32, #tpu.memory_space<hbm>> -> memref<1280xi32, #tpu.memory_space<hbm>>
      tpu.wait_dma2 semaphore(%arg11 : memref<!tpu.dma_semaphore, #tpu.memory_space<semaphore_mem>>) src(%dma_wait3A_66 : memref<1280xi32, #tpu.memory_space<hbm>>) dst(%dma_wait3A_63 : memref<1280xi32, #tpu.memory_space<vmem>>)
      %dma_wait3A_67 = arith.constant 2 : i32
      %dma_wait3A_68 = arith.constant 2560 : i32
      %dma_wait3A_69 = tpu.memref_slice %arg5[%dma_wait3A_68] : memref<3840xi32, #tpu.memory_space<vmem>> -> memref<1280xi32, #tpu.memory_space<vmem>>
      %dma_wait3A_70 = arith.constant 0 : i32
      %dma_wait3A_71 = tpu.memref_slice %arg2[%dma_wait3A_67, %dma_wait3A_70] : memref<3x200000xi32, #tpu.memory_space<hbm>> -> memref<1x1280xi32, #tpu.memory_space<hbm>>
      %dma_wait3A_72 = tpu.memref_squeeze %dma_wait3A_71 : memref<1x1280xi32, #tpu.memory_space<hbm>> -> memref<1280xi32, #tpu.memory_space<hbm>>
      %dma_wait3A_73 = arith.constant 2560 : i32
      %dma_wait3A_74 = tpu.memref_slice %arg5[%dma_wait3A_73] : memref<3840xi32, #tpu.memory_space<vmem>> -> memref<1280xi32, #tpu.memory_space<vmem>>
      %dma_wait3A_75 = arith.constant 0 : i32
      %dma_wait3A_76 = tpu.memref_slice %arg2[%dma_wait3A_67, %dma_wait3A_75] : memref<3x200000xi32, #tpu.memory_space<hbm>> -> memref<1x1280xi32, #tpu.memory_space<hbm>>
      %dma_wait3A_77 = tpu.memref_squeeze %dma_wait3A_76 : memref<1x1280xi32, #tpu.memory_space<hbm>> -> memref<1280xi32, #tpu.memory_space<hbm>>
      tpu.wait_dma2 semaphore(%arg11 : memref<!tpu.dma_semaphore, #tpu.memory_space<semaphore_mem>>) src(%dma_wait3A_77 : memref<1280xi32, #tpu.memory_space<hbm>>) dst(%dma_wait3A_74 : memref<1280xi32, #tpu.memory_space<vmem>>)
      %dma_start3A = arith.constant 0 : i32
      %dma_start3A_78 = arith.constant 0 : i32
      %dma_start3A_79 = tpu.memref_slice %arg3[%dma_start3A, %dma_start3A_78] : memref<100001x8xf32, #tpu.memory_space<hbm>> -> memref<100001x8xf32, #tpu.memory_space<hbm>>
      tpu.enqueue_indirect_dma source(%dma_start3A_79 : memref<100001x8xf32, #tpu.memory_space<hbm>>) target(%arg7 : memref<3840x8xf32, #tpu.memory_space<vmem>>) offsets(%arg5 : memref<3840xi32, #tpu.memory_space<vmem>>) semaphore(%arg13 : memref<!tpu.dma_semaphore, #tpu.memory_space<semaphore_mem>>)
    } else {
    }
    %sub3A = arith.constant 156 : i32
    %sub3A_15 = arith.subi %sub3A, %add3A : i32
    %sub3A_16 = arith.constant 64 : i32
    %sub3A_17 = arith.constant 1 : i32
    %sub3A_18 = arith.subi %sub3A_16, %sub3A_17 : i32
    %add3A_19 = arith.addi %sub3A_15, %sub3A_18 : i32
    %div3A = arith.constant 64 : i32
    %div3A_20 = arith.divsi %add3A_19, %div3A : i32
    %while3A = arith.constant 64 : i32
    %while3A_21 = arith.constant 0 : i32
    %while3A_22 = arith.subi %div3A_20, %while3A_21 : i32
    %while3A_23 = arith.addi %while3A_21, %while3A_22 : i32
    %while3A_24 = arith.constant 1 : i32
    %while3A_25 = arith.divsi %while3A_22, %while3A_24 : i32
    %while3A_26 = arith.muli %while3A_25, %while3A_24 : i32
    %while3A_27 = arith.addi %while3A_21, %while3A_26 : i32
    %while3A_28 = arith.constant 1 : i32
    scf.for %while3A_46 = %while3A_21 to %while3A_27 step %while3A_28  : i32 {
      %mul3A_47 = arith.muli %while3A_46, %while3A : i32
      %add3A_48 = arith.addi %add3A, %mul3A_47 : i32
      %add3A_49 = arith.constant 32 : i32
      %add3A_50 = arith.addi %add3A_48, %add3A_49 : i32
      %add3A_51 = arith.constant 64 : i32
      %add3A_52 = arith.addi %add3A_48, %add3A_51 : i32
      %add3A_53 = arith.constant 96 : i32
      %add3A_54 = arith.addi %add3A_48, %add3A_53 : i32
      %lt3A_55 = arith.constant 156 : i32
      %lt3A_56 = arith.cmpi slt, %add3A_50, %lt3A_55 : i32
      %convert_element_type3A_57 = arith.extui %lt3A_56 : i1 to i32
      %cond3A_58 = arith.constant 0 : i32
      %cond3A_59 = arith.cmpi ne, %convert_element_type3A_57, %cond3A_58 : i32
      scf.if %cond3A_59 {
        %dma_wait3A_84 = arith.constant 0 : i32
        %dma_wait3A_85 = arith.constant 0 : i32
        %dma_wait3A_86 = tpu.memref_slice %arg6[%dma_wait3A_85] : memref<3840xi32, #tpu.memory_space<vmem>> -> memref<1280xi32, #tpu.memory_space<vmem>>
        %dma_wait3A_87 = arith.constant 0 : i32
        %dma_wait3A_88 = tpu.memref_slice %arg2[%dma_wait3A_84, %dma_wait3A_87] : memref<3x200000xi32, #tpu.memory_space<hbm>> -> memref<1x1280xi32, #tpu.memory_space<hbm>>
        %dma_wait3A_89 = tpu.memref_squeeze %dma_wait3A_88 : memref<1x1280xi32, #tpu.memory_space<hbm>> -> memref<1280xi32, #tpu.memory_space<hbm>>
        %dma_wait3A_90 = arith.constant 0 : i32
        %dma_wait3A_91 = tpu.memref_slice %arg6[%dma_wait3A_90] : memref<3840xi32, #tpu.memory_space<vmem>> -> memref<1280xi32, #tpu.memory_space<vmem>>
        %dma_wait3A_92 = arith.constant 0 : i32
        %dma_wait3A_93 = tpu.memref_slice %arg2[%dma_wait3A_84, %dma_wait3A_92] : memref<3x200000xi32, #tpu.memory_space<hbm>> -> memref<1x1280xi32, #tpu.memory_space<hbm>>
        %dma_wait3A_94 = tpu.memref_squeeze %dma_wait3A_93 : memref<1x1280xi32, #tpu.memory_space<hbm>> -> memref<1280xi32, #tpu.memory_space<hbm>>
        tpu.wait_dma2 semaphore(%arg12 : memref<!tpu.dma_semaphore, #tpu.memory_space<semaphore_mem>>) src(%dma_wait3A_94 : memref<1280xi32, #tpu.memory_space<hbm>>) dst(%dma_wait3A_91 : memref<1280xi32, #tpu.memory_space<vmem>>)
        %dma_wait3A_95 = arith.constant 1 : i32
        %dma_wait3A_96 = arith.constant 1280 : i32
        %dma_wait3A_97 = tpu.memref_slice %arg6[%dma_wait3A_96] : memref<3840xi32, #tpu.memory_space<vmem>> -> memref<1280xi32, #tpu.memory_space<vmem>>
        %dma_wait3A_98 = arith.constant 0 : i32
        %dma_wait3A_99 = tpu.memref_slice %arg2[%dma_wait3A_95, %dma_wait3A_98] : memref<3x200000xi32, #tpu.memory_space<hbm>> -> memref<1x1280xi32, #tpu.memory_space<hbm>>
        %dma_wait3A_100 = tpu.memref_squeeze %dma_wait3A_99 : memref<1x1280xi32, #tpu.memory_space<hbm>> -> memref<1280xi32, #tpu.memory_space<hbm>>
        %dma_wait3A_101 = arith.constant 1280 : i32
        %dma_wait3A_102 = tpu.memref_slice %arg6[%dma_wait3A_101] : memref<3840xi32, #tpu.memory_space<vmem>> -> memref<1280xi32, #tpu.memory_space<vmem>>
        %dma_wait3A_103 = arith.constant 0 : i32
        %dma_wait3A_104 = tpu.memref_slice %arg2[%dma_wait3A_95, %dma_wait3A_103] : memref<3x200000xi32, #tpu.memory_space<hbm>> -> memref<1x1280xi32, #tpu.memory_space<hbm>>
        %dma_wait3A_105 = tpu.memref_squeeze %dma_wait3A_104 : memref<1x1280xi32, #tpu.memory_space<hbm>> -> memref<1280xi32, #tpu.memory_space<hbm>>
        tpu.wait_dma2 semaphore(%arg12 : memref<!tpu.dma_semaphore, #tpu.memory_space<semaphore_mem>>) src(%dma_wait3A_105 : memref<1280xi32, #tpu.memory_space<hbm>>) dst(%dma_wait3A_102 : memref<1280xi32, #tpu.memory_space<vmem>>)
        %dma_wait3A_106 = arith.constant 2 : i32
        %dma_wait3A_107 = arith.constant 2560 : i32
        %dma_wait3A_108 = tpu.memref_slice %arg6[%dma_wait3A_107] : memref<3840xi32, #tpu.memory_space<vmem>> -> memref<1280xi32, #tpu.memory_space<vmem>>
        %dma_wait3A_109 = arith.constant 0 : i32
        %dma_wait3A_110 = tpu.memref_slice %arg2[%dma_wait3A_106, %dma_wait3A_109] : memref<3x200000xi32, #tpu.memory_space<hbm>> -> memref<1x1280xi32, #tpu.memory_space<hbm>>
        %dma_wait3A_111 = tpu.memref_squeeze %dma_wait3A_110 : memref<1x1280xi32, #tpu.memory_space<hbm>> -> memref<1280xi32, #tpu.memory_space<hbm>>
        %dma_wait3A_112 = arith.constant 2560 : i32
        %dma_wait3A_113 = tpu.memref_slice %arg6[%dma_wait3A_112] : memref<3840xi32, #tpu.memory_space<vmem>> -> memref<1280xi32, #tpu.memory_space<vmem>>
        %dma_wait3A_114 = arith.constant 0 : i32
        %dma_wait3A_115 = tpu.memref_slice %arg2[%dma_wait3A_106, %dma_wait3A_114] : memref<3x200000xi32, #tpu.memory_space<hbm>> -> memref<1x1280xi32, #tpu.memory_space<hbm>>
        %dma_wait3A_116 = tpu.memref_squeeze %dma_wait3A_115 : memref<1x1280xi32, #tpu.memory_space<hbm>> -> memref<1280xi32, #tpu.memory_space<hbm>>
        tpu.wait_dma2 semaphore(%arg12 : memref<!tpu.dma_semaphore, #tpu.memory_space<semaphore_mem>>) src(%dma_wait3A_116 : memref<1280xi32, #tpu.memory_space<hbm>>) dst(%dma_wait3A_113 : memref<1280xi32, #tpu.memory_space<vmem>>)
        %dma_start3A_117 = arith.constant 0 : i32
        %dma_start3A_118 = arith.constant 0 : i32
        %dma_start3A_119 = tpu.memref_slice %arg3[%dma_start3A_117, %dma_start3A_118] : memref<100001x8xf32, #tpu.memory_space<hbm>> -> memref<100001x8xf32, #tpu.memory_space<hbm>>
        tpu.enqueue_indirect_dma source(%dma_start3A_119 : memref<100001x8xf32, #tpu.memory_space<hbm>>) target(%arg8 : memref<3840x8xf32, #tpu.memory_space<vmem>>) offsets(%arg6 : memref<3840xi32, #tpu.memory_space<vmem>>) semaphore(%arg14 : memref<!tpu.dma_semaphore, #tpu.memory_space<semaphore_mem>>)
      } else {
      }
      %dma_wait3A = arith.constant 0 : i32
      %dma_wait3A_60 = arith.constant 0 : i32
      %dma_wait3A_61 = tpu.memref_slice %arg3[%dma_wait3A, %dma_wait3A_60] : memref<100001x8xf32, #tpu.memory_space<hbm>> -> memref<100001x8xf32, #tpu.memory_space<hbm>>
      tpu.wait_indirect_dma semaphore(%arg13 : memref<!tpu.dma_semaphore, #tpu.memory_space<semaphore_mem>>) src(%dma_wait3A_61 : memref<100001x8xf32, #tpu.memory_space<hbm>>) dst(%arg7 : memref<3840x8xf32, #tpu.memory_space<vmem>>)
      %lt3A_62 = arith.constant 156 : i32
      %lt3A_63 = arith.cmpi slt, %add3A_52, %lt3A_62 : i32
      %convert_element_type3A_64 = arith.extui %lt3A_63 : i1 to i32
      %cond3A_65 = arith.constant 0 : i32
      %cond3A_66 = arith.cmpi ne, %convert_element_type3A_64, %cond3A_65 : i32
      scf.if %cond3A_66 {
        %mul3A_84 = arith.constant 1280 : i32
        %mul3A_85 = arith.muli %add3A_52, %mul3A_84 : i32
        %dma_start3A_86 = arith.constant 0 : i32
        %dma_start3A_87 = arith.constant 0 : i32
        %dma_start3A_88 = tpu.memref_slice %arg5[%dma_start3A_87] : memref<3840xi32, #tpu.memory_space<vmem>> -> memref<1280xi32, #tpu.memory_space<vmem>>
        %dma_start3A_89 = tpu.memref_slice %arg2[%dma_start3A_86, %mul3A_85] : memref<3x200000xi32, #tpu.memory_space<hbm>> -> memref<1x1280xi32, #tpu.memory_space<hbm>>
        %dma_start3A_90 = tpu.memref_squeeze %dma_start3A_89 : memref<1x1280xi32, #tpu.memory_space<hbm>> -> memref<1280xi32, #tpu.memory_space<hbm>>
        %dma_start3A_91 = arith.constant 0 : i32
        %dma_start3A_92 = tpu.memref_slice %arg5[%dma_start3A_91] : memref<3840xi32, #tpu.memory_space<vmem>> -> memref<1280xi32, #tpu.memory_space<vmem>>
        %dma_start3A_93 = tpu.memref_slice %arg2[%dma_start3A_86, %mul3A_85] : memref<3x200000xi32, #tpu.memory_space<hbm>> -> memref<1x1280xi32, #tpu.memory_space<hbm>>
        %dma_start3A_94 = tpu.memref_squeeze %dma_start3A_93 : memref<1x1280xi32, #tpu.memory_space<hbm>> -> memref<1280xi32, #tpu.memory_space<hbm>>
        tpu.enqueue_dma source(%dma_start3A_94 : memref<1280xi32, #tpu.memory_space<hbm>>) target(%dma_start3A_92 : memref<1280xi32, #tpu.memory_space<vmem>>) target_semaphore(%arg11 : memref<!tpu.dma_semaphore, #tpu.memory_space<semaphore_mem>>)
        %mul3A_95 = arith.constant 1280 : i32
        %mul3A_96 = arith.muli %add3A_52, %mul3A_95 : i32
        %dma_start3A_97 = arith.constant 1 : i32
        %dma_start3A_98 = arith.constant 1280 : i32
        %dma_start3A_99 = tpu.memref_slice %arg5[%dma_start3A_98] : memref<3840xi32, #tpu.memory_space<vmem>> -> memref<1280xi32, #tpu.memory_space<vmem>>
        %dma_start3A_100 = tpu.memref_slice %arg2[%dma_start3A_97, %mul3A_96] : memref<3x200000xi32, #tpu.memory_space<hbm>> -> memref<1x1280xi32, #tpu.memory_space<hbm>>
        %dma_start3A_101 = tpu.memref_squeeze %dma_start3A_100 : memref<1x1280xi32, #tpu.memory_space<hbm>> -> memref<1280xi32, #tpu.memory_space<hbm>>
        %dma_start3A_102 = arith.constant 1280 : i32
        %dma_start3A_103 = tpu.memref_slice %arg5[%dma_start3A_102] : memref<3840xi32, #tpu.memory_space<vmem>> -> memref<1280xi32, #tpu.memory_space<vmem>>
        %dma_start3A_104 = tpu.memref_slice %arg2[%dma_start3A_97, %mul3A_96] : memref<3x200000xi32, #tpu.memory_space<hbm>> -> memref<1x1280xi32, #tpu.memory_space<hbm>>
        %dma_start3A_105 = tpu.memref_squeeze %dma_start3A_104 : memref<1x1280xi32, #tpu.memory_space<hbm>> -> memref<1280xi32, #tpu.memory_space<hbm>>
        tpu.enqueue_dma source(%dma_start3A_105 : memref<1280xi32, #tpu.memory_space<hbm>>) target(%dma_start3A_103 : memref<1280xi32, #tpu.memory_space<vmem>>) target_semaphore(%arg11 : memref<!tpu.dma_semaphore, #tpu.memory_space<semaphore_mem>>)
        %mul3A_106 = arith.constant 1280 : i32
        %mul3A_107 = arith.muli %add3A_52, %mul3A_106 : i32
        %dma_start3A_108 = arith.constant 2 : i32
        %dma_start3A_109 = arith.constant 2560 : i32
        %dma_start3A_110 = tpu.memref_slice %arg5[%dma_start3A_109] : memref<3840xi32, #tpu.memory_space<vmem>> -> memref<1280xi32, #tpu.memory_space<vmem>>
        %dma_start3A_111 = tpu.memref_slice %arg2[%dma_start3A_108, %mul3A_107] : memref<3x200000xi32, #tpu.memory_space<hbm>> -> memref<1x1280xi32, #tpu.memory_space<hbm>>
        %dma_start3A_112 = tpu.memref_squeeze %dma_start3A_111 : memref<1x1280xi32, #tpu.memory_space<hbm>> -> memref<1280xi32, #tpu.memory_space<hbm>>
        %dma_start3A_113 = arith.constant 2560 : i32
        %dma_start3A_114 = tpu.memref_slice %arg5[%dma_start3A_113] : memref<3840xi32, #tpu.memory_space<vmem>> -> memref<1280xi32, #tpu.memory_space<vmem>>
        %dma_start3A_115 = tpu.memref_slice %arg2[%dma_start3A_108, %mul3A_107] : memref<3x200000xi32, #tpu.memory_space<hbm>> -> memref<1x1280xi32, #tpu.memory_space<hbm>>
        %dma_start3A_116 = tpu.memref_squeeze %dma_start3A_115 : memref<1x1280xi32, #tpu.memory_space<hbm>> -> memref<1280xi32, #tpu.memory_space<hbm>>
        tpu.enqueue_dma source(%dma_start3A_116 : memref<1280xi32, #tpu.memory_space<hbm>>) target(%dma_start3A_114 : memref<1280xi32, #tpu.memory_space<vmem>>) target_semaphore(%arg11 : memref<!tpu.dma_semaphore, #tpu.memory_space<semaphore_mem>>)
      } else {
      }
      %gt3A = arith.cmpi sgt, %add3A_48, %add3A : i32
      %convert_element_type3A_67 = arith.extui %gt3A : i1 to i32
      %cond3A_68 = arith.constant 0 : i32
      %cond3A_69 = arith.cmpi ne, %convert_element_type3A_67, %cond3A_68 : i32
      scf.if %cond3A_69 {
        %dma_wait3A_84 = arith.constant 0 : i32
        %dma_wait3A_85 = tpu.memref_slice %arg4[%dma_wait3A_84] : memref<1600000xf32, #tpu.memory_space<hbm>> -> memref<10240xf32, #tpu.memory_space<hbm>>
        %dma_wait3A_86 = arith.constant 0 : i32
        %dma_wait3A_87 = tpu.memref_slice %arg4[%dma_wait3A_86] : memref<1600000xf32, #tpu.memory_space<hbm>> -> memref<10240xf32, #tpu.memory_space<hbm>>
        tpu.wait_dma2 semaphore(%arg15 : memref<!tpu.dma_semaphore, #tpu.memory_space<semaphore_mem>>) src(%arg9 : memref<10240xf32, #tpu.memory_space<vmem>>) dst(%dma_wait3A_87 : memref<10240xf32, #tpu.memory_space<hbm>>)
      } else {
      }
      %scan3A = arith.constant 0 : i32
      %scan3A_70 = arith.constant 80 : i32
      %scan3A_71 = arith.addi %scan3A, %scan3A_70 : i32
      %scan3A_72 = arith.constant 1 : i32
      scf.for %scan3A_84 = %scan3A to %scan3A_71 step %scan3A_72  : i32 {
        %mul3A_85 = arith.constant 1 : i32
        %mul3A_86 = arith.muli %scan3A_84, %mul3A_85 : i32
        %add3A_87 = arith.constant 0 : i32
        %add3A_88 = arith.addi %add3A_87, %mul3A_86 : i32
        %mul3A_89 = arith.constant 16 : i32
        %mul3A_90 = arith.muli %add3A_88, %mul3A_89 : i32
        %add3A_91 = vector.broadcast %mul3A_90 : i32 to vector<16xi32>
        %add3A_92 = arith.addi %iota3A, %add3A_91 : vector<16xi32>
        %broadcast_in_dim3A = arith.constant 0 : i32
        %broadcast_in_dim3A_93 = vector.broadcast %broadcast_in_dim3A : i32 to vector<16xi32>
        %add3A_94 = arith.constant 0 : i32
        %add3A_95 = vector.broadcast %add3A_94 : i32 to vector<16xi32>
        %add3A_96 = arith.addi %add3A_92, %add3A_95 : vector<16xi32>
        %add3A_97 = arith.constant 0 : i32
        %add3A_98 = vector.broadcast %add3A_97 : i32 to vector<16xi32>
        %add3A_99 = arith.addi %broadcast_in_dim3A_93, %add3A_98 : vector<16xi32>
        %gather3A = tpu.vector_load_idx %arg7[%add3A_96, %add3A_99] : memref<3840x8xf32, #tpu.memory_space<vmem>>[vector<16xi32>, vector<16xi32>], vector<16xf32>,
        %add3A_100 = arith.constant 0 : i32
        %add3A_101 = vector.broadcast %add3A_100 : i32 to vector<16xi32>
        %add3A_102 = arith.addi %add3A_92, %add3A_101 : vector<16xi32>
        %add3A_103 = arith.constant 1 : i32
        %add3A_104 = vector.broadcast %add3A_103 : i32 to vector<16xi32>
        %add3A_105 = arith.addi %broadcast_in_dim3A_93, %add3A_104 : vector<16xi32>
        %gather3A_106 = tpu.vector_load_idx %arg7[%add3A_102, %add3A_105] : memref<3840x8xf32, #tpu.memory_space<vmem>>[vector<16xi32>, vector<16xi32>], vector<16xf32>,
        %add3A_107 = arith.constant 0 : i32
        %add3A_108 = vector.broadcast %add3A_107 : i32 to vector<16xi32>
        %add3A_109 = arith.addi %add3A_92, %add3A_108 : vector<16xi32>
        %add3A_110 = arith.constant 2 : i32
        %add3A_111 = vector.broadcast %add3A_110 : i32 to vector<16xi32>
        %add3A_112 = arith.addi %broadcast_in_dim3A_93, %add3A_111 : vector<16xi32>
        %gather3A_113 = tpu.vector_load_idx %arg7[%add3A_109, %add3A_112] : memref<3840x8xf32, #tpu.memory_space<vmem>>[vector<16xi32>, vector<16xi32>], vector<16xf32>,
        %add3A_114 = arith.constant 0 : i32
        %add3A_115 = vector.broadcast %add3A_114 : i32 to vector<16xi32>
        %add3A_116 = arith.addi %add3A_92, %add3A_115 : vector<16xi32>
        %add3A_117 = arith.constant 3 : i32
        %add3A_118 = vector.broadcast %add3A_117 : i32 to vector<16xi32>
        %add3A_119 = arith.addi %broadcast_in_dim3A_93, %add3A_118 : vector<16xi32>
        %gather3A_120 = tpu.vector_load_idx %arg7[%add3A_116, %add3A_119] : memref<3840x8xf32, #tpu.memory_space<vmem>>[vector<16xi32>, vector<16xi32>], vector<16xf32>,
        %add3A_121 = arith.constant 1280 : i32
        %add3A_122 = vector.broadcast %add3A_121 : i32 to vector<16xi32>
        %add3A_123 = arith.addi %add3A_92, %add3A_122 : vector<16xi32>
        %add3A_124 = arith.constant 0 : i32
        %add3A_125 = vector.broadcast %add3A_124 : i32 to vector<16xi32>
        %add3A_126 = arith.addi %broadcast_in_dim3A_93, %add3A_125 : vector<16xi32>
        %gather3A_127 = tpu.vector_load_idx %arg7[%add3A_123, %add3A_126] : memref<3840x8xf32, #tpu.memory_space<vmem>>[vector<16xi32>, vector<16xi32>], vector<16xf32>,
        %add3A_128 = arith.constant 1280 : i32
        %add3A_129 = vector.broadcast %add3A_128 : i32 to vector<16xi32>
        %add3A_130 = arith.addi %add3A_92, %add3A_129 : vector<16xi32>
        %add3A_131 = arith.constant 1 : i32
        %add3A_132 = vector.broadcast %add3A_131 : i32 to vector<16xi32>
        %add3A_133 = arith.addi %broadcast_in_dim3A_93, %add3A_132 : vector<16xi32>
        %gather3A_134 = tpu.vector_load_idx %arg7[%add3A_130, %add3A_133] : memref<3840x8xf32, #tpu.memory_space<vmem>>[vector<16xi32>, vector<16xi32>], vector<16xf32>,
        %add3A_135 = arith.constant 1280 : i32
        %add3A_136 = vector.broadcast %add3A_135 : i32 to vector<16xi32>
        %add3A_137 = arith.addi %add3A_92, %add3A_136 : vector<16xi32>
        %add3A_138 = arith.constant 2 : i32
        %add3A_139 = vector.broadcast %add3A_138 : i32 to vector<16xi32>
        %add3A_140 = arith.addi %broadcast_in_dim3A_93, %add3A_139 : vector<16xi32>
        %gather3A_141 = tpu.vector_load_idx %arg7[%add3A_137, %add3A_140] : memref<3840x8xf32, #tpu.memory_space<vmem>>[vector<16xi32>, vector<16xi32>], vector<16xf32>,
        %add3A_142 = arith.constant 1280 : i32
        %add3A_143 = vector.broadcast %add3A_142 : i32 to vector<16xi32>
        %add3A_144 = arith.addi %add3A_92, %add3A_143 : vector<16xi32>
        %add3A_145 = arith.constant 3 : i32
        %add3A_146 = vector.broadcast %add3A_145 : i32 to vector<16xi32>
        %add3A_147 = arith.addi %broadcast_in_dim3A_93, %add3A_146 : vector<16xi32>
        %gather3A_148 = tpu.vector_load_idx %arg7[%add3A_144, %add3A_147] : memref<3840x8xf32, #tpu.memory_space<vmem>>[vector<16xi32>, vector<16xi32>], vector<16xf32>,
        %add3A_149 = arith.constant 2560 : i32
        %add3A_150 = vector.broadcast %add3A_149 : i32 to vector<16xi32>
        %add3A_151 = arith.addi %add3A_92, %add3A_150 : vector<16xi32>
        %add3A_152 = arith.constant 0 : i32
        %add3A_153 = vector.broadcast %add3A_152 : i32 to vector<16xi32>
        %add3A_154 = arith.addi %broadcast_in_dim3A_93, %add3A_153 : vector<16xi32>
        %gather3A_155 = tpu.vector_load_idx %arg7[%add3A_151, %add3A_154] : memref<3840x8xf32, #tpu.memory_space<vmem>>[vector<16xi32>, vector<16xi32>], vector<16xf32>,
        %add3A_156 = arith.constant 2560 : i32
        %add3A_157 = vector.broadcast %add3A_156 : i32 to vector<16xi32>
        %add3A_158 = arith.addi %add3A_92, %add3A_157 : vector<16xi32>
        %add3A_159 = arith.constant 1 : i32
        %add3A_160 = vector.broadcast %add3A_159 : i32 to vector<16xi32>
        %add3A_161 = arith.addi %broadcast_in_dim3A_93, %add3A_160 : vector<16xi32>
        %gather3A_162 = tpu.vector_load_idx %arg7[%add3A_158, %add3A_161] : memref<3840x8xf32, #tpu.memory_space<vmem>>[vector<16xi32>, vector<16xi32>], vector<16xf32>,
        %add3A_163 = arith.constant 2560 : i32
        %add3A_164 = vector.broadcast %add3A_163 : i32 to vector<16xi32>
        %add3A_165 = arith.addi %add3A_92, %add3A_164 : vector<16xi32>
        %add3A_166 = arith.constant 2 : i32
        %add3A_167 = vector.broadcast %add3A_166 : i32 to vector<16xi32>
        %add3A_168 = arith.addi %broadcast_in_dim3A_93, %add3A_167 : vector<16xi32>
        %gather3A_169 = tpu.vector_load_idx %arg7[%add3A_165, %add3A_168] : memref<3840x8xf32, #tpu.memory_space<vmem>>[vector<16xi32>, vector<16xi32>], vector<16xf32>,
        %add3A_170 = arith.constant 2560 : i32
        %add3A_171 = vector.broadcast %add3A_170 : i32 to vector<16xi32>
        %add3A_172 = arith.addi %add3A_92, %add3A_171 : vector<16xi32>
        %add3A_173 = arith.constant 3 : i32
        %add3A_174 = vector.broadcast %add3A_173 : i32 to vector<16xi32>
        %add3A_175 = arith.addi %broadcast_in_dim3A_93, %add3A_174 : vector<16xi32>
        %gather3A_176 = tpu.vector_load_idx %arg7[%add3A_172, %add3A_175] : memref<3840x8xf32, #tpu.memory_space<vmem>>[vector<16xi32>, vector<16xi32>], vector<16xf32>,
        %sub3A_177 = arith.subf %gather3A_162, %gather3A_134 : vector<16xf32>
        %mul3A_178 = arith.mulf %gather3A, %sub3A_177 : vector<16xf32>
        %sub3A_179 = arith.subf %gather3A_106, %gather3A_162 : vector<16xf32>
        %mul3A_180 = arith.mulf %gather3A_127, %sub3A_179 : vector<16xf32>
        %add3A_181 = arith.addf %mul3A_178, %mul3A_180 : vector<16xf32>
        %sub3A_182 = arith.subf %gather3A_134, %gather3A_106 : vector<16xf32>
        %mul3A_183 = arith.mulf %gather3A_155, %sub3A_182 : vector<16xf32>
        %add3A_184 = arith.addf %add3A_181, %mul3A_183 : vector<16xf32>
        %neg3A = arith.constant 0.000000e+00 : f32
        %neg3A_185 = vector.broadcast %neg3A : f32 to vector<16xf32>
        %neg3A_186 = arith.subf %neg3A_185, %gather3A : vector<16xf32>
        %mul3A_187 = arith.mulf %neg3A_186, %gather3A_134 : vector<16xf32>
        %mul3A_188 = arith.mulf %gather3A, %gather3A_162 : vector<16xf32>
        %add3A_189 = arith.addf %mul3A_187, %mul3A_188 : vector<16xf32>
        %mul3A_190 = arith.mulf %gather3A_127, %gather3A_106 : vector<16xf32>
        %add3A_191 = arith.addf %add3A_189, %mul3A_190 : vector<16xf32>
        %mul3A_192 = arith.mulf %gather3A_127, %gather3A_162 : vector<16xf32>
        %sub3A_193 = arith.subf %add3A_191, %mul3A_192 : vector<16xf32>
        %mul3A_194 = arith.mulf %gather3A_155, %gather3A_106 : vector<16xf32>
        %sub3A_195 = arith.subf %sub3A_193, %mul3A_194 : vector<16xf32>
        %mul3A_196 = arith.mulf %gather3A_155, %gather3A_134 : vector<16xf32>
        %add3A_197 = arith.addf %sub3A_195, %mul3A_196 : vector<16xf32>
        %sub3A_198 = arith.subf %gather3A_134, %gather3A_162 : vector<16xf32>
        %mul3A_199 = arith.mulf %gather3A, %sub3A_198 : vector<16xf32>
        %sub3A_200 = arith.subf %gather3A_162, %gather3A_106 : vector<16xf32>
        %mul3A_201 = arith.mulf %gather3A_127, %sub3A_200 : vector<16xf32>
        %add3A_202 = arith.addf %mul3A_199, %mul3A_201 : vector<16xf32>
        %sub3A_203 = arith.subf %gather3A_106, %gather3A_134 : vector<16xf32>
        %mul3A_204 = arith.mulf %gather3A_155, %sub3A_203 : vector<16xf32>
        %add3A_205 = arith.addf %add3A_202, %mul3A_204 : vector<16xf32>
        %sub3A_206 = arith.subf %gather3A_162, %gather3A_134 : vector<16xf32>
        %div3A_207 = arith.divf %sub3A_206, %add3A_184 : vector<16xf32>
        %sub3A_208 = arith.subf %gather3A_127, %gather3A_155 : vector<16xf32>
        %div3A_209 = arith.divf %sub3A_208, %add3A_197 : vector<16xf32>
        %mul3A_210 = arith.mulf %gather3A_155, %gather3A_134 : vector<16xf32>
        %mul3A_211 = arith.mulf %gather3A_127, %gather3A_162 : vector<16xf32>
        %sub3A_212 = arith.subf %mul3A_210, %mul3A_211 : vector<16xf32>
        %div3A_213 = arith.divf %sub3A_212, %add3A_197 : vector<16xf32>
        %sub3A_214 = arith.subf %gather3A_106, %gather3A_162 : vector<16xf32>
        %div3A_215 = arith.divf %sub3A_214, %add3A_197 : vector<16xf32>
        %sub3A_216 = arith.subf %gather3A, %gather3A_155 : vector<16xf32>
        %div3A_217 = arith.divf %sub3A_216, %add3A_205 : vector<16xf32>
        %mul3A_218 = arith.mulf %gather3A_155, %gather3A_106 : vector<16xf32>
        %mul3A_219 = arith.mulf %gather3A, %gather3A_162 : vector<16xf32>
        %sub3A_220 = arith.subf %mul3A_218, %mul3A_219 : vector<16xf32>
        %div3A_221 = arith.divf %sub3A_220, %add3A_205 : vector<16xf32>
        %sub3A_222 = arith.subf %gather3A_106, %gather3A_134 : vector<16xf32>
        %div3A_223 = arith.divf %sub3A_222, %add3A_205 : vector<16xf32>
        %sub3A_224 = arith.subf %gather3A, %gather3A_127 : vector<16xf32>
        %div3A_225 = arith.divf %sub3A_224, %add3A_197 : vector<16xf32>
        %mul3A_226 = arith.mulf %gather3A_127, %gather3A_106 : vector<16xf32>
        %mul3A_227 = arith.mulf %gather3A, %gather3A_134 : vector<16xf32>
        %sub3A_228 = arith.subf %mul3A_226, %mul3A_227 : vector<16xf32>
        %div3A_229 = arith.divf %sub3A_228, %add3A_197 : vector<16xf32>
        %mul3A_230 = arith.mulf %div3A_207, %gather3A_113 : vector<16xf32>
        %mul3A_231 = arith.mulf %div3A_215, %gather3A_141 : vector<16xf32>
        %add3A_232 = arith.addf %mul3A_230, %mul3A_231 : vector<16xf32>
        %mul3A_233 = arith.mulf %div3A_223, %gather3A_169 : vector<16xf32>
        %add3A_234 = arith.addf %add3A_232, %mul3A_233 : vector<16xf32>
        %mul3A_235 = arith.mulf %div3A_209, %gather3A_113 : vector<16xf32>
        %mul3A_236 = arith.mulf %div3A_217, %gather3A_141 : vector<16xf32>
        %add3A_237 = arith.addf %mul3A_235, %mul3A_236 : vector<16xf32>
        %mul3A_238 = arith.mulf %div3A_225, %gather3A_169 : vector<16xf32>
        %add3A_239 = arith.addf %add3A_237, %mul3A_238 : vector<16xf32>
        %mul3A_240 = arith.mulf %div3A_213, %gather3A_113 : vector<16xf32>
        %mul3A_241 = arith.mulf %div3A_221, %gather3A_141 : vector<16xf32>
        %add3A_242 = arith.addf %mul3A_240, %mul3A_241 : vector<16xf32>
        %mul3A_243 = arith.mulf %div3A_229, %gather3A_169 : vector<16xf32>
        %add3A_244 = arith.addf %add3A_242, %mul3A_243 : vector<16xf32>
        %mul3A_245 = arith.mulf %div3A_207, %gather3A_120 : vector<16xf32>
        %mul3A_246 = arith.mulf %div3A_215, %gather3A_148 : vector<16xf32>
        %add3A_247 = arith.addf %mul3A_245, %mul3A_246 : vector<16xf32>
        %mul3A_248 = arith.mulf %div3A_223, %gather3A_176 : vector<16xf32>
        %add3A_249 = arith.addf %add3A_247, %mul3A_248 : vector<16xf32>
        %mul3A_250 = arith.mulf %div3A_209, %gather3A_120 : vector<16xf32>
        %mul3A_251 = arith.mulf %div3A_217, %gather3A_148 : vector<16xf32>
        %add3A_252 = arith.addf %mul3A_250, %mul3A_251 : vector<16xf32>
        %mul3A_253 = arith.mulf %div3A_225, %gather3A_176 : vector<16xf32>
        %add3A_254 = arith.addf %add3A_252, %mul3A_253 : vector<16xf32>
        %mul3A_255 = arith.mulf %div3A_213, %gather3A_120 : vector<16xf32>
        %mul3A_256 = arith.mulf %div3A_221, %gather3A_148 : vector<16xf32>
        %add3A_257 = arith.addf %mul3A_255, %mul3A_256 : vector<16xf32>
        %mul3A_258 = arith.mulf %div3A_229, %gather3A_176 : vector<16xf32>
        %add3A_259 = arith.addf %add3A_257, %mul3A_258 : vector<16xf32>
        %mul3A_260 = arith.constant 8 : i32
        %mul3A_261 = vector.broadcast %mul3A_260 : i32 to vector<16xi32>
        %mul3A_262 = arith.muli %add3A_92, %mul3A_261 : vector<16xi32>
        tpu.vector_store_idx %arg9[%mul3A_262], %add3A_234 : memref<10240xf32, #tpu.memory_space<vmem>>[vector<16xi32>], vector<16xf32>,
        %add3A_263 = arith.constant 1 : i32
        %add3A_264 = vector.broadcast %add3A_263 : i32 to vector<16xi32>
        %add3A_265 = arith.addi %mul3A_262, %add3A_264 : vector<16xi32>
        tpu.vector_store_idx %arg9[%add3A_265], %add3A_239 : memref<10240xf32, #tpu.memory_space<vmem>>[vector<16xi32>], vector<16xf32>,
        %add3A_266 = arith.constant 2 : i32
        %add3A_267 = vector.broadcast %add3A_266 : i32 to vector<16xi32>
        %add3A_268 = arith.addi %mul3A_262, %add3A_267 : vector<16xi32>
        tpu.vector_store_idx %arg9[%add3A_268], %add3A_244 : memref<10240xf32, #tpu.memory_space<vmem>>[vector<16xi32>], vector<16xf32>,
        %add3A_269 = arith.constant 3 : i32
        %add3A_270 = vector.broadcast %add3A_269 : i32 to vector<16xi32>
        %add3A_271 = arith.addi %mul3A_262, %add3A_270 : vector<16xi32>
        tpu.vector_store_idx %arg9[%add3A_271], %add3A_249 : memref<10240xf32, #tpu.memory_space<vmem>>[vector<16xi32>], vector<16xf32>,
        %add3A_272 = arith.constant 4 : i32
        %add3A_273 = vector.broadcast %add3A_272 : i32 to vector<16xi32>
        %add3A_274 = arith.addi %mul3A_262, %add3A_273 : vector<16xi32>
        tpu.vector_store_idx %arg9[%add3A_274], %add3A_254 : memref<10240xf32, #tpu.memory_space<vmem>>[vector<16xi32>], vector<16xf32>,
        %add3A_275 = arith.constant 5 : i32
        %add3A_276 = vector.broadcast %add3A_275 : i32 to vector<16xi32>
        %add3A_277 = arith.addi %mul3A_262, %add3A_276 : vector<16xi32>
        tpu.vector_store_idx %arg9[%add3A_277], %add3A_259 : memref<10240xf32, #tpu.memory_space<vmem>>[vector<16xi32>], vector<16xf32>,
      }
      %scan3A_73 = arith.constant 80 : i32
      %mul3A_74 = arith.constant 1280 : i32
      %mul3A_75 = arith.muli %add3A_48, %mul3A_74 : i32
      %mul3A_76 = arith.constant 8 : i32
      %mul3A_77 = arith.muli %mul3A_75, %mul3A_76 : i32
      %dma_start3A = tpu.memref_slice %arg4[%mul3A_77] : memref<1600000xf32, #tpu.memory_space<hbm>> -> memref<10240xf32, #tpu.memory_space<hbm>>
      %dma_start3A_78 = tpu.memref_slice %arg4[%mul3A_77] : memref<1600000xf32, #tpu.memory_space<hbm>> -> memref<10240xf32, #tpu.memory_space<hbm>>
      tpu.enqueue_dma source(%arg9 : memref<10240xf32, #tpu.memory_space<vmem>>) target(%dma_start3A_78 : memref<10240xf32, #tpu.memory_space<hbm>>) target_semaphore(%arg15 : memref<!tpu.dma_semaphore, #tpu.memory_space<semaphore_mem>>)
      %lt3A_79 = arith.constant 156 : i32
      %lt3A_80 = arith.cmpi slt, %add3A_50, %lt3A_79 : i32
      %convert_element_type3A_81 = arith.extui %lt3A_80 : i1 to i32
      %cond3A_82 = arith.constant 0 : i32
      %cond3A_83 = arith.cmpi ne, %convert_element_type3A_81, %cond3A_82 : i32
      scf.if %cond3A_83 {
        %lt3A_84 = arith.constant 156 : i32
        %lt3A_85 = arith.cmpi slt, %add3A_52, %lt3A_84 : i32
        %convert_element_type3A_86 = arith.extui %lt3A_85 : i1 to i32
        %cond3A_87 = arith.constant 0 : i32
        %cond3A_88 = arith.cmpi ne, %convert_element_type3A_86, %cond3A_87 : i32
        scf.if %cond3A_88 {
          %dma_wait3A_114 = arith.constant 0 : i32
          %dma_wait3A_115 = arith.constant 0 : i32
          %dma_wait3A_116 = tpu.memref_slice %arg5[%dma_wait3A_115] : memref<3840xi32, #tpu.memory_space<vmem>> -> memref<1280xi32, #tpu.memory_space<vmem>>
          %dma_wait3A_117 = arith.constant 0 : i32
          %dma_wait3A_118 = tpu.memref_slice %arg2[%dma_wait3A_114, %dma_wait3A_117] : memref<3x200000xi32, #tpu.memory_space<hbm>> -> memref<1x1280xi32, #tpu.memory_space<hbm>>
          %dma_wait3A_119 = tpu.memref_squeeze %dma_wait3A_118 : memref<1x1280xi32, #tpu.memory_space<hbm>> -> memref<1280xi32, #tpu.memory_space<hbm>>
          %dma_wait3A_120 = arith.constant 0 : i32
          %dma_wait3A_121 = tpu.memref_slice %arg5[%dma_wait3A_120] : memref<3840xi32, #tpu.memory_space<vmem>> -> memref<1280xi32, #tpu.memory_space<vmem>>
          %dma_wait3A_122 = arith.constant 0 : i32
          %dma_wait3A_123 = tpu.memref_slice %arg2[%dma_wait3A_114, %dma_wait3A_122] : memref<3x200000xi32, #tpu.memory_space<hbm>> -> memref<1x1280xi32, #tpu.memory_space<hbm>>
          %dma_wait3A_124 = tpu.memref_squeeze %dma_wait3A_123 : memref<1x1280xi32, #tpu.memory_space<hbm>> -> memref<1280xi32, #tpu.memory_space<hbm>>
          tpu.wait_dma2 semaphore(%arg11 : memref<!tpu.dma_semaphore, #tpu.memory_space<semaphore_mem>>) src(%dma_wait3A_124 : memref<1280xi32, #tpu.memory_space<hbm>>) dst(%dma_wait3A_121 : memref<1280xi32, #tpu.memory_space<vmem>>)
          %dma_wait3A_125 = arith.constant 1 : i32
          %dma_wait3A_126 = arith.constant 1280 : i32
          %dma_wait3A_127 = tpu.memref_slice %arg5[%dma_wait3A_126] : memref<3840xi32, #tpu.memory_space<vmem>> -> memref<1280xi32, #tpu.memory_space<vmem>>
          %dma_wait3A_128 = arith.constant 0 : i32
          %dma_wait3A_129 = tpu.memref_slice %arg2[%dma_wait3A_125, %dma_wait3A_128] : memref<3x200000xi32, #tpu.memory_space<hbm>> -> memref<1x1280xi32, #tpu.memory_space<hbm>>
          %dma_wait3A_130 = tpu.memref_squeeze %dma_wait3A_129 : memref<1x1280xi32, #tpu.memory_space<hbm>> -> memref<1280xi32, #tpu.memory_space<hbm>>
          %dma_wait3A_131 = arith.constant 1280 : i32
          %dma_wait3A_132 = tpu.memref_slice %arg5[%dma_wait3A_131] : memref<3840xi32, #tpu.memory_space<vmem>> -> memref<1280xi32, #tpu.memory_space<vmem>>
          %dma_wait3A_133 = arith.constant 0 : i32
          %dma_wait3A_134 = tpu.memref_slice %arg2[%dma_wait3A_125, %dma_wait3A_133] : memref<3x200000xi32, #tpu.memory_space<hbm>> -> memref<1x1280xi32, #tpu.memory_space<hbm>>
          %dma_wait3A_135 = tpu.memref_squeeze %dma_wait3A_134 : memref<1x1280xi32, #tpu.memory_space<hbm>> -> memref<1280xi32, #tpu.memory_space<hbm>>
          tpu.wait_dma2 semaphore(%arg11 : memref<!tpu.dma_semaphore, #tpu.memory_space<semaphore_mem>>) src(%dma_wait3A_135 : memref<1280xi32, #tpu.memory_space<hbm>>) dst(%dma_wait3A_132 : memref<1280xi32, #tpu.memory_space<vmem>>)
          %dma_wait3A_136 = arith.constant 2 : i32
          %dma_wait3A_137 = arith.constant 2560 : i32
          %dma_wait3A_138 = tpu.memref_slice %arg5[%dma_wait3A_137] : memref<3840xi32, #tpu.memory_space<vmem>> -> memref<1280xi32, #tpu.memory_space<vmem>>
          %dma_wait3A_139 = arith.constant 0 : i32
          %dma_wait3A_140 = tpu.memref_slice %arg2[%dma_wait3A_136, %dma_wait3A_139] : memref<3x200000xi32, #tpu.memory_space<hbm>> -> memref<1x1280xi32, #tpu.memory_space<hbm>>
          %dma_wait3A_141 = tpu.memref_squeeze %dma_wait3A_140 : memref<1x1280xi32, #tpu.memory_space<hbm>> -> memref<1280xi32, #tpu.memory_space<hbm>>
          %dma_wait3A_142 = arith.constant 2560 : i32
          %dma_wait3A_143 = tpu.memref_slice %arg5[%dma_wait3A_142] : memref<3840xi32, #tpu.memory_space<vmem>> -> memref<1280xi32, #tpu.memory_space<vmem>>
          %dma_wait3A_144 = arith.constant 0 : i32
          %dma_wait3A_145 = tpu.memref_slice %arg2[%dma_wait3A_136, %dma_wait3A_144] : memref<3x200000xi32, #tpu.memory_space<hbm>> -> memref<1x1280xi32, #tpu.memory_space<hbm>>
          %dma_wait3A_146 = tpu.memref_squeeze %dma_wait3A_145 : memref<1x1280xi32, #tpu.memory_space<hbm>> -> memref<1280xi32, #tpu.memory_space<hbm>>
          tpu.wait_dma2 semaphore(%arg11 : memref<!tpu.dma_semaphore, #tpu.memory_space<semaphore_mem>>) src(%dma_wait3A_146 : memref<1280xi32, #tpu.memory_space<hbm>>) dst(%dma_wait3A_143 : memref<1280xi32, #tpu.memory_space<vmem>>)
          %dma_start3A_147 = arith.constant 0 : i32
          %dma_start3A_148 = arith.constant 0 : i32
          %dma_start3A_149 = tpu.memref_slice %arg3[%dma_start3A_147, %dma_start3A_148] : memref<100001x8xf32, #tpu.memory_space<hbm>> -> memref<100001x8xf32, #tpu.memory_space<hbm>>
          tpu.enqueue_indirect_dma source(%dma_start3A_149 : memref<100001x8xf32, #tpu.memory_space<hbm>>) target(%arg7 : memref<3840x8xf32, #tpu.memory_space<vmem>>) offsets(%arg5 : memref<3840xi32, #tpu.memory_space<vmem>>) semaphore(%arg13 : memref<!tpu.dma_semaphore, #tpu.memory_space<semaphore_mem>>)
        } else {
        }
        %dma_wait3A_89 = arith.constant 0 : i32
        %dma_wait3A_90 = arith.constant 0 : i32
        %dma_wait3A_91 = tpu.memref_slice %arg3[%dma_wait3A_89, %dma_wait3A_90] : memref<100001x8xf32, #tpu.memory_space<hbm>> -> memref<100001x8xf32, #tpu.memory_space<hbm>>
        tpu.wait_indirect_dma semaphore(%arg14 : memref<!tpu.dma_semaphore, #tpu.memory_space<semaphore_mem>>) src(%dma_wait3A_91 : memref<100001x8xf32, #tpu.memory_space<hbm>>) dst(%arg8 : memref<3840x8xf32, #tpu.memory_space<vmem>>)
        %lt3A_92 = arith.constant 156 : i32
        %lt3A_93 = arith.cmpi slt, %add3A_54, %lt3A_92 : i32
        %convert_element_type3A_94 = arith.extui %lt3A_93 : i1 to i32
        %cond3A_95 = arith.constant 0 : i32
        %cond3A_96 = arith.cmpi ne, %convert_element_type3A_94, %cond3A_95 : i32
        scf.if %cond3A_96 {
          %mul3A_114 = arith.constant 1280 : i32
          %mul3A_115 = arith.muli %add3A_54, %mul3A_114 : i32
          %dma_start3A_116 = arith.constant 0 : i32
          %dma_start3A_117 = arith.constant 0 : i32
          %dma_start3A_118 = tpu.memref_slice %arg6[%dma_start3A_117] : memref<3840xi32, #tpu.memory_space<vmem>> -> memref<1280xi32, #tpu.memory_space<vmem>>
          %dma_start3A_119 = tpu.memref_slice %arg2[%dma_start3A_116, %mul3A_115] : memref<3x200000xi32, #tpu.memory_space<hbm>> -> memref<1x1280xi32, #tpu.memory_space<hbm>>
          %dma_start3A_120 = tpu.memref_squeeze %dma_start3A_119 : memref<1x1280xi32, #tpu.memory_space<hbm>> -> memref<1280xi32, #tpu.memory_space<hbm>>
          %dma_start3A_121 = arith.constant 0 : i32
          %dma_start3A_122 = tpu.memref_slice %arg6[%dma_start3A_121] : memref<3840xi32, #tpu.memory_space<vmem>> -> memref<1280xi32, #tpu.memory_space<vmem>>
          %dma_start3A_123 = tpu.memref_slice %arg2[%dma_start3A_116, %mul3A_115] : memref<3x200000xi32, #tpu.memory_space<hbm>> -> memref<1x1280xi32, #tpu.memory_space<hbm>>
          %dma_start3A_124 = tpu.memref_squeeze %dma_start3A_123 : memref<1x1280xi32, #tpu.memory_space<hbm>> -> memref<1280xi32, #tpu.memory_space<hbm>>
          tpu.enqueue_dma source(%dma_start3A_124 : memref<1280xi32, #tpu.memory_space<hbm>>) target(%dma_start3A_122 : memref<1280xi32, #tpu.memory_space<vmem>>) target_semaphore(%arg12 : memref<!tpu.dma_semaphore, #tpu.memory_space<semaphore_mem>>)
          %mul3A_125 = arith.constant 1280 : i32
          %mul3A_126 = arith.muli %add3A_54, %mul3A_125 : i32
          %dma_start3A_127 = arith.constant 1 : i32
          %dma_start3A_128 = arith.constant 1280 : i32
          %dma_start3A_129 = tpu.memref_slice %arg6[%dma_start3A_128] : memref<3840xi32, #tpu.memory_space<vmem>> -> memref<1280xi32, #tpu.memory_space<vmem>>
          %dma_start3A_130 = tpu.memref_slice %arg2[%dma_start3A_127, %mul3A_126] : memref<3x200000xi32, #tpu.memory_space<hbm>> -> memref<1x1280xi32, #tpu.memory_space<hbm>>
          %dma_start3A_131 = tpu.memref_squeeze %dma_start3A_130 : memref<1x1280xi32, #tpu.memory_space<hbm>> -> memref<1280xi32, #tpu.memory_space<hbm>>
          %dma_start3A_132 = arith.constant 1280 : i32
          %dma_start3A_133 = tpu.memref_slice %arg6[%dma_start3A_132] : memref<3840xi32, #tpu.memory_space<vmem>> -> memref<1280xi32, #tpu.memory_space<vmem>>
          %dma_start3A_134 = tpu.memref_slice %arg2[%dma_start3A_127, %mul3A_126] : memref<3x200000xi32, #tpu.memory_space<hbm>> -> memref<1x1280xi32, #tpu.memory_space<hbm>>
          %dma_start3A_135 = tpu.memref_squeeze %dma_start3A_134 : memref<1x1280xi32, #tpu.memory_space<hbm>> -> memref<1280xi32, #tpu.memory_space<hbm>>
          tpu.enqueue_dma source(%dma_start3A_135 : memref<1280xi32, #tpu.memory_space<hbm>>) target(%dma_start3A_133 : memref<1280xi32, #tpu.memory_space<vmem>>) target_semaphore(%arg12 : memref<!tpu.dma_semaphore, #tpu.memory_space<semaphore_mem>>)
          %mul3A_136 = arith.constant 1280 : i32
          %mul3A_137 = arith.muli %add3A_54, %mul3A_136 : i32
          %dma_start3A_138 = arith.constant 2 : i32
          %dma_start3A_139 = arith.constant 2560 : i32
          %dma_start3A_140 = tpu.memref_slice %arg6[%dma_start3A_139] : memref<3840xi32, #tpu.memory_space<vmem>> -> memref<1280xi32, #tpu.memory_space<vmem>>
          %dma_start3A_141 = tpu.memref_slice %arg2[%dma_start3A_138, %mul3A_137] : memref<3x200000xi32, #tpu.memory_space<hbm>> -> memref<1x1280xi32, #tpu.memory_space<hbm>>
          %dma_start3A_142 = tpu.memref_squeeze %dma_start3A_141 : memref<1x1280xi32, #tpu.memory_space<hbm>> -> memref<1280xi32, #tpu.memory_space<hbm>>
          %dma_start3A_143 = arith.constant 2560 : i32
          %dma_start3A_144 = tpu.memref_slice %arg6[%dma_start3A_143] : memref<3840xi32, #tpu.memory_space<vmem>> -> memref<1280xi32, #tpu.memory_space<vmem>>
          %dma_start3A_145 = tpu.memref_slice %arg2[%dma_start3A_138, %mul3A_137] : memref<3x200000xi32, #tpu.memory_space<hbm>> -> memref<1x1280xi32, #tpu.memory_space<hbm>>
          %dma_start3A_146 = tpu.memref_squeeze %dma_start3A_145 : memref<1x1280xi32, #tpu.memory_space<hbm>> -> memref<1280xi32, #tpu.memory_space<hbm>>
          tpu.enqueue_dma source(%dma_start3A_146 : memref<1280xi32, #tpu.memory_space<hbm>>) target(%dma_start3A_144 : memref<1280xi32, #tpu.memory_space<vmem>>) target_semaphore(%arg12 : memref<!tpu.dma_semaphore, #tpu.memory_space<semaphore_mem>>)
        } else {
        }
        %add3A_97 = arith.constant 32 : i32
        %add3A_98 = arith.addi %add3A, %add3A_97 : i32
        %gt3A_99 = arith.cmpi sgt, %add3A_50, %add3A_98 : i32
        %convert_element_type3A_100 = arith.extui %gt3A_99 : i1 to i32
        %cond3A_101 = arith.constant 0 : i32
        %cond3A_102 = arith.cmpi ne, %convert_element_type3A_100, %cond3A_101 : i32
        scf.if %cond3A_102 {
          %dma_wait3A_114 = arith.constant 0 : i32
          %dma_wait3A_115 = tpu.memref_slice %arg4[%dma_wait3A_114] : memref<1600000xf32, #tpu.memory_space<hbm>> -> memref<10240xf32, #tpu.memory_space<hbm>>
          %dma_wait3A_116 = arith.constant 0 : i32
          %dma_wait3A_117 = tpu.memref_slice %arg4[%dma_wait3A_116] : memref<1600000xf32, #tpu.memory_space<hbm>> -> memref<10240xf32, #tpu.memory_space<hbm>>
          tpu.wait_dma2 semaphore(%arg16 : memref<!tpu.dma_semaphore, #tpu.memory_space<semaphore_mem>>) src(%arg10 : memref<10240xf32, #tpu.memory_space<vmem>>) dst(%dma_wait3A_117 : memref<10240xf32, #tpu.memory_space<hbm>>)
        } else {
        }
        %scan3A_103 = arith.constant 0 : i32
        %scan3A_104 = arith.constant 80 : i32
        %scan3A_105 = arith.addi %scan3A_103, %scan3A_104 : i32
        %scan3A_106 = arith.constant 1 : i32
        scf.for %scan3A_114 = %scan3A_103 to %scan3A_105 step %scan3A_106  : i32 {
          %mul3A_115 = arith.constant 1 : i32
          %mul3A_116 = arith.muli %scan3A_114, %mul3A_115 : i32
          %add3A_117 = arith.constant 0 : i32
          %add3A_118 = arith.addi %add3A_117, %mul3A_116 : i32
          %mul3A_119 = arith.constant 16 : i32
          %mul3A_120 = arith.muli %add3A_118, %mul3A_119 : i32
          %add3A_121 = vector.broadcast %mul3A_120 : i32 to vector<16xi32>
          %add3A_122 = arith.addi %iota3A, %add3A_121 : vector<16xi32>
          %broadcast_in_dim3A = arith.constant 0 : i32
          %broadcast_in_dim3A_123 = vector.broadcast %broadcast_in_dim3A : i32 to vector<16xi32>
          %add3A_124 = arith.constant 0 : i32
          %add3A_125 = vector.broadcast %add3A_124 : i32 to vector<16xi32>
          %add3A_126 = arith.addi %add3A_122, %add3A_125 : vector<16xi32>
          %add3A_127 = arith.constant 0 : i32
          %add3A_128 = vector.broadcast %add3A_127 : i32 to vector<16xi32>
          %add3A_129 = arith.addi %broadcast_in_dim3A_123, %add3A_128 : vector<16xi32>
          %gather3A = tpu.vector_load_idx %arg8[%add3A_126, %add3A_129] : memref<3840x8xf32, #tpu.memory_space<vmem>>[vector<16xi32>, vector<16xi32>], vector<16xf32>,
          %add3A_130 = arith.constant 0 : i32
          %add3A_131 = vector.broadcast %add3A_130 : i32 to vector<16xi32>
          %add3A_132 = arith.addi %add3A_122, %add3A_131 : vector<16xi32>
          %add3A_133 = arith.constant 1 : i32
          %add3A_134 = vector.broadcast %add3A_133 : i32 to vector<16xi32>
          %add3A_135 = arith.addi %broadcast_in_dim3A_123, %add3A_134 : vector<16xi32>
          %gather3A_136 = tpu.vector_load_idx %arg8[%add3A_132, %add3A_135] : memref<3840x8xf32, #tpu.memory_space<vmem>>[vector<16xi32>, vector<16xi32>], vector<16xf32>,
          %add3A_137 = arith.constant 0 : i32
          %add3A_138 = vector.broadcast %add3A_137 : i32 to vector<16xi32>
          %add3A_139 = arith.addi %add3A_122, %add3A_138 : vector<16xi32>
          %add3A_140 = arith.constant 2 : i32
          %add3A_141 = vector.broadcast %add3A_140 : i32 to vector<16xi32>
          %add3A_142 = arith.addi %broadcast_in_dim3A_123, %add3A_141 : vector<16xi32>
          %gather3A_143 = tpu.vector_load_idx %arg8[%add3A_139, %add3A_142] : memref<3840x8xf32, #tpu.memory_space<vmem>>[vector<16xi32>, vector<16xi32>], vector<16xf32>,
          %add3A_144 = arith.constant 0 : i32
          %add3A_145 = vector.broadcast %add3A_144 : i32 to vector<16xi32>
          %add3A_146 = arith.addi %add3A_122, %add3A_145 : vector<16xi32>
          %add3A_147 = arith.constant 3 : i32
          %add3A_148 = vector.broadcast %add3A_147 : i32 to vector<16xi32>
          %add3A_149 = arith.addi %broadcast_in_dim3A_123, %add3A_148 : vector<16xi32>
          %gather3A_150 = tpu.vector_load_idx %arg8[%add3A_146, %add3A_149] : memref<3840x8xf32, #tpu.memory_space<vmem>>[vector<16xi32>, vector<16xi32>], vector<16xf32>,
          %add3A_151 = arith.constant 1280 : i32
          %add3A_152 = vector.broadcast %add3A_151 : i32 to vector<16xi32>
          %add3A_153 = arith.addi %add3A_122, %add3A_152 : vector<16xi32>
          %add3A_154 = arith.constant 0 : i32
          %add3A_155 = vector.broadcast %add3A_154 : i32 to vector<16xi32>
          %add3A_156 = arith.addi %broadcast_in_dim3A_123, %add3A_155 : vector<16xi32>
          %gather3A_157 = tpu.vector_load_idx %arg8[%add3A_153, %add3A_156] : memref<3840x8xf32, #tpu.memory_space<vmem>>[vector<16xi32>, vector<16xi32>], vector<16xf32>,
          %add3A_158 = arith.constant 1280 : i32
          %add3A_159 = vector.broadcast %add3A_158 : i32 to vector<16xi32>
          %add3A_160 = arith.addi %add3A_122, %add3A_159 : vector<16xi32>
          %add3A_161 = arith.constant 1 : i32
          %add3A_162 = vector.broadcast %add3A_161 : i32 to vector<16xi32>
          %add3A_163 = arith.addi %broadcast_in_dim3A_123, %add3A_162 : vector<16xi32>
          %gather3A_164 = tpu.vector_load_idx %arg8[%add3A_160, %add3A_163] : memref<3840x8xf32, #tpu.memory_space<vmem>>[vector<16xi32>, vector<16xi32>], vector<16xf32>,
          %add3A_165 = arith.constant 1280 : i32
          %add3A_166 = vector.broadcast %add3A_165 : i32 to vector<16xi32>
          %add3A_167 = arith.addi %add3A_122, %add3A_166 : vector<16xi32>
          %add3A_168 = arith.constant 2 : i32
          %add3A_169 = vector.broadcast %add3A_168 : i32 to vector<16xi32>
          %add3A_170 = arith.addi %broadcast_in_dim3A_123, %add3A_169 : vector<16xi32>
          %gather3A_171 = tpu.vector_load_idx %arg8[%add3A_167, %add3A_170] : memref<3840x8xf32, #tpu.memory_space<vmem>>[vector<16xi32>, vector<16xi32>], vector<16xf32>,
          %add3A_172 = arith.constant 1280 : i32
          %add3A_173 = vector.broadcast %add3A_172 : i32 to vector<16xi32>
          %add3A_174 = arith.addi %add3A_122, %add3A_173 : vector<16xi32>
          %add3A_175 = arith.constant 3 : i32
          %add3A_176 = vector.broadcast %add3A_175 : i32 to vector<16xi32>
          %add3A_177 = arith.addi %broadcast_in_dim3A_123, %add3A_176 : vector<16xi32>
          %gather3A_178 = tpu.vector_load_idx %arg8[%add3A_174, %add3A_177] : memref<3840x8xf32, #tpu.memory_space<vmem>>[vector<16xi32>, vector<16xi32>], vector<16xf32>,
          %add3A_179 = arith.constant 2560 : i32
          %add3A_180 = vector.broadcast %add3A_179 : i32 to vector<16xi32>
          %add3A_181 = arith.addi %add3A_122, %add3A_180 : vector<16xi32>
          %add3A_182 = arith.constant 0 : i32
          %add3A_183 = vector.broadcast %add3A_182 : i32 to vector<16xi32>
          %add3A_184 = arith.addi %broadcast_in_dim3A_123, %add3A_183 : vector<16xi32>
          %gather3A_185 = tpu.vector_load_idx %arg8[%add3A_181, %add3A_184] : memref<3840x8xf32, #tpu.memory_space<vmem>>[vector<16xi32>, vector<16xi32>], vector<16xf32>,
          %add3A_186 = arith.constant 2560 : i32
          %add3A_187 = vector.broadcast %add3A_186 : i32 to vector<16xi32>
          %add3A_188 = arith.addi %add3A_122, %add3A_187 : vector<16xi32>
          %add3A_189 = arith.constant 1 : i32
          %add3A_190 = vector.broadcast %add3A_189 : i32 to vector<16xi32>
          %add3A_191 = arith.addi %broadcast_in_dim3A_123, %add3A_190 : vector<16xi32>
          %gather3A_192 = tpu.vector_load_idx %arg8[%add3A_188, %add3A_191] : memref<3840x8xf32, #tpu.memory_space<vmem>>[vector<16xi32>, vector<16xi32>], vector<16xf32>,
          %add3A_193 = arith.constant 2560 : i32
          %add3A_194 = vector.broadcast %add3A_193 : i32 to vector<16xi32>
          %add3A_195 = arith.addi %add3A_122, %add3A_194 : vector<16xi32>
          %add3A_196 = arith.constant 2 : i32
          %add3A_197 = vector.broadcast %add3A_196 : i32 to vector<16xi32>
          %add3A_198 = arith.addi %broadcast_in_dim3A_123, %add3A_197 : vector<16xi32>
          %gather3A_199 = tpu.vector_load_idx %arg8[%add3A_195, %add3A_198] : memref<3840x8xf32, #tpu.memory_space<vmem>>[vector<16xi32>, vector<16xi32>], vector<16xf32>,
          %add3A_200 = arith.constant 2560 : i32
          %add3A_201 = vector.broadcast %add3A_200 : i32 to vector<16xi32>
          %add3A_202 = arith.addi %add3A_122, %add3A_201 : vector<16xi32>
          %add3A_203 = arith.constant 3 : i32
          %add3A_204 = vector.broadcast %add3A_203 : i32 to vector<16xi32>
          %add3A_205 = arith.addi %broadcast_in_dim3A_123, %add3A_204 : vector<16xi32>
          %gather3A_206 = tpu.vector_load_idx %arg8[%add3A_202, %add3A_205] : memref<3840x8xf32, #tpu.memory_space<vmem>>[vector<16xi32>, vector<16xi32>], vector<16xf32>,
          %sub3A_207 = arith.subf %gather3A_192, %gather3A_164 : vector<16xf32>
          %mul3A_208 = arith.mulf %gather3A, %sub3A_207 : vector<16xf32>
          %sub3A_209 = arith.subf %gather3A_136, %gather3A_192 : vector<16xf32>
          %mul3A_210 = arith.mulf %gather3A_157, %sub3A_209 : vector<16xf32>
          %add3A_211 = arith.addf %mul3A_208, %mul3A_210 : vector<16xf32>
          %sub3A_212 = arith.subf %gather3A_164, %gather3A_136 : vector<16xf32>
          %mul3A_213 = arith.mulf %gather3A_185, %sub3A_212 : vector<16xf32>
          %add3A_214 = arith.addf %add3A_211, %mul3A_213 : vector<16xf32>
          %neg3A = arith.constant 0.000000e+00 : f32
          %neg3A_215 = vector.broadcast %neg3A : f32 to vector<16xf32>
          %neg3A_216 = arith.subf %neg3A_215, %gather3A : vector<16xf32>
          %mul3A_217 = arith.mulf %neg3A_216, %gather3A_164 : vector<16xf32>
          %mul3A_218 = arith.mulf %gather3A, %gather3A_192 : vector<16xf32>
          %add3A_219 = arith.addf %mul3A_217, %mul3A_218 : vector<16xf32>
          %mul3A_220 = arith.mulf %gather3A_157, %gather3A_136 : vector<16xf32>
          %add3A_221 = arith.addf %add3A_219, %mul3A_220 : vector<16xf32>
          %mul3A_222 = arith.mulf %gather3A_157, %gather3A_192 : vector<16xf32>
          %sub3A_223 = arith.subf %add3A_221, %mul3A_222 : vector<16xf32>
          %mul3A_224 = arith.mulf %gather3A_185, %gather3A_136 : vector<16xf32>
          %sub3A_225 = arith.subf %sub3A_223, %mul3A_224 : vector<16xf32>
          %mul3A_226 = arith.mulf %gather3A_185, %gather3A_164 : vector<16xf32>
          %add3A_227 = arith.addf %sub3A_225, %mul3A_226 : vector<16xf32>
          %sub3A_228 = arith.subf %gather3A_164, %gather3A_192 : vector<16xf32>
          %mul3A_229 = arith.mulf %gather3A, %sub3A_228 : vector<16xf32>
          %sub3A_230 = arith.subf %gather3A_192, %gather3A_136 : vector<16xf32>
          %mul3A_231 = arith.mulf %gather3A_157, %sub3A_230 : vector<16xf32>
          %add3A_232 = arith.addf %mul3A_229, %mul3A_231 : vector<16xf32>
          %sub3A_233 = arith.subf %gather3A_136, %gather3A_164 : vector<16xf32>
          %mul3A_234 = arith.mulf %gather3A_185, %sub3A_233 : vector<16xf32>
          %add3A_235 = arith.addf %add3A_232, %mul3A_234 : vector<16xf32>
          %sub3A_236 = arith.subf %gather3A_192, %gather3A_164 : vector<16xf32>
          %div3A_237 = arith.divf %sub3A_236, %add3A_214 : vector<16xf32>
          %sub3A_238 = arith.subf %gather3A_157, %gather3A_185 : vector<16xf32>
          %div3A_239 = arith.divf %sub3A_238, %add3A_227 : vector<16xf32>
          %mul3A_240 = arith.mulf %gather3A_185, %gather3A_164 : vector<16xf32>
          %mul3A_241 = arith.mulf %gather3A_157, %gather3A_192 : vector<16xf32>
          %sub3A_242 = arith.subf %mul3A_240, %mul3A_241 : vector<16xf32>
          %div3A_243 = arith.divf %sub3A_242, %add3A_227 : vector<16xf32>
          %sub3A_244 = arith.subf %gather3A_136, %gather3A_192 : vector<16xf32>
          %div3A_245 = arith.divf %sub3A_244, %add3A_227 : vector<16xf32>
          %sub3A_246 = arith.subf %gather3A, %gather3A_185 : vector<16xf32>
          %div3A_247 = arith.divf %sub3A_246, %add3A_235 : vector<16xf32>
          %mul3A_248 = arith.mulf %gather3A_185, %gather3A_136 : vector<16xf32>
          %mul3A_249 = arith.mulf %gather3A, %gather3A_192 : vector<16xf32>
          %sub3A_250 = arith.subf %mul3A_248, %mul3A_249 : vector<16xf32>
          %div3A_251 = arith.divf %sub3A_250, %add3A_235 : vector<16xf32>
          %sub3A_252 = arith.subf %gather3A_136, %gather3A_164 : vector<16xf32>
          %div3A_253 = arith.divf %sub3A_252, %add3A_235 : vector<16xf32>
          %sub3A_254 = arith.subf %gather3A, %gather3A_157 : vector<16xf32>
          %div3A_255 = arith.divf %sub3A_254, %add3A_227 : vector<16xf32>
          %mul3A_256 = arith.mulf %gather3A_157, %gather3A_136 : vector<16xf32>
          %mul3A_257 = arith.mulf %gather3A, %gather3A_164 : vector<16xf32>
          %sub3A_258 = arith.subf %mul3A_256, %mul3A_257 : vector<16xf32>
          %div3A_259 = arith.divf %sub3A_258, %add3A_227 : vector<16xf32>
          %mul3A_260 = arith.mulf %div3A_237, %gather3A_143 : vector<16xf32>
          %mul3A_261 = arith.mulf %div3A_245, %gather3A_171 : vector<16xf32>
          %add3A_262 = arith.addf %mul3A_260, %mul3A_261 : vector<16xf32>
          %mul3A_263 = arith.mulf %div3A_253, %gather3A_199 : vector<16xf32>
          %add3A_264 = arith.addf %add3A_262, %mul3A_263 : vector<16xf32>
          %mul3A_265 = arith.mulf %div3A_239, %gather3A_143 : vector<16xf32>
          %mul3A_266 = arith.mulf %div3A_247, %gather3A_171 : vector<16xf32>
          %add3A_267 = arith.addf %mul3A_265, %mul3A_266 : vector<16xf32>
          %mul3A_268 = arith.mulf %div3A_255, %gather3A_199 : vector<16xf32>
          %add3A_269 = arith.addf %add3A_267, %mul3A_268 : vector<16xf32>
          %mul3A_270 = arith.mulf %div3A_243, %gather3A_143 : vector<16xf32>
          %mul3A_271 = arith.mulf %div3A_251, %gather3A_171 : vector<16xf32>
          %add3A_272 = arith.addf %mul3A_270, %mul3A_271 : vector<16xf32>
          %mul3A_273 = arith.mulf %div3A_259, %gather3A_199 : vector<16xf32>
          %add3A_274 = arith.addf %add3A_272, %mul3A_273 : vector<16xf32>
          %mul3A_275 = arith.mulf %div3A_237, %gather3A_150 : vector<16xf32>
          %mul3A_276 = arith.mulf %div3A_245, %gather3A_178 : vector<16xf32>
          %add3A_277 = arith.addf %mul3A_275, %mul3A_276 : vector<16xf32>
          %mul3A_278 = arith.mulf %div3A_253, %gather3A_206 : vector<16xf32>
          %add3A_279 = arith.addf %add3A_277, %mul3A_278 : vector<16xf32>
          %mul3A_280 = arith.mulf %div3A_239, %gather3A_150 : vector<16xf32>
          %mul3A_281 = arith.mulf %div3A_247, %gather3A_178 : vector<16xf32>
          %add3A_282 = arith.addf %mul3A_280, %mul3A_281 : vector<16xf32>
          %mul3A_283 = arith.mulf %div3A_255, %gather3A_206 : vector<16xf32>
          %add3A_284 = arith.addf %add3A_282, %mul3A_283 : vector<16xf32>
          %mul3A_285 = arith.mulf %div3A_243, %gather3A_150 : vector<16xf32>
          %mul3A_286 = arith.mulf %div3A_251, %gather3A_178 : vector<16xf32>
          %add3A_287 = arith.addf %mul3A_285, %mul3A_286 : vector<16xf32>
          %mul3A_288 = arith.mulf %div3A_259, %gather3A_206 : vector<16xf32>
          %add3A_289 = arith.addf %add3A_287, %mul3A_288 : vector<16xf32>
          %mul3A_290 = arith.constant 8 : i32
          %mul3A_291 = vector.broadcast %mul3A_290 : i32 to vector<16xi32>
          %mul3A_292 = arith.muli %add3A_122, %mul3A_291 : vector<16xi32>
          tpu.vector_store_idx %arg10[%mul3A_292], %add3A_264 : memref<10240xf32, #tpu.memory_space<vmem>>[vector<16xi32>], vector<16xf32>,
          %add3A_293 = arith.constant 1 : i32
          %add3A_294 = vector.broadcast %add3A_293 : i32 to vector<16xi32>
          %add3A_295 = arith.addi %mul3A_292, %add3A_294 : vector<16xi32>
          tpu.vector_store_idx %arg10[%add3A_295], %add3A_269 : memref<10240xf32, #tpu.memory_space<vmem>>[vector<16xi32>], vector<16xf32>,
          %add3A_296 = arith.constant 2 : i32
          %add3A_297 = vector.broadcast %add3A_296 : i32 to vector<16xi32>
          %add3A_298 = arith.addi %mul3A_292, %add3A_297 : vector<16xi32>
          tpu.vector_store_idx %arg10[%add3A_298], %add3A_274 : memref<10240xf32, #tpu.memory_space<vmem>>[vector<16xi32>], vector<16xf32>,
          %add3A_299 = arith.constant 3 : i32
          %add3A_300 = vector.broadcast %add3A_299 : i32 to vector<16xi32>
          %add3A_301 = arith.addi %mul3A_292, %add3A_300 : vector<16xi32>
          tpu.vector_store_idx %arg10[%add3A_301], %add3A_279 : memref<10240xf32, #tpu.memory_space<vmem>>[vector<16xi32>], vector<16xf32>,
          %add3A_302 = arith.constant 4 : i32
          %add3A_303 = vector.broadcast %add3A_302 : i32 to vector<16xi32>
          %add3A_304 = arith.addi %mul3A_292, %add3A_303 : vector<16xi32>
          tpu.vector_store_idx %arg10[%add3A_304], %add3A_284 : memref<10240xf32, #tpu.memory_space<vmem>>[vector<16xi32>], vector<16xf32>,
          %add3A_305 = arith.constant 5 : i32
          %add3A_306 = vector.broadcast %add3A_305 : i32 to vector<16xi32>
          %add3A_307 = arith.addi %mul3A_292, %add3A_306 : vector<16xi32>
          tpu.vector_store_idx %arg10[%add3A_307], %add3A_289 : memref<10240xf32, #tpu.memory_space<vmem>>[vector<16xi32>], vector<16xf32>,
        }
        %scan3A_107 = arith.constant 80 : i32
        %mul3A_108 = arith.constant 1280 : i32
        %mul3A_109 = arith.muli %add3A_50, %mul3A_108 : i32
        %mul3A_110 = arith.constant 8 : i32
        %mul3A_111 = arith.muli %mul3A_109, %mul3A_110 : i32
        %dma_start3A_112 = tpu.memref_slice %arg4[%mul3A_111] : memref<1600000xf32, #tpu.memory_space<hbm>> -> memref<10240xf32, #tpu.memory_space<hbm>>
        %dma_start3A_113 = tpu.memref_slice %arg4[%mul3A_111] : memref<1600000xf32, #tpu.memory_space<hbm>> -> memref<10240xf32, #tpu.memory_space<hbm>>
        tpu.enqueue_dma source(%arg10 : memref<10240xf32, #tpu.memory_space<vmem>>) target(%dma_start3A_113 : memref<10240xf32, #tpu.memory_space<hbm>>) target_semaphore(%arg16 : memref<!tpu.dma_semaphore, #tpu.memory_space<semaphore_mem>>)
      } else {
      }
    }
    %while3A_29 = arith.constant 1 : i32
    scf.for %while3A_46 = %while3A_27 to %while3A_23 step %while3A_29  : i32 {
      %mul3A_47 = arith.muli %while3A_46, %while3A : i32
      %add3A_48 = arith.addi %add3A, %mul3A_47 : i32
      %add3A_49 = arith.constant 32 : i32
      %add3A_50 = arith.addi %add3A_48, %add3A_49 : i32
      %add3A_51 = arith.constant 64 : i32
      %add3A_52 = arith.addi %add3A_48, %add3A_51 : i32
      %add3A_53 = arith.constant 96 : i32
      %add3A_54 = arith.addi %add3A_48, %add3A_53 : i32
      %lt3A_55 = arith.constant 156 : i32
      %lt3A_56 = arith.cmpi slt, %add3A_50, %lt3A_55 : i32
      %convert_element_type3A_57 = arith.extui %lt3A_56 : i1 to i32
      %cond3A_58 = arith.constant 0 : i32
      %cond3A_59 = arith.cmpi ne, %convert_element_type3A_57, %cond3A_58 : i32
      scf.if %cond3A_59 {
        %dma_wait3A_84 = arith.constant 0 : i32
        %dma_wait3A_85 = arith.constant 0 : i32
        %dma_wait3A_86 = tpu.memref_slice %arg6[%dma_wait3A_85] : memref<3840xi32, #tpu.memory_space<vmem>> -> memref<1280xi32, #tpu.memory_space<vmem>>
        %dma_wait3A_87 = arith.constant 0 : i32
        %dma_wait3A_88 = tpu.memref_slice %arg2[%dma_wait3A_84, %dma_wait3A_87] : memref<3x200000xi32, #tpu.memory_space<hbm>> -> memref<1x1280xi32, #tpu.memory_space<hbm>>
        %dma_wait3A_89 = tpu.memref_squeeze %dma_wait3A_88 : memref<1x1280xi32, #tpu.memory_space<hbm>> -> memref<1280xi32, #tpu.memory_space<hbm>>
        %dma_wait3A_90 = arith.constant 0 : i32
        %dma_wait3A_91 = tpu.memref_slice %arg6[%dma_wait3A_90] : memref<3840xi32, #tpu.memory_space<vmem>> -> memref<1280xi32, #tpu.memory_space<vmem>>
        %dma_wait3A_92 = arith.constant 0 : i32
        %dma_wait3A_93 = tpu.memref_slice %arg2[%dma_wait3A_84, %dma_wait3A_92] : memref<3x200000xi32, #tpu.memory_space<hbm>> -> memref<1x1280xi32, #tpu.memory_space<hbm>>
        %dma_wait3A_94 = tpu.memref_squeeze %dma_wait3A_93 : memref<1x1280xi32, #tpu.memory_space<hbm>> -> memref<1280xi32, #tpu.memory_space<hbm>>
        tpu.wait_dma2 semaphore(%arg12 : memref<!tpu.dma_semaphore, #tpu.memory_space<semaphore_mem>>) src(%dma_wait3A_94 : memref<1280xi32, #tpu.memory_space<hbm>>) dst(%dma_wait3A_91 : memref<1280xi32, #tpu.memory_space<vmem>>)
        %dma_wait3A_95 = arith.constant 1 : i32
        %dma_wait3A_96 = arith.constant 1280 : i32
        %dma_wait3A_97 = tpu.memref_slice %arg6[%dma_wait3A_96] : memref<3840xi32, #tpu.memory_space<vmem>> -> memref<1280xi32, #tpu.memory_space<vmem>>
        %dma_wait3A_98 = arith.constant 0 : i32
        %dma_wait3A_99 = tpu.memref_slice %arg2[%dma_wait3A_95, %dma_wait3A_98] : memref<3x200000xi32, #tpu.memory_space<hbm>> -> memref<1x1280xi32, #tpu.memory_space<hbm>>
        %dma_wait3A_100 = tpu.memref_squeeze %dma_wait3A_99 : memref<1x1280xi32, #tpu.memory_space<hbm>> -> memref<1280xi32, #tpu.memory_space<hbm>>
        %dma_wait3A_101 = arith.constant 1280 : i32
        %dma_wait3A_102 = tpu.memref_slice %arg6[%dma_wait3A_101] : memref<3840xi32, #tpu.memory_space<vmem>> -> memref<1280xi32, #tpu.memory_space<vmem>>
        %dma_wait3A_103 = arith.constant 0 : i32
        %dma_wait3A_104 = tpu.memref_slice %arg2[%dma_wait3A_95, %dma_wait3A_103] : memref<3x200000xi32, #tpu.memory_space<hbm>> -> memref<1x1280xi32, #tpu.memory_space<hbm>>
        %dma_wait3A_105 = tpu.memref_squeeze %dma_wait3A_104 : memref<1x1280xi32, #tpu.memory_space<hbm>> -> memref<1280xi32, #tpu.memory_space<hbm>>
        tpu.wait_dma2 semaphore(%arg12 : memref<!tpu.dma_semaphore, #tpu.memory_space<semaphore_mem>>) src(%dma_wait3A_105 : memref<1280xi32, #tpu.memory_space<hbm>>) dst(%dma_wait3A_102 : memref<1280xi32, #tpu.memory_space<vmem>>)
        %dma_wait3A_106 = arith.constant 2 : i32
        %dma_wait3A_107 = arith.constant 2560 : i32
        %dma_wait3A_108 = tpu.memref_slice %arg6[%dma_wait3A_107] : memref<3840xi32, #tpu.memory_space<vmem>> -> memref<1280xi32, #tpu.memory_space<vmem>>
        %dma_wait3A_109 = arith.constant 0 : i32
        %dma_wait3A_110 = tpu.memref_slice %arg2[%dma_wait3A_106, %dma_wait3A_109] : memref<3x200000xi32, #tpu.memory_space<hbm>> -> memref<1x1280xi32, #tpu.memory_space<hbm>>
        %dma_wait3A_111 = tpu.memref_squeeze %dma_wait3A_110 : memref<1x1280xi32, #tpu.memory_space<hbm>> -> memref<1280xi32, #tpu.memory_space<hbm>>
        %dma_wait3A_112 = arith.constant 2560 : i32
        %dma_wait3A_113 = tpu.memref_slice %arg6[%dma_wait3A_112] : memref<3840xi32, #tpu.memory_space<vmem>> -> memref<1280xi32, #tpu.memory_space<vmem>>
        %dma_wait3A_114 = arith.constant 0 : i32
        %dma_wait3A_115 = tpu.memref_slice %arg2[%dma_wait3A_106, %dma_wait3A_114] : memref<3x200000xi32, #tpu.memory_space<hbm>> -> memref<1x1280xi32, #tpu.memory_space<hbm>>
        %dma_wait3A_116 = tpu.memref_squeeze %dma_wait3A_115 : memref<1x1280xi32, #tpu.memory_space<hbm>> -> memref<1280xi32, #tpu.memory_space<hbm>>
        tpu.wait_dma2 semaphore(%arg12 : memref<!tpu.dma_semaphore, #tpu.memory_space<semaphore_mem>>) src(%dma_wait3A_116 : memref<1280xi32, #tpu.memory_space<hbm>>) dst(%dma_wait3A_113 : memref<1280xi32, #tpu.memory_space<vmem>>)
        %dma_start3A_117 = arith.constant 0 : i32
        %dma_start3A_118 = arith.constant 0 : i32
        %dma_start3A_119 = tpu.memref_slice %arg3[%dma_start3A_117, %dma_start3A_118] : memref<100001x8xf32, #tpu.memory_space<hbm>> -> memref<100001x8xf32, #tpu.memory_space<hbm>>
        tpu.enqueue_indirect_dma source(%dma_start3A_119 : memref<100001x8xf32, #tpu.memory_space<hbm>>) target(%arg8 : memref<3840x8xf32, #tpu.memory_space<vmem>>) offsets(%arg6 : memref<3840xi32, #tpu.memory_space<vmem>>) semaphore(%arg14 : memref<!tpu.dma_semaphore, #tpu.memory_space<semaphore_mem>>)
      } else {
      }
      %dma_wait3A = arith.constant 0 : i32
      %dma_wait3A_60 = arith.constant 0 : i32
      %dma_wait3A_61 = tpu.memref_slice %arg3[%dma_wait3A, %dma_wait3A_60] : memref<100001x8xf32, #tpu.memory_space<hbm>> -> memref<100001x8xf32, #tpu.memory_space<hbm>>
      tpu.wait_indirect_dma semaphore(%arg13 : memref<!tpu.dma_semaphore, #tpu.memory_space<semaphore_mem>>) src(%dma_wait3A_61 : memref<100001x8xf32, #tpu.memory_space<hbm>>) dst(%arg7 : memref<3840x8xf32, #tpu.memory_space<vmem>>)
      %lt3A_62 = arith.constant 156 : i32
      %lt3A_63 = arith.cmpi slt, %add3A_52, %lt3A_62 : i32
      %convert_element_type3A_64 = arith.extui %lt3A_63 : i1 to i32
      %cond3A_65 = arith.constant 0 : i32
      %cond3A_66 = arith.cmpi ne, %convert_element_type3A_64, %cond3A_65 : i32
      scf.if %cond3A_66 {
        %mul3A_84 = arith.constant 1280 : i32
        %mul3A_85 = arith.muli %add3A_52, %mul3A_84 : i32
        %dma_start3A_86 = arith.constant 0 : i32
        %dma_start3A_87 = arith.constant 0 : i32
        %dma_start3A_88 = tpu.memref_slice %arg5[%dma_start3A_87] : memref<3840xi32, #tpu.memory_space<vmem>> -> memref<1280xi32, #tpu.memory_space<vmem>>
        %dma_start3A_89 = tpu.memref_slice %arg2[%dma_start3A_86, %mul3A_85] : memref<3x200000xi32, #tpu.memory_space<hbm>> -> memref<1x1280xi32, #tpu.memory_space<hbm>>
        %dma_start3A_90 = tpu.memref_squeeze %dma_start3A_89 : memref<1x1280xi32, #tpu.memory_space<hbm>> -> memref<1280xi32, #tpu.memory_space<hbm>>
        %dma_start3A_91 = arith.constant 0 : i32
        %dma_start3A_92 = tpu.memref_slice %arg5[%dma_start3A_91] : memref<3840xi32, #tpu.memory_space<vmem>> -> memref<1280xi32, #tpu.memory_space<vmem>>
        %dma_start3A_93 = tpu.memref_slice %arg2[%dma_start3A_86, %mul3A_85] : memref<3x200000xi32, #tpu.memory_space<hbm>> -> memref<1x1280xi32, #tpu.memory_space<hbm>>
        %dma_start3A_94 = tpu.memref_squeeze %dma_start3A_93 : memref<1x1280xi32, #tpu.memory_space<hbm>> -> memref<1280xi32, #tpu.memory_space<hbm>>
        tpu.enqueue_dma source(%dma_start3A_94 : memref<1280xi32, #tpu.memory_space<hbm>>) target(%dma_start3A_92 : memref<1280xi32, #tpu.memory_space<vmem>>) target_semaphore(%arg11 : memref<!tpu.dma_semaphore, #tpu.memory_space<semaphore_mem>>)
        %mul3A_95 = arith.constant 1280 : i32
        %mul3A_96 = arith.muli %add3A_52, %mul3A_95 : i32
        %dma_start3A_97 = arith.constant 1 : i32
        %dma_start3A_98 = arith.constant 1280 : i32
        %dma_start3A_99 = tpu.memref_slice %arg5[%dma_start3A_98] : memref<3840xi32, #tpu.memory_space<vmem>> -> memref<1280xi32, #tpu.memory_space<vmem>>
        %dma_start3A_100 = tpu.memref_slice %arg2[%dma_start3A_97, %mul3A_96] : memref<3x200000xi32, #tpu.memory_space<hbm>> -> memref<1x1280xi32, #tpu.memory_space<hbm>>
        %dma_start3A_101 = tpu.memref_squeeze %dma_start3A_100 : memref<1x1280xi32, #tpu.memory_space<hbm>> -> memref<1280xi32, #tpu.memory_space<hbm>>
        %dma_start3A_102 = arith.constant 1280 : i32
        %dma_start3A_103 = tpu.memref_slice %arg5[%dma_start3A_102] : memref<3840xi32, #tpu.memory_space<vmem>> -> memref<1280xi32, #tpu.memory_space<vmem>>
        %dma_start3A_104 = tpu.memref_slice %arg2[%dma_start3A_97, %mul3A_96] : memref<3x200000xi32, #tpu.memory_space<hbm>> -> memref<1x1280xi32, #tpu.memory_space<hbm>>
        %dma_start3A_105 = tpu.memref_squeeze %dma_start3A_104 : memref<1x1280xi32, #tpu.memory_space<hbm>> -> memref<1280xi32, #tpu.memory_space<hbm>>
        tpu.enqueue_dma source(%dma_start3A_105 : memref<1280xi32, #tpu.memory_space<hbm>>) target(%dma_start3A_103 : memref<1280xi32, #tpu.memory_space<vmem>>) target_semaphore(%arg11 : memref<!tpu.dma_semaphore, #tpu.memory_space<semaphore_mem>>)
        %mul3A_106 = arith.constant 1280 : i32
        %mul3A_107 = arith.muli %add3A_52, %mul3A_106 : i32
        %dma_start3A_108 = arith.constant 2 : i32
        %dma_start3A_109 = arith.constant 2560 : i32
        %dma_start3A_110 = tpu.memref_slice %arg5[%dma_start3A_109] : memref<3840xi32, #tpu.memory_space<vmem>> -> memref<1280xi32, #tpu.memory_space<vmem>>
        %dma_start3A_111 = tpu.memref_slice %arg2[%dma_start3A_108, %mul3A_107] : memref<3x200000xi32, #tpu.memory_space<hbm>> -> memref<1x1280xi32, #tpu.memory_space<hbm>>
        %dma_start3A_112 = tpu.memref_squeeze %dma_start3A_111 : memref<1x1280xi32, #tpu.memory_space<hbm>> -> memref<1280xi32, #tpu.memory_space<hbm>>
        %dma_start3A_113 = arith.constant 2560 : i32
        %dma_start3A_114 = tpu.memref_slice %arg5[%dma_start3A_113] : memref<3840xi32, #tpu.memory_space<vmem>> -> memref<1280xi32, #tpu.memory_space<vmem>>
        %dma_start3A_115 = tpu.memref_slice %arg2[%dma_start3A_108, %mul3A_107] : memref<3x200000xi32, #tpu.memory_space<hbm>> -> memref<1x1280xi32, #tpu.memory_space<hbm>>
        %dma_start3A_116 = tpu.memref_squeeze %dma_start3A_115 : memref<1x1280xi32, #tpu.memory_space<hbm>> -> memref<1280xi32, #tpu.memory_space<hbm>>
        tpu.enqueue_dma source(%dma_start3A_116 : memref<1280xi32, #tpu.memory_space<hbm>>) target(%dma_start3A_114 : memref<1280xi32, #tpu.memory_space<vmem>>) target_semaphore(%arg11 : memref<!tpu.dma_semaphore, #tpu.memory_space<semaphore_mem>>)
      } else {
      }
      %gt3A = arith.cmpi sgt, %add3A_48, %add3A : i32
      %convert_element_type3A_67 = arith.extui %gt3A : i1 to i32
      %cond3A_68 = arith.constant 0 : i32
      %cond3A_69 = arith.cmpi ne, %convert_element_type3A_67, %cond3A_68 : i32
      scf.if %cond3A_69 {
        %dma_wait3A_84 = arith.constant 0 : i32
        %dma_wait3A_85 = tpu.memref_slice %arg4[%dma_wait3A_84] : memref<1600000xf32, #tpu.memory_space<hbm>> -> memref<10240xf32, #tpu.memory_space<hbm>>
        %dma_wait3A_86 = arith.constant 0 : i32
        %dma_wait3A_87 = tpu.memref_slice %arg4[%dma_wait3A_86] : memref<1600000xf32, #tpu.memory_space<hbm>> -> memref<10240xf32, #tpu.memory_space<hbm>>
        tpu.wait_dma2 semaphore(%arg15 : memref<!tpu.dma_semaphore, #tpu.memory_space<semaphore_mem>>) src(%arg9 : memref<10240xf32, #tpu.memory_space<vmem>>) dst(%dma_wait3A_87 : memref<10240xf32, #tpu.memory_space<hbm>>)
      } else {
      }
      %scan3A = arith.constant 0 : i32
      %scan3A_70 = arith.constant 80 : i32
      %scan3A_71 = arith.addi %scan3A, %scan3A_70 : i32
      %scan3A_72 = arith.constant 1 : i32
      scf.for %scan3A_84 = %scan3A to %scan3A_71 step %scan3A_72  : i32 {
        %mul3A_85 = arith.constant 1 : i32
        %mul3A_86 = arith.muli %scan3A_84, %mul3A_85 : i32
        %add3A_87 = arith.constant 0 : i32
        %add3A_88 = arith.addi %add3A_87, %mul3A_86 : i32
        %mul3A_89 = arith.constant 16 : i32
        %mul3A_90 = arith.muli %add3A_88, %mul3A_89 : i32
        %add3A_91 = vector.broadcast %mul3A_90 : i32 to vector<16xi32>
        %add3A_92 = arith.addi %iota3A, %add3A_91 : vector<16xi32>
        %broadcast_in_dim3A = arith.constant 0 : i32
        %broadcast_in_dim3A_93 = vector.broadcast %broadcast_in_dim3A : i32 to vector<16xi32>
        %add3A_94 = arith.constant 0 : i32
        %add3A_95 = vector.broadcast %add3A_94 : i32 to vector<16xi32>
        %add3A_96 = arith.addi %add3A_92, %add3A_95 : vector<16xi32>
        %add3A_97 = arith.constant 0 : i32
        %add3A_98 = vector.broadcast %add3A_97 : i32 to vector<16xi32>
        %add3A_99 = arith.addi %broadcast_in_dim3A_93, %add3A_98 : vector<16xi32>
        %gather3A = tpu.vector_load_idx %arg7[%add3A_96, %add3A_99] : memref<3840x8xf32, #tpu.memory_space<vmem>>[vector<16xi32>, vector<16xi32>], vector<16xf32>,
        %add3A_100 = arith.constant 0 : i32
        %add3A_101 = vector.broadcast %add3A_100 : i32 to vector<16xi32>
        %add3A_102 = arith.addi %add3A_92, %add3A_101 : vector<16xi32>
        %add3A_103 = arith.constant 1 : i32
        %add3A_104 = vector.broadcast %add3A_103 : i32 to vector<16xi32>
        %add3A_105 = arith.addi %broadcast_in_dim3A_93, %add3A_104 : vector<16xi32>
        %gather3A_106 = tpu.vector_load_idx %arg7[%add3A_102, %add3A_105] : memref<3840x8xf32, #tpu.memory_space<vmem>>[vector<16xi32>, vector<16xi32>], vector<16xf32>,
        %add3A_107 = arith.constant 0 : i32
        %add3A_108 = vector.broadcast %add3A_107 : i32 to vector<16xi32>
        %add3A_109 = arith.addi %add3A_92, %add3A_108 : vector<16xi32>
        %add3A_110 = arith.constant 2 : i32
        %add3A_111 = vector.broadcast %add3A_110 : i32 to vector<16xi32>
        %add3A_112 = arith.addi %broadcast_in_dim3A_93, %add3A_111 : vector<16xi32>
        %gather3A_113 = tpu.vector_load_idx %arg7[%add3A_109, %add3A_112] : memref<3840x8xf32, #tpu.memory_space<vmem>>[vector<16xi32>, vector<16xi32>], vector<16xf32>,
        %add3A_114 = arith.constant 0 : i32
        %add3A_115 = vector.broadcast %add3A_114 : i32 to vector<16xi32>
        %add3A_116 = arith.addi %add3A_92, %add3A_115 : vector<16xi32>
        %add3A_117 = arith.constant 3 : i32
        %add3A_118 = vector.broadcast %add3A_117 : i32 to vector<16xi32>
        %add3A_119 = arith.addi %broadcast_in_dim3A_93, %add3A_118 : vector<16xi32>
        %gather3A_120 = tpu.vector_load_idx %arg7[%add3A_116, %add3A_119] : memref<3840x8xf32, #tpu.memory_space<vmem>>[vector<16xi32>, vector<16xi32>], vector<16xf32>,
        %add3A_121 = arith.constant 1280 : i32
        %add3A_122 = vector.broadcast %add3A_121 : i32 to vector<16xi32>
        %add3A_123 = arith.addi %add3A_92, %add3A_122 : vector<16xi32>
        %add3A_124 = arith.constant 0 : i32
        %add3A_125 = vector.broadcast %add3A_124 : i32 to vector<16xi32>
        %add3A_126 = arith.addi %broadcast_in_dim3A_93, %add3A_125 : vector<16xi32>
        %gather3A_127 = tpu.vector_load_idx %arg7[%add3A_123, %add3A_126] : memref<3840x8xf32, #tpu.memory_space<vmem>>[vector<16xi32>, vector<16xi32>], vector<16xf32>,
        %add3A_128 = arith.constant 1280 : i32
        %add3A_129 = vector.broadcast %add3A_128 : i32 to vector<16xi32>
        %add3A_130 = arith.addi %add3A_92, %add3A_129 : vector<16xi32>
        %add3A_131 = arith.constant 1 : i32
        %add3A_132 = vector.broadcast %add3A_131 : i32 to vector<16xi32>
        %add3A_133 = arith.addi %broadcast_in_dim3A_93, %add3A_132 : vector<16xi32>
        %gather3A_134 = tpu.vector_load_idx %arg7[%add3A_130, %add3A_133] : memref<3840x8xf32, #tpu.memory_space<vmem>>[vector<16xi32>, vector<16xi32>], vector<16xf32>,
        %add3A_135 = arith.constant 1280 : i32
        %add3A_136 = vector.broadcast %add3A_135 : i32 to vector<16xi32>
        %add3A_137 = arith.addi %add3A_92, %add3A_136 : vector<16xi32>
        %add3A_138 = arith.constant 2 : i32
        %add3A_139 = vector.broadcast %add3A_138 : i32 to vector<16xi32>
        %add3A_140 = arith.addi %broadcast_in_dim3A_93, %add3A_139 : vector<16xi32>
        %gather3A_141 = tpu.vector_load_idx %arg7[%add3A_137, %add3A_140] : memref<3840x8xf32, #tpu.memory_space<vmem>>[vector<16xi32>, vector<16xi32>], vector<16xf32>,
        %add3A_142 = arith.constant 1280 : i32
        %add3A_143 = vector.broadcast %add3A_142 : i32 to vector<16xi32>
        %add3A_144 = arith.addi %add3A_92, %add3A_143 : vector<16xi32>
        %add3A_145 = arith.constant 3 : i32
        %add3A_146 = vector.broadcast %add3A_145 : i32 to vector<16xi32>
        %add3A_147 = arith.addi %broadcast_in_dim3A_93, %add3A_146 : vector<16xi32>
        %gather3A_148 = tpu.vector_load_idx %arg7[%add3A_144, %add3A_147] : memref<3840x8xf32, #tpu.memory_space<vmem>>[vector<16xi32>, vector<16xi32>], vector<16xf32>,
        %add3A_149 = arith.constant 2560 : i32
        %add3A_150 = vector.broadcast %add3A_149 : i32 to vector<16xi32>
        %add3A_151 = arith.addi %add3A_92, %add3A_150 : vector<16xi32>
        %add3A_152 = arith.constant 0 : i32
        %add3A_153 = vector.broadcast %add3A_152 : i32 to vector<16xi32>
        %add3A_154 = arith.addi %broadcast_in_dim3A_93, %add3A_153 : vector<16xi32>
        %gather3A_155 = tpu.vector_load_idx %arg7[%add3A_151, %add3A_154] : memref<3840x8xf32, #tpu.memory_space<vmem>>[vector<16xi32>, vector<16xi32>], vector<16xf32>,
        %add3A_156 = arith.constant 2560 : i32
        %add3A_157 = vector.broadcast %add3A_156 : i32 to vector<16xi32>
        %add3A_158 = arith.addi %add3A_92, %add3A_157 : vector<16xi32>
        %add3A_159 = arith.constant 1 : i32
        %add3A_160 = vector.broadcast %add3A_159 : i32 to vector<16xi32>
        %add3A_161 = arith.addi %broadcast_in_dim3A_93, %add3A_160 : vector<16xi32>
        %gather3A_162 = tpu.vector_load_idx %arg7[%add3A_158, %add3A_161] : memref<3840x8xf32, #tpu.memory_space<vmem>>[vector<16xi32>, vector<16xi32>], vector<16xf32>,
        %add3A_163 = arith.constant 2560 : i32
        %add3A_164 = vector.broadcast %add3A_163 : i32 to vector<16xi32>
        %add3A_165 = arith.addi %add3A_92, %add3A_164 : vector<16xi32>
        %add3A_166 = arith.constant 2 : i32
        %add3A_167 = vector.broadcast %add3A_166 : i32 to vector<16xi32>
        %add3A_168 = arith.addi %broadcast_in_dim3A_93, %add3A_167 : vector<16xi32>
        %gather3A_169 = tpu.vector_load_idx %arg7[%add3A_165, %add3A_168] : memref<3840x8xf32, #tpu.memory_space<vmem>>[vector<16xi32>, vector<16xi32>], vector<16xf32>,
        %add3A_170 = arith.constant 2560 : i32
        %add3A_171 = vector.broadcast %add3A_170 : i32 to vector<16xi32>
        %add3A_172 = arith.addi %add3A_92, %add3A_171 : vector<16xi32>
        %add3A_173 = arith.constant 3 : i32
        %add3A_174 = vector.broadcast %add3A_173 : i32 to vector<16xi32>
        %add3A_175 = arith.addi %broadcast_in_dim3A_93, %add3A_174 : vector<16xi32>
        %gather3A_176 = tpu.vector_load_idx %arg7[%add3A_172, %add3A_175] : memref<3840x8xf32, #tpu.memory_space<vmem>>[vector<16xi32>, vector<16xi32>], vector<16xf32>,
        %sub3A_177 = arith.subf %gather3A_162, %gather3A_134 : vector<16xf32>
        %mul3A_178 = arith.mulf %gather3A, %sub3A_177 : vector<16xf32>
        %sub3A_179 = arith.subf %gather3A_106, %gather3A_162 : vector<16xf32>
        %mul3A_180 = arith.mulf %gather3A_127, %sub3A_179 : vector<16xf32>
        %add3A_181 = arith.addf %mul3A_178, %mul3A_180 : vector<16xf32>
        %sub3A_182 = arith.subf %gather3A_134, %gather3A_106 : vector<16xf32>
        %mul3A_183 = arith.mulf %gather3A_155, %sub3A_182 : vector<16xf32>
        %add3A_184 = arith.addf %add3A_181, %mul3A_183 : vector<16xf32>
        %neg3A = arith.constant 0.000000e+00 : f32
        %neg3A_185 = vector.broadcast %neg3A : f32 to vector<16xf32>
        %neg3A_186 = arith.subf %neg3A_185, %gather3A : vector<16xf32>
        %mul3A_187 = arith.mulf %neg3A_186, %gather3A_134 : vector<16xf32>
        %mul3A_188 = arith.mulf %gather3A, %gather3A_162 : vector<16xf32>
        %add3A_189 = arith.addf %mul3A_187, %mul3A_188 : vector<16xf32>
        %mul3A_190 = arith.mulf %gather3A_127, %gather3A_106 : vector<16xf32>
        %add3A_191 = arith.addf %add3A_189, %mul3A_190 : vector<16xf32>
        %mul3A_192 = arith.mulf %gather3A_127, %gather3A_162 : vector<16xf32>
        %sub3A_193 = arith.subf %add3A_191, %mul3A_192 : vector<16xf32>
        %mul3A_194 = arith.mulf %gather3A_155, %gather3A_106 : vector<16xf32>
        %sub3A_195 = arith.subf %sub3A_193, %mul3A_194 : vector<16xf32>
        %mul3A_196 = arith.mulf %gather3A_155, %gather3A_134 : vector<16xf32>
        %add3A_197 = arith.addf %sub3A_195, %mul3A_196 : vector<16xf32>
        %sub3A_198 = arith.subf %gather3A_134, %gather3A_162 : vector<16xf32>
        %mul3A_199 = arith.mulf %gather3A, %sub3A_198 : vector<16xf32>
        %sub3A_200 = arith.subf %gather3A_162, %gather3A_106 : vector<16xf32>
        %mul3A_201 = arith.mulf %gather3A_127, %sub3A_200 : vector<16xf32>
        %add3A_202 = arith.addf %mul3A_199, %mul3A_201 : vector<16xf32>
        %sub3A_203 = arith.subf %gather3A_106, %gather3A_134 : vector<16xf32>
        %mul3A_204 = arith.mulf %gather3A_155, %sub3A_203 : vector<16xf32>
        %add3A_205 = arith.addf %add3A_202, %mul3A_204 : vector<16xf32>
        %sub3A_206 = arith.subf %gather3A_162, %gather3A_134 : vector<16xf32>
        %div3A_207 = arith.divf %sub3A_206, %add3A_184 : vector<16xf32>
        %sub3A_208 = arith.subf %gather3A_127, %gather3A_155 : vector<16xf32>
        %div3A_209 = arith.divf %sub3A_208, %add3A_197 : vector<16xf32>
        %mul3A_210 = arith.mulf %gather3A_155, %gather3A_134 : vector<16xf32>
        %mul3A_211 = arith.mulf %gather3A_127, %gather3A_162 : vector<16xf32>
        %sub3A_212 = arith.subf %mul3A_210, %mul3A_211 : vector<16xf32>
        %div3A_213 = arith.divf %sub3A_212, %add3A_197 : vector<16xf32>
        %sub3A_214 = arith.subf %gather3A_106, %gather3A_162 : vector<16xf32>
        %div3A_215 = arith.divf %sub3A_214, %add3A_197 : vector<16xf32>
        %sub3A_216 = arith.subf %gather3A, %gather3A_155 : vector<16xf32>
        %div3A_217 = arith.divf %sub3A_216, %add3A_205 : vector<16xf32>
        %mul3A_218 = arith.mulf %gather3A_155, %gather3A_106 : vector<16xf32>
        %mul3A_219 = arith.mulf %gather3A, %gather3A_162 : vector<16xf32>
        %sub3A_220 = arith.subf %mul3A_218, %mul3A_219 : vector<16xf32>
        %div3A_221 = arith.divf %sub3A_220, %add3A_205 : vector<16xf32>
        %sub3A_222 = arith.subf %gather3A_106, %gather3A_134 : vector<16xf32>
        %div3A_223 = arith.divf %sub3A_222, %add3A_205 : vector<16xf32>
        %sub3A_224 = arith.subf %gather3A, %gather3A_127 : vector<16xf32>
        %div3A_225 = arith.divf %sub3A_224, %add3A_197 : vector<16xf32>
        %mul3A_226 = arith.mulf %gather3A_127, %gather3A_106 : vector<16xf32>
        %mul3A_227 = arith.mulf %gather3A, %gather3A_134 : vector<16xf32>
        %sub3A_228 = arith.subf %mul3A_226, %mul3A_227 : vector<16xf32>
        %div3A_229 = arith.divf %sub3A_228, %add3A_197 : vector<16xf32>
        %mul3A_230 = arith.mulf %div3A_207, %gather3A_113 : vector<16xf32>
        %mul3A_231 = arith.mulf %div3A_215, %gather3A_141 : vector<16xf32>
        %add3A_232 = arith.addf %mul3A_230, %mul3A_231 : vector<16xf32>
        %mul3A_233 = arith.mulf %div3A_223, %gather3A_169 : vector<16xf32>
        %add3A_234 = arith.addf %add3A_232, %mul3A_233 : vector<16xf32>
        %mul3A_235 = arith.mulf %div3A_209, %gather3A_113 : vector<16xf32>
        %mul3A_236 = arith.mulf %div3A_217, %gather3A_141 : vector<16xf32>
        %add3A_237 = arith.addf %mul3A_235, %mul3A_236 : vector<16xf32>
        %mul3A_238 = arith.mulf %div3A_225, %gather3A_169 : vector<16xf32>
        %add3A_239 = arith.addf %add3A_237, %mul3A_238 : vector<16xf32>
        %mul3A_240 = arith.mulf %div3A_213, %gather3A_113 : vector<16xf32>
        %mul3A_241 = arith.mulf %div3A_221, %gather3A_141 : vector<16xf32>
        %add3A_242 = arith.addf %mul3A_240, %mul3A_241 : vector<16xf32>
        %mul3A_243 = arith.mulf %div3A_229, %gather3A_169 : vector<16xf32>
        %add3A_244 = arith.addf %add3A_242, %mul3A_243 : vector<16xf32>
        %mul3A_245 = arith.mulf %div3A_207, %gather3A_120 : vector<16xf32>
        %mul3A_246 = arith.mulf %div3A_215, %gather3A_148 : vector<16xf32>
        %add3A_247 = arith.addf %mul3A_245, %mul3A_246 : vector<16xf32>
        %mul3A_248 = arith.mulf %div3A_223, %gather3A_176 : vector<16xf32>
        %add3A_249 = arith.addf %add3A_247, %mul3A_248 : vector<16xf32>
        %mul3A_250 = arith.mulf %div3A_209, %gather3A_120 : vector<16xf32>
        %mul3A_251 = arith.mulf %div3A_217, %gather3A_148 : vector<16xf32>
        %add3A_252 = arith.addf %mul3A_250, %mul3A_251 : vector<16xf32>
        %mul3A_253 = arith.mulf %div3A_225, %gather3A_176 : vector<16xf32>
        %add3A_254 = arith.addf %add3A_252, %mul3A_253 : vector<16xf32>
        %mul3A_255 = arith.mulf %div3A_213, %gather3A_120 : vector<16xf32>
        %mul3A_256 = arith.mulf %div3A_221, %gather3A_148 : vector<16xf32>
        %add3A_257 = arith.addf %mul3A_255, %mul3A_256 : vector<16xf32>
        %mul3A_258 = arith.mulf %div3A_229, %gather3A_176 : vector<16xf32>
        %add3A_259 = arith.addf %add3A_257, %mul3A_258 : vector<16xf32>
        %mul3A_260 = arith.constant 8 : i32
        %mul3A_261 = vector.broadcast %mul3A_260 : i32 to vector<16xi32>
        %mul3A_262 = arith.muli %add3A_92, %mul3A_261 : vector<16xi32>
        tpu.vector_store_idx %arg9[%mul3A_262], %add3A_234 : memref<10240xf32, #tpu.memory_space<vmem>>[vector<16xi32>], vector<16xf32>,
        %add3A_263 = arith.constant 1 : i32
        %add3A_264 = vector.broadcast %add3A_263 : i32 to vector<16xi32>
        %add3A_265 = arith.addi %mul3A_262, %add3A_264 : vector<16xi32>
        tpu.vector_store_idx %arg9[%add3A_265], %add3A_239 : memref<10240xf32, #tpu.memory_space<vmem>>[vector<16xi32>], vector<16xf32>,
        %add3A_266 = arith.constant 2 : i32
        %add3A_267 = vector.broadcast %add3A_266 : i32 to vector<16xi32>
        %add3A_268 = arith.addi %mul3A_262, %add3A_267 : vector<16xi32>
        tpu.vector_store_idx %arg9[%add3A_268], %add3A_244 : memref<10240xf32, #tpu.memory_space<vmem>>[vector<16xi32>], vector<16xf32>,
        %add3A_269 = arith.constant 3 : i32
        %add3A_270 = vector.broadcast %add3A_269 : i32 to vector<16xi32>
        %add3A_271 = arith.addi %mul3A_262, %add3A_270 : vector<16xi32>
        tpu.vector_store_idx %arg9[%add3A_271], %add3A_249 : memref<10240xf32, #tpu.memory_space<vmem>>[vector<16xi32>], vector<16xf32>,
        %add3A_272 = arith.constant 4 : i32
        %add3A_273 = vector.broadcast %add3A_272 : i32 to vector<16xi32>
        %add3A_274 = arith.addi %mul3A_262, %add3A_273 : vector<16xi32>
        tpu.vector_store_idx %arg9[%add3A_274], %add3A_254 : memref<10240xf32, #tpu.memory_space<vmem>>[vector<16xi32>], vector<16xf32>,
        %add3A_275 = arith.constant 5 : i32
        %add3A_276 = vector.broadcast %add3A_275 : i32 to vector<16xi32>
        %add3A_277 = arith.addi %mul3A_262, %add3A_276 : vector<16xi32>
        tpu.vector_store_idx %arg9[%add3A_277], %add3A_259 : memref<10240xf32, #tpu.memory_space<vmem>>[vector<16xi32>], vector<16xf32>,
      }
      %scan3A_73 = arith.constant 80 : i32
      %mul3A_74 = arith.constant 1280 : i32
      %mul3A_75 = arith.muli %add3A_48, %mul3A_74 : i32
      %mul3A_76 = arith.constant 8 : i32
      %mul3A_77 = arith.muli %mul3A_75, %mul3A_76 : i32
      %dma_start3A = tpu.memref_slice %arg4[%mul3A_77] : memref<1600000xf32, #tpu.memory_space<hbm>> -> memref<10240xf32, #tpu.memory_space<hbm>>
      %dma_start3A_78 = tpu.memref_slice %arg4[%mul3A_77] : memref<1600000xf32, #tpu.memory_space<hbm>> -> memref<10240xf32, #tpu.memory_space<hbm>>
      tpu.enqueue_dma source(%arg9 : memref<10240xf32, #tpu.memory_space<vmem>>) target(%dma_start3A_78 : memref<10240xf32, #tpu.memory_space<hbm>>) target_semaphore(%arg15 : memref<!tpu.dma_semaphore, #tpu.memory_space<semaphore_mem>>)
      %lt3A_79 = arith.constant 156 : i32
      %lt3A_80 = arith.cmpi slt, %add3A_50, %lt3A_79 : i32
      %convert_element_type3A_81 = arith.extui %lt3A_80 : i1 to i32
      %cond3A_82 = arith.constant 0 : i32
      %cond3A_83 = arith.cmpi ne, %convert_element_type3A_81, %cond3A_82 : i32
      scf.if %cond3A_83 {
        %lt3A_84 = arith.constant 156 : i32
        %lt3A_85 = arith.cmpi slt, %add3A_52, %lt3A_84 : i32
        %convert_element_type3A_86 = arith.extui %lt3A_85 : i1 to i32
        %cond3A_87 = arith.constant 0 : i32
        %cond3A_88 = arith.cmpi ne, %convert_element_type3A_86, %cond3A_87 : i32
        scf.if %cond3A_88 {
          %dma_wait3A_114 = arith.constant 0 : i32
          %dma_wait3A_115 = arith.constant 0 : i32
          %dma_wait3A_116 = tpu.memref_slice %arg5[%dma_wait3A_115] : memref<3840xi32, #tpu.memory_space<vmem>> -> memref<1280xi32, #tpu.memory_space<vmem>>
          %dma_wait3A_117 = arith.constant 0 : i32
          %dma_wait3A_118 = tpu.memref_slice %arg2[%dma_wait3A_114, %dma_wait3A_117] : memref<3x200000xi32, #tpu.memory_space<hbm>> -> memref<1x1280xi32, #tpu.memory_space<hbm>>
          %dma_wait3A_119 = tpu.memref_squeeze %dma_wait3A_118 : memref<1x1280xi32, #tpu.memory_space<hbm>> -> memref<1280xi32, #tpu.memory_space<hbm>>
          %dma_wait3A_120 = arith.constant 0 : i32
          %dma_wait3A_121 = tpu.memref_slice %arg5[%dma_wait3A_120] : memref<3840xi32, #tpu.memory_space<vmem>> -> memref<1280xi32, #tpu.memory_space<vmem>>
          %dma_wait3A_122 = arith.constant 0 : i32
          %dma_wait3A_123 = tpu.memref_slice %arg2[%dma_wait3A_114, %dma_wait3A_122] : memref<3x200000xi32, #tpu.memory_space<hbm>> -> memref<1x1280xi32, #tpu.memory_space<hbm>>
          %dma_wait3A_124 = tpu.memref_squeeze %dma_wait3A_123 : memref<1x1280xi32, #tpu.memory_space<hbm>> -> memref<1280xi32, #tpu.memory_space<hbm>>
          tpu.wait_dma2 semaphore(%arg11 : memref<!tpu.dma_semaphore, #tpu.memory_space<semaphore_mem>>) src(%dma_wait3A_124 : memref<1280xi32, #tpu.memory_space<hbm>>) dst(%dma_wait3A_121 : memref<1280xi32, #tpu.memory_space<vmem>>)
          %dma_wait3A_125 = arith.constant 1 : i32
          %dma_wait3A_126 = arith.constant 1280 : i32
          %dma_wait3A_127 = tpu.memref_slice %arg5[%dma_wait3A_126] : memref<3840xi32, #tpu.memory_space<vmem>> -> memref<1280xi32, #tpu.memory_space<vmem>>
          %dma_wait3A_128 = arith.constant 0 : i32
          %dma_wait3A_129 = tpu.memref_slice %arg2[%dma_wait3A_125, %dma_wait3A_128] : memref<3x200000xi32, #tpu.memory_space<hbm>> -> memref<1x1280xi32, #tpu.memory_space<hbm>>
          %dma_wait3A_130 = tpu.memref_squeeze %dma_wait3A_129 : memref<1x1280xi32, #tpu.memory_space<hbm>> -> memref<1280xi32, #tpu.memory_space<hbm>>
          %dma_wait3A_131 = arith.constant 1280 : i32
          %dma_wait3A_132 = tpu.memref_slice %arg5[%dma_wait3A_131] : memref<3840xi32, #tpu.memory_space<vmem>> -> memref<1280xi32, #tpu.memory_space<vmem>>
          %dma_wait3A_133 = arith.constant 0 : i32
          %dma_wait3A_134 = tpu.memref_slice %arg2[%dma_wait3A_125, %dma_wait3A_133] : memref<3x200000xi32, #tpu.memory_space<hbm>> -> memref<1x1280xi32, #tpu.memory_space<hbm>>
          %dma_wait3A_135 = tpu.memref_squeeze %dma_wait3A_134 : memref<1x1280xi32, #tpu.memory_space<hbm>> -> memref<1280xi32, #tpu.memory_space<hbm>>
          tpu.wait_dma2 semaphore(%arg11 : memref<!tpu.dma_semaphore, #tpu.memory_space<semaphore_mem>>) src(%dma_wait3A_135 : memref<1280xi32, #tpu.memory_space<hbm>>) dst(%dma_wait3A_132 : memref<1280xi32, #tpu.memory_space<vmem>>)
          %dma_wait3A_136 = arith.constant 2 : i32
          %dma_wait3A_137 = arith.constant 2560 : i32
          %dma_wait3A_138 = tpu.memref_slice %arg5[%dma_wait3A_137] : memref<3840xi32, #tpu.memory_space<vmem>> -> memref<1280xi32, #tpu.memory_space<vmem>>
          %dma_wait3A_139 = arith.constant 0 : i32
          %dma_wait3A_140 = tpu.memref_slice %arg2[%dma_wait3A_136, %dma_wait3A_139] : memref<3x200000xi32, #tpu.memory_space<hbm>> -> memref<1x1280xi32, #tpu.memory_space<hbm>>
          %dma_wait3A_141 = tpu.memref_squeeze %dma_wait3A_140 : memref<1x1280xi32, #tpu.memory_space<hbm>> -> memref<1280xi32, #tpu.memory_space<hbm>>
          %dma_wait3A_142 = arith.constant 2560 : i32
          %dma_wait3A_143 = tpu.memref_slice %arg5[%dma_wait3A_142] : memref<3840xi32, #tpu.memory_space<vmem>> -> memref<1280xi32, #tpu.memory_space<vmem>>
          %dma_wait3A_144 = arith.constant 0 : i32
          %dma_wait3A_145 = tpu.memref_slice %arg2[%dma_wait3A_136, %dma_wait3A_144] : memref<3x200000xi32, #tpu.memory_space<hbm>> -> memref<1x1280xi32, #tpu.memory_space<hbm>>
          %dma_wait3A_146 = tpu.memref_squeeze %dma_wait3A_145 : memref<1x1280xi32, #tpu.memory_space<hbm>> -> memref<1280xi32, #tpu.memory_space<hbm>>
          tpu.wait_dma2 semaphore(%arg11 : memref<!tpu.dma_semaphore, #tpu.memory_space<semaphore_mem>>) src(%dma_wait3A_146 : memref<1280xi32, #tpu.memory_space<hbm>>) dst(%dma_wait3A_143 : memref<1280xi32, #tpu.memory_space<vmem>>)
          %dma_start3A_147 = arith.constant 0 : i32
          %dma_start3A_148 = arith.constant 0 : i32
          %dma_start3A_149 = tpu.memref_slice %arg3[%dma_start3A_147, %dma_start3A_148] : memref<100001x8xf32, #tpu.memory_space<hbm>> -> memref<100001x8xf32, #tpu.memory_space<hbm>>
          tpu.enqueue_indirect_dma source(%dma_start3A_149 : memref<100001x8xf32, #tpu.memory_space<hbm>>) target(%arg7 : memref<3840x8xf32, #tpu.memory_space<vmem>>) offsets(%arg5 : memref<3840xi32, #tpu.memory_space<vmem>>) semaphore(%arg13 : memref<!tpu.dma_semaphore, #tpu.memory_space<semaphore_mem>>)
        } else {
        }
        %dma_wait3A_89 = arith.constant 0 : i32
        %dma_wait3A_90 = arith.constant 0 : i32
        %dma_wait3A_91 = tpu.memref_slice %arg3[%dma_wait3A_89, %dma_wait3A_90] : memref<100001x8xf32, #tpu.memory_space<hbm>> -> memref<100001x8xf32, #tpu.memory_space<hbm>>
        tpu.wait_indirect_dma semaphore(%arg14 : memref<!tpu.dma_semaphore, #tpu.memory_space<semaphore_mem>>) src(%dma_wait3A_91 : memref<100001x8xf32, #tpu.memory_space<hbm>>) dst(%arg8 : memref<3840x8xf32, #tpu.memory_space<vmem>>)
        %lt3A_92 = arith.constant 156 : i32
        %lt3A_93 = arith.cmpi slt, %add3A_54, %lt3A_92 : i32
        %convert_element_type3A_94 = arith.extui %lt3A_93 : i1 to i32
        %cond3A_95 = arith.constant 0 : i32
        %cond3A_96 = arith.cmpi ne, %convert_element_type3A_94, %cond3A_95 : i32
        scf.if %cond3A_96 {
          %mul3A_114 = arith.constant 1280 : i32
          %mul3A_115 = arith.muli %add3A_54, %mul3A_114 : i32
          %dma_start3A_116 = arith.constant 0 : i32
          %dma_start3A_117 = arith.constant 0 : i32
          %dma_start3A_118 = tpu.memref_slice %arg6[%dma_start3A_117] : memref<3840xi32, #tpu.memory_space<vmem>> -> memref<1280xi32, #tpu.memory_space<vmem>>
          %dma_start3A_119 = tpu.memref_slice %arg2[%dma_start3A_116, %mul3A_115] : memref<3x200000xi32, #tpu.memory_space<hbm>> -> memref<1x1280xi32, #tpu.memory_space<hbm>>
          %dma_start3A_120 = tpu.memref_squeeze %dma_start3A_119 : memref<1x1280xi32, #tpu.memory_space<hbm>> -> memref<1280xi32, #tpu.memory_space<hbm>>
          %dma_start3A_121 = arith.constant 0 : i32
          %dma_start3A_122 = tpu.memref_slice %arg6[%dma_start3A_121] : memref<3840xi32, #tpu.memory_space<vmem>> -> memref<1280xi32, #tpu.memory_space<vmem>>
          %dma_start3A_123 = tpu.memref_slice %arg2[%dma_start3A_116, %mul3A_115] : memref<3x200000xi32, #tpu.memory_space<hbm>> -> memref<1x1280xi32, #tpu.memory_space<hbm>>
          %dma_start3A_124 = tpu.memref_squeeze %dma_start3A_123 : memref<1x1280xi32, #tpu.memory_space<hbm>> -> memref<1280xi32, #tpu.memory_space<hbm>>
          tpu.enqueue_dma source(%dma_start3A_124 : memref<1280xi32, #tpu.memory_space<hbm>>) target(%dma_start3A_122 : memref<1280xi32, #tpu.memory_space<vmem>>) target_semaphore(%arg12 : memref<!tpu.dma_semaphore, #tpu.memory_space<semaphore_mem>>)
          %mul3A_125 = arith.constant 1280 : i32
          %mul3A_126 = arith.muli %add3A_54, %mul3A_125 : i32
          %dma_start3A_127 = arith.constant 1 : i32
          %dma_start3A_128 = arith.constant 1280 : i32
          %dma_start3A_129 = tpu.memref_slice %arg6[%dma_start3A_128] : memref<3840xi32, #tpu.memory_space<vmem>> -> memref<1280xi32, #tpu.memory_space<vmem>>
          %dma_start3A_130 = tpu.memref_slice %arg2[%dma_start3A_127, %mul3A_126] : memref<3x200000xi32, #tpu.memory_space<hbm>> -> memref<1x1280xi32, #tpu.memory_space<hbm>>
          %dma_start3A_131 = tpu.memref_squeeze %dma_start3A_130 : memref<1x1280xi32, #tpu.memory_space<hbm>> -> memref<1280xi32, #tpu.memory_space<hbm>>
          %dma_start3A_132 = arith.constant 1280 : i32
          %dma_start3A_133 = tpu.memref_slice %arg6[%dma_start3A_132] : memref<3840xi32, #tpu.memory_space<vmem>> -> memref<1280xi32, #tpu.memory_space<vmem>>
          %dma_start3A_134 = tpu.memref_slice %arg2[%dma_start3A_127, %mul3A_126] : memref<3x200000xi32, #tpu.memory_space<hbm>> -> memref<1x1280xi32, #tpu.memory_space<hbm>>
          %dma_start3A_135 = tpu.memref_squeeze %dma_start3A_134 : memref<1x1280xi32, #tpu.memory_space<hbm>> -> memref<1280xi32, #tpu.memory_space<hbm>>
          tpu.enqueue_dma source(%dma_start3A_135 : memref<1280xi32, #tpu.memory_space<hbm>>) target(%dma_start3A_133 : memref<1280xi32, #tpu.memory_space<vmem>>) target_semaphore(%arg12 : memref<!tpu.dma_semaphore, #tpu.memory_space<semaphore_mem>>)
          %mul3A_136 = arith.constant 1280 : i32
          %mul3A_137 = arith.muli %add3A_54, %mul3A_136 : i32
          %dma_start3A_138 = arith.constant 2 : i32
          %dma_start3A_139 = arith.constant 2560 : i32
          %dma_start3A_140 = tpu.memref_slice %arg6[%dma_start3A_139] : memref<3840xi32, #tpu.memory_space<vmem>> -> memref<1280xi32, #tpu.memory_space<vmem>>
          %dma_start3A_141 = tpu.memref_slice %arg2[%dma_start3A_138, %mul3A_137] : memref<3x200000xi32, #tpu.memory_space<hbm>> -> memref<1x1280xi32, #tpu.memory_space<hbm>>
          %dma_start3A_142 = tpu.memref_squeeze %dma_start3A_141 : memref<1x1280xi32, #tpu.memory_space<hbm>> -> memref<1280xi32, #tpu.memory_space<hbm>>
          %dma_start3A_143 = arith.constant 2560 : i32
          %dma_start3A_144 = tpu.memref_slice %arg6[%dma_start3A_143] : memref<3840xi32, #tpu.memory_space<vmem>> -> memref<1280xi32, #tpu.memory_space<vmem>>
          %dma_start3A_145 = tpu.memref_slice %arg2[%dma_start3A_138, %mul3A_137] : memref<3x200000xi32, #tpu.memory_space<hbm>> -> memref<1x1280xi32, #tpu.memory_space<hbm>>
          %dma_start3A_146 = tpu.memref_squeeze %dma_start3A_145 : memref<1x1280xi32, #tpu.memory_space<hbm>> -> memref<1280xi32, #tpu.memory_space<hbm>>
          tpu.enqueue_dma source(%dma_start3A_146 : memref<1280xi32, #tpu.memory_space<hbm>>) target(%dma_start3A_144 : memref<1280xi32, #tpu.memory_space<vmem>>) target_semaphore(%arg12 : memref<!tpu.dma_semaphore, #tpu.memory_space<semaphore_mem>>)
        } else {
        }
        %add3A_97 = arith.constant 32 : i32
        %add3A_98 = arith.addi %add3A, %add3A_97 : i32
        %gt3A_99 = arith.cmpi sgt, %add3A_50, %add3A_98 : i32
        %convert_element_type3A_100 = arith.extui %gt3A_99 : i1 to i32
        %cond3A_101 = arith.constant 0 : i32
        %cond3A_102 = arith.cmpi ne, %convert_element_type3A_100, %cond3A_101 : i32
        scf.if %cond3A_102 {
          %dma_wait3A_114 = arith.constant 0 : i32
          %dma_wait3A_115 = tpu.memref_slice %arg4[%dma_wait3A_114] : memref<1600000xf32, #tpu.memory_space<hbm>> -> memref<10240xf32, #tpu.memory_space<hbm>>
          %dma_wait3A_116 = arith.constant 0 : i32
          %dma_wait3A_117 = tpu.memref_slice %arg4[%dma_wait3A_116] : memref<1600000xf32, #tpu.memory_space<hbm>> -> memref<10240xf32, #tpu.memory_space<hbm>>
          tpu.wait_dma2 semaphore(%arg16 : memref<!tpu.dma_semaphore, #tpu.memory_space<semaphore_mem>>) src(%arg10 : memref<10240xf32, #tpu.memory_space<vmem>>) dst(%dma_wait3A_117 : memref<10240xf32, #tpu.memory_space<hbm>>)
        } else {
        }
        %scan3A_103 = arith.constant 0 : i32
        %scan3A_104 = arith.constant 80 : i32
        %scan3A_105 = arith.addi %scan3A_103, %scan3A_104 : i32
        %scan3A_106 = arith.constant 1 : i32
        scf.for %scan3A_114 = %scan3A_103 to %scan3A_105 step %scan3A_106  : i32 {
          %mul3A_115 = arith.constant 1 : i32
          %mul3A_116 = arith.muli %scan3A_114, %mul3A_115 : i32
          %add3A_117 = arith.constant 0 : i32
          %add3A_118 = arith.addi %add3A_117, %mul3A_116 : i32
          %mul3A_119 = arith.constant 16 : i32
          %mul3A_120 = arith.muli %add3A_118, %mul3A_119 : i32
          %add3A_121 = vector.broadcast %mul3A_120 : i32 to vector<16xi32>
          %add3A_122 = arith.addi %iota3A, %add3A_121 : vector<16xi32>
          %broadcast_in_dim3A = arith.constant 0 : i32
          %broadcast_in_dim3A_123 = vector.broadcast %broadcast_in_dim3A : i32 to vector<16xi32>
          %add3A_124 = arith.constant 0 : i32
          %add3A_125 = vector.broadcast %add3A_124 : i32 to vector<16xi32>
          %add3A_126 = arith.addi %add3A_122, %add3A_125 : vector<16xi32>
          %add3A_127 = arith.constant 0 : i32
          %add3A_128 = vector.broadcast %add3A_127 : i32 to vector<16xi32>
          %add3A_129 = arith.addi %broadcast_in_dim3A_123, %add3A_128 : vector<16xi32>
          %gather3A = tpu.vector_load_idx %arg8[%add3A_126, %add3A_129] : memref<3840x8xf32, #tpu.memory_space<vmem>>[vector<16xi32>, vector<16xi32>], vector<16xf32>,
          %add3A_130 = arith.constant 0 : i32
          %add3A_131 = vector.broadcast %add3A_130 : i32 to vector<16xi32>
          %add3A_132 = arith.addi %add3A_122, %add3A_131 : vector<16xi32>
          %add3A_133 = arith.constant 1 : i32
          %add3A_134 = vector.broadcast %add3A_133 : i32 to vector<16xi32>
          %add3A_135 = arith.addi %broadcast_in_dim3A_123, %add3A_134 : vector<16xi32>
          %gather3A_136 = tpu.vector_load_idx %arg8[%add3A_132, %add3A_135] : memref<3840x8xf32, #tpu.memory_space<vmem>>[vector<16xi32>, vector<16xi32>], vector<16xf32>,
          %add3A_137 = arith.constant 0 : i32
          %add3A_138 = vector.broadcast %add3A_137 : i32 to vector<16xi32>
          %add3A_139 = arith.addi %add3A_122, %add3A_138 : vector<16xi32>
          %add3A_140 = arith.constant 2 : i32
          %add3A_141 = vector.broadcast %add3A_140 : i32 to vector<16xi32>
          %add3A_142 = arith.addi %broadcast_in_dim3A_123, %add3A_141 : vector<16xi32>
          %gather3A_143 = tpu.vector_load_idx %arg8[%add3A_139, %add3A_142] : memref<3840x8xf32, #tpu.memory_space<vmem>>[vector<16xi32>, vector<16xi32>], vector<16xf32>,
          %add3A_144 = arith.constant 0 : i32
          %add3A_145 = vector.broadcast %add3A_144 : i32 to vector<16xi32>
          %add3A_146 = arith.addi %add3A_122, %add3A_145 : vector<16xi32>
          %add3A_147 = arith.constant 3 : i32
          %add3A_148 = vector.broadcast %add3A_147 : i32 to vector<16xi32>
          %add3A_149 = arith.addi %broadcast_in_dim3A_123, %add3A_148 : vector<16xi32>
          %gather3A_150 = tpu.vector_load_idx %arg8[%add3A_146, %add3A_149] : memref<3840x8xf32, #tpu.memory_space<vmem>>[vector<16xi32>, vector<16xi32>], vector<16xf32>,
          %add3A_151 = arith.constant 1280 : i32
          %add3A_152 = vector.broadcast %add3A_151 : i32 to vector<16xi32>
          %add3A_153 = arith.addi %add3A_122, %add3A_152 : vector<16xi32>
          %add3A_154 = arith.constant 0 : i32
          %add3A_155 = vector.broadcast %add3A_154 : i32 to vector<16xi32>
          %add3A_156 = arith.addi %broadcast_in_dim3A_123, %add3A_155 : vector<16xi32>
          %gather3A_157 = tpu.vector_load_idx %arg8[%add3A_153, %add3A_156] : memref<3840x8xf32, #tpu.memory_space<vmem>>[vector<16xi32>, vector<16xi32>], vector<16xf32>,
          %add3A_158 = arith.constant 1280 : i32
          %add3A_159 = vector.broadcast %add3A_158 : i32 to vector<16xi32>
          %add3A_160 = arith.addi %add3A_122, %add3A_159 : vector<16xi32>
          %add3A_161 = arith.constant 1 : i32
          %add3A_162 = vector.broadcast %add3A_161 : i32 to vector<16xi32>
          %add3A_163 = arith.addi %broadcast_in_dim3A_123, %add3A_162 : vector<16xi32>
          %gather3A_164 = tpu.vector_load_idx %arg8[%add3A_160, %add3A_163] : memref<3840x8xf32, #tpu.memory_space<vmem>>[vector<16xi32>, vector<16xi32>], vector<16xf32>,
          %add3A_165 = arith.constant 1280 : i32
          %add3A_166 = vector.broadcast %add3A_165 : i32 to vector<16xi32>
          %add3A_167 = arith.addi %add3A_122, %add3A_166 : vector<16xi32>
          %add3A_168 = arith.constant 2 : i32
          %add3A_169 = vector.broadcast %add3A_168 : i32 to vector<16xi32>
          %add3A_170 = arith.addi %broadcast_in_dim3A_123, %add3A_169 : vector<16xi32>
          %gather3A_171 = tpu.vector_load_idx %arg8[%add3A_167, %add3A_170] : memref<3840x8xf32, #tpu.memory_space<vmem>>[vector<16xi32>, vector<16xi32>], vector<16xf32>,
          %add3A_172 = arith.constant 1280 : i32
          %add3A_173 = vector.broadcast %add3A_172 : i32 to vector<16xi32>
          %add3A_174 = arith.addi %add3A_122, %add3A_173 : vector<16xi32>
          %add3A_175 = arith.constant 3 : i32
          %add3A_176 = vector.broadcast %add3A_175 : i32 to vector<16xi32>
          %add3A_177 = arith.addi %broadcast_in_dim3A_123, %add3A_176 : vector<16xi32>
          %gather3A_178 = tpu.vector_load_idx %arg8[%add3A_174, %add3A_177] : memref<3840x8xf32, #tpu.memory_space<vmem>>[vector<16xi32>, vector<16xi32>], vector<16xf32>,
          %add3A_179 = arith.constant 2560 : i32
          %add3A_180 = vector.broadcast %add3A_179 : i32 to vector<16xi32>
          %add3A_181 = arith.addi %add3A_122, %add3A_180 : vector<16xi32>
          %add3A_182 = arith.constant 0 : i32
          %add3A_183 = vector.broadcast %add3A_182 : i32 to vector<16xi32>
          %add3A_184 = arith.addi %broadcast_in_dim3A_123, %add3A_183 : vector<16xi32>
          %gather3A_185 = tpu.vector_load_idx %arg8[%add3A_181, %add3A_184] : memref<3840x8xf32, #tpu.memory_space<vmem>>[vector<16xi32>, vector<16xi32>], vector<16xf32>,
          %add3A_186 = arith.constant 2560 : i32
          %add3A_187 = vector.broadcast %add3A_186 : i32 to vector<16xi32>
          %add3A_188 = arith.addi %add3A_122, %add3A_187 : vector<16xi32>
          %add3A_189 = arith.constant 1 : i32
          %add3A_190 = vector.broadcast %add3A_189 : i32 to vector<16xi32>
          %add3A_191 = arith.addi %broadcast_in_dim3A_123, %add3A_190 : vector<16xi32>
          %gather3A_192 = tpu.vector_load_idx %arg8[%add3A_188, %add3A_191] : memref<3840x8xf32, #tpu.memory_space<vmem>>[vector<16xi32>, vector<16xi32>], vector<16xf32>,
          %add3A_193 = arith.constant 2560 : i32
          %add3A_194 = vector.broadcast %add3A_193 : i32 to vector<16xi32>
          %add3A_195 = arith.addi %add3A_122, %add3A_194 : vector<16xi32>
          %add3A_196 = arith.constant 2 : i32
          %add3A_197 = vector.broadcast %add3A_196 : i32 to vector<16xi32>
          %add3A_198 = arith.addi %broadcast_in_dim3A_123, %add3A_197 : vector<16xi32>
          %gather3A_199 = tpu.vector_load_idx %arg8[%add3A_195, %add3A_198] : memref<3840x8xf32, #tpu.memory_space<vmem>>[vector<16xi32>, vector<16xi32>], vector<16xf32>,
          %add3A_200 = arith.constant 2560 : i32
          %add3A_201 = vector.broadcast %add3A_200 : i32 to vector<16xi32>
          %add3A_202 = arith.addi %add3A_122, %add3A_201 : vector<16xi32>
          %add3A_203 = arith.constant 3 : i32
          %add3A_204 = vector.broadcast %add3A_203 : i32 to vector<16xi32>
          %add3A_205 = arith.addi %broadcast_in_dim3A_123, %add3A_204 : vector<16xi32>
          %gather3A_206 = tpu.vector_load_idx %arg8[%add3A_202, %add3A_205] : memref<3840x8xf32, #tpu.memory_space<vmem>>[vector<16xi32>, vector<16xi32>], vector<16xf32>,
          %sub3A_207 = arith.subf %gather3A_192, %gather3A_164 : vector<16xf32>
          %mul3A_208 = arith.mulf %gather3A, %sub3A_207 : vector<16xf32>
          %sub3A_209 = arith.subf %gather3A_136, %gather3A_192 : vector<16xf32>
          %mul3A_210 = arith.mulf %gather3A_157, %sub3A_209 : vector<16xf32>
          %add3A_211 = arith.addf %mul3A_208, %mul3A_210 : vector<16xf32>
          %sub3A_212 = arith.subf %gather3A_164, %gather3A_136 : vector<16xf32>
          %mul3A_213 = arith.mulf %gather3A_185, %sub3A_212 : vector<16xf32>
          %add3A_214 = arith.addf %add3A_211, %mul3A_213 : vector<16xf32>
          %neg3A = arith.constant 0.000000e+00 : f32
          %neg3A_215 = vector.broadcast %neg3A : f32 to vector<16xf32>
          %neg3A_216 = arith.subf %neg3A_215, %gather3A : vector<16xf32>
          %mul3A_217 = arith.mulf %neg3A_216, %gather3A_164 : vector<16xf32>
          %mul3A_218 = arith.mulf %gather3A, %gather3A_192 : vector<16xf32>
          %add3A_219 = arith.addf %mul3A_217, %mul3A_218 : vector<16xf32>
          %mul3A_220 = arith.mulf %gather3A_157, %gather3A_136 : vector<16xf32>
          %add3A_221 = arith.addf %add3A_219, %mul3A_220 : vector<16xf32>
          %mul3A_222 = arith.mulf %gather3A_157, %gather3A_192 : vector<16xf32>
          %sub3A_223 = arith.subf %add3A_221, %mul3A_222 : vector<16xf32>
          %mul3A_224 = arith.mulf %gather3A_185, %gather3A_136 : vector<16xf32>
          %sub3A_225 = arith.subf %sub3A_223, %mul3A_224 : vector<16xf32>
          %mul3A_226 = arith.mulf %gather3A_185, %gather3A_164 : vector<16xf32>
          %add3A_227 = arith.addf %sub3A_225, %mul3A_226 : vector<16xf32>
          %sub3A_228 = arith.subf %gather3A_164, %gather3A_192 : vector<16xf32>
          %mul3A_229 = arith.mulf %gather3A, %sub3A_228 : vector<16xf32>
          %sub3A_230 = arith.subf %gather3A_192, %gather3A_136 : vector<16xf32>
          %mul3A_231 = arith.mulf %gather3A_157, %sub3A_230 : vector<16xf32>
          %add3A_232 = arith.addf %mul3A_229, %mul3A_231 : vector<16xf32>
          %sub3A_233 = arith.subf %gather3A_136, %gather3A_164 : vector<16xf32>
          %mul3A_234 = arith.mulf %gather3A_185, %sub3A_233 : vector<16xf32>
          %add3A_235 = arith.addf %add3A_232, %mul3A_234 : vector<16xf32>
          %sub3A_236 = arith.subf %gather3A_192, %gather3A_164 : vector<16xf32>
          %div3A_237 = arith.divf %sub3A_236, %add3A_214 : vector<16xf32>
          %sub3A_238 = arith.subf %gather3A_157, %gather3A_185 : vector<16xf32>
          %div3A_239 = arith.divf %sub3A_238, %add3A_227 : vector<16xf32>
          %mul3A_240 = arith.mulf %gather3A_185, %gather3A_164 : vector<16xf32>
          %mul3A_241 = arith.mulf %gather3A_157, %gather3A_192 : vector<16xf32>
          %sub3A_242 = arith.subf %mul3A_240, %mul3A_241 : vector<16xf32>
          %div3A_243 = arith.divf %sub3A_242, %add3A_227 : vector<16xf32>
          %sub3A_244 = arith.subf %gather3A_136, %gather3A_192 : vector<16xf32>
          %div3A_245 = arith.divf %sub3A_244, %add3A_227 : vector<16xf32>
          %sub3A_246 = arith.subf %gather3A, %gather3A_185 : vector<16xf32>
          %div3A_247 = arith.divf %sub3A_246, %add3A_235 : vector<16xf32>
          %mul3A_248 = arith.mulf %gather3A_185, %gather3A_136 : vector<16xf32>
          %mul3A_249 = arith.mulf %gather3A, %gather3A_192 : vector<16xf32>
          %sub3A_250 = arith.subf %mul3A_248, %mul3A_249 : vector<16xf32>
          %div3A_251 = arith.divf %sub3A_250, %add3A_235 : vector<16xf32>
          %sub3A_252 = arith.subf %gather3A_136, %gather3A_164 : vector<16xf32>
          %div3A_253 = arith.divf %sub3A_252, %add3A_235 : vector<16xf32>
          %sub3A_254 = arith.subf %gather3A, %gather3A_157 : vector<16xf32>
          %div3A_255 = arith.divf %sub3A_254, %add3A_227 : vector<16xf32>
          %mul3A_256 = arith.mulf %gather3A_157, %gather3A_136 : vector<16xf32>
          %mul3A_257 = arith.mulf %gather3A, %gather3A_164 : vector<16xf32>
          %sub3A_258 = arith.subf %mul3A_256, %mul3A_257 : vector<16xf32>
          %div3A_259 = arith.divf %sub3A_258, %add3A_227 : vector<16xf32>
          %mul3A_260 = arith.mulf %div3A_237, %gather3A_143 : vector<16xf32>
          %mul3A_261 = arith.mulf %div3A_245, %gather3A_171 : vector<16xf32>
          %add3A_262 = arith.addf %mul3A_260, %mul3A_261 : vector<16xf32>
          %mul3A_263 = arith.mulf %div3A_253, %gather3A_199 : vector<16xf32>
          %add3A_264 = arith.addf %add3A_262, %mul3A_263 : vector<16xf32>
          %mul3A_265 = arith.mulf %div3A_239, %gather3A_143 : vector<16xf32>
          %mul3A_266 = arith.mulf %div3A_247, %gather3A_171 : vector<16xf32>
          %add3A_267 = arith.addf %mul3A_265, %mul3A_266 : vector<16xf32>
          %mul3A_268 = arith.mulf %div3A_255, %gather3A_199 : vector<16xf32>
          %add3A_269 = arith.addf %add3A_267, %mul3A_268 : vector<16xf32>
          %mul3A_270 = arith.mulf %div3A_243, %gather3A_143 : vector<16xf32>
          %mul3A_271 = arith.mulf %div3A_251, %gather3A_171 : vector<16xf32>
          %add3A_272 = arith.addf %mul3A_270, %mul3A_271 : vector<16xf32>
          %mul3A_273 = arith.mulf %div3A_259, %gather3A_199 : vector<16xf32>
          %add3A_274 = arith.addf %add3A_272, %mul3A_273 : vector<16xf32>
          %mul3A_275 = arith.mulf %div3A_237, %gather3A_150 : vector<16xf32>
          %mul3A_276 = arith.mulf %div3A_245, %gather3A_178 : vector<16xf32>
          %add3A_277 = arith.addf %mul3A_275, %mul3A_276 : vector<16xf32>
          %mul3A_278 = arith.mulf %div3A_253, %gather3A_206 : vector<16xf32>
          %add3A_279 = arith.addf %add3A_277, %mul3A_278 : vector<16xf32>
          %mul3A_280 = arith.mulf %div3A_239, %gather3A_150 : vector<16xf32>
          %mul3A_281 = arith.mulf %div3A_247, %gather3A_178 : vector<16xf32>
          %add3A_282 = arith.addf %mul3A_280, %mul3A_281 : vector<16xf32>
          %mul3A_283 = arith.mulf %div3A_255, %gather3A_206 : vector<16xf32>
          %add3A_284 = arith.addf %add3A_282, %mul3A_283 : vector<16xf32>
          %mul3A_285 = arith.mulf %div3A_243, %gather3A_150 : vector<16xf32>
          %mul3A_286 = arith.mulf %div3A_251, %gather3A_178 : vector<16xf32>
          %add3A_287 = arith.addf %mul3A_285, %mul3A_286 : vector<16xf32>
          %mul3A_288 = arith.mulf %div3A_259, %gather3A_206 : vector<16xf32>
          %add3A_289 = arith.addf %add3A_287, %mul3A_288 : vector<16xf32>
          %mul3A_290 = arith.constant 8 : i32
          %mul3A_291 = vector.broadcast %mul3A_290 : i32 to vector<16xi32>
          %mul3A_292 = arith.muli %add3A_122, %mul3A_291 : vector<16xi32>
          tpu.vector_store_idx %arg10[%mul3A_292], %add3A_264 : memref<10240xf32, #tpu.memory_space<vmem>>[vector<16xi32>], vector<16xf32>,
          %add3A_293 = arith.constant 1 : i32
          %add3A_294 = vector.broadcast %add3A_293 : i32 to vector<16xi32>
          %add3A_295 = arith.addi %mul3A_292, %add3A_294 : vector<16xi32>
          tpu.vector_store_idx %arg10[%add3A_295], %add3A_269 : memref<10240xf32, #tpu.memory_space<vmem>>[vector<16xi32>], vector<16xf32>,
          %add3A_296 = arith.constant 2 : i32
          %add3A_297 = vector.broadcast %add3A_296 : i32 to vector<16xi32>
          %add3A_298 = arith.addi %mul3A_292, %add3A_297 : vector<16xi32>
          tpu.vector_store_idx %arg10[%add3A_298], %add3A_274 : memref<10240xf32, #tpu.memory_space<vmem>>[vector<16xi32>], vector<16xf32>,
          %add3A_299 = arith.constant 3 : i32
          %add3A_300 = vector.broadcast %add3A_299 : i32 to vector<16xi32>
          %add3A_301 = arith.addi %mul3A_292, %add3A_300 : vector<16xi32>
          tpu.vector_store_idx %arg10[%add3A_301], %add3A_279 : memref<10240xf32, #tpu.memory_space<vmem>>[vector<16xi32>], vector<16xf32>,
          %add3A_302 = arith.constant 4 : i32
          %add3A_303 = vector.broadcast %add3A_302 : i32 to vector<16xi32>
          %add3A_304 = arith.addi %mul3A_292, %add3A_303 : vector<16xi32>
          tpu.vector_store_idx %arg10[%add3A_304], %add3A_284 : memref<10240xf32, #tpu.memory_space<vmem>>[vector<16xi32>], vector<16xf32>,
          %add3A_305 = arith.constant 5 : i32
          %add3A_306 = vector.broadcast %add3A_305 : i32 to vector<16xi32>
          %add3A_307 = arith.addi %mul3A_292, %add3A_306 : vector<16xi32>
          tpu.vector_store_idx %arg10[%add3A_307], %add3A_289 : memref<10240xf32, #tpu.memory_space<vmem>>[vector<16xi32>], vector<16xf32>,
        }
        %scan3A_107 = arith.constant 80 : i32
        %mul3A_108 = arith.constant 1280 : i32
        %mul3A_109 = arith.muli %add3A_50, %mul3A_108 : i32
        %mul3A_110 = arith.constant 8 : i32
        %mul3A_111 = arith.muli %mul3A_109, %mul3A_110 : i32
        %dma_start3A_112 = tpu.memref_slice %arg4[%mul3A_111] : memref<1600000xf32, #tpu.memory_space<hbm>> -> memref<10240xf32, #tpu.memory_space<hbm>>
        %dma_start3A_113 = tpu.memref_slice %arg4[%mul3A_111] : memref<1600000xf32, #tpu.memory_space<hbm>> -> memref<10240xf32, #tpu.memory_space<hbm>>
        tpu.enqueue_dma source(%arg10 : memref<10240xf32, #tpu.memory_space<vmem>>) target(%dma_start3A_113 : memref<10240xf32, #tpu.memory_space<hbm>>) target_semaphore(%arg16 : memref<!tpu.dma_semaphore, #tpu.memory_space<semaphore_mem>>)
      } else {
      }
    }
    %lt3A_30 = arith.constant 156 : i32
    %lt3A_31 = arith.cmpi slt, %add3A, %lt3A_30 : i32
    %convert_element_type3A_32 = arith.extui %lt3A_31 : i1 to i32
    %cond3A_33 = arith.constant 0 : i32
    %cond3A_34 = arith.cmpi ne, %convert_element_type3A_32, %cond3A_33 : i32
    scf.if %cond3A_34 {
      %dma_wait3A = arith.constant 0 : i32
      %dma_wait3A_46 = tpu.memref_slice %arg4[%dma_wait3A] : memref<1600000xf32, #tpu.memory_space<hbm>> -> memref<10240xf32, #tpu.memory_space<hbm>>
      %dma_wait3A_47 = arith.constant 0 : i32
      %dma_wait3A_48 = tpu.memref_slice %arg4[%dma_wait3A_47] : memref<1600000xf32, #tpu.memory_space<hbm>> -> memref<10240xf32, #tpu.memory_space<hbm>>
      tpu.wait_dma2 semaphore(%arg15 : memref<!tpu.dma_semaphore, #tpu.memory_space<semaphore_mem>>) src(%arg9 : memref<10240xf32, #tpu.memory_space<vmem>>) dst(%dma_wait3A_48 : memref<10240xf32, #tpu.memory_space<hbm>>)
    } else {
    }
    %add3A_35 = arith.constant 32 : i32
    %add3A_36 = arith.addi %add3A, %add3A_35 : i32
    %lt3A_37 = arith.constant 156 : i32
    %lt3A_38 = arith.cmpi slt, %add3A_36, %lt3A_37 : i32
    %convert_element_type3A_39 = arith.extui %lt3A_38 : i1 to i32
    %cond3A_40 = arith.constant 0 : i32
    %cond3A_41 = arith.cmpi ne, %convert_element_type3A_39, %cond3A_40 : i32
    scf.if %cond3A_41 {
      %dma_wait3A = arith.constant 0 : i32
      %dma_wait3A_46 = tpu.memref_slice %arg4[%dma_wait3A] : memref<1600000xf32, #tpu.memory_space<hbm>> -> memref<10240xf32, #tpu.memory_space<hbm>>
      %dma_wait3A_47 = arith.constant 0 : i32
      %dma_wait3A_48 = tpu.memref_slice %arg4[%dma_wait3A_47] : memref<1600000xf32, #tpu.memory_space<hbm>> -> memref<10240xf32, #tpu.memory_space<hbm>>
      tpu.wait_dma2 semaphore(%arg16 : memref<!tpu.dma_semaphore, #tpu.memory_space<semaphore_mem>>) src(%arg10 : memref<10240xf32, #tpu.memory_space<vmem>>) dst(%dma_wait3A_48 : memref<10240xf32, #tpu.memory_space<hbm>>)
    } else {
    }
    %eq3A = arith.constant 28 : i32
    %eq3A_42 = arith.cmpi eq, %add3A, %eq3A : i32
    %convert_element_type3A_43 = arith.extui %eq3A_42 : i1 to i32
    %cond3A_44 = arith.constant 0 : i32
    %cond3A_45 = arith.cmpi ne, %convert_element_type3A_43, %cond3A_44 : i32
    scf.if %cond3A_45 {
      %run_scoped3A = arith.constant 0 : i32
      "tpu.region"() ({
        %run_scoped3A_98 = tpu.sem_alloc : memref<!tpu.dma_semaphore, #tpu.memory_space<semaphore_mem>>
        %dma_start3A_99 = arith.constant 0 : i32
        %dma_start3A_100 = tpu.memref_slice %arg5[%dma_start3A_99] : memref<3840xi32, #tpu.memory_space<vmem>> -> memref<320xi32, #tpu.memory_space<vmem>>
        %dma_start3A_101 = arith.constant 199680 : i32
        %dma_start3A_102 = tpu.memref_slice %arg2[%run_scoped3A, %dma_start3A_101] : memref<3x200000xi32, #tpu.memory_space<hbm>> -> memref<1x320xi32, #tpu.memory_space<hbm>>
        %dma_start3A_103 = tpu.memref_squeeze %dma_start3A_102 : memref<1x320xi32, #tpu.memory_space<hbm>> -> memref<320xi32, #tpu.memory_space<hbm>>
        %dma_start3A_104 = arith.constant 0 : i32
        %dma_start3A_105 = tpu.memref_slice %arg5[%dma_start3A_104] : memref<3840xi32, #tpu.memory_space<vmem>> -> memref<320xi32, #tpu.memory_space<vmem>>
        %dma_start3A_106 = arith.constant 199680 : i32
        %dma_start3A_107 = tpu.memref_slice %arg2[%run_scoped3A, %dma_start3A_106] : memref<3x200000xi32, #tpu.memory_space<hbm>> -> memref<1x320xi32, #tpu.memory_space<hbm>>
        %dma_start3A_108 = tpu.memref_squeeze %dma_start3A_107 : memref<1x320xi32, #tpu.memory_space<hbm>> -> memref<320xi32, #tpu.memory_space<hbm>>
        tpu.enqueue_dma source(%dma_start3A_108 : memref<320xi32, #tpu.memory_space<hbm>>) target(%dma_start3A_105 : memref<320xi32, #tpu.memory_space<vmem>>) target_semaphore(%run_scoped3A_98 : memref<!tpu.dma_semaphore, #tpu.memory_space<semaphore_mem>>)
        %dma_wait3A_109 = arith.constant 0 : i32
        %dma_wait3A_110 = tpu.memref_slice %arg5[%dma_wait3A_109] : memref<3840xi32, #tpu.memory_space<vmem>> -> memref<320xi32, #tpu.memory_space<vmem>>
        %dma_wait3A_111 = arith.constant 199680 : i32
        %dma_wait3A_112 = tpu.memref_slice %arg2[%run_scoped3A, %dma_wait3A_111] : memref<3x200000xi32, #tpu.memory_space<hbm>> -> memref<1x320xi32, #tpu.memory_space<hbm>>
        %dma_wait3A_113 = tpu.memref_squeeze %dma_wait3A_112 : memref<1x320xi32, #tpu.memory_space<hbm>> -> memref<320xi32, #tpu.memory_space<hbm>>
        %dma_wait3A_114 = arith.constant 0 : i32
        %dma_wait3A_115 = tpu.memref_slice %arg5[%dma_wait3A_114] : memref<3840xi32, #tpu.memory_space<vmem>> -> memref<320xi32, #tpu.memory_space<vmem>>
        %dma_wait3A_116 = arith.constant 199680 : i32
        %dma_wait3A_117 = tpu.memref_slice %arg2[%run_scoped3A, %dma_wait3A_116] : memref<3x200000xi32, #tpu.memory_space<hbm>> -> memref<1x320xi32, #tpu.memory_space<hbm>>
        %dma_wait3A_118 = tpu.memref_squeeze %dma_wait3A_117 : memref<1x320xi32, #tpu.memory_space<hbm>> -> memref<320xi32, #tpu.memory_space<hbm>>
        tpu.wait_dma2 semaphore(%run_scoped3A_98 : memref<!tpu.dma_semaphore, #tpu.memory_space<semaphore_mem>>) src(%dma_wait3A_118 : memref<320xi32, #tpu.memory_space<hbm>>) dst(%dma_wait3A_115 : memref<320xi32, #tpu.memory_space<vmem>>)
        tpu.yield
      }) : () -> ()
      %run_scoped3A_46 = arith.constant 1 : i32
      "tpu.region"() ({
        %run_scoped3A_98 = tpu.sem_alloc : memref<!tpu.dma_semaphore, #tpu.memory_space<semaphore_mem>>
        %dma_start3A_99 = arith.constant 1280 : i32
        %dma_start3A_100 = tpu.memref_slice %arg5[%dma_start3A_99] : memref<3840xi32, #tpu.memory_space<vmem>> -> memref<320xi32, #tpu.memory_space<vmem>>
        %dma_start3A_101 = arith.constant 199680 : i32
        %dma_start3A_102 = tpu.memref_slice %arg2[%run_scoped3A_46, %dma_start3A_101] : memref<3x200000xi32, #tpu.memory_space<hbm>> -> memref<1x320xi32, #tpu.memory_space<hbm>>
        %dma_start3A_103 = tpu.memref_squeeze %dma_start3A_102 : memref<1x320xi32, #tpu.memory_space<hbm>> -> memref<320xi32, #tpu.memory_space<hbm>>
        %dma_start3A_104 = arith.constant 1280 : i32
        %dma_start3A_105 = tpu.memref_slice %arg5[%dma_start3A_104] : memref<3840xi32, #tpu.memory_space<vmem>> -> memref<320xi32, #tpu.memory_space<vmem>>
        %dma_start3A_106 = arith.constant 199680 : i32
        %dma_start3A_107 = tpu.memref_slice %arg2[%run_scoped3A_46, %dma_start3A_106] : memref<3x200000xi32, #tpu.memory_space<hbm>> -> memref<1x320xi32, #tpu.memory_space<hbm>>
        %dma_start3A_108 = tpu.memref_squeeze %dma_start3A_107 : memref<1x320xi32, #tpu.memory_space<hbm>> -> memref<320xi32, #tpu.memory_space<hbm>>
        tpu.enqueue_dma source(%dma_start3A_108 : memref<320xi32, #tpu.memory_space<hbm>>) target(%dma_start3A_105 : memref<320xi32, #tpu.memory_space<vmem>>) target_semaphore(%run_scoped3A_98 : memref<!tpu.dma_semaphore, #tpu.memory_space<semaphore_mem>>)
        %dma_wait3A_109 = arith.constant 1280 : i32
        %dma_wait3A_110 = tpu.memref_slice %arg5[%dma_wait3A_109] : memref<3840xi32, #tpu.memory_space<vmem>> -> memref<320xi32, #tpu.memory_space<vmem>>
        %dma_wait3A_111 = arith.constant 199680 : i32
        %dma_wait3A_112 = tpu.memref_slice %arg2[%run_scoped3A_46, %dma_wait3A_111] : memref<3x200000xi32, #tpu.memory_space<hbm>> -> memref<1x320xi32, #tpu.memory_space<hbm>>
        %dma_wait3A_113 = tpu.memref_squeeze %dma_wait3A_112 : memref<1x320xi32, #tpu.memory_space<hbm>> -> memref<320xi32, #tpu.memory_space<hbm>>
        %dma_wait3A_114 = arith.constant 1280 : i32
        %dma_wait3A_115 = tpu.memref_slice %arg5[%dma_wait3A_114] : memref<3840xi32, #tpu.memory_space<vmem>> -> memref<320xi32, #tpu.memory_space<vmem>>
        %dma_wait3A_116 = arith.constant 199680 : i32
        %dma_wait3A_117 = tpu.memref_slice %arg2[%run_scoped3A_46, %dma_wait3A_116] : memref<3x200000xi32, #tpu.memory_space<hbm>> -> memref<1x320xi32, #tpu.memory_space<hbm>>
        %dma_wait3A_118 = tpu.memref_squeeze %dma_wait3A_117 : memref<1x320xi32, #tpu.memory_space<hbm>> -> memref<320xi32, #tpu.memory_space<hbm>>
        tpu.wait_dma2 semaphore(%run_scoped3A_98 : memref<!tpu.dma_semaphore, #tpu.memory_space<semaphore_mem>>) src(%dma_wait3A_118 : memref<320xi32, #tpu.memory_space<hbm>>) dst(%dma_wait3A_115 : memref<320xi32, #tpu.memory_space<vmem>>)
        tpu.yield
      }) : () -> ()
      %run_scoped3A_47 = arith.constant 2 : i32
      "tpu.region"() ({
        %run_scoped3A_98 = tpu.sem_alloc : memref<!tpu.dma_semaphore, #tpu.memory_space<semaphore_mem>>
        %dma_start3A_99 = arith.constant 2560 : i32
        %dma_start3A_100 = tpu.memref_slice %arg5[%dma_start3A_99] : memref<3840xi32, #tpu.memory_space<vmem>> -> memref<320xi32, #tpu.memory_space<vmem>>
        %dma_start3A_101 = arith.constant 199680 : i32
        %dma_start3A_102 = tpu.memref_slice %arg2[%run_scoped3A_47, %dma_start3A_101] : memref<3x200000xi32, #tpu.memory_space<hbm>> -> memref<1x320xi32, #tpu.memory_space<hbm>>
        %dma_start3A_103 = tpu.memref_squeeze %dma_start3A_102 : memref<1x320xi32, #tpu.memory_space<hbm>> -> memref<320xi32, #tpu.memory_space<hbm>>
        %dma_start3A_104 = arith.constant 2560 : i32
        %dma_start3A_105 = tpu.memref_slice %arg5[%dma_start3A_104] : memref<3840xi32, #tpu.memory_space<vmem>> -> memref<320xi32, #tpu.memory_space<vmem>>
        %dma_start3A_106 = arith.constant 199680 : i32
        %dma_start3A_107 = tpu.memref_slice %arg2[%run_scoped3A_47, %dma_start3A_106] : memref<3x200000xi32, #tpu.memory_space<hbm>> -> memref<1x320xi32, #tpu.memory_space<hbm>>
        %dma_start3A_108 = tpu.memref_squeeze %dma_start3A_107 : memref<1x320xi32, #tpu.memory_space<hbm>> -> memref<320xi32, #tpu.memory_space<hbm>>
        tpu.enqueue_dma source(%dma_start3A_108 : memref<320xi32, #tpu.memory_space<hbm>>) target(%dma_start3A_105 : memref<320xi32, #tpu.memory_space<vmem>>) target_semaphore(%run_scoped3A_98 : memref<!tpu.dma_semaphore, #tpu.memory_space<semaphore_mem>>)
        %dma_wait3A_109 = arith.constant 2560 : i32
        %dma_wait3A_110 = tpu.memref_slice %arg5[%dma_wait3A_109] : memref<3840xi32, #tpu.memory_space<vmem>> -> memref<320xi32, #tpu.memory_space<vmem>>
        %dma_wait3A_111 = arith.constant 199680 : i32
        %dma_wait3A_112 = tpu.memref_slice %arg2[%run_scoped3A_47, %dma_wait3A_111] : memref<3x200000xi32, #tpu.memory_space<hbm>> -> memref<1x320xi32, #tpu.memory_space<hbm>>
        %dma_wait3A_113 = tpu.memref_squeeze %dma_wait3A_112 : memref<1x320xi32, #tpu.memory_space<hbm>> -> memref<320xi32, #tpu.memory_space<hbm>>
        %dma_wait3A_114 = arith.constant 2560 : i32
        %dma_wait3A_115 = tpu.memref_slice %arg5[%dma_wait3A_114] : memref<3840xi32, #tpu.memory_space<vmem>> -> memref<320xi32, #tpu.memory_space<vmem>>
        %dma_wait3A_116 = arith.constant 199680 : i32
        %dma_wait3A_117 = tpu.memref_slice %arg2[%run_scoped3A_47, %dma_wait3A_116] : memref<3x200000xi32, #tpu.memory_space<hbm>> -> memref<1x320xi32, #tpu.memory_space<hbm>>
        %dma_wait3A_118 = tpu.memref_squeeze %dma_wait3A_117 : memref<1x320xi32, #tpu.memory_space<hbm>> -> memref<320xi32, #tpu.memory_space<hbm>>
        tpu.wait_dma2 semaphore(%run_scoped3A_98 : memref<!tpu.dma_semaphore, #tpu.memory_space<semaphore_mem>>) src(%dma_wait3A_118 : memref<320xi32, #tpu.memory_space<hbm>>) dst(%dma_wait3A_115 : memref<320xi32, #tpu.memory_space<vmem>>)
        tpu.yield
      }) : () -> ()
      %dma_start3A = arith.constant 0 : i32
      %dma_start3A_48 = arith.constant 0 : i32
      %dma_start3A_49 = tpu.memref_slice %arg7[%dma_start3A, %dma_start3A_48] : memref<3840x8xf32, #tpu.memory_space<vmem>> -> memref<320x8xf32, #tpu.memory_space<vmem>>
      %dma_start3A_50 = arith.constant 0 : i32
      %dma_start3A_51 = tpu.memref_slice %arg5[%dma_start3A_50] : memref<3840xi32, #tpu.memory_space<vmem>> -> memref<320xi32, #tpu.memory_space<vmem>>
      %dma_start3A_52 = arith.constant 0 : i32
      %dma_start3A_53 = arith.constant 0 : i32
      %dma_start3A_54 = tpu.memref_slice %arg3[%dma_start3A_52, %dma_start3A_53] : memref<100001x8xf32, #tpu.memory_space<hbm>> -> memref<100001x8xf32, #tpu.memory_space<hbm>>
      tpu.enqueue_indirect_dma source(%dma_start3A_54 : memref<100001x8xf32, #tpu.memory_space<hbm>>) target(%dma_start3A_49 : memref<320x8xf32, #tpu.memory_space<vmem>>) offsets(%dma_start3A_51 : memref<320xi32, #tpu.memory_space<vmem>>) semaphore(%arg13 : memref<!tpu.dma_semaphore, #tpu.memory_space<semaphore_mem>>)
      %dma_start3A_55 = arith.constant 1280 : i32
      %dma_start3A_56 = arith.constant 0 : i32
      %dma_start3A_57 = tpu.memref_slice %arg7[%dma_start3A_55, %dma_start3A_56] : memref<3840x8xf32, #tpu.memory_space<vmem>> -> memref<320x8xf32, #tpu.memory_space<vmem>>
      %dma_start3A_58 = arith.constant 1280 : i32
      %dma_start3A_59 = tpu.memref_slice %arg5[%dma_start3A_58] : memref<3840xi32, #tpu.memory_space<vmem>> -> memref<320xi32, #tpu.memory_space<vmem>>
      %dma_start3A_60 = arith.constant 0 : i32
      %dma_start3A_61 = arith.constant 0 : i32
      %dma_start3A_62 = tpu.memref_slice %arg3[%dma_start3A_60, %dma_start3A_61] : memref<100001x8xf32, #tpu.memory_space<hbm>> -> memref<100001x8xf32, #tpu.memory_space<hbm>>
      tpu.enqueue_indirect_dma source(%dma_start3A_62 : memref<100001x8xf32, #tpu.memory_space<hbm>>) target(%dma_start3A_57 : memref<320x8xf32, #tpu.memory_space<vmem>>) offsets(%dma_start3A_59 : memref<320xi32, #tpu.memory_space<vmem>>) semaphore(%arg13 : memref<!tpu.dma_semaphore, #tpu.memory_space<semaphore_mem>>)
      %dma_start3A_63 = arith.constant 2560 : i32
      %dma_start3A_64 = arith.constant 0 : i32
      %dma_start3A_65 = tpu.memref_slice %arg7[%dma_start3A_63, %dma_start3A_64] : memref<3840x8xf32, #tpu.memory_space<vmem>> -> memref<320x8xf32, #tpu.memory_space<vmem>>
      %dma_start3A_66 = arith.constant 2560 : i32
      %dma_start3A_67 = tpu.memref_slice %arg5[%dma_start3A_66] : memref<3840xi32, #tpu.memory_space<vmem>> -> memref<320xi32, #tpu.memory_space<vmem>>
      %dma_start3A_68 = arith.constant 0 : i32
      %dma_start3A_69 = arith.constant 0 : i32
      %dma_start3A_70 = tpu.memref_slice %arg3[%dma_start3A_68, %dma_start3A_69] : memref<100001x8xf32, #tpu.memory_space<hbm>> -> memref<100001x8xf32, #tpu.memory_space<hbm>>
      tpu.enqueue_indirect_dma source(%dma_start3A_70 : memref<100001x8xf32, #tpu.memory_space<hbm>>) target(%dma_start3A_65 : memref<320x8xf32, #tpu.memory_space<vmem>>) offsets(%dma_start3A_67 : memref<320xi32, #tpu.memory_space<vmem>>) semaphore(%arg13 : memref<!tpu.dma_semaphore, #tpu.memory_space<semaphore_mem>>)
      %dma_wait3A = arith.constant 0 : i32
      %dma_wait3A_71 = arith.constant 0 : i32
      %dma_wait3A_72 = tpu.memref_slice %arg7[%dma_wait3A, %dma_wait3A_71] : memref<3840x8xf32, #tpu.memory_space<vmem>> -> memref<320x8xf32, #tpu.memory_space<vmem>>
      %dma_wait3A_73 = arith.constant 0 : i32
      %dma_wait3A_74 = tpu.memref_slice %arg5[%dma_wait3A_73] : memref<3840xi32, #tpu.memory_space<vmem>> -> memref<320xi32, #tpu.memory_space<vmem>>
      %dma_wait3A_75 = arith.constant 0 : i32
      %dma_wait3A_76 = arith.constant 0 : i32
      %dma_wait3A_77 = tpu.memref_slice %arg3[%dma_wait3A_75, %dma_wait3A_76] : memref<100001x8xf32, #tpu.memory_space<hbm>> -> memref<100001x8xf32, #tpu.memory_space<hbm>>
      tpu.wait_indirect_dma semaphore(%arg13 : memref<!tpu.dma_semaphore, #tpu.memory_space<semaphore_mem>>) src(%dma_wait3A_77 : memref<100001x8xf32, #tpu.memory_space<hbm>>) dst(%dma_wait3A_72 : memref<320x8xf32, #tpu.memory_space<vmem>>)
      %dma_wait3A_78 = arith.constant 1280 : i32
      %dma_wait3A_79 = arith.constant 0 : i32
      %dma_wait3A_80 = tpu.memref_slice %arg7[%dma_wait3A_78, %dma_wait3A_79] : memref<3840x8xf32, #tpu.memory_space<vmem>> -> memref<320x8xf32, #tpu.memory_space<vmem>>
      %dma_wait3A_81 = arith.constant 1280 : i32
      %dma_wait3A_82 = tpu.memref_slice %arg5[%dma_wait3A_81] : memref<3840xi32, #tpu.memory_space<vmem>> -> memref<320xi32, #tpu.memory_space<vmem>>
      %dma_wait3A_83 = arith.constant 0 : i32
      %dma_wait3A_84 = arith.constant 0 : i32
      %dma_wait3A_85 = tpu.memref_slice %arg3[%dma_wait3A_83, %dma_wait3A_84] : memref<100001x8xf32, #tpu.memory_space<hbm>> -> memref<100001x8xf32, #tpu.memory_space<hbm>>
      tpu.wait_indirect_dma semaphore(%arg13 : memref<!tpu.dma_semaphore, #tpu.memory_space<semaphore_mem>>) src(%dma_wait3A_85 : memref<100001x8xf32, #tpu.memory_space<hbm>>) dst(%dma_wait3A_80 : memref<320x8xf32, #tpu.memory_space<vmem>>)
      %dma_wait3A_86 = arith.constant 2560 : i32
      %dma_wait3A_87 = arith.constant 0 : i32
      %dma_wait3A_88 = tpu.memref_slice %arg7[%dma_wait3A_86, %dma_wait3A_87] : memref<3840x8xf32, #tpu.memory_space<vmem>> -> memref<320x8xf32, #tpu.memory_space<vmem>>
      %dma_wait3A_89 = arith.constant 2560 : i32
      %dma_wait3A_90 = tpu.memref_slice %arg5[%dma_wait3A_89] : memref<3840xi32, #tpu.memory_space<vmem>> -> memref<320xi32, #tpu.memory_space<vmem>>
      %dma_wait3A_91 = arith.constant 0 : i32
      %dma_wait3A_92 = arith.constant 0 : i32
      %dma_wait3A_93 = tpu.memref_slice %arg3[%dma_wait3A_91, %dma_wait3A_92] : memref<100001x8xf32, #tpu.memory_space<hbm>> -> memref<100001x8xf32, #tpu.memory_space<hbm>>
      tpu.wait_indirect_dma semaphore(%arg13 : memref<!tpu.dma_semaphore, #tpu.memory_space<semaphore_mem>>) src(%dma_wait3A_93 : memref<100001x8xf32, #tpu.memory_space<hbm>>) dst(%dma_wait3A_88 : memref<320x8xf32, #tpu.memory_space<vmem>>)
      %scan3A = arith.constant 0 : i32
      %scan3A_94 = arith.constant 20 : i32
      %scan3A_95 = arith.addi %scan3A, %scan3A_94 : i32
      %scan3A_96 = arith.constant 1 : i32
      scf.for %scan3A_98 = %scan3A to %scan3A_95 step %scan3A_96  : i32 {
        %mul3A_99 = arith.constant 1 : i32
        %mul3A_100 = arith.muli %scan3A_98, %mul3A_99 : i32
        %add3A_101 = arith.constant 0 : i32
        %add3A_102 = arith.addi %add3A_101, %mul3A_100 : i32
        %mul3A_103 = arith.constant 16 : i32
        %mul3A_104 = arith.muli %add3A_102, %mul3A_103 : i32
        %add3A_105 = vector.broadcast %mul3A_104 : i32 to vector<16xi32>
        %add3A_106 = arith.addi %iota3A, %add3A_105 : vector<16xi32>
        %broadcast_in_dim3A = arith.constant 0 : i32
        %broadcast_in_dim3A_107 = vector.broadcast %broadcast_in_dim3A : i32 to vector<16xi32>
        %add3A_108 = arith.constant 0 : i32
        %add3A_109 = vector.broadcast %add3A_108 : i32 to vector<16xi32>
        %add3A_110 = arith.addi %add3A_106, %add3A_109 : vector<16xi32>
        %add3A_111 = arith.constant 0 : i32
        %add3A_112 = vector.broadcast %add3A_111 : i32 to vector<16xi32>
        %add3A_113 = arith.addi %broadcast_in_dim3A_107, %add3A_112 : vector<16xi32>
        %gather3A = tpu.vector_load_idx %arg7[%add3A_110, %add3A_113] : memref<3840x8xf32, #tpu.memory_space<vmem>>[vector<16xi32>, vector<16xi32>], vector<16xf32>,
        %add3A_114 = arith.constant 0 : i32
        %add3A_115 = vector.broadcast %add3A_114 : i32 to vector<16xi32>
        %add3A_116 = arith.addi %add3A_106, %add3A_115 : vector<16xi32>
        %add3A_117 = arith.constant 1 : i32
        %add3A_118 = vector.broadcast %add3A_117 : i32 to vector<16xi32>
        %add3A_119 = arith.addi %broadcast_in_dim3A_107, %add3A_118 : vector<16xi32>
        %gather3A_120 = tpu.vector_load_idx %arg7[%add3A_116, %add3A_119] : memref<3840x8xf32, #tpu.memory_space<vmem>>[vector<16xi32>, vector<16xi32>], vector<16xf32>,
        %add3A_121 = arith.constant 0 : i32
        %add3A_122 = vector.broadcast %add3A_121 : i32 to vector<16xi32>
        %add3A_123 = arith.addi %add3A_106, %add3A_122 : vector<16xi32>
        %add3A_124 = arith.constant 2 : i32
        %add3A_125 = vector.broadcast %add3A_124 : i32 to vector<16xi32>
        %add3A_126 = arith.addi %broadcast_in_dim3A_107, %add3A_125 : vector<16xi32>
        %gather3A_127 = tpu.vector_load_idx %arg7[%add3A_123, %add3A_126] : memref<3840x8xf32, #tpu.memory_space<vmem>>[vector<16xi32>, vector<16xi32>], vector<16xf32>,
        %add3A_128 = arith.constant 0 : i32
        %add3A_129 = vector.broadcast %add3A_128 : i32 to vector<16xi32>
        %add3A_130 = arith.addi %add3A_106, %add3A_129 : vector<16xi32>
        %add3A_131 = arith.constant 3 : i32
        %add3A_132 = vector.broadcast %add3A_131 : i32 to vector<16xi32>
        %add3A_133 = arith.addi %broadcast_in_dim3A_107, %add3A_132 : vector<16xi32>
        %gather3A_134 = tpu.vector_load_idx %arg7[%add3A_130, %add3A_133] : memref<3840x8xf32, #tpu.memory_space<vmem>>[vector<16xi32>, vector<16xi32>], vector<16xf32>,
        %add3A_135 = arith.constant 1280 : i32
        %add3A_136 = vector.broadcast %add3A_135 : i32 to vector<16xi32>
        %add3A_137 = arith.addi %add3A_106, %add3A_136 : vector<16xi32>
        %add3A_138 = arith.constant 0 : i32
        %add3A_139 = vector.broadcast %add3A_138 : i32 to vector<16xi32>
        %add3A_140 = arith.addi %broadcast_in_dim3A_107, %add3A_139 : vector<16xi32>
        %gather3A_141 = tpu.vector_load_idx %arg7[%add3A_137, %add3A_140] : memref<3840x8xf32, #tpu.memory_space<vmem>>[vector<16xi32>, vector<16xi32>], vector<16xf32>,
        %add3A_142 = arith.constant 1280 : i32
        %add3A_143 = vector.broadcast %add3A_142 : i32 to vector<16xi32>
        %add3A_144 = arith.addi %add3A_106, %add3A_143 : vector<16xi32>
        %add3A_145 = arith.constant 1 : i32
        %add3A_146 = vector.broadcast %add3A_145 : i32 to vector<16xi32>
        %add3A_147 = arith.addi %broadcast_in_dim3A_107, %add3A_146 : vector<16xi32>
        %gather3A_148 = tpu.vector_load_idx %arg7[%add3A_144, %add3A_147] : memref<3840x8xf32, #tpu.memory_space<vmem>>[vector<16xi32>, vector<16xi32>], vector<16xf32>,
        %add3A_149 = arith.constant 1280 : i32
        %add3A_150 = vector.broadcast %add3A_149 : i32 to vector<16xi32>
        %add3A_151 = arith.addi %add3A_106, %add3A_150 : vector<16xi32>
        %add3A_152 = arith.constant 2 : i32
        %add3A_153 = vector.broadcast %add3A_152 : i32 to vector<16xi32>
        %add3A_154 = arith.addi %broadcast_in_dim3A_107, %add3A_153 : vector<16xi32>
        %gather3A_155 = tpu.vector_load_idx %arg7[%add3A_151, %add3A_154] : memref<3840x8xf32, #tpu.memory_space<vmem>>[vector<16xi32>, vector<16xi32>], vector<16xf32>,
        %add3A_156 = arith.constant 1280 : i32
        %add3A_157 = vector.broadcast %add3A_156 : i32 to vector<16xi32>
        %add3A_158 = arith.addi %add3A_106, %add3A_157 : vector<16xi32>
        %add3A_159 = arith.constant 3 : i32
        %add3A_160 = vector.broadcast %add3A_159 : i32 to vector<16xi32>
        %add3A_161 = arith.addi %broadcast_in_dim3A_107, %add3A_160 : vector<16xi32>
        %gather3A_162 = tpu.vector_load_idx %arg7[%add3A_158, %add3A_161] : memref<3840x8xf32, #tpu.memory_space<vmem>>[vector<16xi32>, vector<16xi32>], vector<16xf32>,
        %add3A_163 = arith.constant 2560 : i32
        %add3A_164 = vector.broadcast %add3A_163 : i32 to vector<16xi32>
        %add3A_165 = arith.addi %add3A_106, %add3A_164 : vector<16xi32>
        %add3A_166 = arith.constant 0 : i32
        %add3A_167 = vector.broadcast %add3A_166 : i32 to vector<16xi32>
        %add3A_168 = arith.addi %broadcast_in_dim3A_107, %add3A_167 : vector<16xi32>
        %gather3A_169 = tpu.vector_load_idx %arg7[%add3A_165, %add3A_168] : memref<3840x8xf32, #tpu.memory_space<vmem>>[vector<16xi32>, vector<16xi32>], vector<16xf32>,
        %add3A_170 = arith.constant 2560 : i32
        %add3A_171 = vector.broadcast %add3A_170 : i32 to vector<16xi32>
        %add3A_172 = arith.addi %add3A_106, %add3A_171 : vector<16xi32>
        %add3A_173 = arith.constant 1 : i32
        %add3A_174 = vector.broadcast %add3A_173 : i32 to vector<16xi32>
        %add3A_175 = arith.addi %broadcast_in_dim3A_107, %add3A_174 : vector<16xi32>
        %gather3A_176 = tpu.vector_load_idx %arg7[%add3A_172, %add3A_175] : memref<3840x8xf32, #tpu.memory_space<vmem>>[vector<16xi32>, vector<16xi32>], vector<16xf32>,
        %add3A_177 = arith.constant 2560 : i32
        %add3A_178 = vector.broadcast %add3A_177 : i32 to vector<16xi32>
        %add3A_179 = arith.addi %add3A_106, %add3A_178 : vector<16xi32>
        %add3A_180 = arith.constant 2 : i32
        %add3A_181 = vector.broadcast %add3A_180 : i32 to vector<16xi32>
        %add3A_182 = arith.addi %broadcast_in_dim3A_107, %add3A_181 : vector<16xi32>
        %gather3A_183 = tpu.vector_load_idx %arg7[%add3A_179, %add3A_182] : memref<3840x8xf32, #tpu.memory_space<vmem>>[vector<16xi32>, vector<16xi32>], vector<16xf32>,
        %add3A_184 = arith.constant 2560 : i32
        %add3A_185 = vector.broadcast %add3A_184 : i32 to vector<16xi32>
        %add3A_186 = arith.addi %add3A_106, %add3A_185 : vector<16xi32>
        %add3A_187 = arith.constant 3 : i32
        %add3A_188 = vector.broadcast %add3A_187 : i32 to vector<16xi32>
        %add3A_189 = arith.addi %broadcast_in_dim3A_107, %add3A_188 : vector<16xi32>
        %gather3A_190 = tpu.vector_load_idx %arg7[%add3A_186, %add3A_189] : memref<3840x8xf32, #tpu.memory_space<vmem>>[vector<16xi32>, vector<16xi32>], vector<16xf32>,
        %sub3A_191 = arith.subf %gather3A_176, %gather3A_148 : vector<16xf32>
        %mul3A_192 = arith.mulf %gather3A, %sub3A_191 : vector<16xf32>
        %sub3A_193 = arith.subf %gather3A_120, %gather3A_176 : vector<16xf32>
        %mul3A_194 = arith.mulf %gather3A_141, %sub3A_193 : vector<16xf32>
        %add3A_195 = arith.addf %mul3A_192, %mul3A_194 : vector<16xf32>
        %sub3A_196 = arith.subf %gather3A_148, %gather3A_120 : vector<16xf32>
        %mul3A_197 = arith.mulf %gather3A_169, %sub3A_196 : vector<16xf32>
        %add3A_198 = arith.addf %add3A_195, %mul3A_197 : vector<16xf32>
        %neg3A = arith.constant 0.000000e+00 : f32
        %neg3A_199 = vector.broadcast %neg3A : f32 to vector<16xf32>
        %neg3A_200 = arith.subf %neg3A_199, %gather3A : vector<16xf32>
        %mul3A_201 = arith.mulf %neg3A_200, %gather3A_148 : vector<16xf32>
        %mul3A_202 = arith.mulf %gather3A, %gather3A_176 : vector<16xf32>
        %add3A_203 = arith.addf %mul3A_201, %mul3A_202 : vector<16xf32>
        %mul3A_204 = arith.mulf %gather3A_141, %gather3A_120 : vector<16xf32>
        %add3A_205 = arith.addf %add3A_203, %mul3A_204 : vector<16xf32>
        %mul3A_206 = arith.mulf %gather3A_141, %gather3A_176 : vector<16xf32>
        %sub3A_207 = arith.subf %add3A_205, %mul3A_206 : vector<16xf32>
        %mul3A_208 = arith.mulf %gather3A_169, %gather3A_120 : vector<16xf32>
        %sub3A_209 = arith.subf %sub3A_207, %mul3A_208 : vector<16xf32>
        %mul3A_210 = arith.mulf %gather3A_169, %gather3A_148 : vector<16xf32>
        %add3A_211 = arith.addf %sub3A_209, %mul3A_210 : vector<16xf32>
        %sub3A_212 = arith.subf %gather3A_148, %gather3A_176 : vector<16xf32>
        %mul3A_213 = arith.mulf %gather3A, %sub3A_212 : vector<16xf32>
        %sub3A_214 = arith.subf %gather3A_176, %gather3A_120 : vector<16xf32>
        %mul3A_215 = arith.mulf %gather3A_141, %sub3A_214 : vector<16xf32>
        %add3A_216 = arith.addf %mul3A_213, %mul3A_215 : vector<16xf32>
        %sub3A_217 = arith.subf %gather3A_120, %gather3A_148 : vector<16xf32>
        %mul3A_218 = arith.mulf %gather3A_169, %sub3A_217 : vector<16xf32>
        %add3A_219 = arith.addf %add3A_216, %mul3A_218 : vector<16xf32>
        %sub3A_220 = arith.subf %gather3A_176, %gather3A_148 : vector<16xf32>
        %div3A_221 = arith.divf %sub3A_220, %add3A_198 : vector<16xf32>
        %sub3A_222 = arith.subf %gather3A_141, %gather3A_169 : vector<16xf32>
        %div3A_223 = arith.divf %sub3A_222, %add3A_211 : vector<16xf32>
        %mul3A_224 = arith.mulf %gather3A_169, %gather3A_148 : vector<16xf32>
        %mul3A_225 = arith.mulf %gather3A_141, %gather3A_176 : vector<16xf32>
        %sub3A_226 = arith.subf %mul3A_224, %mul3A_225 : vector<16xf32>
        %div3A_227 = arith.divf %sub3A_226, %add3A_211 : vector<16xf32>
        %sub3A_228 = arith.subf %gather3A_120, %gather3A_176 : vector<16xf32>
        %div3A_229 = arith.divf %sub3A_228, %add3A_211 : vector<16xf32>
        %sub3A_230 = arith.subf %gather3A, %gather3A_169 : vector<16xf32>
        %div3A_231 = arith.divf %sub3A_230, %add3A_219 : vector<16xf32>
        %mul3A_232 = arith.mulf %gather3A_169, %gather3A_120 : vector<16xf32>
        %mul3A_233 = arith.mulf %gather3A, %gather3A_176 : vector<16xf32>
        %sub3A_234 = arith.subf %mul3A_232, %mul3A_233 : vector<16xf32>
        %div3A_235 = arith.divf %sub3A_234, %add3A_219 : vector<16xf32>
        %sub3A_236 = arith.subf %gather3A_120, %gather3A_148 : vector<16xf32>
        %div3A_237 = arith.divf %sub3A_236, %add3A_219 : vector<16xf32>
        %sub3A_238 = arith.subf %gather3A, %gather3A_141 : vector<16xf32>
        %div3A_239 = arith.divf %sub3A_238, %add3A_211 : vector<16xf32>
        %mul3A_240 = arith.mulf %gather3A_141, %gather3A_120 : vector<16xf32>
        %mul3A_241 = arith.mulf %gather3A, %gather3A_148 : vector<16xf32>
        %sub3A_242 = arith.subf %mul3A_240, %mul3A_241 : vector<16xf32>
        %div3A_243 = arith.divf %sub3A_242, %add3A_211 : vector<16xf32>
        %mul3A_244 = arith.mulf %div3A_221, %gather3A_127 : vector<16xf32>
        %mul3A_245 = arith.mulf %div3A_229, %gather3A_155 : vector<16xf32>
        %add3A_246 = arith.addf %mul3A_244, %mul3A_245 : vector<16xf32>
        %mul3A_247 = arith.mulf %div3A_237, %gather3A_183 : vector<16xf32>
        %add3A_248 = arith.addf %add3A_246, %mul3A_247 : vector<16xf32>
        %mul3A_249 = arith.mulf %div3A_223, %gather3A_127 : vector<16xf32>
        %mul3A_250 = arith.mulf %div3A_231, %gather3A_155 : vector<16xf32>
        %add3A_251 = arith.addf %mul3A_249, %mul3A_250 : vector<16xf32>
        %mul3A_252 = arith.mulf %div3A_239, %gather3A_183 : vector<16xf32>
        %add3A_253 = arith.addf %add3A_251, %mul3A_252 : vector<16xf32>
        %mul3A_254 = arith.mulf %div3A_227, %gather3A_127 : vector<16xf32>
        %mul3A_255 = arith.mulf %div3A_235, %gather3A_155 : vector<16xf32>
        %add3A_256 = arith.addf %mul3A_254, %mul3A_255 : vector<16xf32>
        %mul3A_257 = arith.mulf %div3A_243, %gather3A_183 : vector<16xf32>
        %add3A_258 = arith.addf %add3A_256, %mul3A_257 : vector<16xf32>
        %mul3A_259 = arith.mulf %div3A_221, %gather3A_134 : vector<16xf32>
        %mul3A_260 = arith.mulf %div3A_229, %gather3A_162 : vector<16xf32>
        %add3A_261 = arith.addf %mul3A_259, %mul3A_260 : vector<16xf32>
        %mul3A_262 = arith.mulf %div3A_237, %gather3A_190 : vector<16xf32>
        %add3A_263 = arith.addf %add3A_261, %mul3A_262 : vector<16xf32>
        %mul3A_264 = arith.mulf %div3A_223, %gather3A_134 : vector<16xf32>
        %mul3A_265 = arith.mulf %div3A_231, %gather3A_162 : vector<16xf32>
        %add3A_266 = arith.addf %mul3A_264, %mul3A_265 : vector<16xf32>
        %mul3A_267 = arith.mulf %div3A_239, %gather3A_190 : vector<16xf32>
        %add3A_268 = arith.addf %add3A_266, %mul3A_267 : vector<16xf32>
        %mul3A_269 = arith.mulf %div3A_227, %gather3A_134 : vector<16xf32>
        %mul3A_270 = arith.mulf %div3A_235, %gather3A_162 : vector<16xf32>
        %add3A_271 = arith.addf %mul3A_269, %mul3A_270 : vector<16xf32>
        %mul3A_272 = arith.mulf %div3A_243, %gather3A_190 : vector<16xf32>
        %add3A_273 = arith.addf %add3A_271, %mul3A_272 : vector<16xf32>
        %mul3A_274 = arith.constant 8 : i32
        %mul3A_275 = vector.broadcast %mul3A_274 : i32 to vector<16xi32>
        %mul3A_276 = arith.muli %add3A_106, %mul3A_275 : vector<16xi32>
        tpu.vector_store_idx %arg9[%mul3A_276], %add3A_248 : memref<10240xf32, #tpu.memory_space<vmem>>[vector<16xi32>], vector<16xf32>,
        %add3A_277 = arith.constant 1 : i32
        %add3A_278 = vector.broadcast %add3A_277 : i32 to vector<16xi32>
        %add3A_279 = arith.addi %mul3A_276, %add3A_278 : vector<16xi32>
        tpu.vector_store_idx %arg9[%add3A_279], %add3A_253 : memref<10240xf32, #tpu.memory_space<vmem>>[vector<16xi32>], vector<16xf32>,
        %add3A_280 = arith.constant 2 : i32
        %add3A_281 = vector.broadcast %add3A_280 : i32 to vector<16xi32>
        %add3A_282 = arith.addi %mul3A_276, %add3A_281 : vector<16xi32>
        tpu.vector_store_idx %arg9[%add3A_282], %add3A_258 : memref<10240xf32, #tpu.memory_space<vmem>>[vector<16xi32>], vector<16xf32>,
        %add3A_283 = arith.constant 3 : i32
        %add3A_284 = vector.broadcast %add3A_283 : i32 to vector<16xi32>
        %add3A_285 = arith.addi %mul3A_276, %add3A_284 : vector<16xi32>
        tpu.vector_store_idx %arg9[%add3A_285], %add3A_263 : memref<10240xf32, #tpu.memory_space<vmem>>[vector<16xi32>], vector<16xf32>,
        %add3A_286 = arith.constant 4 : i32
        %add3A_287 = vector.broadcast %add3A_286 : i32 to vector<16xi32>
        %add3A_288 = arith.addi %mul3A_276, %add3A_287 : vector<16xi32>
        tpu.vector_store_idx %arg9[%add3A_288], %add3A_268 : memref<10240xf32, #tpu.memory_space<vmem>>[vector<16xi32>], vector<16xf32>,
        %add3A_289 = arith.constant 5 : i32
        %add3A_290 = vector.broadcast %add3A_289 : i32 to vector<16xi32>
        %add3A_291 = arith.addi %mul3A_276, %add3A_290 : vector<16xi32>
        tpu.vector_store_idx %arg9[%add3A_291], %add3A_273 : memref<10240xf32, #tpu.memory_space<vmem>>[vector<16xi32>], vector<16xf32>,
      }
      %scan3A_97 = arith.constant 20 : i32
      "tpu.region"() ({
        %run_scoped3A_98 = tpu.sem_alloc : memref<!tpu.dma_semaphore, #tpu.memory_space<semaphore_mem>>
        %dma_start3A_99 = arith.constant 0 : i32
        %dma_start3A_100 = tpu.memref_slice %arg9[%dma_start3A_99] : memref<10240xf32, #tpu.memory_space<vmem>> -> memref<2560xf32, #tpu.memory_space<vmem>>
        %dma_start3A_101 = arith.constant 1597440 : i32
        %dma_start3A_102 = tpu.memref_slice %arg4[%dma_start3A_101] : memref<1600000xf32, #tpu.memory_space<hbm>> -> memref<2560xf32, #tpu.memory_space<hbm>>
        %dma_start3A_103 = arith.constant 1597440 : i32
        %dma_start3A_104 = tpu.memref_slice %arg4[%dma_start3A_103] : memref<1600000xf32, #tpu.memory_space<hbm>> -> memref<2560xf32, #tpu.memory_space<hbm>>
        %dma_start3A_105 = arith.constant 0 : i32
        %dma_start3A_106 = tpu.memref_slice %arg9[%dma_start3A_105] : memref<10240xf32, #tpu.memory_space<vmem>> -> memref<2560xf32, #tpu.memory_space<vmem>>
        tpu.enqueue_dma source(%dma_start3A_106 : memref<2560xf32, #tpu.memory_space<vmem>>) target(%dma_start3A_104 : memref<2560xf32, #tpu.memory_space<hbm>>) target_semaphore(%run_scoped3A_98 : memref<!tpu.dma_semaphore, #tpu.memory_space<semaphore_mem>>)
        %dma_wait3A_107 = arith.constant 0 : i32
        %dma_wait3A_108 = tpu.memref_slice %arg9[%dma_wait3A_107] : memref<10240xf32, #tpu.memory_space<vmem>> -> memref<2560xf32, #tpu.memory_space<vmem>>
        %dma_wait3A_109 = arith.constant 1597440 : i32
        %dma_wait3A_110 = tpu.memref_slice %arg4[%dma_wait3A_109] : memref<1600000xf32, #tpu.memory_space<hbm>> -> memref<2560xf32, #tpu.memory_space<hbm>>
        %dma_wait3A_111 = arith.constant 1597440 : i32
        %dma_wait3A_112 = tpu.memref_slice %arg4[%dma_wait3A_111] : memref<1600000xf32, #tpu.memory_space<hbm>> -> memref<2560xf32, #tpu.memory_space<hbm>>
        %dma_wait3A_113 = arith.constant 0 : i32
        %dma_wait3A_114 = tpu.memref_slice %arg9[%dma_wait3A_113] : memref<10240xf32, #tpu.memory_space<vmem>> -> memref<2560xf32, #tpu.memory_space<vmem>>
        tpu.wait_dma2 semaphore(%run_scoped3A_98 : memref<!tpu.dma_semaphore, #tpu.memory_space<semaphore_mem>>) src(%dma_wait3A_114 : memref<2560xf32, #tpu.memory_space<vmem>>) dst(%dma_wait3A_112 : memref<2560xf32, #tpu.memory_space<hbm>>)
        tpu.yield
      }) : () -> ()
    } else {
    }
    return
  }
}

#map = affine_map<(d0, d1) -> (0, 0)>
#map1 = affine_map<(d0, d1) -> (0)>
module attributes {stable_mosaic.version = 14 : i64} {
  func.func @pack(%arg0: i32, %arg1: i32, %arg2: memref<2x100000xf32, #tpu.memory_space<hbm>>, %arg3: memref<2x100000xf32, #tpu.memory_space<hbm>>, %arg4: memref<800008xf32, #tpu.memory_space<hbm>>, %arg5: memref<1568xf32, #tpu.memory_space<vmem>>, %arg6: memref<1568xf32, #tpu.memory_space<vmem>>, %arg7: memref<1568xf32, #tpu.memory_space<vmem>>, %arg8: memref<1568xf32, #tpu.memory_space<vmem>>, %arg9: memref<12544xf32, #tpu.memory_space<vmem>>) attributes {dimension_semantics = [#tpu.dimension_semantics<core_parallel>, #tpu.dimension_semantics<subcore_parallel>], iteration_bounds = array<i64: 2, 16>, scalar_prefetch = 0 : i64, scratch_operands = 5 : i64, tpu.core_type = #tpu.core_type<sc_vector_subcore>, window_params = [{transform_indices = #map}, {transform_indices = #map}, {transform_indices = #map1}]} {
    %mul3A = arith.constant 2 : i32
    %mul3A_0 = arith.muli %arg1, %mul3A : i32
    %add3A = arith.addi %mul3A_0, %arg0 : i32
    %iota3A = tpu.iota {dimensions = array<i32: 0>} : vector<16xi32>
    %sub3A = arith.constant 63 : i32
    %sub3A_1 = arith.subi %sub3A, %add3A : i32
    %sub3A_2 = arith.constant 32 : i32
    %sub3A_3 = arith.constant 1 : i32
    %sub3A_4 = arith.subi %sub3A_2, %sub3A_3 : i32
    %add3A_5 = arith.addi %sub3A_1, %sub3A_4 : i32
    %div3A = arith.constant 32 : i32
    %div3A_6 = arith.divsi %add3A_5, %div3A : i32
    %while3A = arith.constant 32 : i32
    %while3A_7 = arith.constant 0 : i32
    %while3A_8 = arith.subi %div3A_6, %while3A_7 : i32
    %while3A_9 = arith.addi %while3A_7, %while3A_8 : i32
    %while3A_10 = arith.constant 1 : i32
    %while3A_11 = arith.divsi %while3A_8, %while3A_10 : i32
    %while3A_12 = arith.muli %while3A_11, %while3A_10 : i32
    %while3A_13 = arith.addi %while3A_7, %while3A_12 : i32
    %while3A_14 = arith.constant 1 : i32
    scf.for %while3A_18 = %while3A_7 to %while3A_13 step %while3A_14  : i32 {
      %mul3A_19 = arith.muli %while3A_18, %while3A : i32
      %add3A_20 = arith.addi %add3A, %mul3A_19 : i32
      %mul3A_21 = arith.constant 1568 : i32
      %mul3A_22 = arith.muli %add3A_20, %mul3A_21 : i32
      %run_scoped3A = arith.constant 0 : i32
      "tpu.region"() ({
        %run_scoped3A_34 = tpu.sem_alloc : memref<!tpu.dma_semaphore, #tpu.memory_space<semaphore_mem>>
        %dma_start3A = arith.constant 0 : i32
        %dma_start3A_35 = tpu.memref_slice %arg5[%dma_start3A] : memref<1568xf32, #tpu.memory_space<vmem>> -> memref<1568xf32, #tpu.memory_space<vmem>>
        %dma_start3A_36 = tpu.memref_slice %arg2[%run_scoped3A, %mul3A_22] : memref<2x100000xf32, #tpu.memory_space<hbm>> -> memref<1x1568xf32, #tpu.memory_space<hbm>>
        %dma_start3A_37 = tpu.memref_squeeze %dma_start3A_36 : memref<1x1568xf32, #tpu.memory_space<hbm>> -> memref<1568xf32, #tpu.memory_space<hbm>>
        %dma_start3A_38 = arith.constant 0 : i32
        %dma_start3A_39 = tpu.memref_slice %arg5[%dma_start3A_38] : memref<1568xf32, #tpu.memory_space<vmem>> -> memref<1568xf32, #tpu.memory_space<vmem>>
        %dma_start3A_40 = tpu.memref_slice %arg2[%run_scoped3A, %mul3A_22] : memref<2x100000xf32, #tpu.memory_space<hbm>> -> memref<1x1568xf32, #tpu.memory_space<hbm>>
        %dma_start3A_41 = tpu.memref_squeeze %dma_start3A_40 : memref<1x1568xf32, #tpu.memory_space<hbm>> -> memref<1568xf32, #tpu.memory_space<hbm>>
        tpu.enqueue_dma source(%dma_start3A_41 : memref<1568xf32, #tpu.memory_space<hbm>>) target(%dma_start3A_39 : memref<1568xf32, #tpu.memory_space<vmem>>) target_semaphore(%run_scoped3A_34 : memref<!tpu.dma_semaphore, #tpu.memory_space<semaphore_mem>>)
        %dma_wait3A = arith.constant 0 : i32
        %dma_wait3A_42 = tpu.memref_slice %arg5[%dma_wait3A] : memref<1568xf32, #tpu.memory_space<vmem>> -> memref<1568xf32, #tpu.memory_space<vmem>>
        %dma_wait3A_43 = tpu.memref_slice %arg2[%run_scoped3A, %mul3A_22] : memref<2x100000xf32, #tpu.memory_space<hbm>> -> memref<1x1568xf32, #tpu.memory_space<hbm>>
        %dma_wait3A_44 = tpu.memref_squeeze %dma_wait3A_43 : memref<1x1568xf32, #tpu.memory_space<hbm>> -> memref<1568xf32, #tpu.memory_space<hbm>>
        %dma_wait3A_45 = arith.constant 0 : i32
        %dma_wait3A_46 = tpu.memref_slice %arg5[%dma_wait3A_45] : memref<1568xf32, #tpu.memory_space<vmem>> -> memref<1568xf32, #tpu.memory_space<vmem>>
        %dma_wait3A_47 = tpu.memref_slice %arg2[%run_scoped3A, %mul3A_22] : memref<2x100000xf32, #tpu.memory_space<hbm>> -> memref<1x1568xf32, #tpu.memory_space<hbm>>
        %dma_wait3A_48 = tpu.memref_squeeze %dma_wait3A_47 : memref<1x1568xf32, #tpu.memory_space<hbm>> -> memref<1568xf32, #tpu.memory_space<hbm>>
        tpu.wait_dma2 semaphore(%run_scoped3A_34 : memref<!tpu.dma_semaphore, #tpu.memory_space<semaphore_mem>>) src(%dma_wait3A_48 : memref<1568xf32, #tpu.memory_space<hbm>>) dst(%dma_wait3A_46 : memref<1568xf32, #tpu.memory_space<vmem>>)
        tpu.yield
      }) : () -> ()
      %run_scoped3A_23 = arith.constant 1 : i32
      "tpu.region"() ({
        %run_scoped3A_34 = tpu.sem_alloc : memref<!tpu.dma_semaphore, #tpu.memory_space<semaphore_mem>>
        %dma_start3A = arith.constant 0 : i32
        %dma_start3A_35 = tpu.memref_slice %arg6[%dma_start3A] : memref<1568xf32, #tpu.memory_space<vmem>> -> memref<1568xf32, #tpu.memory_space<vmem>>
        %dma_start3A_36 = tpu.memref_slice %arg2[%run_scoped3A_23, %mul3A_22] : memref<2x100000xf32, #tpu.memory_space<hbm>> -> memref<1x1568xf32, #tpu.memory_space<hbm>>
        %dma_start3A_37 = tpu.memref_squeeze %dma_start3A_36 : memref<1x1568xf32, #tpu.memory_space<hbm>> -> memref<1568xf32, #tpu.memory_space<hbm>>
        %dma_start3A_38 = arith.constant 0 : i32
        %dma_start3A_39 = tpu.memref_slice %arg6[%dma_start3A_38] : memref<1568xf32, #tpu.memory_space<vmem>> -> memref<1568xf32, #tpu.memory_space<vmem>>
        %dma_start3A_40 = tpu.memref_slice %arg2[%run_scoped3A_23, %mul3A_22] : memref<2x100000xf32, #tpu.memory_space<hbm>> -> memref<1x1568xf32, #tpu.memory_space<hbm>>
        %dma_start3A_41 = tpu.memref_squeeze %dma_start3A_40 : memref<1x1568xf32, #tpu.memory_space<hbm>> -> memref<1568xf32, #tpu.memory_space<hbm>>
        tpu.enqueue_dma source(%dma_start3A_41 : memref<1568xf32, #tpu.memory_space<hbm>>) target(%dma_start3A_39 : memref<1568xf32, #tpu.memory_space<vmem>>) target_semaphore(%run_scoped3A_34 : memref<!tpu.dma_semaphore, #tpu.memory_space<semaphore_mem>>)
        %dma_wait3A = arith.constant 0 : i32
        %dma_wait3A_42 = tpu.memref_slice %arg6[%dma_wait3A] : memref<1568xf32, #tpu.memory_space<vmem>> -> memref<1568xf32, #tpu.memory_space<vmem>>
        %dma_wait3A_43 = tpu.memref_slice %arg2[%run_scoped3A_23, %mul3A_22] : memref<2x100000xf32, #tpu.memory_space<hbm>> -> memref<1x1568xf32, #tpu.memory_space<hbm>>
        %dma_wait3A_44 = tpu.memref_squeeze %dma_wait3A_43 : memref<1x1568xf32, #tpu.memory_space<hbm>> -> memref<1568xf32, #tpu.memory_space<hbm>>
        %dma_wait3A_45 = arith.constant 0 : i32
        %dma_wait3A_46 = tpu.memref_slice %arg6[%dma_wait3A_45] : memref<1568xf32, #tpu.memory_space<vmem>> -> memref<1568xf32, #tpu.memory_space<vmem>>
        %dma_wait3A_47 = tpu.memref_slice %arg2[%run_scoped3A_23, %mul3A_22] : memref<2x100000xf32, #tpu.memory_space<hbm>> -> memref<1x1568xf32, #tpu.memory_space<hbm>>
        %dma_wait3A_48 = tpu.memref_squeeze %dma_wait3A_47 : memref<1x1568xf32, #tpu.memory_space<hbm>> -> memref<1568xf32, #tpu.memory_space<hbm>>
        tpu.wait_dma2 semaphore(%run_scoped3A_34 : memref<!tpu.dma_semaphore, #tpu.memory_space<semaphore_mem>>) src(%dma_wait3A_48 : memref<1568xf32, #tpu.memory_space<hbm>>) dst(%dma_wait3A_46 : memref<1568xf32, #tpu.memory_space<vmem>>)
        tpu.yield
      }) : () -> ()
      %run_scoped3A_24 = arith.constant 0 : i32
      "tpu.region"() ({
        %run_scoped3A_34 = tpu.sem_alloc : memref<!tpu.dma_semaphore, #tpu.memory_space<semaphore_mem>>
        %dma_start3A = arith.constant 0 : i32
        %dma_start3A_35 = tpu.memref_slice %arg7[%dma_start3A] : memref<1568xf32, #tpu.memory_space<vmem>> -> memref<1568xf32, #tpu.memory_space<vmem>>
        %dma_start3A_36 = tpu.memref_slice %arg3[%run_scoped3A_24, %mul3A_22] : memref<2x100000xf32, #tpu.memory_space<hbm>> -> memref<1x1568xf32, #tpu.memory_space<hbm>>
        %dma_start3A_37 = tpu.memref_squeeze %dma_start3A_36 : memref<1x1568xf32, #tpu.memory_space<hbm>> -> memref<1568xf32, #tpu.memory_space<hbm>>
        %dma_start3A_38 = arith.constant 0 : i32
        %dma_start3A_39 = tpu.memref_slice %arg7[%dma_start3A_38] : memref<1568xf32, #tpu.memory_space<vmem>> -> memref<1568xf32, #tpu.memory_space<vmem>>
        %dma_start3A_40 = tpu.memref_slice %arg3[%run_scoped3A_24, %mul3A_22] : memref<2x100000xf32, #tpu.memory_space<hbm>> -> memref<1x1568xf32, #tpu.memory_space<hbm>>
        %dma_start3A_41 = tpu.memref_squeeze %dma_start3A_40 : memref<1x1568xf32, #tpu.memory_space<hbm>> -> memref<1568xf32, #tpu.memory_space<hbm>>
        tpu.enqueue_dma source(%dma_start3A_41 : memref<1568xf32, #tpu.memory_space<hbm>>) target(%dma_start3A_39 : memref<1568xf32, #tpu.memory_space<vmem>>) target_semaphore(%run_scoped3A_34 : memref<!tpu.dma_semaphore, #tpu.memory_space<semaphore_mem>>)
        %dma_wait3A = arith.constant 0 : i32
        %dma_wait3A_42 = tpu.memref_slice %arg7[%dma_wait3A] : memref<1568xf32, #tpu.memory_space<vmem>> -> memref<1568xf32, #tpu.memory_space<vmem>>
        %dma_wait3A_43 = tpu.memref_slice %arg3[%run_scoped3A_24, %mul3A_22] : memref<2x100000xf32, #tpu.memory_space<hbm>> -> memref<1x1568xf32, #tpu.memory_space<hbm>>
        %dma_wait3A_44 = tpu.memref_squeeze %dma_wait3A_43 : memref<1x1568xf32, #tpu.memory_space<hbm>> -> memref<1568xf32, #tpu.memory_space<hbm>>
        %dma_wait3A_45 = arith.constant 0 : i32
        %dma_wait3A_46 = tpu.memref_slice %arg7[%dma_wait3A_45] : memref<1568xf32, #tpu.memory_space<vmem>> -> memref<1568xf32, #tpu.memory_space<vmem>>
        %dma_wait3A_47 = tpu.memref_slice %arg3[%run_scoped3A_24, %mul3A_22] : memref<2x100000xf32, #tpu.memory_space<hbm>> -> memref<1x1568xf32, #tpu.memory_space<hbm>>
        %dma_wait3A_48 = tpu.memref_squeeze %dma_wait3A_47 : memref<1x1568xf32, #tpu.memory_space<hbm>> -> memref<1568xf32, #tpu.memory_space<hbm>>
        tpu.wait_dma2 semaphore(%run_scoped3A_34 : memref<!tpu.dma_semaphore, #tpu.memory_space<semaphore_mem>>) src(%dma_wait3A_48 : memref<1568xf32, #tpu.memory_space<hbm>>) dst(%dma_wait3A_46 : memref<1568xf32, #tpu.memory_space<vmem>>)
        tpu.yield
      }) : () -> ()
      %run_scoped3A_25 = arith.constant 1 : i32
      "tpu.region"() ({
        %run_scoped3A_34 = tpu.sem_alloc : memref<!tpu.dma_semaphore, #tpu.memory_space<semaphore_mem>>
        %dma_start3A = arith.constant 0 : i32
        %dma_start3A_35 = tpu.memref_slice %arg8[%dma_start3A] : memref<1568xf32, #tpu.memory_space<vmem>> -> memref<1568xf32, #tpu.memory_space<vmem>>
        %dma_start3A_36 = tpu.memref_slice %arg3[%run_scoped3A_25, %mul3A_22] : memref<2x100000xf32, #tpu.memory_space<hbm>> -> memref<1x1568xf32, #tpu.memory_space<hbm>>
        %dma_start3A_37 = tpu.memref_squeeze %dma_start3A_36 : memref<1x1568xf32, #tpu.memory_space<hbm>> -> memref<1568xf32, #tpu.memory_space<hbm>>
        %dma_start3A_38 = arith.constant 0 : i32
        %dma_start3A_39 = tpu.memref_slice %arg8[%dma_start3A_38] : memref<1568xf32, #tpu.memory_space<vmem>> -> memref<1568xf32, #tpu.memory_space<vmem>>
        %dma_start3A_40 = tpu.memref_slice %arg3[%run_scoped3A_25, %mul3A_22] : memref<2x100000xf32, #tpu.memory_space<hbm>> -> memref<1x1568xf32, #tpu.memory_space<hbm>>
        %dma_start3A_41 = tpu.memref_squeeze %dma_start3A_40 : memref<1x1568xf32, #tpu.memory_space<hbm>> -> memref<1568xf32, #tpu.memory_space<hbm>>
        tpu.enqueue_dma source(%dma_start3A_41 : memref<1568xf32, #tpu.memory_space<hbm>>) target(%dma_start3A_39 : memref<1568xf32, #tpu.memory_space<vmem>>) target_semaphore(%run_scoped3A_34 : memref<!tpu.dma_semaphore, #tpu.memory_space<semaphore_mem>>)
        %dma_wait3A = arith.constant 0 : i32
        %dma_wait3A_42 = tpu.memref_slice %arg8[%dma_wait3A] : memref<1568xf32, #tpu.memory_space<vmem>> -> memref<1568xf32, #tpu.memory_space<vmem>>
        %dma_wait3A_43 = tpu.memref_slice %arg3[%run_scoped3A_25, %mul3A_22] : memref<2x100000xf32, #tpu.memory_space<hbm>> -> memref<1x1568xf32, #tpu.memory_space<hbm>>
        %dma_wait3A_44 = tpu.memref_squeeze %dma_wait3A_43 : memref<1x1568xf32, #tpu.memory_space<hbm>> -> memref<1568xf32, #tpu.memory_space<hbm>>
        %dma_wait3A_45 = arith.constant 0 : i32
        %dma_wait3A_46 = tpu.memref_slice %arg8[%dma_wait3A_45] : memref<1568xf32, #tpu.memory_space<vmem>> -> memref<1568xf32, #tpu.memory_space<vmem>>
        %dma_wait3A_47 = tpu.memref_slice %arg3[%run_scoped3A_25, %mul3A_22] : memref<2x100000xf32, #tpu.memory_space<hbm>> -> memref<1x1568xf32, #tpu.memory_space<hbm>>
        %dma_wait3A_48 = tpu.memref_squeeze %dma_wait3A_47 : memref<1x1568xf32, #tpu.memory_space<hbm>> -> memref<1568xf32, #tpu.memory_space<hbm>>
        tpu.wait_dma2 semaphore(%run_scoped3A_34 : memref<!tpu.dma_semaphore, #tpu.memory_space<semaphore_mem>>) src(%dma_wait3A_48 : memref<1568xf32, #tpu.memory_space<hbm>>) dst(%dma_wait3A_46 : memref<1568xf32, #tpu.memory_space<vmem>>)
        tpu.yield
      }) : () -> ()
      %scan3A = arith.constant 0 : i32
      %scan3A_26 = arith.constant 98 : i32
      %scan3A_27 = arith.addi %scan3A, %scan3A_26 : i32
      %scan3A_28 = arith.constant 1 : i32
      scf.for %scan3A_34 = %scan3A to %scan3A_27 step %scan3A_28  : i32 {
        %mul3A_35 = arith.constant 1 : i32
        %mul3A_36 = arith.muli %scan3A_34, %mul3A_35 : i32
        %add3A_37 = arith.constant 0 : i32
        %add3A_38 = arith.addi %add3A_37, %mul3A_36 : i32
        %mul3A_39 = arith.constant 16 : i32
        %mul3A_40 = arith.muli %add3A_38, %mul3A_39 : i32
        %add3A_41 = vector.broadcast %mul3A_40 : i32 to vector<16xi32>
        %add3A_42 = arith.addi %iota3A, %add3A_41 : vector<16xi32>
        %mul3A_43 = arith.constant 16 : i32
        %mul3A_44 = arith.muli %add3A_38, %mul3A_43 : i32
        %mul3A_45 = arith.constant 8 : i32
        %mul3A_46 = vector.broadcast %mul3A_45 : i32 to vector<16xi32>
        %mul3A_47 = arith.muli %add3A_42, %mul3A_46 : vector<16xi32>
        %get3A = arith.index_cast %mul3A_44 : i32 to index
        %get3A_48 = tpu.vector_load %arg5[%get3A] {strides = array<i32>} : memref<1568xf32, #tpu.memory_space<vmem>>, vector<16xf32>,
        tpu.vector_store_idx %arg9[%mul3A_47], %get3A_48 : memref<12544xf32, #tpu.memory_space<vmem>>[vector<16xi32>], vector<16xf32>,
        %add3A_49 = arith.constant 1 : i32
        %add3A_50 = vector.broadcast %add3A_49 : i32 to vector<16xi32>
        %add3A_51 = arith.addi %mul3A_47, %add3A_50 : vector<16xi32>
        %get3A_52 = arith.index_cast %mul3A_44 : i32 to index
        %get3A_53 = tpu.vector_load %arg6[%get3A_52] {strides = array<i32>} : memref<1568xf32, #tpu.memory_space<vmem>>, vector<16xf32>,
        tpu.vector_store_idx %arg9[%add3A_51], %get3A_53 : memref<12544xf32, #tpu.memory_space<vmem>>[vector<16xi32>], vector<16xf32>,
        %add3A_54 = arith.constant 2 : i32
        %add3A_55 = vector.broadcast %add3A_54 : i32 to vector<16xi32>
        %add3A_56 = arith.addi %mul3A_47, %add3A_55 : vector<16xi32>
        %get3A_57 = arith.index_cast %mul3A_44 : i32 to index
        %get3A_58 = tpu.vector_load %arg7[%get3A_57] {strides = array<i32>} : memref<1568xf32, #tpu.memory_space<vmem>>, vector<16xf32>,
        tpu.vector_store_idx %arg9[%add3A_56], %get3A_58 : memref<12544xf32, #tpu.memory_space<vmem>>[vector<16xi32>], vector<16xf32>,
        %add3A_59 = arith.constant 3 : i32
        %add3A_60 = vector.broadcast %add3A_59 : i32 to vector<16xi32>
        %add3A_61 = arith.addi %mul3A_47, %add3A_60 : vector<16xi32>
        %get3A_62 = arith.index_cast %mul3A_44 : i32 to index
        %get3A_63 = tpu.vector_load %arg8[%get3A_62] {strides = array<i32>} : memref<1568xf32, #tpu.memory_space<vmem>>, vector<16xf32>,
        tpu.vector_store_idx %arg9[%add3A_61], %get3A_63 : memref<12544xf32, #tpu.memory_space<vmem>>[vector<16xi32>], vector<16xf32>,
      }
      %scan3A_29 = arith.constant 98 : i32
      %add3A_30 = arith.constant 1 : i32
      %add3A_31 = arith.addi %mul3A_22, %add3A_30 : i32
      %mul3A_32 = arith.constant 8 : i32
      %mul3A_33 = arith.muli %add3A_31, %mul3A_32 : i32
      "tpu.region"() ({
        %run_scoped3A_34 = tpu.sem_alloc : memref<!tpu.dma_semaphore, #tpu.memory_space<semaphore_mem>>
        %dma_start3A = arith.constant 0 : i32
        %dma_start3A_35 = tpu.memref_slice %arg9[%dma_start3A] : memref<12544xf32, #tpu.memory_space<vmem>> -> memref<12544xf32, #tpu.memory_space<vmem>>
        %dma_start3A_36 = tpu.memref_slice %arg4[%mul3A_33] : memref<800008xf32, #tpu.memory_space<hbm>> -> memref<12544xf32, #tpu.memory_space<hbm>>
        %dma_start3A_37 = tpu.memref_slice %arg4[%mul3A_33] : memref<800008xf32, #tpu.memory_space<hbm>> -> memref<12544xf32, #tpu.memory_space<hbm>>
        %dma_start3A_38 = arith.constant 0 : i32
        %dma_start3A_39 = tpu.memref_slice %arg9[%dma_start3A_38] : memref<12544xf32, #tpu.memory_space<vmem>> -> memref<12544xf32, #tpu.memory_space<vmem>>
        tpu.enqueue_dma source(%dma_start3A_39 : memref<12544xf32, #tpu.memory_space<vmem>>) target(%dma_start3A_37 : memref<12544xf32, #tpu.memory_space<hbm>>) target_semaphore(%run_scoped3A_34 : memref<!tpu.dma_semaphore, #tpu.memory_space<semaphore_mem>>)
        %dma_wait3A = arith.constant 0 : i32
        %dma_wait3A_40 = tpu.memref_slice %arg9[%dma_wait3A] : memref<12544xf32, #tpu.memory_space<vmem>> -> memref<12544xf32, #tpu.memory_space<vmem>>
        %dma_wait3A_41 = tpu.memref_slice %arg4[%mul3A_33] : memref<800008xf32, #tpu.memory_space<hbm>> -> memref<12544xf32, #tpu.memory_space<hbm>>
        %dma_wait3A_42 = tpu.memref_slice %arg4[%mul3A_33] : memref<800008xf32, #tpu.memory_space<hbm>> -> memref<12544xf32, #tpu.memory_space<hbm>>
        %dma_wait3A_43 = arith.constant 0 : i32
        %dma_wait3A_44 = tpu.memref_slice %arg9[%dma_wait3A_43] : memref<12544xf32, #tpu.memory_space<vmem>> -> memref<12544xf32, #tpu.memory_space<vmem>>
        tpu.wait_dma2 semaphore(%run_scoped3A_34 : memref<!tpu.dma_semaphore, #tpu.memory_space<semaphore_mem>>) src(%dma_wait3A_44 : memref<12544xf32, #tpu.memory_space<vmem>>) dst(%dma_wait3A_42 : memref<12544xf32, #tpu.memory_space<hbm>>)
        tpu.yield
      }) : () -> ()
    }
    %while3A_15 = arith.constant 1 : i32
    scf.for %while3A_18 = %while3A_13 to %while3A_9 step %while3A_15  : i32 {
      %mul3A_19 = arith.muli %while3A_18, %while3A : i32
      %add3A_20 = arith.addi %add3A, %mul3A_19 : i32
      %mul3A_21 = arith.constant 1568 : i32
      %mul3A_22 = arith.muli %add3A_20, %mul3A_21 : i32
      %run_scoped3A = arith.constant 0 : i32
      "tpu.region"() ({
        %run_scoped3A_34 = tpu.sem_alloc : memref<!tpu.dma_semaphore, #tpu.memory_space<semaphore_mem>>
        %dma_start3A = arith.constant 0 : i32
        %dma_start3A_35 = tpu.memref_slice %arg5[%dma_start3A] : memref<1568xf32, #tpu.memory_space<vmem>> -> memref<1568xf32, #tpu.memory_space<vmem>>
        %dma_start3A_36 = tpu.memref_slice %arg2[%run_scoped3A, %mul3A_22] : memref<2x100000xf32, #tpu.memory_space<hbm>> -> memref<1x1568xf32, #tpu.memory_space<hbm>>
        %dma_start3A_37 = tpu.memref_squeeze %dma_start3A_36 : memref<1x1568xf32, #tpu.memory_space<hbm>> -> memref<1568xf32, #tpu.memory_space<hbm>>
        %dma_start3A_38 = arith.constant 0 : i32
        %dma_start3A_39 = tpu.memref_slice %arg5[%dma_start3A_38] : memref<1568xf32, #tpu.memory_space<vmem>> -> memref<1568xf32, #tpu.memory_space<vmem>>
        %dma_start3A_40 = tpu.memref_slice %arg2[%run_scoped3A, %mul3A_22] : memref<2x100000xf32, #tpu.memory_space<hbm>> -> memref<1x1568xf32, #tpu.memory_space<hbm>>
        %dma_start3A_41 = tpu.memref_squeeze %dma_start3A_40 : memref<1x1568xf32, #tpu.memory_space<hbm>> -> memref<1568xf32, #tpu.memory_space<hbm>>
        tpu.enqueue_dma source(%dma_start3A_41 : memref<1568xf32, #tpu.memory_space<hbm>>) target(%dma_start3A_39 : memref<1568xf32, #tpu.memory_space<vmem>>) target_semaphore(%run_scoped3A_34 : memref<!tpu.dma_semaphore, #tpu.memory_space<semaphore_mem>>)
        %dma_wait3A = arith.constant 0 : i32
        %dma_wait3A_42 = tpu.memref_slice %arg5[%dma_wait3A] : memref<1568xf32, #tpu.memory_space<vmem>> -> memref<1568xf32, #tpu.memory_space<vmem>>
        %dma_wait3A_43 = tpu.memref_slice %arg2[%run_scoped3A, %mul3A_22] : memref<2x100000xf32, #tpu.memory_space<hbm>> -> memref<1x1568xf32, #tpu.memory_space<hbm>>
        %dma_wait3A_44 = tpu.memref_squeeze %dma_wait3A_43 : memref<1x1568xf32, #tpu.memory_space<hbm>> -> memref<1568xf32, #tpu.memory_space<hbm>>
        %dma_wait3A_45 = arith.constant 0 : i32
        %dma_wait3A_46 = tpu.memref_slice %arg5[%dma_wait3A_45] : memref<1568xf32, #tpu.memory_space<vmem>> -> memref<1568xf32, #tpu.memory_space<vmem>>
        %dma_wait3A_47 = tpu.memref_slice %arg2[%run_scoped3A, %mul3A_22] : memref<2x100000xf32, #tpu.memory_space<hbm>> -> memref<1x1568xf32, #tpu.memory_space<hbm>>
        %dma_wait3A_48 = tpu.memref_squeeze %dma_wait3A_47 : memref<1x1568xf32, #tpu.memory_space<hbm>> -> memref<1568xf32, #tpu.memory_space<hbm>>
        tpu.wait_dma2 semaphore(%run_scoped3A_34 : memref<!tpu.dma_semaphore, #tpu.memory_space<semaphore_mem>>) src(%dma_wait3A_48 : memref<1568xf32, #tpu.memory_space<hbm>>) dst(%dma_wait3A_46 : memref<1568xf32, #tpu.memory_space<vmem>>)
        tpu.yield
      }) : () -> ()
      %run_scoped3A_23 = arith.constant 1 : i32
      "tpu.region"() ({
        %run_scoped3A_34 = tpu.sem_alloc : memref<!tpu.dma_semaphore, #tpu.memory_space<semaphore_mem>>
        %dma_start3A = arith.constant 0 : i32
        %dma_start3A_35 = tpu.memref_slice %arg6[%dma_start3A] : memref<1568xf32, #tpu.memory_space<vmem>> -> memref<1568xf32, #tpu.memory_space<vmem>>
        %dma_start3A_36 = tpu.memref_slice %arg2[%run_scoped3A_23, %mul3A_22] : memref<2x100000xf32, #tpu.memory_space<hbm>> -> memref<1x1568xf32, #tpu.memory_space<hbm>>
        %dma_start3A_37 = tpu.memref_squeeze %dma_start3A_36 : memref<1x1568xf32, #tpu.memory_space<hbm>> -> memref<1568xf32, #tpu.memory_space<hbm>>
        %dma_start3A_38 = arith.constant 0 : i32
        %dma_start3A_39 = tpu.memref_slice %arg6[%dma_start3A_38] : memref<1568xf32, #tpu.memory_space<vmem>> -> memref<1568xf32, #tpu.memory_space<vmem>>
        %dma_start3A_40 = tpu.memref_slice %arg2[%run_scoped3A_23, %mul3A_22] : memref<2x100000xf32, #tpu.memory_space<hbm>> -> memref<1x1568xf32, #tpu.memory_space<hbm>>
        %dma_start3A_41 = tpu.memref_squeeze %dma_start3A_40 : memref<1x1568xf32, #tpu.memory_space<hbm>> -> memref<1568xf32, #tpu.memory_space<hbm>>
        tpu.enqueue_dma source(%dma_start3A_41 : memref<1568xf32, #tpu.memory_space<hbm>>) target(%dma_start3A_39 : memref<1568xf32, #tpu.memory_space<vmem>>) target_semaphore(%run_scoped3A_34 : memref<!tpu.dma_semaphore, #tpu.memory_space<semaphore_mem>>)
        %dma_wait3A = arith.constant 0 : i32
        %dma_wait3A_42 = tpu.memref_slice %arg6[%dma_wait3A] : memref<1568xf32, #tpu.memory_space<vmem>> -> memref<1568xf32, #tpu.memory_space<vmem>>
        %dma_wait3A_43 = tpu.memref_slice %arg2[%run_scoped3A_23, %mul3A_22] : memref<2x100000xf32, #tpu.memory_space<hbm>> -> memref<1x1568xf32, #tpu.memory_space<hbm>>
        %dma_wait3A_44 = tpu.memref_squeeze %dma_wait3A_43 : memref<1x1568xf32, #tpu.memory_space<hbm>> -> memref<1568xf32, #tpu.memory_space<hbm>>
        %dma_wait3A_45 = arith.constant 0 : i32
        %dma_wait3A_46 = tpu.memref_slice %arg6[%dma_wait3A_45] : memref<1568xf32, #tpu.memory_space<vmem>> -> memref<1568xf32, #tpu.memory_space<vmem>>
        %dma_wait3A_47 = tpu.memref_slice %arg2[%run_scoped3A_23, %mul3A_22] : memref<2x100000xf32, #tpu.memory_space<hbm>> -> memref<1x1568xf32, #tpu.memory_space<hbm>>
        %dma_wait3A_48 = tpu.memref_squeeze %dma_wait3A_47 : memref<1x1568xf32, #tpu.memory_space<hbm>> -> memref<1568xf32, #tpu.memory_space<hbm>>
        tpu.wait_dma2 semaphore(%run_scoped3A_34 : memref<!tpu.dma_semaphore, #tpu.memory_space<semaphore_mem>>) src(%dma_wait3A_48 : memref<1568xf32, #tpu.memory_space<hbm>>) dst(%dma_wait3A_46 : memref<1568xf32, #tpu.memory_space<vmem>>)
        tpu.yield
      }) : () -> ()
      %run_scoped3A_24 = arith.constant 0 : i32
      "tpu.region"() ({
        %run_scoped3A_34 = tpu.sem_alloc : memref<!tpu.dma_semaphore, #tpu.memory_space<semaphore_mem>>
        %dma_start3A = arith.constant 0 : i32
        %dma_start3A_35 = tpu.memref_slice %arg7[%dma_start3A] : memref<1568xf32, #tpu.memory_space<vmem>> -> memref<1568xf32, #tpu.memory_space<vmem>>
        %dma_start3A_36 = tpu.memref_slice %arg3[%run_scoped3A_24, %mul3A_22] : memref<2x100000xf32, #tpu.memory_space<hbm>> -> memref<1x1568xf32, #tpu.memory_space<hbm>>
        %dma_start3A_37 = tpu.memref_squeeze %dma_start3A_36 : memref<1x1568xf32, #tpu.memory_space<hbm>> -> memref<1568xf32, #tpu.memory_space<hbm>>
        %dma_start3A_38 = arith.constant 0 : i32
        %dma_start3A_39 = tpu.memref_slice %arg7[%dma_start3A_38] : memref<1568xf32, #tpu.memory_space<vmem>> -> memref<1568xf32, #tpu.memory_space<vmem>>
        %dma_start3A_40 = tpu.memref_slice %arg3[%run_scoped3A_24, %mul3A_22] : memref<2x100000xf32, #tpu.memory_space<hbm>> -> memref<1x1568xf32, #tpu.memory_space<hbm>>
        %dma_start3A_41 = tpu.memref_squeeze %dma_start3A_40 : memref<1x1568xf32, #tpu.memory_space<hbm>> -> memref<1568xf32, #tpu.memory_space<hbm>>
        tpu.enqueue_dma source(%dma_start3A_41 : memref<1568xf32, #tpu.memory_space<hbm>>) target(%dma_start3A_39 : memref<1568xf32, #tpu.memory_space<vmem>>) target_semaphore(%run_scoped3A_34 : memref<!tpu.dma_semaphore, #tpu.memory_space<semaphore_mem>>)
        %dma_wait3A = arith.constant 0 : i32
        %dma_wait3A_42 = tpu.memref_slice %arg7[%dma_wait3A] : memref<1568xf32, #tpu.memory_space<vmem>> -> memref<1568xf32, #tpu.memory_space<vmem>>
        %dma_wait3A_43 = tpu.memref_slice %arg3[%run_scoped3A_24, %mul3A_22] : memref<2x100000xf32, #tpu.memory_space<hbm>> -> memref<1x1568xf32, #tpu.memory_space<hbm>>
        %dma_wait3A_44 = tpu.memref_squeeze %dma_wait3A_43 : memref<1x1568xf32, #tpu.memory_space<hbm>> -> memref<1568xf32, #tpu.memory_space<hbm>>
        %dma_wait3A_45 = arith.constant 0 : i32
        %dma_wait3A_46 = tpu.memref_slice %arg7[%dma_wait3A_45] : memref<1568xf32, #tpu.memory_space<vmem>> -> memref<1568xf32, #tpu.memory_space<vmem>>
        %dma_wait3A_47 = tpu.memref_slice %arg3[%run_scoped3A_24, %mul3A_22] : memref<2x100000xf32, #tpu.memory_space<hbm>> -> memref<1x1568xf32, #tpu.memory_space<hbm>>
        %dma_wait3A_48 = tpu.memref_squeeze %dma_wait3A_47 : memref<1x1568xf32, #tpu.memory_space<hbm>> -> memref<1568xf32, #tpu.memory_space<hbm>>
        tpu.wait_dma2 semaphore(%run_scoped3A_34 : memref<!tpu.dma_semaphore, #tpu.memory_space<semaphore_mem>>) src(%dma_wait3A_48 : memref<1568xf32, #tpu.memory_space<hbm>>) dst(%dma_wait3A_46 : memref<1568xf32, #tpu.memory_space<vmem>>)
        tpu.yield
      }) : () -> ()
      %run_scoped3A_25 = arith.constant 1 : i32
      "tpu.region"() ({
        %run_scoped3A_34 = tpu.sem_alloc : memref<!tpu.dma_semaphore, #tpu.memory_space<semaphore_mem>>
        %dma_start3A = arith.constant 0 : i32
        %dma_start3A_35 = tpu.memref_slice %arg8[%dma_start3A] : memref<1568xf32, #tpu.memory_space<vmem>> -> memref<1568xf32, #tpu.memory_space<vmem>>
        %dma_start3A_36 = tpu.memref_slice %arg3[%run_scoped3A_25, %mul3A_22] : memref<2x100000xf32, #tpu.memory_space<hbm>> -> memref<1x1568xf32, #tpu.memory_space<hbm>>
        %dma_start3A_37 = tpu.memref_squeeze %dma_start3A_36 : memref<1x1568xf32, #tpu.memory_space<hbm>> -> memref<1568xf32, #tpu.memory_space<hbm>>
        %dma_start3A_38 = arith.constant 0 : i32
        %dma_start3A_39 = tpu.memref_slice %arg8[%dma_start3A_38] : memref<1568xf32, #tpu.memory_space<vmem>> -> memref<1568xf32, #tpu.memory_space<vmem>>
        %dma_start3A_40 = tpu.memref_slice %arg3[%run_scoped3A_25, %mul3A_22] : memref<2x100000xf32, #tpu.memory_space<hbm>> -> memref<1x1568xf32, #tpu.memory_space<hbm>>
        %dma_start3A_41 = tpu.memref_squeeze %dma_start3A_40 : memref<1x1568xf32, #tpu.memory_space<hbm>> -> memref<1568xf32, #tpu.memory_space<hbm>>
        tpu.enqueue_dma source(%dma_start3A_41 : memref<1568xf32, #tpu.memory_space<hbm>>) target(%dma_start3A_39 : memref<1568xf32, #tpu.memory_space<vmem>>) target_semaphore(%run_scoped3A_34 : memref<!tpu.dma_semaphore, #tpu.memory_space<semaphore_mem>>)
        %dma_wait3A = arith.constant 0 : i32
        %dma_wait3A_42 = tpu.memref_slice %arg8[%dma_wait3A] : memref<1568xf32, #tpu.memory_space<vmem>> -> memref<1568xf32, #tpu.memory_space<vmem>>
        %dma_wait3A_43 = tpu.memref_slice %arg3[%run_scoped3A_25, %mul3A_22] : memref<2x100000xf32, #tpu.memory_space<hbm>> -> memref<1x1568xf32, #tpu.memory_space<hbm>>
        %dma_wait3A_44 = tpu.memref_squeeze %dma_wait3A_43 : memref<1x1568xf32, #tpu.memory_space<hbm>> -> memref<1568xf32, #tpu.memory_space<hbm>>
        %dma_wait3A_45 = arith.constant 0 : i32
        %dma_wait3A_46 = tpu.memref_slice %arg8[%dma_wait3A_45] : memref<1568xf32, #tpu.memory_space<vmem>> -> memref<1568xf32, #tpu.memory_space<vmem>>
        %dma_wait3A_47 = tpu.memref_slice %arg3[%run_scoped3A_25, %mul3A_22] : memref<2x100000xf32, #tpu.memory_space<hbm>> -> memref<1x1568xf32, #tpu.memory_space<hbm>>
        %dma_wait3A_48 = tpu.memref_squeeze %dma_wait3A_47 : memref<1x1568xf32, #tpu.memory_space<hbm>> -> memref<1568xf32, #tpu.memory_space<hbm>>
        tpu.wait_dma2 semaphore(%run_scoped3A_34 : memref<!tpu.dma_semaphore, #tpu.memory_space<semaphore_mem>>) src(%dma_wait3A_48 : memref<1568xf32, #tpu.memory_space<hbm>>) dst(%dma_wait3A_46 : memref<1568xf32, #tpu.memory_space<vmem>>)
        tpu.yield
      }) : () -> ()
      %scan3A = arith.constant 0 : i32
      %scan3A_26 = arith.constant 98 : i32
      %scan3A_27 = arith.addi %scan3A, %scan3A_26 : i32
      %scan3A_28 = arith.constant 1 : i32
      scf.for %scan3A_34 = %scan3A to %scan3A_27 step %scan3A_28  : i32 {
        %mul3A_35 = arith.constant 1 : i32
        %mul3A_36 = arith.muli %scan3A_34, %mul3A_35 : i32
        %add3A_37 = arith.constant 0 : i32
        %add3A_38 = arith.addi %add3A_37, %mul3A_36 : i32
        %mul3A_39 = arith.constant 16 : i32
        %mul3A_40 = arith.muli %add3A_38, %mul3A_39 : i32
        %add3A_41 = vector.broadcast %mul3A_40 : i32 to vector<16xi32>
        %add3A_42 = arith.addi %iota3A, %add3A_41 : vector<16xi32>
        %mul3A_43 = arith.constant 16 : i32
        %mul3A_44 = arith.muli %add3A_38, %mul3A_43 : i32
        %mul3A_45 = arith.constant 8 : i32
        %mul3A_46 = vector.broadcast %mul3A_45 : i32 to vector<16xi32>
        %mul3A_47 = arith.muli %add3A_42, %mul3A_46 : vector<16xi32>
        %get3A = arith.index_cast %mul3A_44 : i32 to index
        %get3A_48 = tpu.vector_load %arg5[%get3A] {strides = array<i32>} : memref<1568xf32, #tpu.memory_space<vmem>>, vector<16xf32>,
        tpu.vector_store_idx %arg9[%mul3A_47], %get3A_48 : memref<12544xf32, #tpu.memory_space<vmem>>[vector<16xi32>], vector<16xf32>,
        %add3A_49 = arith.constant 1 : i32
        %add3A_50 = vector.broadcast %add3A_49 : i32 to vector<16xi32>
        %add3A_51 = arith.addi %mul3A_47, %add3A_50 : vector<16xi32>
        %get3A_52 = arith.index_cast %mul3A_44 : i32 to index
        %get3A_53 = tpu.vector_load %arg6[%get3A_52] {strides = array<i32>} : memref<1568xf32, #tpu.memory_space<vmem>>, vector<16xf32>,
        tpu.vector_store_idx %arg9[%add3A_51], %get3A_53 : memref<12544xf32, #tpu.memory_space<vmem>>[vector<16xi32>], vector<16xf32>,
        %add3A_54 = arith.constant 2 : i32
        %add3A_55 = vector.broadcast %add3A_54 : i32 to vector<16xi32>
        %add3A_56 = arith.addi %mul3A_47, %add3A_55 : vector<16xi32>
        %get3A_57 = arith.index_cast %mul3A_44 : i32 to index
        %get3A_58 = tpu.vector_load %arg7[%get3A_57] {strides = array<i32>} : memref<1568xf32, #tpu.memory_space<vmem>>, vector<16xf32>,
        tpu.vector_store_idx %arg9[%add3A_56], %get3A_58 : memref<12544xf32, #tpu.memory_space<vmem>>[vector<16xi32>], vector<16xf32>,
        %add3A_59 = arith.constant 3 : i32
        %add3A_60 = vector.broadcast %add3A_59 : i32 to vector<16xi32>
        %add3A_61 = arith.addi %mul3A_47, %add3A_60 : vector<16xi32>
        %get3A_62 = arith.index_cast %mul3A_44 : i32 to index
        %get3A_63 = tpu.vector_load %arg8[%get3A_62] {strides = array<i32>} : memref<1568xf32, #tpu.memory_space<vmem>>, vector<16xf32>,
        tpu.vector_store_idx %arg9[%add3A_61], %get3A_63 : memref<12544xf32, #tpu.memory_space<vmem>>[vector<16xi32>], vector<16xf32>,
      }
      %scan3A_29 = arith.constant 98 : i32
      %add3A_30 = arith.constant 1 : i32
      %add3A_31 = arith.addi %mul3A_22, %add3A_30 : i32
      %mul3A_32 = arith.constant 8 : i32
      %mul3A_33 = arith.muli %add3A_31, %mul3A_32 : i32
      "tpu.region"() ({
        %run_scoped3A_34 = tpu.sem_alloc : memref<!tpu.dma_semaphore, #tpu.memory_space<semaphore_mem>>
        %dma_start3A = arith.constant 0 : i32
        %dma_start3A_35 = tpu.memref_slice %arg9[%dma_start3A] : memref<12544xf32, #tpu.memory_space<vmem>> -> memref<12544xf32, #tpu.memory_space<vmem>>
        %dma_start3A_36 = tpu.memref_slice %arg4[%mul3A_33] : memref<800008xf32, #tpu.memory_space<hbm>> -> memref<12544xf32, #tpu.memory_space<hbm>>
        %dma_start3A_37 = tpu.memref_slice %arg4[%mul3A_33] : memref<800008xf32, #tpu.memory_space<hbm>> -> memref<12544xf32, #tpu.memory_space<hbm>>
        %dma_start3A_38 = arith.constant 0 : i32
        %dma_start3A_39 = tpu.memref_slice %arg9[%dma_start3A_38] : memref<12544xf32, #tpu.memory_space<vmem>> -> memref<12544xf32, #tpu.memory_space<vmem>>
        tpu.enqueue_dma source(%dma_start3A_39 : memref<12544xf32, #tpu.memory_space<vmem>>) target(%dma_start3A_37 : memref<12544xf32, #tpu.memory_space<hbm>>) target_semaphore(%run_scoped3A_34 : memref<!tpu.dma_semaphore, #tpu.memory_space<semaphore_mem>>)
        %dma_wait3A = arith.constant 0 : i32
        %dma_wait3A_40 = tpu.memref_slice %arg9[%dma_wait3A] : memref<12544xf32, #tpu.memory_space<vmem>> -> memref<12544xf32, #tpu.memory_space<vmem>>
        %dma_wait3A_41 = tpu.memref_slice %arg4[%mul3A_33] : memref<800008xf32, #tpu.memory_space<hbm>> -> memref<12544xf32, #tpu.memory_space<hbm>>
        %dma_wait3A_42 = tpu.memref_slice %arg4[%mul3A_33] : memref<800008xf32, #tpu.memory_space<hbm>> -> memref<12544xf32, #tpu.memory_space<hbm>>
        %dma_wait3A_43 = arith.constant 0 : i32
        %dma_wait3A_44 = tpu.memref_slice %arg9[%dma_wait3A_43] : memref<12544xf32, #tpu.memory_space<vmem>> -> memref<12544xf32, #tpu.memory_space<vmem>>
        tpu.wait_dma2 semaphore(%run_scoped3A_34 : memref<!tpu.dma_semaphore, #tpu.memory_space<semaphore_mem>>) src(%dma_wait3A_44 : memref<12544xf32, #tpu.memory_space<vmem>>) dst(%dma_wait3A_42 : memref<12544xf32, #tpu.memory_space<hbm>>)
        tpu.yield
      }) : () -> ()
    }
    %eq3A = arith.constant 31 : i32
    %eq3A_16 = arith.cmpi eq, %add3A, %eq3A : i32
    %convert_element_type3A = arith.extui %eq3A_16 : i1 to i32
    %cond3A = arith.constant 0 : i32
    %cond3A_17 = arith.cmpi ne, %convert_element_type3A, %cond3A : i32
    scf.if %cond3A_17 {
      %run_scoped3A = arith.constant 0 : i32
      "tpu.region"() ({
        %run_scoped3A_25 = tpu.sem_alloc : memref<!tpu.dma_semaphore, #tpu.memory_space<semaphore_mem>>
        %dma_start3A = arith.constant 0 : i32
        %dma_start3A_26 = tpu.memref_slice %arg5[%dma_start3A] : memref<1568xf32, #tpu.memory_space<vmem>> -> memref<1216xf32, #tpu.memory_space<vmem>>
        %dma_start3A_27 = arith.constant 98784 : i32
        %dma_start3A_28 = tpu.memref_slice %arg2[%run_scoped3A, %dma_start3A_27] : memref<2x100000xf32, #tpu.memory_space<hbm>> -> memref<1x1216xf32, #tpu.memory_space<hbm>>
        %dma_start3A_29 = tpu.memref_squeeze %dma_start3A_28 : memref<1x1216xf32, #tpu.memory_space<hbm>> -> memref<1216xf32, #tpu.memory_space<hbm>>
        %dma_start3A_30 = arith.constant 0 : i32
        %dma_start3A_31 = tpu.memref_slice %arg5[%dma_start3A_30] : memref<1568xf32, #tpu.memory_space<vmem>> -> memref<1216xf32, #tpu.memory_space<vmem>>
        %dma_start3A_32 = arith.constant 98784 : i32
        %dma_start3A_33 = tpu.memref_slice %arg2[%run_scoped3A, %dma_start3A_32] : memref<2x100000xf32, #tpu.memory_space<hbm>> -> memref<1x1216xf32, #tpu.memory_space<hbm>>
        %dma_start3A_34 = tpu.memref_squeeze %dma_start3A_33 : memref<1x1216xf32, #tpu.memory_space<hbm>> -> memref<1216xf32, #tpu.memory_space<hbm>>
        tpu.enqueue_dma source(%dma_start3A_34 : memref<1216xf32, #tpu.memory_space<hbm>>) target(%dma_start3A_31 : memref<1216xf32, #tpu.memory_space<vmem>>) target_semaphore(%run_scoped3A_25 : memref<!tpu.dma_semaphore, #tpu.memory_space<semaphore_mem>>)
        %dma_wait3A = arith.constant 0 : i32
        %dma_wait3A_35 = tpu.memref_slice %arg5[%dma_wait3A] : memref<1568xf32, #tpu.memory_space<vmem>> -> memref<1216xf32, #tpu.memory_space<vmem>>
        %dma_wait3A_36 = arith.constant 98784 : i32
        %dma_wait3A_37 = tpu.memref_slice %arg2[%run_scoped3A, %dma_wait3A_36] : memref<2x100000xf32, #tpu.memory_space<hbm>> -> memref<1x1216xf32, #tpu.memory_space<hbm>>
        %dma_wait3A_38 = tpu.memref_squeeze %dma_wait3A_37 : memref<1x1216xf32, #tpu.memory_space<hbm>> -> memref<1216xf32, #tpu.memory_space<hbm>>
        %dma_wait3A_39 = arith.constant 0 : i32
        %dma_wait3A_40 = tpu.memref_slice %arg5[%dma_wait3A_39] : memref<1568xf32, #tpu.memory_space<vmem>> -> memref<1216xf32, #tpu.memory_space<vmem>>
        %dma_wait3A_41 = arith.constant 98784 : i32
        %dma_wait3A_42 = tpu.memref_slice %arg2[%run_scoped3A, %dma_wait3A_41] : memref<2x100000xf32, #tpu.memory_space<hbm>> -> memref<1x1216xf32, #tpu.memory_space<hbm>>
        %dma_wait3A_43 = tpu.memref_squeeze %dma_wait3A_42 : memref<1x1216xf32, #tpu.memory_space<hbm>> -> memref<1216xf32, #tpu.memory_space<hbm>>
        tpu.wait_dma2 semaphore(%run_scoped3A_25 : memref<!tpu.dma_semaphore, #tpu.memory_space<semaphore_mem>>) src(%dma_wait3A_43 : memref<1216xf32, #tpu.memory_space<hbm>>) dst(%dma_wait3A_40 : memref<1216xf32, #tpu.memory_space<vmem>>)
        tpu.yield
      }) : () -> ()
      %run_scoped3A_18 = arith.constant 1 : i32
      "tpu.region"() ({
        %run_scoped3A_25 = tpu.sem_alloc : memref<!tpu.dma_semaphore, #tpu.memory_space<semaphore_mem>>
        %dma_start3A = arith.constant 0 : i32
        %dma_start3A_26 = tpu.memref_slice %arg6[%dma_start3A] : memref<1568xf32, #tpu.memory_space<vmem>> -> memref<1216xf32, #tpu.memory_space<vmem>>
        %dma_start3A_27 = arith.constant 98784 : i32
        %dma_start3A_28 = tpu.memref_slice %arg2[%run_scoped3A_18, %dma_start3A_27] : memref<2x100000xf32, #tpu.memory_space<hbm>> -> memref<1x1216xf32, #tpu.memory_space<hbm>>
        %dma_start3A_29 = tpu.memref_squeeze %dma_start3A_28 : memref<1x1216xf32, #tpu.memory_space<hbm>> -> memref<1216xf32, #tpu.memory_space<hbm>>
        %dma_start3A_30 = arith.constant 0 : i32
        %dma_start3A_31 = tpu.memref_slice %arg6[%dma_start3A_30] : memref<1568xf32, #tpu.memory_space<vmem>> -> memref<1216xf32, #tpu.memory_space<vmem>>
        %dma_start3A_32 = arith.constant 98784 : i32
        %dma_start3A_33 = tpu.memref_slice %arg2[%run_scoped3A_18, %dma_start3A_32] : memref<2x100000xf32, #tpu.memory_space<hbm>> -> memref<1x1216xf32, #tpu.memory_space<hbm>>
        %dma_start3A_34 = tpu.memref_squeeze %dma_start3A_33 : memref<1x1216xf32, #tpu.memory_space<hbm>> -> memref<1216xf32, #tpu.memory_space<hbm>>
        tpu.enqueue_dma source(%dma_start3A_34 : memref<1216xf32, #tpu.memory_space<hbm>>) target(%dma_start3A_31 : memref<1216xf32, #tpu.memory_space<vmem>>) target_semaphore(%run_scoped3A_25 : memref<!tpu.dma_semaphore, #tpu.memory_space<semaphore_mem>>)
        %dma_wait3A = arith.constant 0 : i32
        %dma_wait3A_35 = tpu.memref_slice %arg6[%dma_wait3A] : memref<1568xf32, #tpu.memory_space<vmem>> -> memref<1216xf32, #tpu.memory_space<vmem>>
        %dma_wait3A_36 = arith.constant 98784 : i32
        %dma_wait3A_37 = tpu.memref_slice %arg2[%run_scoped3A_18, %dma_wait3A_36] : memref<2x100000xf32, #tpu.memory_space<hbm>> -> memref<1x1216xf32, #tpu.memory_space<hbm>>
        %dma_wait3A_38 = tpu.memref_squeeze %dma_wait3A_37 : memref<1x1216xf32, #tpu.memory_space<hbm>> -> memref<1216xf32, #tpu.memory_space<hbm>>
        %dma_wait3A_39 = arith.constant 0 : i32
        %dma_wait3A_40 = tpu.memref_slice %arg6[%dma_wait3A_39] : memref<1568xf32, #tpu.memory_space<vmem>> -> memref<1216xf32, #tpu.memory_space<vmem>>
        %dma_wait3A_41 = arith.constant 98784 : i32
        %dma_wait3A_42 = tpu.memref_slice %arg2[%run_scoped3A_18, %dma_wait3A_41] : memref<2x100000xf32, #tpu.memory_space<hbm>> -> memref<1x1216xf32, #tpu.memory_space<hbm>>
        %dma_wait3A_43 = tpu.memref_squeeze %dma_wait3A_42 : memref<1x1216xf32, #tpu.memory_space<hbm>> -> memref<1216xf32, #tpu.memory_space<hbm>>
        tpu.wait_dma2 semaphore(%run_scoped3A_25 : memref<!tpu.dma_semaphore, #tpu.memory_space<semaphore_mem>>) src(%dma_wait3A_43 : memref<1216xf32, #tpu.memory_space<hbm>>) dst(%dma_wait3A_40 : memref<1216xf32, #tpu.memory_space<vmem>>)
        tpu.yield
      }) : () -> ()
      %run_scoped3A_19 = arith.constant 0 : i32
      "tpu.region"() ({
        %run_scoped3A_25 = tpu.sem_alloc : memref<!tpu.dma_semaphore, #tpu.memory_space<semaphore_mem>>
        %dma_start3A = arith.constant 0 : i32
        %dma_start3A_26 = tpu.memref_slice %arg7[%dma_start3A] : memref<1568xf32, #tpu.memory_space<vmem>> -> memref<1216xf32, #tpu.memory_space<vmem>>
        %dma_start3A_27 = arith.constant 98784 : i32
        %dma_start3A_28 = tpu.memref_slice %arg3[%run_scoped3A_19, %dma_start3A_27] : memref<2x100000xf32, #tpu.memory_space<hbm>> -> memref<1x1216xf32, #tpu.memory_space<hbm>>
        %dma_start3A_29 = tpu.memref_squeeze %dma_start3A_28 : memref<1x1216xf32, #tpu.memory_space<hbm>> -> memref<1216xf32, #tpu.memory_space<hbm>>
        %dma_start3A_30 = arith.constant 0 : i32
        %dma_start3A_31 = tpu.memref_slice %arg7[%dma_start3A_30] : memref<1568xf32, #tpu.memory_space<vmem>> -> memref<1216xf32, #tpu.memory_space<vmem>>
        %dma_start3A_32 = arith.constant 98784 : i32
        %dma_start3A_33 = tpu.memref_slice %arg3[%run_scoped3A_19, %dma_start3A_32] : memref<2x100000xf32, #tpu.memory_space<hbm>> -> memref<1x1216xf32, #tpu.memory_space<hbm>>
        %dma_start3A_34 = tpu.memref_squeeze %dma_start3A_33 : memref<1x1216xf32, #tpu.memory_space<hbm>> -> memref<1216xf32, #tpu.memory_space<hbm>>
        tpu.enqueue_dma source(%dma_start3A_34 : memref<1216xf32, #tpu.memory_space<hbm>>) target(%dma_start3A_31 : memref<1216xf32, #tpu.memory_space<vmem>>) target_semaphore(%run_scoped3A_25 : memref<!tpu.dma_semaphore, #tpu.memory_space<semaphore_mem>>)
        %dma_wait3A = arith.constant 0 : i32
        %dma_wait3A_35 = tpu.memref_slice %arg7[%dma_wait3A] : memref<1568xf32, #tpu.memory_space<vmem>> -> memref<1216xf32, #tpu.memory_space<vmem>>
        %dma_wait3A_36 = arith.constant 98784 : i32
        %dma_wait3A_37 = tpu.memref_slice %arg3[%run_scoped3A_19, %dma_wait3A_36] : memref<2x100000xf32, #tpu.memory_space<hbm>> -> memref<1x1216xf32, #tpu.memory_space<hbm>>
        %dma_wait3A_38 = tpu.memref_squeeze %dma_wait3A_37 : memref<1x1216xf32, #tpu.memory_space<hbm>> -> memref<1216xf32, #tpu.memory_space<hbm>>
        %dma_wait3A_39 = arith.constant 0 : i32
        %dma_wait3A_40 = tpu.memref_slice %arg7[%dma_wait3A_39] : memref<1568xf32, #tpu.memory_space<vmem>> -> memref<1216xf32, #tpu.memory_space<vmem>>
        %dma_wait3A_41 = arith.constant 98784 : i32
        %dma_wait3A_42 = tpu.memref_slice %arg3[%run_scoped3A_19, %dma_wait3A_41] : memref<2x100000xf32, #tpu.memory_space<hbm>> -> memref<1x1216xf32, #tpu.memory_space<hbm>>
        %dma_wait3A_43 = tpu.memref_squeeze %dma_wait3A_42 : memref<1x1216xf32, #tpu.memory_space<hbm>> -> memref<1216xf32, #tpu.memory_space<hbm>>
        tpu.wait_dma2 semaphore(%run_scoped3A_25 : memref<!tpu.dma_semaphore, #tpu.memory_space<semaphore_mem>>) src(%dma_wait3A_43 : memref<1216xf32, #tpu.memory_space<hbm>>) dst(%dma_wait3A_40 : memref<1216xf32, #tpu.memory_space<vmem>>)
        tpu.yield
      }) : () -> ()
      %run_scoped3A_20 = arith.constant 1 : i32
      "tpu.region"() ({
        %run_scoped3A_25 = tpu.sem_alloc : memref<!tpu.dma_semaphore, #tpu.memory_space<semaphore_mem>>
        %dma_start3A = arith.constant 0 : i32
        %dma_start3A_26 = tpu.memref_slice %arg8[%dma_start3A] : memref<1568xf32, #tpu.memory_space<vmem>> -> memref<1216xf32, #tpu.memory_space<vmem>>
        %dma_start3A_27 = arith.constant 98784 : i32
        %dma_start3A_28 = tpu.memref_slice %arg3[%run_scoped3A_20, %dma_start3A_27] : memref<2x100000xf32, #tpu.memory_space<hbm>> -> memref<1x1216xf32, #tpu.memory_space<hbm>>
        %dma_start3A_29 = tpu.memref_squeeze %dma_start3A_28 : memref<1x1216xf32, #tpu.memory_space<hbm>> -> memref<1216xf32, #tpu.memory_space<hbm>>
        %dma_start3A_30 = arith.constant 0 : i32
        %dma_start3A_31 = tpu.memref_slice %arg8[%dma_start3A_30] : memref<1568xf32, #tpu.memory_space<vmem>> -> memref<1216xf32, #tpu.memory_space<vmem>>
        %dma_start3A_32 = arith.constant 98784 : i32
        %dma_start3A_33 = tpu.memref_slice %arg3[%run_scoped3A_20, %dma_start3A_32] : memref<2x100000xf32, #tpu.memory_space<hbm>> -> memref<1x1216xf32, #tpu.memory_space<hbm>>
        %dma_start3A_34 = tpu.memref_squeeze %dma_start3A_33 : memref<1x1216xf32, #tpu.memory_space<hbm>> -> memref<1216xf32, #tpu.memory_space<hbm>>
        tpu.enqueue_dma source(%dma_start3A_34 : memref<1216xf32, #tpu.memory_space<hbm>>) target(%dma_start3A_31 : memref<1216xf32, #tpu.memory_space<vmem>>) target_semaphore(%run_scoped3A_25 : memref<!tpu.dma_semaphore, #tpu.memory_space<semaphore_mem>>)
        %dma_wait3A = arith.constant 0 : i32
        %dma_wait3A_35 = tpu.memref_slice %arg8[%dma_wait3A] : memref<1568xf32, #tpu.memory_space<vmem>> -> memref<1216xf32, #tpu.memory_space<vmem>>
        %dma_wait3A_36 = arith.constant 98784 : i32
        %dma_wait3A_37 = tpu.memref_slice %arg3[%run_scoped3A_20, %dma_wait3A_36] : memref<2x100000xf32, #tpu.memory_space<hbm>> -> memref<1x1216xf32, #tpu.memory_space<hbm>>
        %dma_wait3A_38 = tpu.memref_squeeze %dma_wait3A_37 : memref<1x1216xf32, #tpu.memory_space<hbm>> -> memref<1216xf32, #tpu.memory_space<hbm>>
        %dma_wait3A_39 = arith.constant 0 : i32
        %dma_wait3A_40 = tpu.memref_slice %arg8[%dma_wait3A_39] : memref<1568xf32, #tpu.memory_space<vmem>> -> memref<1216xf32, #tpu.memory_space<vmem>>
        %dma_wait3A_41 = arith.constant 98784 : i32
        %dma_wait3A_42 = tpu.memref_slice %arg3[%run_scoped3A_20, %dma_wait3A_41] : memref<2x100000xf32, #tpu.memory_space<hbm>> -> memref<1x1216xf32, #tpu.memory_space<hbm>>
        %dma_wait3A_43 = tpu.memref_squeeze %dma_wait3A_42 : memref<1x1216xf32, #tpu.memory_space<hbm>> -> memref<1216xf32, #tpu.memory_space<hbm>>
        tpu.wait_dma2 semaphore(%run_scoped3A_25 : memref<!tpu.dma_semaphore, #tpu.memory_space<semaphore_mem>>) src(%dma_wait3A_43 : memref<1216xf32, #tpu.memory_space<hbm>>) dst(%dma_wait3A_40 : memref<1216xf32, #tpu.memory_space<vmem>>)
        tpu.yield
      }) : () -> ()
      %scan3A = arith.constant 0 : i32
      %scan3A_21 = arith.constant 76 : i32
      %scan3A_22 = arith.addi %scan3A, %scan3A_21 : i32
      %scan3A_23 = arith.constant 1 : i32
      scf.for %scan3A_25 = %scan3A to %scan3A_22 step %scan3A_23  : i32 {
        %mul3A_26 = arith.constant 1 : i32
        %mul3A_27 = arith.muli %scan3A_25, %mul3A_26 : i32
        %add3A_28 = arith.constant 0 : i32
        %add3A_29 = arith.addi %add3A_28, %mul3A_27 : i32
        %mul3A_30 = arith.constant 16 : i32
        %mul3A_31 = arith.muli %add3A_29, %mul3A_30 : i32
        %add3A_32 = vector.broadcast %mul3A_31 : i32 to vector<16xi32>
        %add3A_33 = arith.addi %iota3A, %add3A_32 : vector<16xi32>
        %mul3A_34 = arith.constant 16 : i32
        %mul3A_35 = arith.muli %add3A_29, %mul3A_34 : i32
        %mul3A_36 = arith.constant 8 : i32
        %mul3A_37 = vector.broadcast %mul3A_36 : i32 to vector<16xi32>
        %mul3A_38 = arith.muli %add3A_33, %mul3A_37 : vector<16xi32>
        %get3A = arith.index_cast %mul3A_35 : i32 to index
        %get3A_39 = tpu.vector_load %arg5[%get3A] {strides = array<i32>} : memref<1568xf32, #tpu.memory_space<vmem>>, vector<16xf32>,
        tpu.vector_store_idx %arg9[%mul3A_38], %get3A_39 : memref<12544xf32, #tpu.memory_space<vmem>>[vector<16xi32>], vector<16xf32>,
        %add3A_40 = arith.constant 1 : i32
        %add3A_41 = vector.broadcast %add3A_40 : i32 to vector<16xi32>
        %add3A_42 = arith.addi %mul3A_38, %add3A_41 : vector<16xi32>
        %get3A_43 = arith.index_cast %mul3A_35 : i32 to index
        %get3A_44 = tpu.vector_load %arg6[%get3A_43] {strides = array<i32>} : memref<1568xf32, #tpu.memory_space<vmem>>, vector<16xf32>,
        tpu.vector_store_idx %arg9[%add3A_42], %get3A_44 : memref<12544xf32, #tpu.memory_space<vmem>>[vector<16xi32>], vector<16xf32>,
        %add3A_45 = arith.constant 2 : i32
        %add3A_46 = vector.broadcast %add3A_45 : i32 to vector<16xi32>
        %add3A_47 = arith.addi %mul3A_38, %add3A_46 : vector<16xi32>
        %get3A_48 = arith.index_cast %mul3A_35 : i32 to index
        %get3A_49 = tpu.vector_load %arg7[%get3A_48] {strides = array<i32>} : memref<1568xf32, #tpu.memory_space<vmem>>, vector<16xf32>,
        tpu.vector_store_idx %arg9[%add3A_47], %get3A_49 : memref<12544xf32, #tpu.memory_space<vmem>>[vector<16xi32>], vector<16xf32>,
        %add3A_50 = arith.constant 3 : i32
        %add3A_51 = vector.broadcast %add3A_50 : i32 to vector<16xi32>
        %add3A_52 = arith.addi %mul3A_38, %add3A_51 : vector<16xi32>
        %get3A_53 = arith.index_cast %mul3A_35 : i32 to index
        %get3A_54 = tpu.vector_load %arg8[%get3A_53] {strides = array<i32>} : memref<1568xf32, #tpu.memory_space<vmem>>, vector<16xf32>,
        tpu.vector_store_idx %arg9[%add3A_52], %get3A_54 : memref<12544xf32, #tpu.memory_space<vmem>>[vector<16xi32>], vector<16xf32>,
      }
      %scan3A_24 = arith.constant 76 : i32
      "tpu.region"() ({
        %run_scoped3A_25 = tpu.sem_alloc : memref<!tpu.dma_semaphore, #tpu.memory_space<semaphore_mem>>
        %dma_start3A = arith.constant 0 : i32
        %dma_start3A_26 = tpu.memref_slice %arg9[%dma_start3A] : memref<12544xf32, #tpu.memory_space<vmem>> -> memref<9728xf32, #tpu.memory_space<vmem>>
        %dma_start3A_27 = arith.constant 790280 : i32
        %dma_start3A_28 = tpu.memref_slice %arg4[%dma_start3A_27] : memref<800008xf32, #tpu.memory_space<hbm>> -> memref<9728xf32, #tpu.memory_space<hbm>>
        %dma_start3A_29 = arith.constant 790280 : i32
        %dma_start3A_30 = tpu.memref_slice %arg4[%dma_start3A_29] : memref<800008xf32, #tpu.memory_space<hbm>> -> memref<9728xf32, #tpu.memory_space<hbm>>
        %dma_start3A_31 = arith.constant 0 : i32
        %dma_start3A_32 = tpu.memref_slice %arg9[%dma_start3A_31] : memref<12544xf32, #tpu.memory_space<vmem>> -> memref<9728xf32, #tpu.memory_space<vmem>>
        tpu.enqueue_dma source(%dma_start3A_32 : memref<9728xf32, #tpu.memory_space<vmem>>) target(%dma_start3A_30 : memref<9728xf32, #tpu.memory_space<hbm>>) target_semaphore(%run_scoped3A_25 : memref<!tpu.dma_semaphore, #tpu.memory_space<semaphore_mem>>)
        %dma_wait3A = arith.constant 0 : i32
        %dma_wait3A_33 = tpu.memref_slice %arg9[%dma_wait3A] : memref<12544xf32, #tpu.memory_space<vmem>> -> memref<9728xf32, #tpu.memory_space<vmem>>
        %dma_wait3A_34 = arith.constant 790280 : i32
        %dma_wait3A_35 = tpu.memref_slice %arg4[%dma_wait3A_34] : memref<800008xf32, #tpu.memory_space<hbm>> -> memref<9728xf32, #tpu.memory_space<hbm>>
        %dma_wait3A_36 = arith.constant 790280 : i32
        %dma_wait3A_37 = tpu.memref_slice %arg4[%dma_wait3A_36] : memref<800008xf32, #tpu.memory_space<hbm>> -> memref<9728xf32, #tpu.memory_space<hbm>>
        %dma_wait3A_38 = arith.constant 0 : i32
        %dma_wait3A_39 = tpu.memref_slice %arg9[%dma_wait3A_38] : memref<12544xf32, #tpu.memory_space<vmem>> -> memref<9728xf32, #tpu.memory_space<vmem>>
        tpu.wait_dma2 semaphore(%run_scoped3A_25 : memref<!tpu.dma_semaphore, #tpu.memory_space<semaphore_mem>>) src(%dma_wait3A_39 : memref<9728xf32, #tpu.memory_space<vmem>>) dst(%dma_wait3A_37 : memref<9728xf32, #tpu.memory_space<hbm>>)
        tpu.yield
      }) : () -> ()
    } else {
    }
    return
  }
}

#map = affine_map<(d0, d1) -> (0)>
#map1 = affine_map<(d0, d1) -> (0, 0)>
module attributes {stable_mosaic.version = 14 : i64} {
  func.func @stage_b(%arg0: i32, %arg1: i32, %arg2: memref<1000000xi32, #tpu.memory_space<hbm>>, %arg3: memref<200000x8xf32, #tpu.memory_space<hbm>>, %arg4: memref<1000000xf32, #tpu.memory_space<hbm>>, %arg5: memref<1000000xf32, #tpu.memory_space<hbm>>, %arg6: memref<1000000xf32, #tpu.memory_space<hbm>>, %arg7: memref<1000000xf32, #tpu.memory_space<hbm>>, %arg8: memref<1000000xf32, #tpu.memory_space<hbm>>, %arg9: memref<1000000xf32, #tpu.memory_space<hbm>>, %arg10: memref<3920xi32, #tpu.memory_space<vmem>>, %arg11: memref<3920xi32, #tpu.memory_space<vmem>>, %arg12: memref<3920x8xf32, #tpu.memory_space<vmem>>, %arg13: memref<3920x8xf32, #tpu.memory_space<vmem>>, %arg14: memref<3920xf32, #tpu.memory_space<vmem>>, %arg15: memref<3920xf32, #tpu.memory_space<vmem>>, %arg16: memref<3920xf32, #tpu.memory_space<vmem>>, %arg17: memref<3920xf32, #tpu.memory_space<vmem>>, %arg18: memref<3920xf32, #tpu.memory_space<vmem>>, %arg19: memref<3920xf32, #tpu.memory_space<vmem>>, %arg20: memref<3920xf32, #tpu.memory_space<vmem>>, %arg21: memref<3920xf32, #tpu.memory_space<vmem>>, %arg22: memref<3920xf32, #tpu.memory_space<vmem>>, %arg23: memref<3920xf32, #tpu.memory_space<vmem>>, %arg24: memref<3920xf32, #tpu.memory_space<vmem>>, %arg25: memref<3920xf32, #tpu.memory_space<vmem>>, %arg26: memref<!tpu.dma_semaphore, #tpu.memory_space<semaphore_mem>>, %arg27: memref<!tpu.dma_semaphore, #tpu.memory_space<semaphore_mem>>, %arg28: memref<!tpu.dma_semaphore, #tpu.memory_space<semaphore_mem>>, %arg29: memref<!tpu.dma_semaphore, #tpu.memory_space<semaphore_mem>>, %arg30: memref<!tpu.dma_semaphore, #tpu.memory_space<semaphore_mem>>, %arg31: memref<!tpu.dma_semaphore, #tpu.memory_space<semaphore_mem>>) attributes {dimension_semantics = [#tpu.dimension_semantics<core_parallel>, #tpu.dimension_semantics<subcore_parallel>], iteration_bounds = array<i64: 2, 16>, scalar_prefetch = 0 : i64, scratch_operands = 22 : i64, tpu.core_type = #tpu.core_type<sc_vector_subcore>, window_params = [{transform_indices = #map}, {transform_indices = #map1}, {transform_indices = #map}, {transform_indices = #map}, {transform_indices = #map}, {transform_indices = #map}, {transform_indices = #map}, {transform_indices = #map}]} {
    %mul3A = arith.constant 2 : i32
    %mul3A_0 = arith.muli %arg1, %mul3A : i32
    %add3A = arith.addi %mul3A_0, %arg0 : i32
    %iota3A = tpu.iota {dimensions = array<i32: 0>} : vector<16xi32>
    %lt3A = arith.constant 255 : i32
    %lt3A_1 = arith.cmpi slt, %add3A, %lt3A : i32
    %convert_element_type3A = arith.extui %lt3A_1 : i1 to i32
    %cond3A = arith.constant 0 : i32
    %cond3A_2 = arith.cmpi ne, %convert_element_type3A, %cond3A : i32
    scf.if %cond3A_2 {
      %mul3A_46 = arith.constant 3920 : i32
      %mul3A_47 = arith.muli %add3A, %mul3A_46 : i32
      %dma_start3A = tpu.memref_slice %arg2[%mul3A_47] : memref<1000000xi32, #tpu.memory_space<hbm>> -> memref<3920xi32, #tpu.memory_space<hbm>>
      %dma_start3A_48 = tpu.memref_slice %arg2[%mul3A_47] : memref<1000000xi32, #tpu.memory_space<hbm>> -> memref<3920xi32, #tpu.memory_space<hbm>>
      tpu.enqueue_dma source(%dma_start3A_48 : memref<3920xi32, #tpu.memory_space<hbm>>) target(%arg10 : memref<3920xi32, #tpu.memory_space<vmem>>) target_semaphore(%arg26 : memref<!tpu.dma_semaphore, #tpu.memory_space<semaphore_mem>>)
    } else {
    }
    %add3A_3 = arith.constant 32 : i32
    %add3A_4 = arith.addi %add3A, %add3A_3 : i32
    %lt3A_5 = arith.constant 255 : i32
    %lt3A_6 = arith.cmpi slt, %add3A_4, %lt3A_5 : i32
    %convert_element_type3A_7 = arith.extui %lt3A_6 : i1 to i32
    %cond3A_8 = arith.constant 0 : i32
    %cond3A_9 = arith.cmpi ne, %convert_element_type3A_7, %cond3A_8 : i32
    scf.if %cond3A_9 {
      %add3A_46 = arith.constant 32 : i32
      %add3A_47 = arith.addi %add3A, %add3A_46 : i32
      %mul3A_48 = arith.constant 3920 : i32
      %mul3A_49 = arith.muli %add3A_47, %mul3A_48 : i32
      %dma_start3A = tpu.memref_slice %arg2[%mul3A_49] : memref<1000000xi32, #tpu.memory_space<hbm>> -> memref<3920xi32, #tpu.memory_space<hbm>>
      %dma_start3A_50 = tpu.memref_slice %arg2[%mul3A_49] : memref<1000000xi32, #tpu.memory_space<hbm>> -> memref<3920xi32, #tpu.memory_space<hbm>>
      tpu.enqueue_dma source(%dma_start3A_50 : memref<3920xi32, #tpu.memory_space<hbm>>) target(%arg11 : memref<3920xi32, #tpu.memory_space<vmem>>) target_semaphore(%arg27 : memref<!tpu.dma_semaphore, #tpu.memory_space<semaphore_mem>>)
    } else {
    }
    %lt3A_10 = arith.constant 255 : i32
    %lt3A_11 = arith.cmpi slt, %add3A, %lt3A_10 : i32
    %convert_element_type3A_12 = arith.extui %lt3A_11 : i1 to i32
    %cond3A_13 = arith.constant 0 : i32
    %cond3A_14 = arith.cmpi ne, %convert_element_type3A_12, %cond3A_13 : i32
    scf.if %cond3A_14 {
      %dma_wait3A = arith.constant 0 : i32
      %dma_wait3A_46 = tpu.memref_slice %arg2[%dma_wait3A] : memref<1000000xi32, #tpu.memory_space<hbm>> -> memref<3920xi32, #tpu.memory_space<hbm>>
      %dma_wait3A_47 = arith.constant 0 : i32
      %dma_wait3A_48 = tpu.memref_slice %arg2[%dma_wait3A_47] : memref<1000000xi32, #tpu.memory_space<hbm>> -> memref<3920xi32, #tpu.memory_space<hbm>>
      tpu.wait_dma2 semaphore(%arg26 : memref<!tpu.dma_semaphore, #tpu.memory_space<semaphore_mem>>) src(%dma_wait3A_48 : memref<3920xi32, #tpu.memory_space<hbm>>) dst(%arg10 : memref<3920xi32, #tpu.memory_space<vmem>>)
      %dma_start3A = arith.constant 0 : i32
      %dma_start3A_49 = arith.constant 0 : i32
      %dma_start3A_50 = tpu.memref_slice %arg3[%dma_start3A, %dma_start3A_49] : memref<200000x8xf32, #tpu.memory_space<hbm>> -> memref<200000x8xf32, #tpu.memory_space<hbm>>
      tpu.enqueue_indirect_dma source(%dma_start3A_50 : memref<200000x8xf32, #tpu.memory_space<hbm>>) target(%arg12 : memref<3920x8xf32, #tpu.memory_space<vmem>>) offsets(%arg10 : memref<3920xi32, #tpu.memory_space<vmem>>) semaphore(%arg28 : memref<!tpu.dma_semaphore, #tpu.memory_space<semaphore_mem>>)
    } else {
    }
    %sub3A = arith.constant 255 : i32
    %sub3A_15 = arith.subi %sub3A, %add3A : i32
    %sub3A_16 = arith.constant 64 : i32
    %sub3A_17 = arith.constant 1 : i32
    %sub3A_18 = arith.subi %sub3A_16, %sub3A_17 : i32
    %add3A_19 = arith.addi %sub3A_15, %sub3A_18 : i32
    %div3A = arith.constant 64 : i32
    %div3A_20 = arith.divsi %add3A_19, %div3A : i32
    %while3A = arith.constant 64 : i32
    %while3A_21 = arith.constant 0 : i32
    %while3A_22 = arith.subi %div3A_20, %while3A_21 : i32
    %while3A_23 = arith.addi %while3A_21, %while3A_22 : i32
    %while3A_24 = arith.constant 1 : i32
    %while3A_25 = arith.divsi %while3A_22, %while3A_24 : i32
    %while3A_26 = arith.muli %while3A_25, %while3A_24 : i32
    %while3A_27 = arith.addi %while3A_21, %while3A_26 : i32
    %while3A_28 = arith.constant 1 : i32
    scf.for %while3A_46 = %while3A_21 to %while3A_27 step %while3A_28  : i32 {
      %mul3A_47 = arith.muli %while3A_46, %while3A : i32
      %add3A_48 = arith.addi %add3A, %mul3A_47 : i32
      %add3A_49 = arith.constant 32 : i32
      %add3A_50 = arith.addi %add3A_48, %add3A_49 : i32
      %add3A_51 = arith.constant 64 : i32
      %add3A_52 = arith.addi %add3A_48, %add3A_51 : i32
      %add3A_53 = arith.constant 96 : i32
      %add3A_54 = arith.addi %add3A_48, %add3A_53 : i32
      %lt3A_55 = arith.constant 255 : i32
      %lt3A_56 = arith.cmpi slt, %add3A_50, %lt3A_55 : i32
      %convert_element_type3A_57 = arith.extui %lt3A_56 : i1 to i32
      %cond3A_58 = arith.constant 0 : i32
      %cond3A_59 = arith.cmpi ne, %convert_element_type3A_57, %cond3A_58 : i32
      scf.if %cond3A_59 {
        %dma_wait3A_102 = arith.constant 0 : i32
        %dma_wait3A_103 = tpu.memref_slice %arg2[%dma_wait3A_102] : memref<1000000xi32, #tpu.memory_space<hbm>> -> memref<3920xi32, #tpu.memory_space<hbm>>
        %dma_wait3A_104 = arith.constant 0 : i32
        %dma_wait3A_105 = tpu.memref_slice %arg2[%dma_wait3A_104] : memref<1000000xi32, #tpu.memory_space<hbm>> -> memref<3920xi32, #tpu.memory_space<hbm>>
        tpu.wait_dma2 semaphore(%arg27 : memref<!tpu.dma_semaphore, #tpu.memory_space<semaphore_mem>>) src(%dma_wait3A_105 : memref<3920xi32, #tpu.memory_space<hbm>>) dst(%arg11 : memref<3920xi32, #tpu.memory_space<vmem>>)
        %dma_start3A_106 = arith.constant 0 : i32
        %dma_start3A_107 = arith.constant 0 : i32
        %dma_start3A_108 = tpu.memref_slice %arg3[%dma_start3A_106, %dma_start3A_107] : memref<200000x8xf32, #tpu.memory_space<hbm>> -> memref<200000x8xf32, #tpu.memory_space<hbm>>
        tpu.enqueue_indirect_dma source(%dma_start3A_108 : memref<200000x8xf32, #tpu.memory_space<hbm>>) target(%arg13 : memref<3920x8xf32, #tpu.memory_space<vmem>>) offsets(%arg11 : memref<3920xi32, #tpu.memory_space<vmem>>) semaphore(%arg29 : memref<!tpu.dma_semaphore, #tpu.memory_space<semaphore_mem>>)
      } else {
      }
      %dma_wait3A = arith.constant 0 : i32
      %dma_wait3A_60 = arith.constant 0 : i32
      %dma_wait3A_61 = tpu.memref_slice %arg3[%dma_wait3A, %dma_wait3A_60] : memref<200000x8xf32, #tpu.memory_space<hbm>> -> memref<200000x8xf32, #tpu.memory_space<hbm>>
      tpu.wait_indirect_dma semaphore(%arg28 : memref<!tpu.dma_semaphore, #tpu.memory_space<semaphore_mem>>) src(%dma_wait3A_61 : memref<200000x8xf32, #tpu.memory_space<hbm>>) dst(%arg12 : memref<3920x8xf32, #tpu.memory_space<vmem>>)
      %lt3A_62 = arith.constant 255 : i32
      %lt3A_63 = arith.cmpi slt, %add3A_52, %lt3A_62 : i32
      %convert_element_type3A_64 = arith.extui %lt3A_63 : i1 to i32
      %cond3A_65 = arith.constant 0 : i32
      %cond3A_66 = arith.cmpi ne, %convert_element_type3A_64, %cond3A_65 : i32
      scf.if %cond3A_66 {
        %mul3A_102 = arith.constant 3920 : i32
        %mul3A_103 = arith.muli %add3A_52, %mul3A_102 : i32
        %dma_start3A_104 = tpu.memref_slice %arg2[%mul3A_103] : memref<1000000xi32, #tpu.memory_space<hbm>> -> memref<3920xi32, #tpu.memory_space<hbm>>
        %dma_start3A_105 = tpu.memref_slice %arg2[%mul3A_103] : memref<1000000xi32, #tpu.memory_space<hbm>> -> memref<3920xi32, #tpu.memory_space<hbm>>
        tpu.enqueue_dma source(%dma_start3A_105 : memref<3920xi32, #tpu.memory_space<hbm>>) target(%arg10 : memref<3920xi32, #tpu.memory_space<vmem>>) target_semaphore(%arg26 : memref<!tpu.dma_semaphore, #tpu.memory_space<semaphore_mem>>)
      } else {
      }
      %gt3A = arith.cmpi sgt, %add3A_48, %add3A : i32
      %convert_element_type3A_67 = arith.extui %gt3A : i1 to i32
      %cond3A_68 = arith.constant 0 : i32
      %cond3A_69 = arith.cmpi ne, %convert_element_type3A_67, %cond3A_68 : i32
      scf.if %cond3A_69 {
        %dma_wait3A_102 = arith.constant 0 : i32
        %dma_wait3A_103 = tpu.memref_slice %arg4[%dma_wait3A_102] : memref<1000000xf32, #tpu.memory_space<hbm>> -> memref<3920xf32, #tpu.memory_space<hbm>>
        %dma_wait3A_104 = arith.constant 0 : i32
        %dma_wait3A_105 = tpu.memref_slice %arg4[%dma_wait3A_104] : memref<1000000xf32, #tpu.memory_space<hbm>> -> memref<3920xf32, #tpu.memory_space<hbm>>
        tpu.wait_dma2 semaphore(%arg30 : memref<!tpu.dma_semaphore, #tpu.memory_space<semaphore_mem>>) src(%arg14 : memref<3920xf32, #tpu.memory_space<vmem>>) dst(%dma_wait3A_105 : memref<3920xf32, #tpu.memory_space<hbm>>)
        %dma_wait3A_106 = arith.constant 0 : i32
        %dma_wait3A_107 = tpu.memref_slice %arg5[%dma_wait3A_106] : memref<1000000xf32, #tpu.memory_space<hbm>> -> memref<3920xf32, #tpu.memory_space<hbm>>
        %dma_wait3A_108 = arith.constant 0 : i32
        %dma_wait3A_109 = tpu.memref_slice %arg5[%dma_wait3A_108] : memref<1000000xf32, #tpu.memory_space<hbm>> -> memref<3920xf32, #tpu.memory_space<hbm>>
        tpu.wait_dma2 semaphore(%arg30 : memref<!tpu.dma_semaphore, #tpu.memory_space<semaphore_mem>>) src(%arg15 : memref<3920xf32, #tpu.memory_space<vmem>>) dst(%dma_wait3A_109 : memref<3920xf32, #tpu.memory_space<hbm>>)
        %dma_wait3A_110 = arith.constant 0 : i32
        %dma_wait3A_111 = tpu.memref_slice %arg6[%dma_wait3A_110] : memref<1000000xf32, #tpu.memory_space<hbm>> -> memref<3920xf32, #tpu.memory_space<hbm>>
        %dma_wait3A_112 = arith.constant 0 : i32
        %dma_wait3A_113 = tpu.memref_slice %arg6[%dma_wait3A_112] : memref<1000000xf32, #tpu.memory_space<hbm>> -> memref<3920xf32, #tpu.memory_space<hbm>>
        tpu.wait_dma2 semaphore(%arg30 : memref<!tpu.dma_semaphore, #tpu.memory_space<semaphore_mem>>) src(%arg16 : memref<3920xf32, #tpu.memory_space<vmem>>) dst(%dma_wait3A_113 : memref<3920xf32, #tpu.memory_space<hbm>>)
        %dma_wait3A_114 = arith.constant 0 : i32
        %dma_wait3A_115 = tpu.memref_slice %arg7[%dma_wait3A_114] : memref<1000000xf32, #tpu.memory_space<hbm>> -> memref<3920xf32, #tpu.memory_space<hbm>>
        %dma_wait3A_116 = arith.constant 0 : i32
        %dma_wait3A_117 = tpu.memref_slice %arg7[%dma_wait3A_116] : memref<1000000xf32, #tpu.memory_space<hbm>> -> memref<3920xf32, #tpu.memory_space<hbm>>
        tpu.wait_dma2 semaphore(%arg30 : memref<!tpu.dma_semaphore, #tpu.memory_space<semaphore_mem>>) src(%arg17 : memref<3920xf32, #tpu.memory_space<vmem>>) dst(%dma_wait3A_117 : memref<3920xf32, #tpu.memory_space<hbm>>)
        %dma_wait3A_118 = arith.constant 0 : i32
        %dma_wait3A_119 = tpu.memref_slice %arg8[%dma_wait3A_118] : memref<1000000xf32, #tpu.memory_space<hbm>> -> memref<3920xf32, #tpu.memory_space<hbm>>
        %dma_wait3A_120 = arith.constant 0 : i32
        %dma_wait3A_121 = tpu.memref_slice %arg8[%dma_wait3A_120] : memref<1000000xf32, #tpu.memory_space<hbm>> -> memref<3920xf32, #tpu.memory_space<hbm>>
        tpu.wait_dma2 semaphore(%arg30 : memref<!tpu.dma_semaphore, #tpu.memory_space<semaphore_mem>>) src(%arg18 : memref<3920xf32, #tpu.memory_space<vmem>>) dst(%dma_wait3A_121 : memref<3920xf32, #tpu.memory_space<hbm>>)
        %dma_wait3A_122 = arith.constant 0 : i32
        %dma_wait3A_123 = tpu.memref_slice %arg9[%dma_wait3A_122] : memref<1000000xf32, #tpu.memory_space<hbm>> -> memref<3920xf32, #tpu.memory_space<hbm>>
        %dma_wait3A_124 = arith.constant 0 : i32
        %dma_wait3A_125 = tpu.memref_slice %arg9[%dma_wait3A_124] : memref<1000000xf32, #tpu.memory_space<hbm>> -> memref<3920xf32, #tpu.memory_space<hbm>>
        tpu.wait_dma2 semaphore(%arg30 : memref<!tpu.dma_semaphore, #tpu.memory_space<semaphore_mem>>) src(%arg19 : memref<3920xf32, #tpu.memory_space<vmem>>) dst(%dma_wait3A_125 : memref<3920xf32, #tpu.memory_space<hbm>>)
      } else {
      }
      %scan3A = arith.constant 0 : i32
      %scan3A_70 = arith.constant 245 : i32
      %scan3A_71 = arith.addi %scan3A, %scan3A_70 : i32
      %scan3A_72 = arith.constant 1 : i32
      scf.for %scan3A_102 = %scan3A to %scan3A_71 step %scan3A_72  : i32 {
        %mul3A_103 = arith.constant 1 : i32
        %mul3A_104 = arith.muli %scan3A_102, %mul3A_103 : i32
        %add3A_105 = arith.constant 0 : i32
        %add3A_106 = arith.addi %add3A_105, %mul3A_104 : i32
        %mul3A_107 = arith.constant 16 : i32
        %mul3A_108 = arith.muli %add3A_106, %mul3A_107 : i32
        %add3A_109 = vector.broadcast %mul3A_108 : i32 to vector<16xi32>
        %add3A_110 = arith.addi %iota3A, %add3A_109 : vector<16xi32>
        %broadcast_in_dim3A = arith.constant 0 : i32
        %broadcast_in_dim3A_111 = vector.broadcast %broadcast_in_dim3A : i32 to vector<16xi32>
        %mul3A_112 = arith.constant 16 : i32
        %mul3A_113 = arith.muli %add3A_106, %mul3A_112 : i32
        %gather3A = tpu.vector_load_idx %arg12[%add3A_110, %broadcast_in_dim3A_111] : memref<3920x8xf32, #tpu.memory_space<vmem>>[vector<16xi32>, vector<16xi32>], vector<16xf32>,
        %swap3A = arith.index_cast %mul3A_113 : i32 to index
        %swap3A_114 = tpu.vector_load %arg14[%swap3A] {strides = array<i32>} : memref<3920xf32, #tpu.memory_space<vmem>>, vector<16xf32>,
        tpu.vector_store %arg14[%swap3A], %gather3A {strides = array<i32>} : memref<3920xf32, #tpu.memory_space<vmem>>, vector<16xf32>,
        %add3A_115 = arith.constant 1 : i32
        %add3A_116 = vector.broadcast %add3A_115 : i32 to vector<16xi32>
        %add3A_117 = arith.addi %broadcast_in_dim3A_111, %add3A_116 : vector<16xi32>
        %gather3A_118 = tpu.vector_load_idx %arg12[%add3A_110, %add3A_117] : memref<3920x8xf32, #tpu.memory_space<vmem>>[vector<16xi32>, vector<16xi32>], vector<16xf32>,
        %swap3A_119 = arith.index_cast %mul3A_113 : i32 to index
        %swap3A_120 = tpu.vector_load %arg15[%swap3A_119] {strides = array<i32>} : memref<3920xf32, #tpu.memory_space<vmem>>, vector<16xf32>,
        tpu.vector_store %arg15[%swap3A_119], %gather3A_118 {strides = array<i32>} : memref<3920xf32, #tpu.memory_space<vmem>>, vector<16xf32>,
        %add3A_121 = arith.constant 2 : i32
        %add3A_122 = vector.broadcast %add3A_121 : i32 to vector<16xi32>
        %add3A_123 = arith.addi %broadcast_in_dim3A_111, %add3A_122 : vector<16xi32>
        %gather3A_124 = tpu.vector_load_idx %arg12[%add3A_110, %add3A_123] : memref<3920x8xf32, #tpu.memory_space<vmem>>[vector<16xi32>, vector<16xi32>], vector<16xf32>,
        %swap3A_125 = arith.index_cast %mul3A_113 : i32 to index
        %swap3A_126 = tpu.vector_load %arg16[%swap3A_125] {strides = array<i32>} : memref<3920xf32, #tpu.memory_space<vmem>>, vector<16xf32>,
        tpu.vector_store %arg16[%swap3A_125], %gather3A_124 {strides = array<i32>} : memref<3920xf32, #tpu.memory_space<vmem>>, vector<16xf32>,
        %add3A_127 = arith.constant 3 : i32
        %add3A_128 = vector.broadcast %add3A_127 : i32 to vector<16xi32>
        %add3A_129 = arith.addi %broadcast_in_dim3A_111, %add3A_128 : vector<16xi32>
        %gather3A_130 = tpu.vector_load_idx %arg12[%add3A_110, %add3A_129] : memref<3920x8xf32, #tpu.memory_space<vmem>>[vector<16xi32>, vector<16xi32>], vector<16xf32>,
        %swap3A_131 = arith.index_cast %mul3A_113 : i32 to index
        %swap3A_132 = tpu.vector_load %arg17[%swap3A_131] {strides = array<i32>} : memref<3920xf32, #tpu.memory_space<vmem>>, vector<16xf32>,
        tpu.vector_store %arg17[%swap3A_131], %gather3A_130 {strides = array<i32>} : memref<3920xf32, #tpu.memory_space<vmem>>, vector<16xf32>,
        %add3A_133 = arith.constant 4 : i32
        %add3A_134 = vector.broadcast %add3A_133 : i32 to vector<16xi32>
        %add3A_135 = arith.addi %broadcast_in_dim3A_111, %add3A_134 : vector<16xi32>
        %gather3A_136 = tpu.vector_load_idx %arg12[%add3A_110, %add3A_135] : memref<3920x8xf32, #tpu.memory_space<vmem>>[vector<16xi32>, vector<16xi32>], vector<16xf32>,
        %swap3A_137 = arith.index_cast %mul3A_113 : i32 to index
        %swap3A_138 = tpu.vector_load %arg18[%swap3A_137] {strides = array<i32>} : memref<3920xf32, #tpu.memory_space<vmem>>, vector<16xf32>,
        tpu.vector_store %arg18[%swap3A_137], %gather3A_136 {strides = array<i32>} : memref<3920xf32, #tpu.memory_space<vmem>>, vector<16xf32>,
        %add3A_139 = arith.constant 5 : i32
        %add3A_140 = vector.broadcast %add3A_139 : i32 to vector<16xi32>
        %add3A_141 = arith.addi %broadcast_in_dim3A_111, %add3A_140 : vector<16xi32>
        %gather3A_142 = tpu.vector_load_idx %arg12[%add3A_110, %add3A_141] : memref<3920x8xf32, #tpu.memory_space<vmem>>[vector<16xi32>, vector<16xi32>], vector<16xf32>,
        %swap3A_143 = arith.index_cast %mul3A_113 : i32 to index
        %swap3A_144 = tpu.vector_load %arg19[%swap3A_143] {strides = array<i32>} : memref<3920xf32, #tpu.memory_space<vmem>>, vector<16xf32>,
        tpu.vector_store %arg19[%swap3A_143], %gather3A_142 {strides = array<i32>} : memref<3920xf32, #tpu.memory_space<vmem>>, vector<16xf32>,
      }
      %scan3A_73 = arith.constant 245 : i32
      %mul3A_74 = arith.constant 3920 : i32
      %mul3A_75 = arith.muli %add3A_48, %mul3A_74 : i32
      %dma_start3A = tpu.memref_slice %arg4[%mul3A_75] : memref<1000000xf32, #tpu.memory_space<hbm>> -> memref<3920xf32, #tpu.memory_space<hbm>>
      %dma_start3A_76 = tpu.memref_slice %arg4[%mul3A_75] : memref<1000000xf32, #tpu.memory_space<hbm>> -> memref<3920xf32, #tpu.memory_space<hbm>>
      tpu.enqueue_dma source(%arg14 : memref<3920xf32, #tpu.memory_space<vmem>>) target(%dma_start3A_76 : memref<3920xf32, #tpu.memory_space<hbm>>) target_semaphore(%arg30 : memref<!tpu.dma_semaphore, #tpu.memory_space<semaphore_mem>>)
      %mul3A_77 = arith.constant 3920 : i32
      %mul3A_78 = arith.muli %add3A_48, %mul3A_77 : i32
      %dma_start3A_79 = tpu.memref_slice %arg5[%mul3A_78] : memref<1000000xf32, #tpu.memory_space<hbm>> -> memref<3920xf32, #tpu.memory_space<hbm>>
      %dma_start3A_80 = tpu.memref_slice %arg5[%mul3A_78] : memref<1000000xf32, #tpu.memory_space<hbm>> -> memref<3920xf32, #tpu.memory_space<hbm>>
      tpu.enqueue_dma source(%arg15 : memref<3920xf32, #tpu.memory_space<vmem>>) target(%dma_start3A_80 : memref<3920xf32, #tpu.memory_space<hbm>>) target_semaphore(%arg30 : memref<!tpu.dma_semaphore, #tpu.memory_space<semaphore_mem>>)
      %mul3A_81 = arith.constant 3920 : i32
      %mul3A_82 = arith.muli %add3A_48, %mul3A_81 : i32
      %dma_start3A_83 = tpu.memref_slice %arg6[%mul3A_82] : memref<1000000xf32, #tpu.memory_space<hbm>> -> memref<3920xf32, #tpu.memory_space<hbm>>
      %dma_start3A_84 = tpu.memref_slice %arg6[%mul3A_82] : memref<1000000xf32, #tpu.memory_space<hbm>> -> memref<3920xf32, #tpu.memory_space<hbm>>
      tpu.enqueue_dma source(%arg16 : memref<3920xf32, #tpu.memory_space<vmem>>) target(%dma_start3A_84 : memref<3920xf32, #tpu.memory_space<hbm>>) target_semaphore(%arg30 : memref<!tpu.dma_semaphore, #tpu.memory_space<semaphore_mem>>)
      %mul3A_85 = arith.constant 3920 : i32
      %mul3A_86 = arith.muli %add3A_48, %mul3A_85 : i32
      %dma_start3A_87 = tpu.memref_slice %arg7[%mul3A_86] : memref<1000000xf32, #tpu.memory_space<hbm>> -> memref<3920xf32, #tpu.memory_space<hbm>>
      %dma_start3A_88 = tpu.memref_slice %arg7[%mul3A_86] : memref<1000000xf32, #tpu.memory_space<hbm>> -> memref<3920xf32, #tpu.memory_space<hbm>>
      tpu.enqueue_dma source(%arg17 : memref<3920xf32, #tpu.memory_space<vmem>>) target(%dma_start3A_88 : memref<3920xf32, #tpu.memory_space<hbm>>) target_semaphore(%arg30 : memref<!tpu.dma_semaphore, #tpu.memory_space<semaphore_mem>>)
      %mul3A_89 = arith.constant 3920 : i32
      %mul3A_90 = arith.muli %add3A_48, %mul3A_89 : i32
      %dma_start3A_91 = tpu.memref_slice %arg8[%mul3A_90] : memref<1000000xf32, #tpu.memory_space<hbm>> -> memref<3920xf32, #tpu.memory_space<hbm>>
      %dma_start3A_92 = tpu.memref_slice %arg8[%mul3A_90] : memref<1000000xf32, #tpu.memory_space<hbm>> -> memref<3920xf32, #tpu.memory_space<hbm>>
      tpu.enqueue_dma source(%arg18 : memref<3920xf32, #tpu.memory_space<vmem>>) target(%dma_start3A_92 : memref<3920xf32, #tpu.memory_space<hbm>>) target_semaphore(%arg30 : memref<!tpu.dma_semaphore, #tpu.memory_space<semaphore_mem>>)
      %mul3A_93 = arith.constant 3920 : i32
      %mul3A_94 = arith.muli %add3A_48, %mul3A_93 : i32
      %dma_start3A_95 = tpu.memref_slice %arg9[%mul3A_94] : memref<1000000xf32, #tpu.memory_space<hbm>> -> memref<3920xf32, #tpu.memory_space<hbm>>
      %dma_start3A_96 = tpu.memref_slice %arg9[%mul3A_94] : memref<1000000xf32, #tpu.memory_space<hbm>> -> memref<3920xf32, #tpu.memory_space<hbm>>
      tpu.enqueue_dma source(%arg19 : memref<3920xf32, #tpu.memory_space<vmem>>) target(%dma_start3A_96 : memref<3920xf32, #tpu.memory_space<hbm>>) target_semaphore(%arg30 : memref<!tpu.dma_semaphore, #tpu.memory_space<semaphore_mem>>)
      %lt3A_97 = arith.constant 255 : i32
      %lt3A_98 = arith.cmpi slt, %add3A_50, %lt3A_97 : i32
      %convert_element_type3A_99 = arith.extui %lt3A_98 : i1 to i32
      %cond3A_100 = arith.constant 0 : i32
      %cond3A_101 = arith.cmpi ne, %convert_element_type3A_99, %cond3A_100 : i32
      scf.if %cond3A_101 {
        %lt3A_102 = arith.constant 255 : i32
        %lt3A_103 = arith.cmpi slt, %add3A_52, %lt3A_102 : i32
        %convert_element_type3A_104 = arith.extui %lt3A_103 : i1 to i32
        %cond3A_105 = arith.constant 0 : i32
        %cond3A_106 = arith.cmpi ne, %convert_element_type3A_104, %cond3A_105 : i32
        scf.if %cond3A_106 {
          %dma_wait3A_150 = arith.constant 0 : i32
          %dma_wait3A_151 = tpu.memref_slice %arg2[%dma_wait3A_150] : memref<1000000xi32, #tpu.memory_space<hbm>> -> memref<3920xi32, #tpu.memory_space<hbm>>
          %dma_wait3A_152 = arith.constant 0 : i32
          %dma_wait3A_153 = tpu.memref_slice %arg2[%dma_wait3A_152] : memref<1000000xi32, #tpu.memory_space<hbm>> -> memref<3920xi32, #tpu.memory_space<hbm>>
          tpu.wait_dma2 semaphore(%arg26 : memref<!tpu.dma_semaphore, #tpu.memory_space<semaphore_mem>>) src(%dma_wait3A_153 : memref<3920xi32, #tpu.memory_space<hbm>>) dst(%arg10 : memref<3920xi32, #tpu.memory_space<vmem>>)
          %dma_start3A_154 = arith.constant 0 : i32
          %dma_start3A_155 = arith.constant 0 : i32
          %dma_start3A_156 = tpu.memref_slice %arg3[%dma_start3A_154, %dma_start3A_155] : memref<200000x8xf32, #tpu.memory_space<hbm>> -> memref<200000x8xf32, #tpu.memory_space<hbm>>
          tpu.enqueue_indirect_dma source(%dma_start3A_156 : memref<200000x8xf32, #tpu.memory_space<hbm>>) target(%arg12 : memref<3920x8xf32, #tpu.memory_space<vmem>>) offsets(%arg10 : memref<3920xi32, #tpu.memory_space<vmem>>) semaphore(%arg28 : memref<!tpu.dma_semaphore, #tpu.memory_space<semaphore_mem>>)
        } else {
        }
        %dma_wait3A_107 = arith.constant 0 : i32
        %dma_wait3A_108 = arith.constant 0 : i32
        %dma_wait3A_109 = tpu.memref_slice %arg3[%dma_wait3A_107, %dma_wait3A_108] : memref<200000x8xf32, #tpu.memory_space<hbm>> -> memref<200000x8xf32, #tpu.memory_space<hbm>>
        tpu.wait_indirect_dma semaphore(%arg29 : memref<!tpu.dma_semaphore, #tpu.memory_space<semaphore_mem>>) src(%dma_wait3A_109 : memref<200000x8xf32, #tpu.memory_space<hbm>>) dst(%arg13 : memref<3920x8xf32, #tpu.memory_space<vmem>>)
        %lt3A_110 = arith.constant 255 : i32
        %lt3A_111 = arith.cmpi slt, %add3A_54, %lt3A_110 : i32
        %convert_element_type3A_112 = arith.extui %lt3A_111 : i1 to i32
        %cond3A_113 = arith.constant 0 : i32
        %cond3A_114 = arith.cmpi ne, %convert_element_type3A_112, %cond3A_113 : i32
        scf.if %cond3A_114 {
          %mul3A_150 = arith.constant 3920 : i32
          %mul3A_151 = arith.muli %add3A_54, %mul3A_150 : i32
          %dma_start3A_152 = tpu.memref_slice %arg2[%mul3A_151] : memref<1000000xi32, #tpu.memory_space<hbm>> -> memref<3920xi32, #tpu.memory_space<hbm>>
          %dma_start3A_153 = tpu.memref_slice %arg2[%mul3A_151] : memref<1000000xi32, #tpu.memory_space<hbm>> -> memref<3920xi32, #tpu.memory_space<hbm>>
          tpu.enqueue_dma source(%dma_start3A_153 : memref<3920xi32, #tpu.memory_space<hbm>>) target(%arg11 : memref<3920xi32, #tpu.memory_space<vmem>>) target_semaphore(%arg27 : memref<!tpu.dma_semaphore, #tpu.memory_space<semaphore_mem>>)
        } else {
        }
        %add3A_115 = arith.constant 32 : i32
        %add3A_116 = arith.addi %add3A, %add3A_115 : i32
        %gt3A_117 = arith.cmpi sgt, %add3A_50, %add3A_116 : i32
        %convert_element_type3A_118 = arith.extui %gt3A_117 : i1 to i32
        %cond3A_119 = arith.constant 0 : i32
        %cond3A_120 = arith.cmpi ne, %convert_element_type3A_118, %cond3A_119 : i32
        scf.if %cond3A_120 {
          %dma_wait3A_150 = arith.constant 0 : i32
          %dma_wait3A_151 = tpu.memref_slice %arg4[%dma_wait3A_150] : memref<1000000xf32, #tpu.memory_space<hbm>> -> memref<3920xf32, #tpu.memory_space<hbm>>
          %dma_wait3A_152 = arith.constant 0 : i32
          %dma_wait3A_153 = tpu.memref_slice %arg4[%dma_wait3A_152] : memref<1000000xf32, #tpu.memory_space<hbm>> -> memref<3920xf32, #tpu.memory_space<hbm>>
          tpu.wait_dma2 semaphore(%arg31 : memref<!tpu.dma_semaphore, #tpu.memory_space<semaphore_mem>>) src(%arg20 : memref<3920xf32, #tpu.memory_space<vmem>>) dst(%dma_wait3A_153 : memref<3920xf32, #tpu.memory_space<hbm>>)
          %dma_wait3A_154 = arith.constant 0 : i32
          %dma_wait3A_155 = tpu.memref_slice %arg5[%dma_wait3A_154] : memref<1000000xf32, #tpu.memory_space<hbm>> -> memref<3920xf32, #tpu.memory_space<hbm>>
          %dma_wait3A_156 = arith.constant 0 : i32
          %dma_wait3A_157 = tpu.memref_slice %arg5[%dma_wait3A_156] : memref<1000000xf32, #tpu.memory_space<hbm>> -> memref<3920xf32, #tpu.memory_space<hbm>>
          tpu.wait_dma2 semaphore(%arg31 : memref<!tpu.dma_semaphore, #tpu.memory_space<semaphore_mem>>) src(%arg21 : memref<3920xf32, #tpu.memory_space<vmem>>) dst(%dma_wait3A_157 : memref<3920xf32, #tpu.memory_space<hbm>>)
          %dma_wait3A_158 = arith.constant 0 : i32
          %dma_wait3A_159 = tpu.memref_slice %arg6[%dma_wait3A_158] : memref<1000000xf32, #tpu.memory_space<hbm>> -> memref<3920xf32, #tpu.memory_space<hbm>>
          %dma_wait3A_160 = arith.constant 0 : i32
          %dma_wait3A_161 = tpu.memref_slice %arg6[%dma_wait3A_160] : memref<1000000xf32, #tpu.memory_space<hbm>> -> memref<3920xf32, #tpu.memory_space<hbm>>
          tpu.wait_dma2 semaphore(%arg31 : memref<!tpu.dma_semaphore, #tpu.memory_space<semaphore_mem>>) src(%arg22 : memref<3920xf32, #tpu.memory_space<vmem>>) dst(%dma_wait3A_161 : memref<3920xf32, #tpu.memory_space<hbm>>)
          %dma_wait3A_162 = arith.constant 0 : i32
          %dma_wait3A_163 = tpu.memref_slice %arg7[%dma_wait3A_162] : memref<1000000xf32, #tpu.memory_space<hbm>> -> memref<3920xf32, #tpu.memory_space<hbm>>
          %dma_wait3A_164 = arith.constant 0 : i32
          %dma_wait3A_165 = tpu.memref_slice %arg7[%dma_wait3A_164] : memref<1000000xf32, #tpu.memory_space<hbm>> -> memref<3920xf32, #tpu.memory_space<hbm>>
          tpu.wait_dma2 semaphore(%arg31 : memref<!tpu.dma_semaphore, #tpu.memory_space<semaphore_mem>>) src(%arg23 : memref<3920xf32, #tpu.memory_space<vmem>>) dst(%dma_wait3A_165 : memref<3920xf32, #tpu.memory_space<hbm>>)
          %dma_wait3A_166 = arith.constant 0 : i32
          %dma_wait3A_167 = tpu.memref_slice %arg8[%dma_wait3A_166] : memref<1000000xf32, #tpu.memory_space<hbm>> -> memref<3920xf32, #tpu.memory_space<hbm>>
          %dma_wait3A_168 = arith.constant 0 : i32
          %dma_wait3A_169 = tpu.memref_slice %arg8[%dma_wait3A_168] : memref<1000000xf32, #tpu.memory_space<hbm>> -> memref<3920xf32, #tpu.memory_space<hbm>>
          tpu.wait_dma2 semaphore(%arg31 : memref<!tpu.dma_semaphore, #tpu.memory_space<semaphore_mem>>) src(%arg24 : memref<3920xf32, #tpu.memory_space<vmem>>) dst(%dma_wait3A_169 : memref<3920xf32, #tpu.memory_space<hbm>>)
          %dma_wait3A_170 = arith.constant 0 : i32
          %dma_wait3A_171 = tpu.memref_slice %arg9[%dma_wait3A_170] : memref<1000000xf32, #tpu.memory_space<hbm>> -> memref<3920xf32, #tpu.memory_space<hbm>>
          %dma_wait3A_172 = arith.constant 0 : i32
          %dma_wait3A_173 = tpu.memref_slice %arg9[%dma_wait3A_172] : memref<1000000xf32, #tpu.memory_space<hbm>> -> memref<3920xf32, #tpu.memory_space<hbm>>
          tpu.wait_dma2 semaphore(%arg31 : memref<!tpu.dma_semaphore, #tpu.memory_space<semaphore_mem>>) src(%arg25 : memref<3920xf32, #tpu.memory_space<vmem>>) dst(%dma_wait3A_173 : memref<3920xf32, #tpu.memory_space<hbm>>)
        } else {
        }
        %scan3A_121 = arith.constant 0 : i32
        %scan3A_122 = arith.constant 245 : i32
        %scan3A_123 = arith.addi %scan3A_121, %scan3A_122 : i32
        %scan3A_124 = arith.constant 1 : i32
        scf.for %scan3A_150 = %scan3A_121 to %scan3A_123 step %scan3A_124  : i32 {
          %mul3A_151 = arith.constant 1 : i32
          %mul3A_152 = arith.muli %scan3A_150, %mul3A_151 : i32
          %add3A_153 = arith.constant 0 : i32
          %add3A_154 = arith.addi %add3A_153, %mul3A_152 : i32
          %mul3A_155 = arith.constant 16 : i32
          %mul3A_156 = arith.muli %add3A_154, %mul3A_155 : i32
          %add3A_157 = vector.broadcast %mul3A_156 : i32 to vector<16xi32>
          %add3A_158 = arith.addi %iota3A, %add3A_157 : vector<16xi32>
          %broadcast_in_dim3A = arith.constant 0 : i32
          %broadcast_in_dim3A_159 = vector.broadcast %broadcast_in_dim3A : i32 to vector<16xi32>
          %mul3A_160 = arith.constant 16 : i32
          %mul3A_161 = arith.muli %add3A_154, %mul3A_160 : i32
          %gather3A = tpu.vector_load_idx %arg13[%add3A_158, %broadcast_in_dim3A_159] : memref<3920x8xf32, #tpu.memory_space<vmem>>[vector<16xi32>, vector<16xi32>], vector<16xf32>,
          %swap3A = arith.index_cast %mul3A_161 : i32 to index
          %swap3A_162 = tpu.vector_load %arg20[%swap3A] {strides = array<i32>} : memref<3920xf32, #tpu.memory_space<vmem>>, vector<16xf32>,
          tpu.vector_store %arg20[%swap3A], %gather3A {strides = array<i32>} : memref<3920xf32, #tpu.memory_space<vmem>>, vector<16xf32>,
          %add3A_163 = arith.constant 1 : i32
          %add3A_164 = vector.broadcast %add3A_163 : i32 to vector<16xi32>
          %add3A_165 = arith.addi %broadcast_in_dim3A_159, %add3A_164 : vector<16xi32>
          %gather3A_166 = tpu.vector_load_idx %arg13[%add3A_158, %add3A_165] : memref<3920x8xf32, #tpu.memory_space<vmem>>[vector<16xi32>, vector<16xi32>], vector<16xf32>,
          %swap3A_167 = arith.index_cast %mul3A_161 : i32 to index
          %swap3A_168 = tpu.vector_load %arg21[%swap3A_167] {strides = array<i32>} : memref<3920xf32, #tpu.memory_space<vmem>>, vector<16xf32>,
          tpu.vector_store %arg21[%swap3A_167], %gather3A_166 {strides = array<i32>} : memref<3920xf32, #tpu.memory_space<vmem>>, vector<16xf32>,
          %add3A_169 = arith.constant 2 : i32
          %add3A_170 = vector.broadcast %add3A_169 : i32 to vector<16xi32>
          %add3A_171 = arith.addi %broadcast_in_dim3A_159, %add3A_170 : vector<16xi32>
          %gather3A_172 = tpu.vector_load_idx %arg13[%add3A_158, %add3A_171] : memref<3920x8xf32, #tpu.memory_space<vmem>>[vector<16xi32>, vector<16xi32>], vector<16xf32>,
          %swap3A_173 = arith.index_cast %mul3A_161 : i32 to index
          %swap3A_174 = tpu.vector_load %arg22[%swap3A_173] {strides = array<i32>} : memref<3920xf32, #tpu.memory_space<vmem>>, vector<16xf32>,
          tpu.vector_store %arg22[%swap3A_173], %gather3A_172 {strides = array<i32>} : memref<3920xf32, #tpu.memory_space<vmem>>, vector<16xf32>,
          %add3A_175 = arith.constant 3 : i32
          %add3A_176 = vector.broadcast %add3A_175 : i32 to vector<16xi32>
          %add3A_177 = arith.addi %broadcast_in_dim3A_159, %add3A_176 : vector<16xi32>
          %gather3A_178 = tpu.vector_load_idx %arg13[%add3A_158, %add3A_177] : memref<3920x8xf32, #tpu.memory_space<vmem>>[vector<16xi32>, vector<16xi32>], vector<16xf32>,
          %swap3A_179 = arith.index_cast %mul3A_161 : i32 to index
          %swap3A_180 = tpu.vector_load %arg23[%swap3A_179] {strides = array<i32>} : memref<3920xf32, #tpu.memory_space<vmem>>, vector<16xf32>,
          tpu.vector_store %arg23[%swap3A_179], %gather3A_178 {strides = array<i32>} : memref<3920xf32, #tpu.memory_space<vmem>>, vector<16xf32>,
          %add3A_181 = arith.constant 4 : i32
          %add3A_182 = vector.broadcast %add3A_181 : i32 to vector<16xi32>
          %add3A_183 = arith.addi %broadcast_in_dim3A_159, %add3A_182 : vector<16xi32>
          %gather3A_184 = tpu.vector_load_idx %arg13[%add3A_158, %add3A_183] : memref<3920x8xf32, #tpu.memory_space<vmem>>[vector<16xi32>, vector<16xi32>], vector<16xf32>,
          %swap3A_185 = arith.index_cast %mul3A_161 : i32 to index
          %swap3A_186 = tpu.vector_load %arg24[%swap3A_185] {strides = array<i32>} : memref<3920xf32, #tpu.memory_space<vmem>>, vector<16xf32>,
          tpu.vector_store %arg24[%swap3A_185], %gather3A_184 {strides = array<i32>} : memref<3920xf32, #tpu.memory_space<vmem>>, vector<16xf32>,
          %add3A_187 = arith.constant 5 : i32
          %add3A_188 = vector.broadcast %add3A_187 : i32 to vector<16xi32>
          %add3A_189 = arith.addi %broadcast_in_dim3A_159, %add3A_188 : vector<16xi32>
          %gather3A_190 = tpu.vector_load_idx %arg13[%add3A_158, %add3A_189] : memref<3920x8xf32, #tpu.memory_space<vmem>>[vector<16xi32>, vector<16xi32>], vector<16xf32>,
          %swap3A_191 = arith.index_cast %mul3A_161 : i32 to index
          %swap3A_192 = tpu.vector_load %arg25[%swap3A_191] {strides = array<i32>} : memref<3920xf32, #tpu.memory_space<vmem>>, vector<16xf32>,
          tpu.vector_store %arg25[%swap3A_191], %gather3A_190 {strides = array<i32>} : memref<3920xf32, #tpu.memory_space<vmem>>, vector<16xf32>,
        }
        %scan3A_125 = arith.constant 245 : i32
        %mul3A_126 = arith.constant 3920 : i32
        %mul3A_127 = arith.muli %add3A_50, %mul3A_126 : i32
        %dma_start3A_128 = tpu.memref_slice %arg4[%mul3A_127] : memref<1000000xf32, #tpu.memory_space<hbm>> -> memref<3920xf32, #tpu.memory_space<hbm>>
        %dma_start3A_129 = tpu.memref_slice %arg4[%mul3A_127] : memref<1000000xf32, #tpu.memory_space<hbm>> -> memref<3920xf32, #tpu.memory_space<hbm>>
        tpu.enqueue_dma source(%arg20 : memref<3920xf32, #tpu.memory_space<vmem>>) target(%dma_start3A_129 : memref<3920xf32, #tpu.memory_space<hbm>>) target_semaphore(%arg31 : memref<!tpu.dma_semaphore, #tpu.memory_space<semaphore_mem>>)
        %mul3A_130 = arith.constant 3920 : i32
        %mul3A_131 = arith.muli %add3A_50, %mul3A_130 : i32
        %dma_start3A_132 = tpu.memref_slice %arg5[%mul3A_131] : memref<1000000xf32, #tpu.memory_space<hbm>> -> memref<3920xf32, #tpu.memory_space<hbm>>
        %dma_start3A_133 = tpu.memref_slice %arg5[%mul3A_131] : memref<1000000xf32, #tpu.memory_space<hbm>> -> memref<3920xf32, #tpu.memory_space<hbm>>
        tpu.enqueue_dma source(%arg21 : memref<3920xf32, #tpu.memory_space<vmem>>) target(%dma_start3A_133 : memref<3920xf32, #tpu.memory_space<hbm>>) target_semaphore(%arg31 : memref<!tpu.dma_semaphore, #tpu.memory_space<semaphore_mem>>)
        %mul3A_134 = arith.constant 3920 : i32
        %mul3A_135 = arith.muli %add3A_50, %mul3A_134 : i32
        %dma_start3A_136 = tpu.memref_slice %arg6[%mul3A_135] : memref<1000000xf32, #tpu.memory_space<hbm>> -> memref<3920xf32, #tpu.memory_space<hbm>>
        %dma_start3A_137 = tpu.memref_slice %arg6[%mul3A_135] : memref<1000000xf32, #tpu.memory_space<hbm>> -> memref<3920xf32, #tpu.memory_space<hbm>>
        tpu.enqueue_dma source(%arg22 : memref<3920xf32, #tpu.memory_space<vmem>>) target(%dma_start3A_137 : memref<3920xf32, #tpu.memory_space<hbm>>) target_semaphore(%arg31 : memref<!tpu.dma_semaphore, #tpu.memory_space<semaphore_mem>>)
        %mul3A_138 = arith.constant 3920 : i32
        %mul3A_139 = arith.muli %add3A_50, %mul3A_138 : i32
        %dma_start3A_140 = tpu.memref_slice %arg7[%mul3A_139] : memref<1000000xf32, #tpu.memory_space<hbm>> -> memref<3920xf32, #tpu.memory_space<hbm>>
        %dma_start3A_141 = tpu.memref_slice %arg7[%mul3A_139] : memref<1000000xf32, #tpu.memory_space<hbm>> -> memref<3920xf32, #tpu.memory_space<hbm>>
        tpu.enqueue_dma source(%arg23 : memref<3920xf32, #tpu.memory_space<vmem>>) target(%dma_start3A_141 : memref<3920xf32, #tpu.memory_space<hbm>>) target_semaphore(%arg31 : memref<!tpu.dma_semaphore, #tpu.memory_space<semaphore_mem>>)
        %mul3A_142 = arith.constant 3920 : i32
        %mul3A_143 = arith.muli %add3A_50, %mul3A_142 : i32
        %dma_start3A_144 = tpu.memref_slice %arg8[%mul3A_143] : memref<1000000xf32, #tpu.memory_space<hbm>> -> memref<3920xf32, #tpu.memory_space<hbm>>
        %dma_start3A_145 = tpu.memref_slice %arg8[%mul3A_143] : memref<1000000xf32, #tpu.memory_space<hbm>> -> memref<3920xf32, #tpu.memory_space<hbm>>
        tpu.enqueue_dma source(%arg24 : memref<3920xf32, #tpu.memory_space<vmem>>) target(%dma_start3A_145 : memref<3920xf32, #tpu.memory_space<hbm>>) target_semaphore(%arg31 : memref<!tpu.dma_semaphore, #tpu.memory_space<semaphore_mem>>)
        %mul3A_146 = arith.constant 3920 : i32
        %mul3A_147 = arith.muli %add3A_50, %mul3A_146 : i32
        %dma_start3A_148 = tpu.memref_slice %arg9[%mul3A_147] : memref<1000000xf32, #tpu.memory_space<hbm>> -> memref<3920xf32, #tpu.memory_space<hbm>>
        %dma_start3A_149 = tpu.memref_slice %arg9[%mul3A_147] : memref<1000000xf32, #tpu.memory_space<hbm>> -> memref<3920xf32, #tpu.memory_space<hbm>>
        tpu.enqueue_dma source(%arg25 : memref<3920xf32, #tpu.memory_space<vmem>>) target(%dma_start3A_149 : memref<3920xf32, #tpu.memory_space<hbm>>) target_semaphore(%arg31 : memref<!tpu.dma_semaphore, #tpu.memory_space<semaphore_mem>>)
      } else {
      }
    }
    %while3A_29 = arith.constant 1 : i32
    scf.for %while3A_46 = %while3A_27 to %while3A_23 step %while3A_29  : i32 {
      %mul3A_47 = arith.muli %while3A_46, %while3A : i32
      %add3A_48 = arith.addi %add3A, %mul3A_47 : i32
      %add3A_49 = arith.constant 32 : i32
      %add3A_50 = arith.addi %add3A_48, %add3A_49 : i32
      %add3A_51 = arith.constant 64 : i32
      %add3A_52 = arith.addi %add3A_48, %add3A_51 : i32
      %add3A_53 = arith.constant 96 : i32
      %add3A_54 = arith.addi %add3A_48, %add3A_53 : i32
      %lt3A_55 = arith.constant 255 : i32
      %lt3A_56 = arith.cmpi slt, %add3A_50, %lt3A_55 : i32
      %convert_element_type3A_57 = arith.extui %lt3A_56 : i1 to i32
      %cond3A_58 = arith.constant 0 : i32
      %cond3A_59 = arith.cmpi ne, %convert_element_type3A_57, %cond3A_58 : i32
      scf.if %cond3A_59 {
        %dma_wait3A_102 = arith.constant 0 : i32
        %dma_wait3A_103 = tpu.memref_slice %arg2[%dma_wait3A_102] : memref<1000000xi32, #tpu.memory_space<hbm>> -> memref<3920xi32, #tpu.memory_space<hbm>>
        %dma_wait3A_104 = arith.constant 0 : i32
        %dma_wait3A_105 = tpu.memref_slice %arg2[%dma_wait3A_104] : memref<1000000xi32, #tpu.memory_space<hbm>> -> memref<3920xi32, #tpu.memory_space<hbm>>
        tpu.wait_dma2 semaphore(%arg27 : memref<!tpu.dma_semaphore, #tpu.memory_space<semaphore_mem>>) src(%dma_wait3A_105 : memref<3920xi32, #tpu.memory_space<hbm>>) dst(%arg11 : memref<3920xi32, #tpu.memory_space<vmem>>)
        %dma_start3A_106 = arith.constant 0 : i32
        %dma_start3A_107 = arith.constant 0 : i32
        %dma_start3A_108 = tpu.memref_slice %arg3[%dma_start3A_106, %dma_start3A_107] : memref<200000x8xf32, #tpu.memory_space<hbm>> -> memref<200000x8xf32, #tpu.memory_space<hbm>>
        tpu.enqueue_indirect_dma source(%dma_start3A_108 : memref<200000x8xf32, #tpu.memory_space<hbm>>) target(%arg13 : memref<3920x8xf32, #tpu.memory_space<vmem>>) offsets(%arg11 : memref<3920xi32, #tpu.memory_space<vmem>>) semaphore(%arg29 : memref<!tpu.dma_semaphore, #tpu.memory_space<semaphore_mem>>)
      } else {
      }
      %dma_wait3A = arith.constant 0 : i32
      %dma_wait3A_60 = arith.constant 0 : i32
      %dma_wait3A_61 = tpu.memref_slice %arg3[%dma_wait3A, %dma_wait3A_60] : memref<200000x8xf32, #tpu.memory_space<hbm>> -> memref<200000x8xf32, #tpu.memory_space<hbm>>
      tpu.wait_indirect_dma semaphore(%arg28 : memref<!tpu.dma_semaphore, #tpu.memory_space<semaphore_mem>>) src(%dma_wait3A_61 : memref<200000x8xf32, #tpu.memory_space<hbm>>) dst(%arg12 : memref<3920x8xf32, #tpu.memory_space<vmem>>)
      %lt3A_62 = arith.constant 255 : i32
      %lt3A_63 = arith.cmpi slt, %add3A_52, %lt3A_62 : i32
      %convert_element_type3A_64 = arith.extui %lt3A_63 : i1 to i32
      %cond3A_65 = arith.constant 0 : i32
      %cond3A_66 = arith.cmpi ne, %convert_element_type3A_64, %cond3A_65 : i32
      scf.if %cond3A_66 {
        %mul3A_102 = arith.constant 3920 : i32
        %mul3A_103 = arith.muli %add3A_52, %mul3A_102 : i32
        %dma_start3A_104 = tpu.memref_slice %arg2[%mul3A_103] : memref<1000000xi32, #tpu.memory_space<hbm>> -> memref<3920xi32, #tpu.memory_space<hbm>>
        %dma_start3A_105 = tpu.memref_slice %arg2[%mul3A_103] : memref<1000000xi32, #tpu.memory_space<hbm>> -> memref<3920xi32, #tpu.memory_space<hbm>>
        tpu.enqueue_dma source(%dma_start3A_105 : memref<3920xi32, #tpu.memory_space<hbm>>) target(%arg10 : memref<3920xi32, #tpu.memory_space<vmem>>) target_semaphore(%arg26 : memref<!tpu.dma_semaphore, #tpu.memory_space<semaphore_mem>>)
      } else {
      }
      %gt3A = arith.cmpi sgt, %add3A_48, %add3A : i32
      %convert_element_type3A_67 = arith.extui %gt3A : i1 to i32
      %cond3A_68 = arith.constant 0 : i32
      %cond3A_69 = arith.cmpi ne, %convert_element_type3A_67, %cond3A_68 : i32
      scf.if %cond3A_69 {
        %dma_wait3A_102 = arith.constant 0 : i32
        %dma_wait3A_103 = tpu.memref_slice %arg4[%dma_wait3A_102] : memref<1000000xf32, #tpu.memory_space<hbm>> -> memref<3920xf32, #tpu.memory_space<hbm>>
        %dma_wait3A_104 = arith.constant 0 : i32
        %dma_wait3A_105 = tpu.memref_slice %arg4[%dma_wait3A_104] : memref<1000000xf32, #tpu.memory_space<hbm>> -> memref<3920xf32, #tpu.memory_space<hbm>>
        tpu.wait_dma2 semaphore(%arg30 : memref<!tpu.dma_semaphore, #tpu.memory_space<semaphore_mem>>) src(%arg14 : memref<3920xf32, #tpu.memory_space<vmem>>) dst(%dma_wait3A_105 : memref<3920xf32, #tpu.memory_space<hbm>>)
        %dma_wait3A_106 = arith.constant 0 : i32
        %dma_wait3A_107 = tpu.memref_slice %arg5[%dma_wait3A_106] : memref<1000000xf32, #tpu.memory_space<hbm>> -> memref<3920xf32, #tpu.memory_space<hbm>>
        %dma_wait3A_108 = arith.constant 0 : i32
        %dma_wait3A_109 = tpu.memref_slice %arg5[%dma_wait3A_108] : memref<1000000xf32, #tpu.memory_space<hbm>> -> memref<3920xf32, #tpu.memory_space<hbm>>
        tpu.wait_dma2 semaphore(%arg30 : memref<!tpu.dma_semaphore, #tpu.memory_space<semaphore_mem>>) src(%arg15 : memref<3920xf32, #tpu.memory_space<vmem>>) dst(%dma_wait3A_109 : memref<3920xf32, #tpu.memory_space<hbm>>)
        %dma_wait3A_110 = arith.constant 0 : i32
        %dma_wait3A_111 = tpu.memref_slice %arg6[%dma_wait3A_110] : memref<1000000xf32, #tpu.memory_space<hbm>> -> memref<3920xf32, #tpu.memory_space<hbm>>
        %dma_wait3A_112 = arith.constant 0 : i32
        %dma_wait3A_113 = tpu.memref_slice %arg6[%dma_wait3A_112] : memref<1000000xf32, #tpu.memory_space<hbm>> -> memref<3920xf32, #tpu.memory_space<hbm>>
        tpu.wait_dma2 semaphore(%arg30 : memref<!tpu.dma_semaphore, #tpu.memory_space<semaphore_mem>>) src(%arg16 : memref<3920xf32, #tpu.memory_space<vmem>>) dst(%dma_wait3A_113 : memref<3920xf32, #tpu.memory_space<hbm>>)
        %dma_wait3A_114 = arith.constant 0 : i32
        %dma_wait3A_115 = tpu.memref_slice %arg7[%dma_wait3A_114] : memref<1000000xf32, #tpu.memory_space<hbm>> -> memref<3920xf32, #tpu.memory_space<hbm>>
        %dma_wait3A_116 = arith.constant 0 : i32
        %dma_wait3A_117 = tpu.memref_slice %arg7[%dma_wait3A_116] : memref<1000000xf32, #tpu.memory_space<hbm>> -> memref<3920xf32, #tpu.memory_space<hbm>>
        tpu.wait_dma2 semaphore(%arg30 : memref<!tpu.dma_semaphore, #tpu.memory_space<semaphore_mem>>) src(%arg17 : memref<3920xf32, #tpu.memory_space<vmem>>) dst(%dma_wait3A_117 : memref<3920xf32, #tpu.memory_space<hbm>>)
        %dma_wait3A_118 = arith.constant 0 : i32
        %dma_wait3A_119 = tpu.memref_slice %arg8[%dma_wait3A_118] : memref<1000000xf32, #tpu.memory_space<hbm>> -> memref<3920xf32, #tpu.memory_space<hbm>>
        %dma_wait3A_120 = arith.constant 0 : i32
        %dma_wait3A_121 = tpu.memref_slice %arg8[%dma_wait3A_120] : memref<1000000xf32, #tpu.memory_space<hbm>> -> memref<3920xf32, #tpu.memory_space<hbm>>
        tpu.wait_dma2 semaphore(%arg30 : memref<!tpu.dma_semaphore, #tpu.memory_space<semaphore_mem>>) src(%arg18 : memref<3920xf32, #tpu.memory_space<vmem>>) dst(%dma_wait3A_121 : memref<3920xf32, #tpu.memory_space<hbm>>)
        %dma_wait3A_122 = arith.constant 0 : i32
        %dma_wait3A_123 = tpu.memref_slice %arg9[%dma_wait3A_122] : memref<1000000xf32, #tpu.memory_space<hbm>> -> memref<3920xf32, #tpu.memory_space<hbm>>
        %dma_wait3A_124 = arith.constant 0 : i32
        %dma_wait3A_125 = tpu.memref_slice %arg9[%dma_wait3A_124] : memref<1000000xf32, #tpu.memory_space<hbm>> -> memref<3920xf32, #tpu.memory_space<hbm>>
        tpu.wait_dma2 semaphore(%arg30 : memref<!tpu.dma_semaphore, #tpu.memory_space<semaphore_mem>>) src(%arg19 : memref<3920xf32, #tpu.memory_space<vmem>>) dst(%dma_wait3A_125 : memref<3920xf32, #tpu.memory_space<hbm>>)
      } else {
      }
      %scan3A = arith.constant 0 : i32
      %scan3A_70 = arith.constant 245 : i32
      %scan3A_71 = arith.addi %scan3A, %scan3A_70 : i32
      %scan3A_72 = arith.constant 1 : i32
      scf.for %scan3A_102 = %scan3A to %scan3A_71 step %scan3A_72  : i32 {
        %mul3A_103 = arith.constant 1 : i32
        %mul3A_104 = arith.muli %scan3A_102, %mul3A_103 : i32
        %add3A_105 = arith.constant 0 : i32
        %add3A_106 = arith.addi %add3A_105, %mul3A_104 : i32
        %mul3A_107 = arith.constant 16 : i32
        %mul3A_108 = arith.muli %add3A_106, %mul3A_107 : i32
        %add3A_109 = vector.broadcast %mul3A_108 : i32 to vector<16xi32>
        %add3A_110 = arith.addi %iota3A, %add3A_109 : vector<16xi32>
        %broadcast_in_dim3A = arith.constant 0 : i32
        %broadcast_in_dim3A_111 = vector.broadcast %broadcast_in_dim3A : i32 to vector<16xi32>
        %mul3A_112 = arith.constant 16 : i32
        %mul3A_113 = arith.muli %add3A_106, %mul3A_112 : i32
        %gather3A = tpu.vector_load_idx %arg12[%add3A_110, %broadcast_in_dim3A_111] : memref<3920x8xf32, #tpu.memory_space<vmem>>[vector<16xi32>, vector<16xi32>], vector<16xf32>,
        %swap3A = arith.index_cast %mul3A_113 : i32 to index
        %swap3A_114 = tpu.vector_load %arg14[%swap3A] {strides = array<i32>} : memref<3920xf32, #tpu.memory_space<vmem>>, vector<16xf32>,
        tpu.vector_store %arg14[%swap3A], %gather3A {strides = array<i32>} : memref<3920xf32, #tpu.memory_space<vmem>>, vector<16xf32>,
        %add3A_115 = arith.constant 1 : i32
        %add3A_116 = vector.broadcast %add3A_115 : i32 to vector<16xi32>
        %add3A_117 = arith.addi %broadcast_in_dim3A_111, %add3A_116 : vector<16xi32>
        %gather3A_118 = tpu.vector_load_idx %arg12[%add3A_110, %add3A_117] : memref<3920x8xf32, #tpu.memory_space<vmem>>[vector<16xi32>, vector<16xi32>], vector<16xf32>,
        %swap3A_119 = arith.index_cast %mul3A_113 : i32 to index
        %swap3A_120 = tpu.vector_load %arg15[%swap3A_119] {strides = array<i32>} : memref<3920xf32, #tpu.memory_space<vmem>>, vector<16xf32>,
        tpu.vector_store %arg15[%swap3A_119], %gather3A_118 {strides = array<i32>} : memref<3920xf32, #tpu.memory_space<vmem>>, vector<16xf32>,
        %add3A_121 = arith.constant 2 : i32
        %add3A_122 = vector.broadcast %add3A_121 : i32 to vector<16xi32>
        %add3A_123 = arith.addi %broadcast_in_dim3A_111, %add3A_122 : vector<16xi32>
        %gather3A_124 = tpu.vector_load_idx %arg12[%add3A_110, %add3A_123] : memref<3920x8xf32, #tpu.memory_space<vmem>>[vector<16xi32>, vector<16xi32>], vector<16xf32>,
        %swap3A_125 = arith.index_cast %mul3A_113 : i32 to index
        %swap3A_126 = tpu.vector_load %arg16[%swap3A_125] {strides = array<i32>} : memref<3920xf32, #tpu.memory_space<vmem>>, vector<16xf32>,
        tpu.vector_store %arg16[%swap3A_125], %gather3A_124 {strides = array<i32>} : memref<3920xf32, #tpu.memory_space<vmem>>, vector<16xf32>,
        %add3A_127 = arith.constant 3 : i32
        %add3A_128 = vector.broadcast %add3A_127 : i32 to vector<16xi32>
        %add3A_129 = arith.addi %broadcast_in_dim3A_111, %add3A_128 : vector<16xi32>
        %gather3A_130 = tpu.vector_load_idx %arg12[%add3A_110, %add3A_129] : memref<3920x8xf32, #tpu.memory_space<vmem>>[vector<16xi32>, vector<16xi32>], vector<16xf32>,
        %swap3A_131 = arith.index_cast %mul3A_113 : i32 to index
        %swap3A_132 = tpu.vector_load %arg17[%swap3A_131] {strides = array<i32>} : memref<3920xf32, #tpu.memory_space<vmem>>, vector<16xf32>,
        tpu.vector_store %arg17[%swap3A_131], %gather3A_130 {strides = array<i32>} : memref<3920xf32, #tpu.memory_space<vmem>>, vector<16xf32>,
        %add3A_133 = arith.constant 4 : i32
        %add3A_134 = vector.broadcast %add3A_133 : i32 to vector<16xi32>
        %add3A_135 = arith.addi %broadcast_in_dim3A_111, %add3A_134 : vector<16xi32>
        %gather3A_136 = tpu.vector_load_idx %arg12[%add3A_110, %add3A_135] : memref<3920x8xf32, #tpu.memory_space<vmem>>[vector<16xi32>, vector<16xi32>], vector<16xf32>,
        %swap3A_137 = arith.index_cast %mul3A_113 : i32 to index
        %swap3A_138 = tpu.vector_load %arg18[%swap3A_137] {strides = array<i32>} : memref<3920xf32, #tpu.memory_space<vmem>>, vector<16xf32>,
        tpu.vector_store %arg18[%swap3A_137], %gather3A_136 {strides = array<i32>} : memref<3920xf32, #tpu.memory_space<vmem>>, vector<16xf32>,
        %add3A_139 = arith.constant 5 : i32
        %add3A_140 = vector.broadcast %add3A_139 : i32 to vector<16xi32>
        %add3A_141 = arith.addi %broadcast_in_dim3A_111, %add3A_140 : vector<16xi32>
        %gather3A_142 = tpu.vector_load_idx %arg12[%add3A_110, %add3A_141] : memref<3920x8xf32, #tpu.memory_space<vmem>>[vector<16xi32>, vector<16xi32>], vector<16xf32>,
        %swap3A_143 = arith.index_cast %mul3A_113 : i32 to index
        %swap3A_144 = tpu.vector_load %arg19[%swap3A_143] {strides = array<i32>} : memref<3920xf32, #tpu.memory_space<vmem>>, vector<16xf32>,
        tpu.vector_store %arg19[%swap3A_143], %gather3A_142 {strides = array<i32>} : memref<3920xf32, #tpu.memory_space<vmem>>, vector<16xf32>,
      }
      %scan3A_73 = arith.constant 245 : i32
      %mul3A_74 = arith.constant 3920 : i32
      %mul3A_75 = arith.muli %add3A_48, %mul3A_74 : i32
      %dma_start3A = tpu.memref_slice %arg4[%mul3A_75] : memref<1000000xf32, #tpu.memory_space<hbm>> -> memref<3920xf32, #tpu.memory_space<hbm>>
      %dma_start3A_76 = tpu.memref_slice %arg4[%mul3A_75] : memref<1000000xf32, #tpu.memory_space<hbm>> -> memref<3920xf32, #tpu.memory_space<hbm>>
      tpu.enqueue_dma source(%arg14 : memref<3920xf32, #tpu.memory_space<vmem>>) target(%dma_start3A_76 : memref<3920xf32, #tpu.memory_space<hbm>>) target_semaphore(%arg30 : memref<!tpu.dma_semaphore, #tpu.memory_space<semaphore_mem>>)
      %mul3A_77 = arith.constant 3920 : i32
      %mul3A_78 = arith.muli %add3A_48, %mul3A_77 : i32
      %dma_start3A_79 = tpu.memref_slice %arg5[%mul3A_78] : memref<1000000xf32, #tpu.memory_space<hbm>> -> memref<3920xf32, #tpu.memory_space<hbm>>
      %dma_start3A_80 = tpu.memref_slice %arg5[%mul3A_78] : memref<1000000xf32, #tpu.memory_space<hbm>> -> memref<3920xf32, #tpu.memory_space<hbm>>
      tpu.enqueue_dma source(%arg15 : memref<3920xf32, #tpu.memory_space<vmem>>) target(%dma_start3A_80 : memref<3920xf32, #tpu.memory_space<hbm>>) target_semaphore(%arg30 : memref<!tpu.dma_semaphore, #tpu.memory_space<semaphore_mem>>)
      %mul3A_81 = arith.constant 3920 : i32
      %mul3A_82 = arith.muli %add3A_48, %mul3A_81 : i32
      %dma_start3A_83 = tpu.memref_slice %arg6[%mul3A_82] : memref<1000000xf32, #tpu.memory_space<hbm>> -> memref<3920xf32, #tpu.memory_space<hbm>>
      %dma_start3A_84 = tpu.memref_slice %arg6[%mul3A_82] : memref<1000000xf32, #tpu.memory_space<hbm>> -> memref<3920xf32, #tpu.memory_space<hbm>>
      tpu.enqueue_dma source(%arg16 : memref<3920xf32, #tpu.memory_space<vmem>>) target(%dma_start3A_84 : memref<3920xf32, #tpu.memory_space<hbm>>) target_semaphore(%arg30 : memref<!tpu.dma_semaphore, #tpu.memory_space<semaphore_mem>>)
      %mul3A_85 = arith.constant 3920 : i32
      %mul3A_86 = arith.muli %add3A_48, %mul3A_85 : i32
      %dma_start3A_87 = tpu.memref_slice %arg7[%mul3A_86] : memref<1000000xf32, #tpu.memory_space<hbm>> -> memref<3920xf32, #tpu.memory_space<hbm>>
      %dma_start3A_88 = tpu.memref_slice %arg7[%mul3A_86] : memref<1000000xf32, #tpu.memory_space<hbm>> -> memref<3920xf32, #tpu.memory_space<hbm>>
      tpu.enqueue_dma source(%arg17 : memref<3920xf32, #tpu.memory_space<vmem>>) target(%dma_start3A_88 : memref<3920xf32, #tpu.memory_space<hbm>>) target_semaphore(%arg30 : memref<!tpu.dma_semaphore, #tpu.memory_space<semaphore_mem>>)
      %mul3A_89 = arith.constant 3920 : i32
      %mul3A_90 = arith.muli %add3A_48, %mul3A_89 : i32
      %dma_start3A_91 = tpu.memref_slice %arg8[%mul3A_90] : memref<1000000xf32, #tpu.memory_space<hbm>> -> memref<3920xf32, #tpu.memory_space<hbm>>
      %dma_start3A_92 = tpu.memref_slice %arg8[%mul3A_90] : memref<1000000xf32, #tpu.memory_space<hbm>> -> memref<3920xf32, #tpu.memory_space<hbm>>
      tpu.enqueue_dma source(%arg18 : memref<3920xf32, #tpu.memory_space<vmem>>) target(%dma_start3A_92 : memref<3920xf32, #tpu.memory_space<hbm>>) target_semaphore(%arg30 : memref<!tpu.dma_semaphore, #tpu.memory_space<semaphore_mem>>)
      %mul3A_93 = arith.constant 3920 : i32
      %mul3A_94 = arith.muli %add3A_48, %mul3A_93 : i32
      %dma_start3A_95 = tpu.memref_slice %arg9[%mul3A_94] : memref<1000000xf32, #tpu.memory_space<hbm>> -> memref<3920xf32, #tpu.memory_space<hbm>>
      %dma_start3A_96 = tpu.memref_slice %arg9[%mul3A_94] : memref<1000000xf32, #tpu.memory_space<hbm>> -> memref<3920xf32, #tpu.memory_space<hbm>>
      tpu.enqueue_dma source(%arg19 : memref<3920xf32, #tpu.memory_space<vmem>>) target(%dma_start3A_96 : memref<3920xf32, #tpu.memory_space<hbm>>) target_semaphore(%arg30 : memref<!tpu.dma_semaphore, #tpu.memory_space<semaphore_mem>>)
      %lt3A_97 = arith.constant 255 : i32
      %lt3A_98 = arith.cmpi slt, %add3A_50, %lt3A_97 : i32
      %convert_element_type3A_99 = arith.extui %lt3A_98 : i1 to i32
      %cond3A_100 = arith.constant 0 : i32
      %cond3A_101 = arith.cmpi ne, %convert_element_type3A_99, %cond3A_100 : i32
      scf.if %cond3A_101 {
        %lt3A_102 = arith.constant 255 : i32
        %lt3A_103 = arith.cmpi slt, %add3A_52, %lt3A_102 : i32
        %convert_element_type3A_104 = arith.extui %lt3A_103 : i1 to i32
        %cond3A_105 = arith.constant 0 : i32
        %cond3A_106 = arith.cmpi ne, %convert_element_type3A_104, %cond3A_105 : i32
        scf.if %cond3A_106 {
          %dma_wait3A_150 = arith.constant 0 : i32
          %dma_wait3A_151 = tpu.memref_slice %arg2[%dma_wait3A_150] : memref<1000000xi32, #tpu.memory_space<hbm>> -> memref<3920xi32, #tpu.memory_space<hbm>>
          %dma_wait3A_152 = arith.constant 0 : i32
          %dma_wait3A_153 = tpu.memref_slice %arg2[%dma_wait3A_152] : memref<1000000xi32, #tpu.memory_space<hbm>> -> memref<3920xi32, #tpu.memory_space<hbm>>
          tpu.wait_dma2 semaphore(%arg26 : memref<!tpu.dma_semaphore, #tpu.memory_space<semaphore_mem>>) src(%dma_wait3A_153 : memref<3920xi32, #tpu.memory_space<hbm>>) dst(%arg10 : memref<3920xi32, #tpu.memory_space<vmem>>)
          %dma_start3A_154 = arith.constant 0 : i32
          %dma_start3A_155 = arith.constant 0 : i32
          %dma_start3A_156 = tpu.memref_slice %arg3[%dma_start3A_154, %dma_start3A_155] : memref<200000x8xf32, #tpu.memory_space<hbm>> -> memref<200000x8xf32, #tpu.memory_space<hbm>>
          tpu.enqueue_indirect_dma source(%dma_start3A_156 : memref<200000x8xf32, #tpu.memory_space<hbm>>) target(%arg12 : memref<3920x8xf32, #tpu.memory_space<vmem>>) offsets(%arg10 : memref<3920xi32, #tpu.memory_space<vmem>>) semaphore(%arg28 : memref<!tpu.dma_semaphore, #tpu.memory_space<semaphore_mem>>)
        } else {
        }
        %dma_wait3A_107 = arith.constant 0 : i32
        %dma_wait3A_108 = arith.constant 0 : i32
        %dma_wait3A_109 = tpu.memref_slice %arg3[%dma_wait3A_107, %dma_wait3A_108] : memref<200000x8xf32, #tpu.memory_space<hbm>> -> memref<200000x8xf32, #tpu.memory_space<hbm>>
        tpu.wait_indirect_dma semaphore(%arg29 : memref<!tpu.dma_semaphore, #tpu.memory_space<semaphore_mem>>) src(%dma_wait3A_109 : memref<200000x8xf32, #tpu.memory_space<hbm>>) dst(%arg13 : memref<3920x8xf32, #tpu.memory_space<vmem>>)
        %lt3A_110 = arith.constant 255 : i32
        %lt3A_111 = arith.cmpi slt, %add3A_54, %lt3A_110 : i32
        %convert_element_type3A_112 = arith.extui %lt3A_111 : i1 to i32
        %cond3A_113 = arith.constant 0 : i32
        %cond3A_114 = arith.cmpi ne, %convert_element_type3A_112, %cond3A_113 : i32
        scf.if %cond3A_114 {
          %mul3A_150 = arith.constant 3920 : i32
          %mul3A_151 = arith.muli %add3A_54, %mul3A_150 : i32
          %dma_start3A_152 = tpu.memref_slice %arg2[%mul3A_151] : memref<1000000xi32, #tpu.memory_space<hbm>> -> memref<3920xi32, #tpu.memory_space<hbm>>
          %dma_start3A_153 = tpu.memref_slice %arg2[%mul3A_151] : memref<1000000xi32, #tpu.memory_space<hbm>> -> memref<3920xi32, #tpu.memory_space<hbm>>
          tpu.enqueue_dma source(%dma_start3A_153 : memref<3920xi32, #tpu.memory_space<hbm>>) target(%arg11 : memref<3920xi32, #tpu.memory_space<vmem>>) target_semaphore(%arg27 : memref<!tpu.dma_semaphore, #tpu.memory_space<semaphore_mem>>)
        } else {
        }
        %add3A_115 = arith.constant 32 : i32
        %add3A_116 = arith.addi %add3A, %add3A_115 : i32
        %gt3A_117 = arith.cmpi sgt, %add3A_50, %add3A_116 : i32
        %convert_element_type3A_118 = arith.extui %gt3A_117 : i1 to i32
        %cond3A_119 = arith.constant 0 : i32
        %cond3A_120 = arith.cmpi ne, %convert_element_type3A_118, %cond3A_119 : i32
        scf.if %cond3A_120 {
          %dma_wait3A_150 = arith.constant 0 : i32
          %dma_wait3A_151 = tpu.memref_slice %arg4[%dma_wait3A_150] : memref<1000000xf32, #tpu.memory_space<hbm>> -> memref<3920xf32, #tpu.memory_space<hbm>>
          %dma_wait3A_152 = arith.constant 0 : i32
          %dma_wait3A_153 = tpu.memref_slice %arg4[%dma_wait3A_152] : memref<1000000xf32, #tpu.memory_space<hbm>> -> memref<3920xf32, #tpu.memory_space<hbm>>
          tpu.wait_dma2 semaphore(%arg31 : memref<!tpu.dma_semaphore, #tpu.memory_space<semaphore_mem>>) src(%arg20 : memref<3920xf32, #tpu.memory_space<vmem>>) dst(%dma_wait3A_153 : memref<3920xf32, #tpu.memory_space<hbm>>)
          %dma_wait3A_154 = arith.constant 0 : i32
          %dma_wait3A_155 = tpu.memref_slice %arg5[%dma_wait3A_154] : memref<1000000xf32, #tpu.memory_space<hbm>> -> memref<3920xf32, #tpu.memory_space<hbm>>
          %dma_wait3A_156 = arith.constant 0 : i32
          %dma_wait3A_157 = tpu.memref_slice %arg5[%dma_wait3A_156] : memref<1000000xf32, #tpu.memory_space<hbm>> -> memref<3920xf32, #tpu.memory_space<hbm>>
          tpu.wait_dma2 semaphore(%arg31 : memref<!tpu.dma_semaphore, #tpu.memory_space<semaphore_mem>>) src(%arg21 : memref<3920xf32, #tpu.memory_space<vmem>>) dst(%dma_wait3A_157 : memref<3920xf32, #tpu.memory_space<hbm>>)
          %dma_wait3A_158 = arith.constant 0 : i32
          %dma_wait3A_159 = tpu.memref_slice %arg6[%dma_wait3A_158] : memref<1000000xf32, #tpu.memory_space<hbm>> -> memref<3920xf32, #tpu.memory_space<hbm>>
          %dma_wait3A_160 = arith.constant 0 : i32
          %dma_wait3A_161 = tpu.memref_slice %arg6[%dma_wait3A_160] : memref<1000000xf32, #tpu.memory_space<hbm>> -> memref<3920xf32, #tpu.memory_space<hbm>>
          tpu.wait_dma2 semaphore(%arg31 : memref<!tpu.dma_semaphore, #tpu.memory_space<semaphore_mem>>) src(%arg22 : memref<3920xf32, #tpu.memory_space<vmem>>) dst(%dma_wait3A_161 : memref<3920xf32, #tpu.memory_space<hbm>>)
          %dma_wait3A_162 = arith.constant 0 : i32
          %dma_wait3A_163 = tpu.memref_slice %arg7[%dma_wait3A_162] : memref<1000000xf32, #tpu.memory_space<hbm>> -> memref<3920xf32, #tpu.memory_space<hbm>>
          %dma_wait3A_164 = arith.constant 0 : i32
          %dma_wait3A_165 = tpu.memref_slice %arg7[%dma_wait3A_164] : memref<1000000xf32, #tpu.memory_space<hbm>> -> memref<3920xf32, #tpu.memory_space<hbm>>
          tpu.wait_dma2 semaphore(%arg31 : memref<!tpu.dma_semaphore, #tpu.memory_space<semaphore_mem>>) src(%arg23 : memref<3920xf32, #tpu.memory_space<vmem>>) dst(%dma_wait3A_165 : memref<3920xf32, #tpu.memory_space<hbm>>)
          %dma_wait3A_166 = arith.constant 0 : i32
          %dma_wait3A_167 = tpu.memref_slice %arg8[%dma_wait3A_166] : memref<1000000xf32, #tpu.memory_space<hbm>> -> memref<3920xf32, #tpu.memory_space<hbm>>
          %dma_wait3A_168 = arith.constant 0 : i32
          %dma_wait3A_169 = tpu.memref_slice %arg8[%dma_wait3A_168] : memref<1000000xf32, #tpu.memory_space<hbm>> -> memref<3920xf32, #tpu.memory_space<hbm>>
          tpu.wait_dma2 semaphore(%arg31 : memref<!tpu.dma_semaphore, #tpu.memory_space<semaphore_mem>>) src(%arg24 : memref<3920xf32, #tpu.memory_space<vmem>>) dst(%dma_wait3A_169 : memref<3920xf32, #tpu.memory_space<hbm>>)
          %dma_wait3A_170 = arith.constant 0 : i32
          %dma_wait3A_171 = tpu.memref_slice %arg9[%dma_wait3A_170] : memref<1000000xf32, #tpu.memory_space<hbm>> -> memref<3920xf32, #tpu.memory_space<hbm>>
          %dma_wait3A_172 = arith.constant 0 : i32
          %dma_wait3A_173 = tpu.memref_slice %arg9[%dma_wait3A_172] : memref<1000000xf32, #tpu.memory_space<hbm>> -> memref<3920xf32, #tpu.memory_space<hbm>>
          tpu.wait_dma2 semaphore(%arg31 : memref<!tpu.dma_semaphore, #tpu.memory_space<semaphore_mem>>) src(%arg25 : memref<3920xf32, #tpu.memory_space<vmem>>) dst(%dma_wait3A_173 : memref<3920xf32, #tpu.memory_space<hbm>>)
        } else {
        }
        %scan3A_121 = arith.constant 0 : i32
        %scan3A_122 = arith.constant 245 : i32
        %scan3A_123 = arith.addi %scan3A_121, %scan3A_122 : i32
        %scan3A_124 = arith.constant 1 : i32
        scf.for %scan3A_150 = %scan3A_121 to %scan3A_123 step %scan3A_124  : i32 {
          %mul3A_151 = arith.constant 1 : i32
          %mul3A_152 = arith.muli %scan3A_150, %mul3A_151 : i32
          %add3A_153 = arith.constant 0 : i32
          %add3A_154 = arith.addi %add3A_153, %mul3A_152 : i32
          %mul3A_155 = arith.constant 16 : i32
          %mul3A_156 = arith.muli %add3A_154, %mul3A_155 : i32
          %add3A_157 = vector.broadcast %mul3A_156 : i32 to vector<16xi32>
          %add3A_158 = arith.addi %iota3A, %add3A_157 : vector<16xi32>
          %broadcast_in_dim3A = arith.constant 0 : i32
          %broadcast_in_dim3A_159 = vector.broadcast %broadcast_in_dim3A : i32 to vector<16xi32>
          %mul3A_160 = arith.constant 16 : i32
          %mul3A_161 = arith.muli %add3A_154, %mul3A_160 : i32
          %gather3A = tpu.vector_load_idx %arg13[%add3A_158, %broadcast_in_dim3A_159] : memref<3920x8xf32, #tpu.memory_space<vmem>>[vector<16xi32>, vector<16xi32>], vector<16xf32>,
          %swap3A = arith.index_cast %mul3A_161 : i32 to index
          %swap3A_162 = tpu.vector_load %arg20[%swap3A] {strides = array<i32>} : memref<3920xf32, #tpu.memory_space<vmem>>, vector<16xf32>,
          tpu.vector_store %arg20[%swap3A], %gather3A {strides = array<i32>} : memref<3920xf32, #tpu.memory_space<vmem>>, vector<16xf32>,
          %add3A_163 = arith.constant 1 : i32
          %add3A_164 = vector.broadcast %add3A_163 : i32 to vector<16xi32>
          %add3A_165 = arith.addi %broadcast_in_dim3A_159, %add3A_164 : vector<16xi32>
          %gather3A_166 = tpu.vector_load_idx %arg13[%add3A_158, %add3A_165] : memref<3920x8xf32, #tpu.memory_space<vmem>>[vector<16xi32>, vector<16xi32>], vector<16xf32>,
          %swap3A_167 = arith.index_cast %mul3A_161 : i32 to index
          %swap3A_168 = tpu.vector_load %arg21[%swap3A_167] {strides = array<i32>} : memref<3920xf32, #tpu.memory_space<vmem>>, vector<16xf32>,
          tpu.vector_store %arg21[%swap3A_167], %gather3A_166 {strides = array<i32>} : memref<3920xf32, #tpu.memory_space<vmem>>, vector<16xf32>,
          %add3A_169 = arith.constant 2 : i32
          %add3A_170 = vector.broadcast %add3A_169 : i32 to vector<16xi32>
          %add3A_171 = arith.addi %broadcast_in_dim3A_159, %add3A_170 : vector<16xi32>
          %gather3A_172 = tpu.vector_load_idx %arg13[%add3A_158, %add3A_171] : memref<3920x8xf32, #tpu.memory_space<vmem>>[vector<16xi32>, vector<16xi32>], vector<16xf32>,
          %swap3A_173 = arith.index_cast %mul3A_161 : i32 to index
          %swap3A_174 = tpu.vector_load %arg22[%swap3A_173] {strides = array<i32>} : memref<3920xf32, #tpu.memory_space<vmem>>, vector<16xf32>,
          tpu.vector_store %arg22[%swap3A_173], %gather3A_172 {strides = array<i32>} : memref<3920xf32, #tpu.memory_space<vmem>>, vector<16xf32>,
          %add3A_175 = arith.constant 3 : i32
          %add3A_176 = vector.broadcast %add3A_175 : i32 to vector<16xi32>
          %add3A_177 = arith.addi %broadcast_in_dim3A_159, %add3A_176 : vector<16xi32>
          %gather3A_178 = tpu.vector_load_idx %arg13[%add3A_158, %add3A_177] : memref<3920x8xf32, #tpu.memory_space<vmem>>[vector<16xi32>, vector<16xi32>], vector<16xf32>,
          %swap3A_179 = arith.index_cast %mul3A_161 : i32 to index
          %swap3A_180 = tpu.vector_load %arg23[%swap3A_179] {strides = array<i32>} : memref<3920xf32, #tpu.memory_space<vmem>>, vector<16xf32>,
          tpu.vector_store %arg23[%swap3A_179], %gather3A_178 {strides = array<i32>} : memref<3920xf32, #tpu.memory_space<vmem>>, vector<16xf32>,
          %add3A_181 = arith.constant 4 : i32
          %add3A_182 = vector.broadcast %add3A_181 : i32 to vector<16xi32>
          %add3A_183 = arith.addi %broadcast_in_dim3A_159, %add3A_182 : vector<16xi32>
          %gather3A_184 = tpu.vector_load_idx %arg13[%add3A_158, %add3A_183] : memref<3920x8xf32, #tpu.memory_space<vmem>>[vector<16xi32>, vector<16xi32>], vector<16xf32>,
          %swap3A_185 = arith.index_cast %mul3A_161 : i32 to index
          %swap3A_186 = tpu.vector_load %arg24[%swap3A_185] {strides = array<i32>} : memref<3920xf32, #tpu.memory_space<vmem>>, vector<16xf32>,
          tpu.vector_store %arg24[%swap3A_185], %gather3A_184 {strides = array<i32>} : memref<3920xf32, #tpu.memory_space<vmem>>, vector<16xf32>,
          %add3A_187 = arith.constant 5 : i32
          %add3A_188 = vector.broadcast %add3A_187 : i32 to vector<16xi32>
          %add3A_189 = arith.addi %broadcast_in_dim3A_159, %add3A_188 : vector<16xi32>
          %gather3A_190 = tpu.vector_load_idx %arg13[%add3A_158, %add3A_189] : memref<3920x8xf32, #tpu.memory_space<vmem>>[vector<16xi32>, vector<16xi32>], vector<16xf32>,
          %swap3A_191 = arith.index_cast %mul3A_161 : i32 to index
          %swap3A_192 = tpu.vector_load %arg25[%swap3A_191] {strides = array<i32>} : memref<3920xf32, #tpu.memory_space<vmem>>, vector<16xf32>,
          tpu.vector_store %arg25[%swap3A_191], %gather3A_190 {strides = array<i32>} : memref<3920xf32, #tpu.memory_space<vmem>>, vector<16xf32>,
        }
        %scan3A_125 = arith.constant 245 : i32
        %mul3A_126 = arith.constant 3920 : i32
        %mul3A_127 = arith.muli %add3A_50, %mul3A_126 : i32
        %dma_start3A_128 = tpu.memref_slice %arg4[%mul3A_127] : memref<1000000xf32, #tpu.memory_space<hbm>> -> memref<3920xf32, #tpu.memory_space<hbm>>
        %dma_start3A_129 = tpu.memref_slice %arg4[%mul3A_127] : memref<1000000xf32, #tpu.memory_space<hbm>> -> memref<3920xf32, #tpu.memory_space<hbm>>
        tpu.enqueue_dma source(%arg20 : memref<3920xf32, #tpu.memory_space<vmem>>) target(%dma_start3A_129 : memref<3920xf32, #tpu.memory_space<hbm>>) target_semaphore(%arg31 : memref<!tpu.dma_semaphore, #tpu.memory_space<semaphore_mem>>)
        %mul3A_130 = arith.constant 3920 : i32
        %mul3A_131 = arith.muli %add3A_50, %mul3A_130 : i32
        %dma_start3A_132 = tpu.memref_slice %arg5[%mul3A_131] : memref<1000000xf32, #tpu.memory_space<hbm>> -> memref<3920xf32, #tpu.memory_space<hbm>>
        %dma_start3A_133 = tpu.memref_slice %arg5[%mul3A_131] : memref<1000000xf32, #tpu.memory_space<hbm>> -> memref<3920xf32, #tpu.memory_space<hbm>>
        tpu.enqueue_dma source(%arg21 : memref<3920xf32, #tpu.memory_space<vmem>>) target(%dma_start3A_133 : memref<3920xf32, #tpu.memory_space<hbm>>) target_semaphore(%arg31 : memref<!tpu.dma_semaphore, #tpu.memory_space<semaphore_mem>>)
        %mul3A_134 = arith.constant 3920 : i32
        %mul3A_135 = arith.muli %add3A_50, %mul3A_134 : i32
        %dma_start3A_136 = tpu.memref_slice %arg6[%mul3A_135] : memref<1000000xf32, #tpu.memory_space<hbm>> -> memref<3920xf32, #tpu.memory_space<hbm>>
        %dma_start3A_137 = tpu.memref_slice %arg6[%mul3A_135] : memref<1000000xf32, #tpu.memory_space<hbm>> -> memref<3920xf32, #tpu.memory_space<hbm>>
        tpu.enqueue_dma source(%arg22 : memref<3920xf32, #tpu.memory_space<vmem>>) target(%dma_start3A_137 : memref<3920xf32, #tpu.memory_space<hbm>>) target_semaphore(%arg31 : memref<!tpu.dma_semaphore, #tpu.memory_space<semaphore_mem>>)
        %mul3A_138 = arith.constant 3920 : i32
        %mul3A_139 = arith.muli %add3A_50, %mul3A_138 : i32
        %dma_start3A_140 = tpu.memref_slice %arg7[%mul3A_139] : memref<1000000xf32, #tpu.memory_space<hbm>> -> memref<3920xf32, #tpu.memory_space<hbm>>
        %dma_start3A_141 = tpu.memref_slice %arg7[%mul3A_139] : memref<1000000xf32, #tpu.memory_space<hbm>> -> memref<3920xf32, #tpu.memory_space<hbm>>
        tpu.enqueue_dma source(%arg23 : memref<3920xf32, #tpu.memory_space<vmem>>) target(%dma_start3A_141 : memref<3920xf32, #tpu.memory_space<hbm>>) target_semaphore(%arg31 : memref<!tpu.dma_semaphore, #tpu.memory_space<semaphore_mem>>)
        %mul3A_142 = arith.constant 3920 : i32
        %mul3A_143 = arith.muli %add3A_50, %mul3A_142 : i32
        %dma_start3A_144 = tpu.memref_slice %arg8[%mul3A_143] : memref<1000000xf32, #tpu.memory_space<hbm>> -> memref<3920xf32, #tpu.memory_space<hbm>>
        %dma_start3A_145 = tpu.memref_slice %arg8[%mul3A_143] : memref<1000000xf32, #tpu.memory_space<hbm>> -> memref<3920xf32, #tpu.memory_space<hbm>>
        tpu.enqueue_dma source(%arg24 : memref<3920xf32, #tpu.memory_space<vmem>>) target(%dma_start3A_145 : memref<3920xf32, #tpu.memory_space<hbm>>) target_semaphore(%arg31 : memref<!tpu.dma_semaphore, #tpu.memory_space<semaphore_mem>>)
        %mul3A_146 = arith.constant 3920 : i32
        %mul3A_147 = arith.muli %add3A_50, %mul3A_146 : i32
        %dma_start3A_148 = tpu.memref_slice %arg9[%mul3A_147] : memref<1000000xf32, #tpu.memory_space<hbm>> -> memref<3920xf32, #tpu.memory_space<hbm>>
        %dma_start3A_149 = tpu.memref_slice %arg9[%mul3A_147] : memref<1000000xf32, #tpu.memory_space<hbm>> -> memref<3920xf32, #tpu.memory_space<hbm>>
        tpu.enqueue_dma source(%arg25 : memref<3920xf32, #tpu.memory_space<vmem>>) target(%dma_start3A_149 : memref<3920xf32, #tpu.memory_space<hbm>>) target_semaphore(%arg31 : memref<!tpu.dma_semaphore, #tpu.memory_space<semaphore_mem>>)
      } else {
      }
    }
    %lt3A_30 = arith.constant 255 : i32
    %lt3A_31 = arith.cmpi slt, %add3A, %lt3A_30 : i32
    %convert_element_type3A_32 = arith.extui %lt3A_31 : i1 to i32
    %cond3A_33 = arith.constant 0 : i32
    %cond3A_34 = arith.cmpi ne, %convert_element_type3A_32, %cond3A_33 : i32
    scf.if %cond3A_34 {
      %dma_wait3A = arith.constant 0 : i32
      %dma_wait3A_46 = tpu.memref_slice %arg4[%dma_wait3A] : memref<1000000xf32, #tpu.memory_space<hbm>> -> memref<3920xf32, #tpu.memory_space<hbm>>
      %dma_wait3A_47 = arith.constant 0 : i32
      %dma_wait3A_48 = tpu.memref_slice %arg4[%dma_wait3A_47] : memref<1000000xf32, #tpu.memory_space<hbm>> -> memref<3920xf32, #tpu.memory_space<hbm>>
      tpu.wait_dma2 semaphore(%arg30 : memref<!tpu.dma_semaphore, #tpu.memory_space<semaphore_mem>>) src(%arg14 : memref<3920xf32, #tpu.memory_space<vmem>>) dst(%dma_wait3A_48 : memref<3920xf32, #tpu.memory_space<hbm>>)
      %dma_wait3A_49 = arith.constant 0 : i32
      %dma_wait3A_50 = tpu.memref_slice %arg5[%dma_wait3A_49] : memref<1000000xf32, #tpu.memory_space<hbm>> -> memref<3920xf32, #tpu.memory_space<hbm>>
      %dma_wait3A_51 = arith.constant 0 : i32
      %dma_wait3A_52 = tpu.memref_slice %arg5[%dma_wait3A_51] : memref<1000000xf32, #tpu.memory_space<hbm>> -> memref<3920xf32, #tpu.memory_space<hbm>>
      tpu.wait_dma2 semaphore(%arg30 : memref<!tpu.dma_semaphore, #tpu.memory_space<semaphore_mem>>) src(%arg15 : memref<3920xf32, #tpu.memory_space<vmem>>) dst(%dma_wait3A_52 : memref<3920xf32, #tpu.memory_space<hbm>>)
      %dma_wait3A_53 = arith.constant 0 : i32
      %dma_wait3A_54 = tpu.memref_slice %arg6[%dma_wait3A_53] : memref<1000000xf32, #tpu.memory_space<hbm>> -> memref<3920xf32, #tpu.memory_space<hbm>>
      %dma_wait3A_55 = arith.constant 0 : i32
      %dma_wait3A_56 = tpu.memref_slice %arg6[%dma_wait3A_55] : memref<1000000xf32, #tpu.memory_space<hbm>> -> memref<3920xf32, #tpu.memory_space<hbm>>
      tpu.wait_dma2 semaphore(%arg30 : memref<!tpu.dma_semaphore, #tpu.memory_space<semaphore_mem>>) src(%arg16 : memref<3920xf32, #tpu.memory_space<vmem>>) dst(%dma_wait3A_56 : memref<3920xf32, #tpu.memory_space<hbm>>)
      %dma_wait3A_57 = arith.constant 0 : i32
      %dma_wait3A_58 = tpu.memref_slice %arg7[%dma_wait3A_57] : memref<1000000xf32, #tpu.memory_space<hbm>> -> memref<3920xf32, #tpu.memory_space<hbm>>
      %dma_wait3A_59 = arith.constant 0 : i32
      %dma_wait3A_60 = tpu.memref_slice %arg7[%dma_wait3A_59] : memref<1000000xf32, #tpu.memory_space<hbm>> -> memref<3920xf32, #tpu.memory_space<hbm>>
      tpu.wait_dma2 semaphore(%arg30 : memref<!tpu.dma_semaphore, #tpu.memory_space<semaphore_mem>>) src(%arg17 : memref<3920xf32, #tpu.memory_space<vmem>>) dst(%dma_wait3A_60 : memref<3920xf32, #tpu.memory_space<hbm>>)
      %dma_wait3A_61 = arith.constant 0 : i32
      %dma_wait3A_62 = tpu.memref_slice %arg8[%dma_wait3A_61] : memref<1000000xf32, #tpu.memory_space<hbm>> -> memref<3920xf32, #tpu.memory_space<hbm>>
      %dma_wait3A_63 = arith.constant 0 : i32
      %dma_wait3A_64 = tpu.memref_slice %arg8[%dma_wait3A_63] : memref<1000000xf32, #tpu.memory_space<hbm>> -> memref<3920xf32, #tpu.memory_space<hbm>>
      tpu.wait_dma2 semaphore(%arg30 : memref<!tpu.dma_semaphore, #tpu.memory_space<semaphore_mem>>) src(%arg18 : memref<3920xf32, #tpu.memory_space<vmem>>) dst(%dma_wait3A_64 : memref<3920xf32, #tpu.memory_space<hbm>>)
      %dma_wait3A_65 = arith.constant 0 : i32
      %dma_wait3A_66 = tpu.memref_slice %arg9[%dma_wait3A_65] : memref<1000000xf32, #tpu.memory_space<hbm>> -> memref<3920xf32, #tpu.memory_space<hbm>>
      %dma_wait3A_67 = arith.constant 0 : i32
      %dma_wait3A_68 = tpu.memref_slice %arg9[%dma_wait3A_67] : memref<1000000xf32, #tpu.memory_space<hbm>> -> memref<3920xf32, #tpu.memory_space<hbm>>
      tpu.wait_dma2 semaphore(%arg30 : memref<!tpu.dma_semaphore, #tpu.memory_space<semaphore_mem>>) src(%arg19 : memref<3920xf32, #tpu.memory_space<vmem>>) dst(%dma_wait3A_68 : memref<3920xf32, #tpu.memory_space<hbm>>)
    } else {
    }
    %add3A_35 = arith.constant 32 : i32
    %add3A_36 = arith.addi %add3A, %add3A_35 : i32
    %lt3A_37 = arith.constant 255 : i32
    %lt3A_38 = arith.cmpi slt, %add3A_36, %lt3A_37 : i32
    %convert_element_type3A_39 = arith.extui %lt3A_38 : i1 to i32
    %cond3A_40 = arith.constant 0 : i32
    %cond3A_41 = arith.cmpi ne, %convert_element_type3A_39, %cond3A_40 : i32
    scf.if %cond3A_41 {
      %dma_wait3A = arith.constant 0 : i32
      %dma_wait3A_46 = tpu.memref_slice %arg4[%dma_wait3A] : memref<1000000xf32, #tpu.memory_space<hbm>> -> memref<3920xf32, #tpu.memory_space<hbm>>
      %dma_wait3A_47 = arith.constant 0 : i32
      %dma_wait3A_48 = tpu.memref_slice %arg4[%dma_wait3A_47] : memref<1000000xf32, #tpu.memory_space<hbm>> -> memref<3920xf32, #tpu.memory_space<hbm>>
      tpu.wait_dma2 semaphore(%arg31 : memref<!tpu.dma_semaphore, #tpu.memory_space<semaphore_mem>>) src(%arg20 : memref<3920xf32, #tpu.memory_space<vmem>>) dst(%dma_wait3A_48 : memref<3920xf32, #tpu.memory_space<hbm>>)
      %dma_wait3A_49 = arith.constant 0 : i32
      %dma_wait3A_50 = tpu.memref_slice %arg5[%dma_wait3A_49] : memref<1000000xf32, #tpu.memory_space<hbm>> -> memref<3920xf32, #tpu.memory_space<hbm>>
      %dma_wait3A_51 = arith.constant 0 : i32
      %dma_wait3A_52 = tpu.memref_slice %arg5[%dma_wait3A_51] : memref<1000000xf32, #tpu.memory_space<hbm>> -> memref<3920xf32, #tpu.memory_space<hbm>>
      tpu.wait_dma2 semaphore(%arg31 : memref<!tpu.dma_semaphore, #tpu.memory_space<semaphore_mem>>) src(%arg21 : memref<3920xf32, #tpu.memory_space<vmem>>) dst(%dma_wait3A_52 : memref<3920xf32, #tpu.memory_space<hbm>>)
      %dma_wait3A_53 = arith.constant 0 : i32
      %dma_wait3A_54 = tpu.memref_slice %arg6[%dma_wait3A_53] : memref<1000000xf32, #tpu.memory_space<hbm>> -> memref<3920xf32, #tpu.memory_space<hbm>>
      %dma_wait3A_55 = arith.constant 0 : i32
      %dma_wait3A_56 = tpu.memref_slice %arg6[%dma_wait3A_55] : memref<1000000xf32, #tpu.memory_space<hbm>> -> memref<3920xf32, #tpu.memory_space<hbm>>
      tpu.wait_dma2 semaphore(%arg31 : memref<!tpu.dma_semaphore, #tpu.memory_space<semaphore_mem>>) src(%arg22 : memref<3920xf32, #tpu.memory_space<vmem>>) dst(%dma_wait3A_56 : memref<3920xf32, #tpu.memory_space<hbm>>)
      %dma_wait3A_57 = arith.constant 0 : i32
      %dma_wait3A_58 = tpu.memref_slice %arg7[%dma_wait3A_57] : memref<1000000xf32, #tpu.memory_space<hbm>> -> memref<3920xf32, #tpu.memory_space<hbm>>
      %dma_wait3A_59 = arith.constant 0 : i32
      %dma_wait3A_60 = tpu.memref_slice %arg7[%dma_wait3A_59] : memref<1000000xf32, #tpu.memory_space<hbm>> -> memref<3920xf32, #tpu.memory_space<hbm>>
      tpu.wait_dma2 semaphore(%arg31 : memref<!tpu.dma_semaphore, #tpu.memory_space<semaphore_mem>>) src(%arg23 : memref<3920xf32, #tpu.memory_space<vmem>>) dst(%dma_wait3A_60 : memref<3920xf32, #tpu.memory_space<hbm>>)
      %dma_wait3A_61 = arith.constant 0 : i32
      %dma_wait3A_62 = tpu.memref_slice %arg8[%dma_wait3A_61] : memref<1000000xf32, #tpu.memory_space<hbm>> -> memref<3920xf32, #tpu.memory_space<hbm>>
      %dma_wait3A_63 = arith.constant 0 : i32
      %dma_wait3A_64 = tpu.memref_slice %arg8[%dma_wait3A_63] : memref<1000000xf32, #tpu.memory_space<hbm>> -> memref<3920xf32, #tpu.memory_space<hbm>>
      tpu.wait_dma2 semaphore(%arg31 : memref<!tpu.dma_semaphore, #tpu.memory_space<semaphore_mem>>) src(%arg24 : memref<3920xf32, #tpu.memory_space<vmem>>) dst(%dma_wait3A_64 : memref<3920xf32, #tpu.memory_space<hbm>>)
      %dma_wait3A_65 = arith.constant 0 : i32
      %dma_wait3A_66 = tpu.memref_slice %arg9[%dma_wait3A_65] : memref<1000000xf32, #tpu.memory_space<hbm>> -> memref<3920xf32, #tpu.memory_space<hbm>>
      %dma_wait3A_67 = arith.constant 0 : i32
      %dma_wait3A_68 = tpu.memref_slice %arg9[%dma_wait3A_67] : memref<1000000xf32, #tpu.memory_space<hbm>> -> memref<3920xf32, #tpu.memory_space<hbm>>
      tpu.wait_dma2 semaphore(%arg31 : memref<!tpu.dma_semaphore, #tpu.memory_space<semaphore_mem>>) src(%arg25 : memref<3920xf32, #tpu.memory_space<vmem>>) dst(%dma_wait3A_68 : memref<3920xf32, #tpu.memory_space<hbm>>)
    } else {
    }
    %eq3A = arith.constant 31 : i32
    %eq3A_42 = arith.cmpi eq, %add3A, %eq3A : i32
    %convert_element_type3A_43 = arith.extui %eq3A_42 : i1 to i32
    %cond3A_44 = arith.constant 0 : i32
    %cond3A_45 = arith.cmpi ne, %convert_element_type3A_43, %cond3A_44 : i32
    scf.if %cond3A_45 {
      "tpu.region"() ({
        %run_scoped3A = tpu.sem_alloc : memref<!tpu.dma_semaphore, #tpu.memory_space<semaphore_mem>>
        %dma_start3A_64 = arith.constant 0 : i32
        %dma_start3A_65 = tpu.memref_slice %arg10[%dma_start3A_64] : memref<3920xi32, #tpu.memory_space<vmem>> -> memref<400xi32, #tpu.memory_space<vmem>>
        %dma_start3A_66 = arith.constant 999600 : i32
        %dma_start3A_67 = tpu.memref_slice %arg2[%dma_start3A_66] : memref<1000000xi32, #tpu.memory_space<hbm>> -> memref<400xi32, #tpu.memory_space<hbm>>
        %dma_start3A_68 = arith.constant 0 : i32
        %dma_start3A_69 = tpu.memref_slice %arg10[%dma_start3A_68] : memref<3920xi32, #tpu.memory_space<vmem>> -> memref<400xi32, #tpu.memory_space<vmem>>
        %dma_start3A_70 = arith.constant 999600 : i32
        %dma_start3A_71 = tpu.memref_slice %arg2[%dma_start3A_70] : memref<1000000xi32, #tpu.memory_space<hbm>> -> memref<400xi32, #tpu.memory_space<hbm>>
        tpu.enqueue_dma source(%dma_start3A_71 : memref<400xi32, #tpu.memory_space<hbm>>) target(%dma_start3A_69 : memref<400xi32, #tpu.memory_space<vmem>>) target_semaphore(%run_scoped3A : memref<!tpu.dma_semaphore, #tpu.memory_space<semaphore_mem>>)
        %dma_wait3A_72 = arith.constant 0 : i32
        %dma_wait3A_73 = tpu.memref_slice %arg10[%dma_wait3A_72] : memref<3920xi32, #tpu.memory_space<vmem>> -> memref<400xi32, #tpu.memory_space<vmem>>
        %dma_wait3A_74 = arith.constant 999600 : i32
        %dma_wait3A_75 = tpu.memref_slice %arg2[%dma_wait3A_74] : memref<1000000xi32, #tpu.memory_space<hbm>> -> memref<400xi32, #tpu.memory_space<hbm>>
        %dma_wait3A_76 = arith.constant 0 : i32
        %dma_wait3A_77 = tpu.memref_slice %arg10[%dma_wait3A_76] : memref<3920xi32, #tpu.memory_space<vmem>> -> memref<400xi32, #tpu.memory_space<vmem>>
        %dma_wait3A_78 = arith.constant 999600 : i32
        %dma_wait3A_79 = tpu.memref_slice %arg2[%dma_wait3A_78] : memref<1000000xi32, #tpu.memory_space<hbm>> -> memref<400xi32, #tpu.memory_space<hbm>>
        tpu.wait_dma2 semaphore(%run_scoped3A : memref<!tpu.dma_semaphore, #tpu.memory_space<semaphore_mem>>) src(%dma_wait3A_79 : memref<400xi32, #tpu.memory_space<hbm>>) dst(%dma_wait3A_77 : memref<400xi32, #tpu.memory_space<vmem>>)
        tpu.yield
      }) : () -> ()
      %dma_start3A = arith.constant 0 : i32
      %dma_start3A_46 = arith.constant 0 : i32
      %dma_start3A_47 = tpu.memref_slice %arg12[%dma_start3A, %dma_start3A_46] : memref<3920x8xf32, #tpu.memory_space<vmem>> -> memref<400x8xf32, #tpu.memory_space<vmem>>
      %dma_start3A_48 = arith.constant 0 : i32
      %dma_start3A_49 = tpu.memref_slice %arg10[%dma_start3A_48] : memref<3920xi32, #tpu.memory_space<vmem>> -> memref<400xi32, #tpu.memory_space<vmem>>
      %dma_start3A_50 = arith.constant 0 : i32
      %dma_start3A_51 = arith.constant 0 : i32
      %dma_start3A_52 = tpu.memref_slice %arg3[%dma_start3A_50, %dma_start3A_51] : memref<200000x8xf32, #tpu.memory_space<hbm>> -> memref<200000x8xf32, #tpu.memory_space<hbm>>
      tpu.enqueue_indirect_dma source(%dma_start3A_52 : memref<200000x8xf32, #tpu.memory_space<hbm>>) target(%dma_start3A_47 : memref<400x8xf32, #tpu.memory_space<vmem>>) offsets(%dma_start3A_49 : memref<400xi32, #tpu.memory_space<vmem>>) semaphore(%arg28 : memref<!tpu.dma_semaphore, #tpu.memory_space<semaphore_mem>>)
      %dma_wait3A = arith.constant 0 : i32
      %dma_wait3A_53 = arith.constant 0 : i32
      %dma_wait3A_54 = tpu.memref_slice %arg12[%dma_wait3A, %dma_wait3A_53] : memref<3920x8xf32, #tpu.memory_space<vmem>> -> memref<400x8xf32, #tpu.memory_space<vmem>>
      %dma_wait3A_55 = arith.constant 0 : i32
      %dma_wait3A_56 = tpu.memref_slice %arg10[%dma_wait3A_55] : memref<3920xi32, #tpu.memory_space<vmem>> -> memref<400xi32, #tpu.memory_space<vmem>>
      %dma_wait3A_57 = arith.constant 0 : i32
      %dma_wait3A_58 = arith.constant 0 : i32
      %dma_wait3A_59 = tpu.memref_slice %arg3[%dma_wait3A_57, %dma_wait3A_58] : memref<200000x8xf32, #tpu.memory_space<hbm>> -> memref<200000x8xf32, #tpu.memory_space<hbm>>
      tpu.wait_indirect_dma semaphore(%arg28 : memref<!tpu.dma_semaphore, #tpu.memory_space<semaphore_mem>>) src(%dma_wait3A_59 : memref<200000x8xf32, #tpu.memory_space<hbm>>) dst(%dma_wait3A_54 : memref<400x8xf32, #tpu.memory_space<vmem>>)
      %scan3A = arith.constant 0 : i32
      %scan3A_60 = arith.constant 25 : i32
      %scan3A_61 = arith.addi %scan3A, %scan3A_60 : i32
      %scan3A_62 = arith.constant 1 : i32
      scf.for %scan3A_64 = %scan3A to %scan3A_61 step %scan3A_62  : i32 {
        %mul3A_65 = arith.constant 1 : i32
        %mul3A_66 = arith.muli %scan3A_64, %mul3A_65 : i32
        %add3A_67 = arith.constant 0 : i32
        %add3A_68 = arith.addi %add3A_67, %mul3A_66 : i32
        %mul3A_69 = arith.constant 16 : i32
        %mul3A_70 = arith.muli %add3A_68, %mul3A_69 : i32
        %add3A_71 = vector.broadcast %mul3A_70 : i32 to vector<16xi32>
        %add3A_72 = arith.addi %iota3A, %add3A_71 : vector<16xi32>
        %broadcast_in_dim3A = arith.constant 0 : i32
        %broadcast_in_dim3A_73 = vector.broadcast %broadcast_in_dim3A : i32 to vector<16xi32>
        %mul3A_74 = arith.constant 16 : i32
        %mul3A_75 = arith.muli %add3A_68, %mul3A_74 : i32
        %gather3A = tpu.vector_load_idx %arg12[%add3A_72, %broadcast_in_dim3A_73] : memref<3920x8xf32, #tpu.memory_space<vmem>>[vector<16xi32>, vector<16xi32>], vector<16xf32>,
        %swap3A = arith.index_cast %mul3A_75 : i32 to index
        %swap3A_76 = tpu.vector_load %arg14[%swap3A] {strides = array<i32>} : memref<3920xf32, #tpu.memory_space<vmem>>, vector<16xf32>,
        tpu.vector_store %arg14[%swap3A], %gather3A {strides = array<i32>} : memref<3920xf32, #tpu.memory_space<vmem>>, vector<16xf32>,
        %add3A_77 = arith.constant 1 : i32
        %add3A_78 = vector.broadcast %add3A_77 : i32 to vector<16xi32>
        %add3A_79 = arith.addi %broadcast_in_dim3A_73, %add3A_78 : vector<16xi32>
        %gather3A_80 = tpu.vector_load_idx %arg12[%add3A_72, %add3A_79] : memref<3920x8xf32, #tpu.memory_space<vmem>>[vector<16xi32>, vector<16xi32>], vector<16xf32>,
        %swap3A_81 = arith.index_cast %mul3A_75 : i32 to index
        %swap3A_82 = tpu.vector_load %arg15[%swap3A_81] {strides = array<i32>} : memref<3920xf32, #tpu.memory_space<vmem>>, vector<16xf32>,
        tpu.vector_store %arg15[%swap3A_81], %gather3A_80 {strides = array<i32>} : memref<3920xf32, #tpu.memory_space<vmem>>, vector<16xf32>,
        %add3A_83 = arith.constant 2 : i32
        %add3A_84 = vector.broadcast %add3A_83 : i32 to vector<16xi32>
        %add3A_85 = arith.addi %broadcast_in_dim3A_73, %add3A_84 : vector<16xi32>
        %gather3A_86 = tpu.vector_load_idx %arg12[%add3A_72, %add3A_85] : memref<3920x8xf32, #tpu.memory_space<vmem>>[vector<16xi32>, vector<16xi32>], vector<16xf32>,
        %swap3A_87 = arith.index_cast %mul3A_75 : i32 to index
        %swap3A_88 = tpu.vector_load %arg16[%swap3A_87] {strides = array<i32>} : memref<3920xf32, #tpu.memory_space<vmem>>, vector<16xf32>,
        tpu.vector_store %arg16[%swap3A_87], %gather3A_86 {strides = array<i32>} : memref<3920xf32, #tpu.memory_space<vmem>>, vector<16xf32>,
        %add3A_89 = arith.constant 3 : i32
        %add3A_90 = vector.broadcast %add3A_89 : i32 to vector<16xi32>
        %add3A_91 = arith.addi %broadcast_in_dim3A_73, %add3A_90 : vector<16xi32>
        %gather3A_92 = tpu.vector_load_idx %arg12[%add3A_72, %add3A_91] : memref<3920x8xf32, #tpu.memory_space<vmem>>[vector<16xi32>, vector<16xi32>], vector<16xf32>,
        %swap3A_93 = arith.index_cast %mul3A_75 : i32 to index
        %swap3A_94 = tpu.vector_load %arg17[%swap3A_93] {strides = array<i32>} : memref<3920xf32, #tpu.memory_space<vmem>>, vector<16xf32>,
        tpu.vector_store %arg17[%swap3A_93], %gather3A_92 {strides = array<i32>} : memref<3920xf32, #tpu.memory_space<vmem>>, vector<16xf32>,
        %add3A_95 = arith.constant 4 : i32
        %add3A_96 = vector.broadcast %add3A_95 : i32 to vector<16xi32>
        %add3A_97 = arith.addi %broadcast_in_dim3A_73, %add3A_96 : vector<16xi32>
        %gather3A_98 = tpu.vector_load_idx %arg12[%add3A_72, %add3A_97] : memref<3920x8xf32, #tpu.memory_space<vmem>>[vector<16xi32>, vector<16xi32>], vector<16xf32>,
        %swap3A_99 = arith.index_cast %mul3A_75 : i32 to index
        %swap3A_100 = tpu.vector_load %arg18[%swap3A_99] {strides = array<i32>} : memref<3920xf32, #tpu.memory_space<vmem>>, vector<16xf32>,
        tpu.vector_store %arg18[%swap3A_99], %gather3A_98 {strides = array<i32>} : memref<3920xf32, #tpu.memory_space<vmem>>, vector<16xf32>,
        %add3A_101 = arith.constant 5 : i32
        %add3A_102 = vector.broadcast %add3A_101 : i32 to vector<16xi32>
        %add3A_103 = arith.addi %broadcast_in_dim3A_73, %add3A_102 : vector<16xi32>
        %gather3A_104 = tpu.vector_load_idx %arg12[%add3A_72, %add3A_103] : memref<3920x8xf32, #tpu.memory_space<vmem>>[vector<16xi32>, vector<16xi32>], vector<16xf32>,
        %swap3A_105 = arith.index_cast %mul3A_75 : i32 to index
        %swap3A_106 = tpu.vector_load %arg19[%swap3A_105] {strides = array<i32>} : memref<3920xf32, #tpu.memory_space<vmem>>, vector<16xf32>,
        tpu.vector_store %arg19[%swap3A_105], %gather3A_104 {strides = array<i32>} : memref<3920xf32, #tpu.memory_space<vmem>>, vector<16xf32>,
      }
      %scan3A_63 = arith.constant 25 : i32
      "tpu.region"() ({
        %run_scoped3A = tpu.sem_alloc : memref<!tpu.dma_semaphore, #tpu.memory_space<semaphore_mem>>
        %dma_start3A_64 = arith.constant 0 : i32
        %dma_start3A_65 = tpu.memref_slice %arg14[%dma_start3A_64] : memref<3920xf32, #tpu.memory_space<vmem>> -> memref<400xf32, #tpu.memory_space<vmem>>
        %dma_start3A_66 = arith.constant 999600 : i32
        %dma_start3A_67 = tpu.memref_slice %arg4[%dma_start3A_66] : memref<1000000xf32, #tpu.memory_space<hbm>> -> memref<400xf32, #tpu.memory_space<hbm>>
        %dma_start3A_68 = arith.constant 999600 : i32
        %dma_start3A_69 = tpu.memref_slice %arg4[%dma_start3A_68] : memref<1000000xf32, #tpu.memory_space<hbm>> -> memref<400xf32, #tpu.memory_space<hbm>>
        %dma_start3A_70 = arith.constant 0 : i32
        %dma_start3A_71 = tpu.memref_slice %arg14[%dma_start3A_70] : memref<3920xf32, #tpu.memory_space<vmem>> -> memref<400xf32, #tpu.memory_space<vmem>>
        tpu.enqueue_dma source(%dma_start3A_71 : memref<400xf32, #tpu.memory_space<vmem>>) target(%dma_start3A_69 : memref<400xf32, #tpu.memory_space<hbm>>) target_semaphore(%run_scoped3A : memref<!tpu.dma_semaphore, #tpu.memory_space<semaphore_mem>>)
        %dma_wait3A_72 = arith.constant 0 : i32
        %dma_wait3A_73 = tpu.memref_slice %arg14[%dma_wait3A_72] : memref<3920xf32, #tpu.memory_space<vmem>> -> memref<400xf32, #tpu.memory_space<vmem>>
        %dma_wait3A_74 = arith.constant 999600 : i32
        %dma_wait3A_75 = tpu.memref_slice %arg4[%dma_wait3A_74] : memref<1000000xf32, #tpu.memory_space<hbm>> -> memref<400xf32, #tpu.memory_space<hbm>>
        %dma_wait3A_76 = arith.constant 999600 : i32
        %dma_wait3A_77 = tpu.memref_slice %arg4[%dma_wait3A_76] : memref<1000000xf32, #tpu.memory_space<hbm>> -> memref<400xf32, #tpu.memory_space<hbm>>
        %dma_wait3A_78 = arith.constant 0 : i32
        %dma_wait3A_79 = tpu.memref_slice %arg14[%dma_wait3A_78] : memref<3920xf32, #tpu.memory_space<vmem>> -> memref<400xf32, #tpu.memory_space<vmem>>
        tpu.wait_dma2 semaphore(%run_scoped3A : memref<!tpu.dma_semaphore, #tpu.memory_space<semaphore_mem>>) src(%dma_wait3A_79 : memref<400xf32, #tpu.memory_space<vmem>>) dst(%dma_wait3A_77 : memref<400xf32, #tpu.memory_space<hbm>>)
        tpu.yield
      }) : () -> ()
      "tpu.region"() ({
        %run_scoped3A = tpu.sem_alloc : memref<!tpu.dma_semaphore, #tpu.memory_space<semaphore_mem>>
        %dma_start3A_64 = arith.constant 0 : i32
        %dma_start3A_65 = tpu.memref_slice %arg15[%dma_start3A_64] : memref<3920xf32, #tpu.memory_space<vmem>> -> memref<400xf32, #tpu.memory_space<vmem>>
        %dma_start3A_66 = arith.constant 999600 : i32
        %dma_start3A_67 = tpu.memref_slice %arg5[%dma_start3A_66] : memref<1000000xf32, #tpu.memory_space<hbm>> -> memref<400xf32, #tpu.memory_space<hbm>>
        %dma_start3A_68 = arith.constant 999600 : i32
        %dma_start3A_69 = tpu.memref_slice %arg5[%dma_start3A_68] : memref<1000000xf32, #tpu.memory_space<hbm>> -> memref<400xf32, #tpu.memory_space<hbm>>
        %dma_start3A_70 = arith.constant 0 : i32
        %dma_start3A_71 = tpu.memref_slice %arg15[%dma_start3A_70] : memref<3920xf32, #tpu.memory_space<vmem>> -> memref<400xf32, #tpu.memory_space<vmem>>
        tpu.enqueue_dma source(%dma_start3A_71 : memref<400xf32, #tpu.memory_space<vmem>>) target(%dma_start3A_69 : memref<400xf32, #tpu.memory_space<hbm>>) target_semaphore(%run_scoped3A : memref<!tpu.dma_semaphore, #tpu.memory_space<semaphore_mem>>)
        %dma_wait3A_72 = arith.constant 0 : i32
        %dma_wait3A_73 = tpu.memref_slice %arg15[%dma_wait3A_72] : memref<3920xf32, #tpu.memory_space<vmem>> -> memref<400xf32, #tpu.memory_space<vmem>>
        %dma_wait3A_74 = arith.constant 999600 : i32
        %dma_wait3A_75 = tpu.memref_slice %arg5[%dma_wait3A_74] : memref<1000000xf32, #tpu.memory_space<hbm>> -> memref<400xf32, #tpu.memory_space<hbm>>
        %dma_wait3A_76 = arith.constant 999600 : i32
        %dma_wait3A_77 = tpu.memref_slice %arg5[%dma_wait3A_76] : memref<1000000xf32, #tpu.memory_space<hbm>> -> memref<400xf32, #tpu.memory_space<hbm>>
        %dma_wait3A_78 = arith.constant 0 : i32
        %dma_wait3A_79 = tpu.memref_slice %arg15[%dma_wait3A_78] : memref<3920xf32, #tpu.memory_space<vmem>> -> memref<400xf32, #tpu.memory_space<vmem>>
        tpu.wait_dma2 semaphore(%run_scoped3A : memref<!tpu.dma_semaphore, #tpu.memory_space<semaphore_mem>>) src(%dma_wait3A_79 : memref<400xf32, #tpu.memory_space<vmem>>) dst(%dma_wait3A_77 : memref<400xf32, #tpu.memory_space<hbm>>)
        tpu.yield
      }) : () -> ()
      "tpu.region"() ({
        %run_scoped3A = tpu.sem_alloc : memref<!tpu.dma_semaphore, #tpu.memory_space<semaphore_mem>>
        %dma_start3A_64 = arith.constant 0 : i32
        %dma_start3A_65 = tpu.memref_slice %arg16[%dma_start3A_64] : memref<3920xf32, #tpu.memory_space<vmem>> -> memref<400xf32, #tpu.memory_space<vmem>>
        %dma_start3A_66 = arith.constant 999600 : i32
        %dma_start3A_67 = tpu.memref_slice %arg6[%dma_start3A_66] : memref<1000000xf32, #tpu.memory_space<hbm>> -> memref<400xf32, #tpu.memory_space<hbm>>
        %dma_start3A_68 = arith.constant 999600 : i32
        %dma_start3A_69 = tpu.memref_slice %arg6[%dma_start3A_68] : memref<1000000xf32, #tpu.memory_space<hbm>> -> memref<400xf32, #tpu.memory_space<hbm>>
        %dma_start3A_70 = arith.constant 0 : i32
        %dma_start3A_71 = tpu.memref_slice %arg16[%dma_start3A_70] : memref<3920xf32, #tpu.memory_space<vmem>> -> memref<400xf32, #tpu.memory_space<vmem>>
        tpu.enqueue_dma source(%dma_start3A_71 : memref<400xf32, #tpu.memory_space<vmem>>) target(%dma_start3A_69 : memref<400xf32, #tpu.memory_space<hbm>>) target_semaphore(%run_scoped3A : memref<!tpu.dma_semaphore, #tpu.memory_space<semaphore_mem>>)
        %dma_wait3A_72 = arith.constant 0 : i32
        %dma_wait3A_73 = tpu.memref_slice %arg16[%dma_wait3A_72] : memref<3920xf32, #tpu.memory_space<vmem>> -> memref<400xf32, #tpu.memory_space<vmem>>
        %dma_wait3A_74 = arith.constant 999600 : i32
        %dma_wait3A_75 = tpu.memref_slice %arg6[%dma_wait3A_74] : memref<1000000xf32, #tpu.memory_space<hbm>> -> memref<400xf32, #tpu.memory_space<hbm>>
        %dma_wait3A_76 = arith.constant 999600 : i32
        %dma_wait3A_77 = tpu.memref_slice %arg6[%dma_wait3A_76] : memref<1000000xf32, #tpu.memory_space<hbm>> -> memref<400xf32, #tpu.memory_space<hbm>>
        %dma_wait3A_78 = arith.constant 0 : i32
        %dma_wait3A_79 = tpu.memref_slice %arg16[%dma_wait3A_78] : memref<3920xf32, #tpu.memory_space<vmem>> -> memref<400xf32, #tpu.memory_space<vmem>>
        tpu.wait_dma2 semaphore(%run_scoped3A : memref<!tpu.dma_semaphore, #tpu.memory_space<semaphore_mem>>) src(%dma_wait3A_79 : memref<400xf32, #tpu.memory_space<vmem>>) dst(%dma_wait3A_77 : memref<400xf32, #tpu.memory_space<hbm>>)
        tpu.yield
      }) : () -> ()
      "tpu.region"() ({
        %run_scoped3A = tpu.sem_alloc : memref<!tpu.dma_semaphore, #tpu.memory_space<semaphore_mem>>
        %dma_start3A_64 = arith.constant 0 : i32
        %dma_start3A_65 = tpu.memref_slice %arg17[%dma_start3A_64] : memref<3920xf32, #tpu.memory_space<vmem>> -> memref<400xf32, #tpu.memory_space<vmem>>
        %dma_start3A_66 = arith.constant 999600 : i32
        %dma_start3A_67 = tpu.memref_slice %arg7[%dma_start3A_66] : memref<1000000xf32, #tpu.memory_space<hbm>> -> memref<400xf32, #tpu.memory_space<hbm>>
        %dma_start3A_68 = arith.constant 999600 : i32
        %dma_start3A_69 = tpu.memref_slice %arg7[%dma_start3A_68] : memref<1000000xf32, #tpu.memory_space<hbm>> -> memref<400xf32, #tpu.memory_space<hbm>>
        %dma_start3A_70 = arith.constant 0 : i32
        %dma_start3A_71 = tpu.memref_slice %arg17[%dma_start3A_70] : memref<3920xf32, #tpu.memory_space<vmem>> -> memref<400xf32, #tpu.memory_space<vmem>>
        tpu.enqueue_dma source(%dma_start3A_71 : memref<400xf32, #tpu.memory_space<vmem>>) target(%dma_start3A_69 : memref<400xf32, #tpu.memory_space<hbm>>) target_semaphore(%run_scoped3A : memref<!tpu.dma_semaphore, #tpu.memory_space<semaphore_mem>>)
        %dma_wait3A_72 = arith.constant 0 : i32
        %dma_wait3A_73 = tpu.memref_slice %arg17[%dma_wait3A_72] : memref<3920xf32, #tpu.memory_space<vmem>> -> memref<400xf32, #tpu.memory_space<vmem>>
        %dma_wait3A_74 = arith.constant 999600 : i32
        %dma_wait3A_75 = tpu.memref_slice %arg7[%dma_wait3A_74] : memref<1000000xf32, #tpu.memory_space<hbm>> -> memref<400xf32, #tpu.memory_space<hbm>>
        %dma_wait3A_76 = arith.constant 999600 : i32
        %dma_wait3A_77 = tpu.memref_slice %arg7[%dma_wait3A_76] : memref<1000000xf32, #tpu.memory_space<hbm>> -> memref<400xf32, #tpu.memory_space<hbm>>
        %dma_wait3A_78 = arith.constant 0 : i32
        %dma_wait3A_79 = tpu.memref_slice %arg17[%dma_wait3A_78] : memref<3920xf32, #tpu.memory_space<vmem>> -> memref<400xf32, #tpu.memory_space<vmem>>
        tpu.wait_dma2 semaphore(%run_scoped3A : memref<!tpu.dma_semaphore, #tpu.memory_space<semaphore_mem>>) src(%dma_wait3A_79 : memref<400xf32, #tpu.memory_space<vmem>>) dst(%dma_wait3A_77 : memref<400xf32, #tpu.memory_space<hbm>>)
        tpu.yield
      }) : () -> ()
      "tpu.region"() ({
        %run_scoped3A = tpu.sem_alloc : memref<!tpu.dma_semaphore, #tpu.memory_space<semaphore_mem>>
        %dma_start3A_64 = arith.constant 0 : i32
        %dma_start3A_65 = tpu.memref_slice %arg18[%dma_start3A_64] : memref<3920xf32, #tpu.memory_space<vmem>> -> memref<400xf32, #tpu.memory_space<vmem>>
        %dma_start3A_66 = arith.constant 999600 : i32
        %dma_start3A_67 = tpu.memref_slice %arg8[%dma_start3A_66] : memref<1000000xf32, #tpu.memory_space<hbm>> -> memref<400xf32, #tpu.memory_space<hbm>>
        %dma_start3A_68 = arith.constant 999600 : i32
        %dma_start3A_69 = tpu.memref_slice %arg8[%dma_start3A_68] : memref<1000000xf32, #tpu.memory_space<hbm>> -> memref<400xf32, #tpu.memory_space<hbm>>
        %dma_start3A_70 = arith.constant 0 : i32
        %dma_start3A_71 = tpu.memref_slice %arg18[%dma_start3A_70] : memref<3920xf32, #tpu.memory_space<vmem>> -> memref<400xf32, #tpu.memory_space<vmem>>
        tpu.enqueue_dma source(%dma_start3A_71 : memref<400xf32, #tpu.memory_space<vmem>>) target(%dma_start3A_69 : memref<400xf32, #tpu.memory_space<hbm>>) target_semaphore(%run_scoped3A : memref<!tpu.dma_semaphore, #tpu.memory_space<semaphore_mem>>)
        %dma_wait3A_72 = arith.constant 0 : i32
        %dma_wait3A_73 = tpu.memref_slice %arg18[%dma_wait3A_72] : memref<3920xf32, #tpu.memory_space<vmem>> -> memref<400xf32, #tpu.memory_space<vmem>>
        %dma_wait3A_74 = arith.constant 999600 : i32
        %dma_wait3A_75 = tpu.memref_slice %arg8[%dma_wait3A_74] : memref<1000000xf32, #tpu.memory_space<hbm>> -> memref<400xf32, #tpu.memory_space<hbm>>
        %dma_wait3A_76 = arith.constant 999600 : i32
        %dma_wait3A_77 = tpu.memref_slice %arg8[%dma_wait3A_76] : memref<1000000xf32, #tpu.memory_space<hbm>> -> memref<400xf32, #tpu.memory_space<hbm>>
        %dma_wait3A_78 = arith.constant 0 : i32
        %dma_wait3A_79 = tpu.memref_slice %arg18[%dma_wait3A_78] : memref<3920xf32, #tpu.memory_space<vmem>> -> memref<400xf32, #tpu.memory_space<vmem>>
        tpu.wait_dma2 semaphore(%run_scoped3A : memref<!tpu.dma_semaphore, #tpu.memory_space<semaphore_mem>>) src(%dma_wait3A_79 : memref<400xf32, #tpu.memory_space<vmem>>) dst(%dma_wait3A_77 : memref<400xf32, #tpu.memory_space<hbm>>)
        tpu.yield
      }) : () -> ()
      "tpu.region"() ({
        %run_scoped3A = tpu.sem_alloc : memref<!tpu.dma_semaphore, #tpu.memory_space<semaphore_mem>>
        %dma_start3A_64 = arith.constant 0 : i32
        %dma_start3A_65 = tpu.memref_slice %arg19[%dma_start3A_64] : memref<3920xf32, #tpu.memory_space<vmem>> -> memref<400xf32, #tpu.memory_space<vmem>>
        %dma_start3A_66 = arith.constant 999600 : i32
        %dma_start3A_67 = tpu.memref_slice %arg9[%dma_start3A_66] : memref<1000000xf32, #tpu.memory_space<hbm>> -> memref<400xf32, #tpu.memory_space<hbm>>
        %dma_start3A_68 = arith.constant 999600 : i32
        %dma_start3A_69 = tpu.memref_slice %arg9[%dma_start3A_68] : memref<1000000xf32, #tpu.memory_space<hbm>> -> memref<400xf32, #tpu.memory_space<hbm>>
        %dma_start3A_70 = arith.constant 0 : i32
        %dma_start3A_71 = tpu.memref_slice %arg19[%dma_start3A_70] : memref<3920xf32, #tpu.memory_space<vmem>> -> memref<400xf32, #tpu.memory_space<vmem>>
        tpu.enqueue_dma source(%dma_start3A_71 : memref<400xf32, #tpu.memory_space<vmem>>) target(%dma_start3A_69 : memref<400xf32, #tpu.memory_space<hbm>>) target_semaphore(%run_scoped3A : memref<!tpu.dma_semaphore, #tpu.memory_space<semaphore_mem>>)
        %dma_wait3A_72 = arith.constant 0 : i32
        %dma_wait3A_73 = tpu.memref_slice %arg19[%dma_wait3A_72] : memref<3920xf32, #tpu.memory_space<vmem>> -> memref<400xf32, #tpu.memory_space<vmem>>
        %dma_wait3A_74 = arith.constant 999600 : i32
        %dma_wait3A_75 = tpu.memref_slice %arg9[%dma_wait3A_74] : memref<1000000xf32, #tpu.memory_space<hbm>> -> memref<400xf32, #tpu.memory_space<hbm>>
        %dma_wait3A_76 = arith.constant 999600 : i32
        %dma_wait3A_77 = tpu.memref_slice %arg9[%dma_wait3A_76] : memref<1000000xf32, #tpu.memory_space<hbm>> -> memref<400xf32, #tpu.memory_space<hbm>>
        %dma_wait3A_78 = arith.constant 0 : i32
        %dma_wait3A_79 = tpu.memref_slice %arg19[%dma_wait3A_78] : memref<3920xf32, #tpu.memory_space<vmem>> -> memref<400xf32, #tpu.memory_space<vmem>>
        tpu.wait_dma2 semaphore(%run_scoped3A : memref<!tpu.dma_semaphore, #tpu.memory_space<semaphore_mem>>) src(%dma_wait3A_79 : memref<400xf32, #tpu.memory_space<vmem>>) dst(%dma_wait3A_77 : memref<400xf32, #tpu.memory_space<hbm>>)
        tpu.yield
      }) : () -> ()
    } else {
    }
    return
  }
}

module attributes {stable_mosaic.version = 14 : i64} {
  func.func @body(%arg0: i32, %arg1: memref<2x65536xf32, #tpu.memory_space<vmem>>, %arg2: memref<65536xf32, #tpu.memory_space<vmem>>, %arg3: memref<65536xf32, #tpu.memory_space<vmem>>, %arg4: memref<65536xf32, #tpu.memory_space<vmem>>, %arg5: memref<65536xf32, #tpu.memory_space<vmem>>, %arg6: memref<65536xf32, #tpu.memory_space<vmem>>, %arg7: memref<65536xf32, #tpu.memory_space<vmem>>, %arg8: memref<2x65536xf32, #tpu.memory_space<vmem>>) attributes {dimension_semantics = [#tpu.dimension_semantics<arbitrary>], iteration_bounds = array<i64: 16>, scalar_prefetch = 0 : i64, scratch_operands = 0 : i64, tpu.core_type = #tpu.core_type<tc>, window_params = [{transform_indices = @transform_0, window_bounds = array<i64: 2, 65536>}, {transform_indices = @transform_1, window_bounds = array<i64: 65536>}, {transform_indices = @transform_2, window_bounds = array<i64: 65536>}, {transform_indices = @transform_3, window_bounds = array<i64: 65536>}, {transform_indices = @transform_4, window_bounds = array<i64: 65536>}, {transform_indices = @transform_5, window_bounds = array<i64: 65536>}, {transform_indices = @transform_6, window_bounds = array<i64: 65536>}, {transform_indices = @transform_7, window_bounds = array<i64: 2, 65536>}]} {
    %get3A = arith.constant 0 : index
    %get3A_0 = arith.constant 0 : index
    %get3A_1 = vector.load %arg1[%get3A, %get3A_0] : memref<2x65536xf32, #tpu.memory_space<vmem>>, vector<1x65536xf32>
    %get3A_2 = vector.shape_cast %get3A_1 : vector<1x65536xf32> to vector<65536xf32>
    %get3A_3 = arith.constant 1 : index
    %get3A_4 = arith.constant 0 : index
    %get3A_5 = vector.load %arg1[%get3A_3, %get3A_4] : memref<2x65536xf32, #tpu.memory_space<vmem>>, vector<1x65536xf32>
    %get3A_6 = vector.shape_cast %get3A_5 : vector<1x65536xf32> to vector<65536xf32>
    %get3A_7 = arith.constant 0 : index
    %get3A_8 = vector.load %arg2[%get3A_7] : memref<65536xf32, #tpu.memory_space<vmem>>, vector<65536xf32>
    %mul3A = arith.mulf %get3A_2, %get3A_8 : vector<65536xf32>
    %get3A_9 = arith.constant 0 : index
    %get3A_10 = vector.load %arg3[%get3A_9] : memref<65536xf32, #tpu.memory_space<vmem>>, vector<65536xf32>
    %mul3A_11 = arith.mulf %get3A_6, %get3A_10 : vector<65536xf32>
    %add3A = arith.addf %mul3A, %mul3A_11 : vector<65536xf32>
    %get3A_12 = arith.constant 0 : index
    %get3A_13 = vector.load %arg4[%get3A_12] : memref<65536xf32, #tpu.memory_space<vmem>>, vector<65536xf32>
    %add3A_14 = arith.addf %add3A, %get3A_13 : vector<65536xf32>
    %swap3A = arith.constant 0 : index
    %swap3A_15 = arith.constant 0 : index
    %swap3A_16 = vector.load %arg8[%swap3A, %swap3A_15] : memref<2x65536xf32, #tpu.memory_space<vmem>>, vector<1x65536xf32>
    %swap3A_17 = vector.shape_cast %swap3A_16 : vector<1x65536xf32> to vector<65536xf32>
    %swap3A_18 = vector.shape_cast %add3A_14 : vector<65536xf32> to vector<1x65536xf32>
    tpu.vector_store %arg8[%swap3A, %swap3A_15], %swap3A_18 {strides = array<i32>} : memref<2x65536xf32, #tpu.memory_space<vmem>>, vector<1x65536xf32>,
    %get3A_19 = arith.constant 0 : index
    %get3A_20 = vector.load %arg5[%get3A_19] : memref<65536xf32, #tpu.memory_space<vmem>>, vector<65536xf32>
    %mul3A_21 = arith.mulf %get3A_2, %get3A_20 : vector<65536xf32>
    %get3A_22 = arith.constant 0 : index
    %get3A_23 = vector.load %arg6[%get3A_22] : memref<65536xf32, #tpu.memory_space<vmem>>, vector<65536xf32>
    %mul3A_24 = arith.mulf %get3A_6, %get3A_23 : vector<65536xf32>
    %add3A_25 = arith.addf %mul3A_21, %mul3A_24 : vector<65536xf32>
    %get3A_26 = arith.constant 0 : index
    %get3A_27 = vector.load %arg7[%get3A_26] : memref<65536xf32, #tpu.memory_space<vmem>>, vector<65536xf32>
    %add3A_28 = arith.addf %add3A_25, %get3A_27 : vector<65536xf32>
    %swap3A_29 = arith.constant 1 : index
    %swap3A_30 = arith.constant 0 : index
    %swap3A_31 = vector.load %arg8[%swap3A_29, %swap3A_30] : memref<2x65536xf32, #tpu.memory_space<vmem>>, vector<1x65536xf32>
    %swap3A_32 = vector.shape_cast %swap3A_31 : vector<1x65536xf32> to vector<65536xf32>
    %swap3A_33 = vector.shape_cast %add3A_28 : vector<65536xf32> to vector<1x65536xf32>
    tpu.vector_store %arg8[%swap3A_29, %swap3A_30], %swap3A_33 {strides = array<i32>} : memref<2x65536xf32, #tpu.memory_space<vmem>>, vector<1x65536xf32>,
    return
  }
  func.func @transform_0(%arg0: i32) -> (i32, i32) {
    %c0_i32 = arith.constant 0 : i32
    %c0_i32_0 = arith.constant 0 : i32
    return %c0_i32, %arg0 : i32, i32
  }
  func.func @transform_1(%arg0: i32) -> i32 {
    %c0_i32 = arith.constant 0 : i32
    return %arg0 : i32
  }
  func.func @transform_2(%arg0: i32) -> i32 {
    %c0_i32 = arith.constant 0 : i32
    return %arg0 : i32
  }
  func.func @transform_3(%arg0: i32) -> i32 {
    %c0_i32 = arith.constant 0 : i32
    return %arg0 : i32
  }
  func.func @transform_4(%arg0: i32) -> i32 {
    %c0_i32 = arith.constant 0 : i32
    return %arg0 : i32
  }
  func.func @transform_5(%arg0: i32) -> i32 {
    %c0_i32 = arith.constant 0 : i32
    return %arg0 : i32
  }
  func.func @transform_6(%arg0: i32) -> i32 {
    %c0_i32 = arith.constant 0 : i32
    return %arg0 : i32
  }
  func.func @transform_7(%arg0: i32) -> (i32, i32) {
    %c0_i32 = arith.constant 0 : i32
    %c0_i32_0 = arith.constant 0 : i32
    return %c0_i32, %arg0 : i32, i32
  }
}

</mosaic_0001>

<sc_bundles>
// kernel: kernel.12.cloned.1.call-start
scs
__scs_entry_jumppad:
0x0: {  	(pc) =	sbr.rel $0x88, $3  }
0x1: {  	(tag) =	ssettag $0x0;
	lr =	simm.s32 $0x1  }
0x2: {  	[smem:$0x3F9C] =	sst lr;
	_ =	strace $0xD0000000  }
0x3: {  	_ = 	snop  }
0x4: {  	_ = 	snop  }
0x5: {  	_ = 	snop  }
0x6: {  	_ = 	snop  }
0x7: {  	_ = 	snop  }
__scs_overlays_trampoline_lowered:
0x8: {  	[smem:$0x3FAB] =	sst s0  }
0x9: {  	[smem:$0x3FAC] =	sst s1  }
0xa: {  	[smem:$0x3FAD] =	sst s2  }
0xb: {  	[smem:$0x3FAE] =	sst s3  }
0xc: {  	[smem:$0x3FAF] =	sst s4  }
0xd: {  	[smem:$0x3FB0] =	sst s5  }
0xe: {  	[smem:$0x3FB1] =	sst s6  }
0xf: {  	[smem:$0x3FB2] =	sst s7  }
0x10: {  	[smem:$0x3FB3] =	sst s8  }
0x11: {  	[smem:$0x3FB4] =	sst s9;
	s0 =	simm.s32 @!p0 $0x0  }
0x12: {  	s1 =	sld [smem:$0x3F9A];
	s0 =	simm.s32 @p0 $0x1  }
0x13: {  	[smem:$0x3FB5] =	sst s0;
	s0 =	simm.s32 @!p1 $0x0  }
0x14: {  	s2 =	sld [smem:$0x3F99];
	s0 =	simm.s32 @p1 $0x1  }
0x15: {  	[smem:$0x3FB6] =	sst s0;
	s0 =	simm.s32 @!p2 $0x0  }
0x16: {  	s3 =	sld [smem:$0x3FDB];
	s0 =	simm.s32 @p2 $0x1  }
0x17: {  	s4 =	simm.s32 $0x1BF5;
	[smem:$0x3FB8] =	sst s0  }
0x18: {  	s0 =	sld [smem:$0x3F9B];
	_ =	swait.ge [sflag:s4], $0x0  }
0x19: {  	s7 =	sld [smem:$0x3F9C]  }
0x1a: {  	s8 =	sadd.s32 $0xFFFFE003, lr  }
0x1b: {  	s9 =	sadd.s32 $0xFFFFFEF7, lr;
	s5 =	simm.s32 $0xFFFFFFFF;
	p2 =	slt.u32 s8, $0xFFFFF086  }
0x1c: {  	p1 =	slt.u32 s9, $0xF7A;
	s5 =	simm.s32 @!p2 $0x0  }
0x1d: {  	s5 =	simm.s32 @p1 $0x1;
	p0 =	seq.s32 s7, s2  }
0x1e: {  	s7 =	smul.u32 @!p0 $0xF7A, s2;
	p2 =	seq.s32 @!p0 s5, $0x0  }
0x1f: {  	s9 =	smul.u32 $0xF7A, s1;
	s8 =	simm.s32 @!p0 $0x1BF5;
	p2 =	por !p2, p0  }
0x20: {  	[sflag:s8] =	ssyncset.s32 @!p0 $0xFFFFF086;
	s6 =	sadd.s32 @!p0 s3, s7;
	s7 =	simm.s32 @!p0 $0x108  }
0x21: {  	s3 =	sadd.s32 s3, s9;
	s6 =	sadd.s32 @!p0 $0x88, s6;
	s7 =	simm.s32 @p2 $0x1082  }
0x22: {  	[simem:s7], [sflag:s8] =	dma.local @!p0 [hbm:s6], $0xF7A  }
0x23: {  	s9 =	sor.u32 $0xD0000000, s2;
	s6 =	simm.s32 $0x108;
	_ =	swait.ge @!p0 [sflag:s8], $0x0  }
0x24: {  	s3 =	sadd.s32 $0x88, s3;
	s6 =	simm.s32 @!p1 $0x1082;
	[sflag:s4] =	ssyncset.s32 $0xFFFFF086  }
0x25: {  	[simem:s6], [sflag:s4] =	dma.local [hbm:s3], $0xF7A  }
0x26: {  	[smem:$0x3F9C] =	sst s1;
	(tag) =	ssettag s2;
	_ =	strace s9  }
0x27: {  	s1 =	sld [smem:$0x3FAC]  }
0x28: {  	s2 =	sld [smem:$0x3FAD]  }
0x29: {  	s4 =	sld [smem:$0x3FAF]  }
0x2a: {  	p0 =	seq.s32 s5, $0x0;
	s5 =	sld [smem:$0x3FB0]  }
0x2b: {  	s6 =	sld [smem:$0x3FB1]  }
0x2c: {  	s7 =	sld [smem:$0x3FB2]  }
0x2d: {  	s3 =	simm.s32 $0x108;
	s8 =	sld [smem:$0x3FB3]  }
0x2e: {  	s3 =	simm.s32 @!p0 $0x1082;
	s9 =	sld [smem:$0x3FB4]  }
0x2f: {  	lr =	sadd.s32 s0, s3;
	s0 =	sld [smem:$0x3FAB]  }
0x30: {  	s3 =	sld [smem:$0x3FAE]  }
0x31: {  	[smem:$0x3FB7] =	sst s10  }
0x32: {  	s10 =	sld [smem:$0x3FB5];
	_ =	sdelay $0x3  }
0x33: {  	p0 =	seq.s32 s10, $0x1;
	s10 =	sld [smem:$0x3FB7];
	_ =	sdelay $0x3  }
0x34: {  	[smem:$0x3FB7] =	sst s10  }
0x35: {  	s10 =	sld [smem:$0x3FB6];
	_ =	sdelay $0x3  }
0x36: {  	p1 =	seq.s32 s10, $0x1;
	s10 =	sld [smem:$0x3FB7];
	_ =	sdelay $0x3  }
0x37: {  	[smem:$0x3FB7] =	sst s10  }
0x38: {  	s10 =	sld [smem:$0x3FB8]  }
0x39: {  	_ = 	snop;
	(pc) =	sbr.ind lr, $3  }
0x3a: {  	_ = 	snop  }
0x3b: {  	_ = 	snop  }
0x3c: {  	p2 =	seq.s32 s10, $0x1;
	s10 =	sld [smem:$0x3FB7]  }
0x3d: {  	_ =	shalt  }
0x3e: {  	_ =	shalt  }
0x3f: {  	_ =	shalt  }
0x40: {  	_ =	shalt  }
0x41: {  	_ =	shalt  }
0x42: {  	_ =	shalt  }
0x43: {  	_ =	shalt  }
0x44: {  	_ =	shalt  }
0x45: {  	_ =	shalt  }
0x46: {  	_ =	shalt  }
0x47: {  	_ =	shalt  }
0x48: {  	_ =	shalt  }
0x49: {  	_ =	shalt  }
0x4a: {  	_ =	shalt  }
0x4b: {  	_ =	shalt  }
0x4c: {  	_ =	shalt  }
0x4d: {  	_ =	shalt  }
0x4e: {  	_ =	shalt  }
0x4f: {  	_ =	shalt  }
0x50: {  	_ =	shalt  }
0x51: {  	_ =	shalt  }
0x52: {  	_ =	shalt  }
0x53: {  	_ =	shalt  }
0x54: {  	_ =	shalt  }
0x55: {  	_ =	shalt  }
0x56: {  	_ =	shalt  }
0x57: {  	_ =	shalt  }
0x58: {  	_ =	shalt  }
0x59: {  	_ =	shalt  }
0x5a: {  	_ =	shalt  }
0x5b: {  	_ =	shalt  }
0x5c: {  	_ =	shalt  }
0x5d: {  	_ =	shalt  }
0x5e: {  	_ =	shalt  }
0x5f: {  	_ =	shalt  }
0x60: {  	_ =	shalt  }
0x61: {  	_ =	shalt  }
0x62: {  	_ =	shalt  }
0x63: {  	_ =	shalt  }
0x64: {  	_ =	shalt  }
0x65: {  	_ =	shalt  }
0x66: {  	_ =	shalt  }
0x67: {  	_ =	shalt  }
0x68: {  	_ =	shalt  }
0x69: {  	_ =	shalt  }
0x6a: {  	_ =	shalt  }
0x6b: {  	_ =	shalt  }
0x6c: {  	_ =	shalt  }
0x6d: {  	_ =	shalt  }
0x6e: {  	_ =	shalt  }
0x6f: {  	_ =	shalt  }
0x70: {  	_ =	shalt  }
0x71: {  	_ =	shalt  }
0x72: {  	_ =	shalt  }
0x73: {  	_ =	shalt  }
0x74: {  	_ =	shalt  }
0x75: {  	_ =	shalt  }
0x76: {  	_ =	shalt  }
0x77: {  	_ =	shalt  }
0x78: {  	_ =	shalt  }
0x79: {  	_ =	shalt  }
0x7a: {  	_ =	shalt  }
0x7b: {  	_ =	shalt  }
0x7c: {  	_ =	shalt  }
0x7d: {  	_ =	shalt  }
0x7e: {  	_ =	shalt  }
0x7f: {  	_ =	shalt  }
0x80: {  	_ =	shalt  }
0x81: {  	_ =	shalt  }
0x82: {  	_ =	shalt  }
0x83: {  	_ =	shalt  }
0x84: {  	_ =	shalt  }
0x85: {  	_ =	shalt  }
0x86: {  	_ =	shalt  }
0x87: {  	_ =	shalt  }
.Lfunc_end0:
.L_simem_size_0:
called_computation.2_lowered:
.L_overlay_start_0:
0x88: {  	s2 =	sld [smem:$0x3FD9]  }
0x89: {  	s3 =	sld [smem:$0x3FFE];
	_ =	sdelay $0x1  }
0x8a: {  	s1 =	srdreg.scid  }
0x8b: {  	s0 =	sand.u32 $0x1, s1  }
0x8c: {  	s17 =	sshll.u32 s0, $0xA;
	s2 =	sadd.s32 s3, s2  }
0x8d: {  	s2 =	sadd.s32 s2, s17  }
0x8e: {  	[smem:$0x3FC3] =	sst s2  }
0x8f: {  	_ = 	snop  }
0x90: {  	s2 =	sld [smem:$0x3FC5]  }
0x91: {  	s18 =	sld [smem:$0x3FD0];
	(tm) =	ssettm $0x1  }
0x92: {  	s4 =	sld [smem:$0x3FFB];
	_ =	sdelay $0x3  }
0x93: {  	_ =	strace s4  }
0x94: {  	s4 =	sld [smem:$0x3FFC];
	_ =	sdelay $0x3  }
0x95: {  	_ =	strace s4  }
0x96: {  	s4 =	sld [smem:$0x3FFD];
	_ =	sdelay $0x3  }
0x97: {  	_ =	strace s4  }
0x98: {  	_ =	strace $0x8FFFFFFF  }
0x99: {  	s19 =	sld [smem:$0x3FDB];
	_ =	sdelay $0x1  }
0x9a: {  	s5 =	simm.s32 $_scs_section_size  }
0x9b: {  	s6 =	simm.s32 $_size__tile_overlayer_lowered;
	s7 =	simm.s32 $_tile_overlayer_lowered  }
0x9c: {  	s22 =	simm.s32 $0x1BFF;
	s21 =	sshll.u32 s7, $0x1;
	s4 =	sadd.s32 s5, s19  }
0x9d: {  	s8 =	simm.s32 $0x0;
	s20 =	sshll.u32 s6, $0x1;
	s6 =	sadd.s32 s21, s4  }
0x9e: {  	[timem:s8], [sflag:s22] =	dma.local [hbm:s6], s20  }
0x9f: {  	_ =	swait.ge [sflag:s22], s20  }
0xa0: {  	s5 =	ssub.s32 $0x0, s20;
	[sflag:s22] =	ssyncset.done $0x0  }
0xa1: {  	[sflag:s22] =	ssyncadd.s32 s5;
	_ =	sdelay $0x1  }
0xa2: {  	s23 =	simm.s32 $0x1B8B  }
0xa3: {  	_ =	swait.ge [sflag:s23], $0x1  }
0xa4: {  	[sflag:s23] =	ssyncset.done $0x0  }
0xa5: {  	s25 =	simm.s32 $0x1B8E;
	s24 =	sld [smem:$0x3FFE];
	[sflag:s23] =	ssyncadd.s32 $0xFFFFFFFF  }
0xa6: {  	s26 =	simm.s32 $execute0_lowered;
	[smem:$0x3FD2] =	sst s25  }
0xa7: {  	s6 =	sshll.u32 s26, $0x1;
	_ =	strace $0x8000004C;
	[dreg:$0x1] =	wrdreg $0xFFFFFFFF  }
0xa8: {  	s28 =	simm.s32 $_size_execute0_lowered;
	s4 =	sadd.s32 s4, s6;
	[dreg:$0x0] =	wrdreg $0x0  }
0xa9: {  	s6 =	sshll.u32 s28, $0x1;
	[dreg:$0x2] =	wrdreg s4  }
0xaa: {  	[dreg:$0x3] =	wrdreg s6  }
0xab: {  	[dreg:$0x4] =	wrdreg $0xC0  }
0xac: {  	_ =	task [dreg:s8], $0x5FFFF  }
0xad: {  	[dreg:$0x1] =	wrdreg $0xFFFFFFFF  }
0xae: {  	[dreg:$0x0] =	wrdreg $0x60  }
0xaf: {  	[dreg:$0x2] =	wrdreg s2  }
0xb0: {  	[dreg:$0x3] =	wrdreg s18  }
0xb1: {  	[dreg:$0x4] =	wrdreg s24  }
0xb2: {  	[dreg:$0x5] =	wrdreg $0x9  }
0xb3: {  	_ =	task.clear_ibuf [dreg:s8], $0x6FFFF;
	_ =	strace $0x9000004C  }
0xb4: {  	s29 =	simm.s32 $0x9;
	_ =	strace $0x8000004E  }
0xb5: {  	_ =	swait.ge [sflag:s29], $0x1  }
0xb6: {  	[sflag:s29] =	ssyncadd.s32 $0xFFFFFFFF  }
0xb7: {  	_ =	strace $0x9000004E  }
0xb8: {  	_ =	sfence  }
0xb9: {  	s30 =	sld [smem:$0x0];
	_ =	sdelay $0x2  }
0xba: {  	s31 =	sshll.u32 s1, $0xD;
	s1 =	sshrl.u32 s1, $0x2  }
0xbb: {  	s3 =	sand.u32 $0x4000, s31;
	s1 =	sadd.s32 s1, s30  }
0xbc: {  	s0 =	sor.u32 s3, s0;
	s1 =	sshll.u32 s1, $0x11  }
0xbd: {  	s0 =	sor.u32 s1, s0  }
0xbe: {  	s0 =	sadd.s32 $0x8F2B, s0  }
0xbf: {  	[sflag:s0] =	ssyncadd.remote.s32 $0x1  }
0xc0: {  	_ =	sfence.sel $0xFFFF  }
0xc1: {  	[dreg:$0x0] =	wrdreg $0xFFFFFFFF;
	(pc) =	sbr.abs _section_cstart, $3  }
0xc2: {  	[dreg:$0x1] =	wrdreg $0xFFFFFFFF  }
0xc3: {  	_ =	task.clear_ibuf [dreg:s8], $0x2FFFF;
	_ =	strace $0x9FFFFFFF  }
0xc4: {  	(tm) =	ssettm $0x7FFFFFFF  }
0xc5: {  	_ =	shalt  }
tec
execute0_lowered:
.L_overlay_start_1:
0x0: {  	(tag) =	ssettag $0x1  }
0x1: {  	s1 =	rddreg [dreg:$0x0]  }
0x2: {  	s2 =	rddreg [dreg:$0x1]  }
0x3: {  	s0 =	rddreg [dreg:$0x2];
	s4 =	simm.s32 $0x0  }
0x4: {  	s3 =	srdreg.scid;
	s5 =	stileid.u32;
	s28 =	simm.s32 $0x122F0  }
0x5: {  	s29 =	simm.s32 $0x13240;
	s30 =	simm.s32 $0x14190;
	s31 =	simm.s32 $0x150E0  }
0x6: {  	s14 =	simm.s32 $0x9920;
	s15 =	simm.s32 $0x0;
	[smem:$0x7FF] =	sst s4  }
0x7: {  	s3 =	sand.u32 $0x1, s3;
	s7 =	sshll.u32 s5, $0x1;
	s5 =	sadd.s32 $0x1C00, s0  }
0x8: {  	s6 =	sadd.s32 $0x20600, s0;
	s8 =	sadd.s32 $0x3F000, s0;
	s20 =	sadd.s32 $0x1E816, s1  }
0x9: {  	s21 =	sadd.s32 $0x20416, s0;
	_ =	strace $0x8000004D;
	[dreg:$0x6] =	wrdreg s20  }
0xa: {  	s9 =	sadd.s32 $0x5DA00, s0;
	s22 =	sadd.s32 $0x3EE16, s0;
	[dreg:$0x7] =	wrdreg s21  }
0xb: {  	s10 =	sadd.s32 $0x7C400, s0;
	s23 =	sadd.s32 $0x5D816, s0;
	[dreg:$0x8] =	wrdreg s22  }
0xc: {  	s11 =	sadd.s32 $0x9AE00, s0;
	s24 =	sadd.s32 $0x7C216, s0;
	[dreg:$0x9] =	wrdreg s23  }
0xd: {  	s25 =	sadd.s32 $0x9AC16, s0;
	s0 =	sadd.s32 $0xB9616, s0;
	[dreg:$0xa] =	wrdreg s24  }
0xe: {  	s7 =	sor.u32 s3, s7;
	s3 =	ssub.s32 $0x2, s3;
	[dreg:$0xb] =	wrdreg s25  }
0xf: {  	[dreg:$0xc] =	wrdreg s0;
	s24 =	simm.s32 $0x1EA0;
	s12 =	smul.u32 $0x1EA, s7  }
.Ltmp0:
0x10: {  	s25 =	simm.s32 $0x3;
	s13 =	sshrl.u32 s3, $0x1;
	(pc) =	sbr.rel .LBB2_1-.Ltmp0, $4  }
0x11: {  	s0 =	simm.s32 $0x16030;
	s3 =	ssub.s32 s3, s13;
	s12 =	sadd.s32 s1, s12  }
0x12: {  	p0 =	sne.s32 s7, $0x1F;
	s26 =	smax.u32 s3, $0x1;
	[dreg:$0x4] =	wrdreg s12  }
0x13: {  	v0 =	vlaneseq.u32;
	s13 =	simm.s32 $0x6;
	s12 =	sadd.s32 $0x3D40, s12;
	[dreg:$0xd] =	wrdreg s26  }
0x14: {  	v0 =	vmul.u32 $0x8, v0;
	s3 =	simm.s32 $0x4;
	s26 =	simm.s32 $0x113A0;
	[dreg:$0x5] =	wrdreg s12  }
.LBB2_13:
0x15: {  	s15 =	sadd.s32 $0x1, s15;
	s12 =	rddreg [dreg:$0xd]  }
0x16: {  	p1 =	sne.s32 s15, s12  }
.Ltmp1:
0x17: {  	_ = 	snop;
	(pc) =	sbr.rel @!p1 .LBB2_14-.Ltmp1, $1  }
0x18: {  	_ =	sdelay $0x3  }
.LBB2_1:
0x19: {  	s12 =	rddreg [dreg:$0x4]  }
0x1a: {  	[tilespmem:s4], [sflag:$0x1] =	stream.linear.gather [hbm4b:s12+s4], $0xF50, $0x38;
	[tilespmem:$0x1CB60] =	vst v63  }
0x1b: {  	s21 =	rddreg [dreg:$0x5];
	s22 =	simm.s32 $0xF50  }
0x1c: {  	[tilespmem:s22], [sflag:$0x2] =	stream.linear.gather [hbm4b:s21+s4], $0xF50, $0x38;
	[tilespmem:$0x1CB60] =	vst v63  }
.Ltmp2:
0x1d: {  	[dreg:$0xe] =	wrdreg s15;
	s23 =	simm.s32 $0x1;
	(pc) =	sbr.rel .LBB2_2-.Ltmp2, $4  }
0x1e: {  	_ =	swait.ge [sflag:s23], $0xF50  }
0x1f: {  	[sflag:s23] =	ssyncset.done $0x0  }
0x20: {  	[sflag:s23] =	ssyncadd.s32 $0xFFFFF0B0;
	s23 =	simm.s32 $0x0  }
0x21: {  	[tilespmem:s24], [sflag:$0x3] =	stream.indirect.gather [hbm4b:s2+s22], $0x8, s4, s22, $0xb8;
	[tilespmem:$0x1CB60] =	vst v63  }
.LBB2_8:
0x22: {  	s23 =	sadd.s32 $0x1, s23  }
0x23: {  	p1 =	sne.s32 s23, $0x4  }
.Ltmp3:
0x24: {  	_ = 	snop;
	(pc) =	sbr.rel @!p1 .LBB2_9-.Ltmp3, $1  }
0x25: {  	_ =	sdelay $0x3  }
.LBB2_2:
0x26: {  	s12 =	sshll.u32 s23, $0x6  }
0x27: {  	s12 =	sor.u32 s7, s12  }
0x28: {  	s21 =	sor.u32 $0x20, s12  }
0x29: {  	p3 =	sgt.u32 s21, $0xFE  }
0x2a: {  	s15 =	simm.s32 @!p3 $0x2  }
0x2b: {  	p2 =	sgt.u32 s12, $0xBE;
	_ =	swait.ge @!p3 [sflag:s15], $0xF50  }
0x2c: {  	s17 =	smul.u32 @!p2 $0xF50, s12;
	[sflag:s15] =	ssyncset.done @!p3 $0x0  }
0x2d: {  	s16 =	simm.s32 @!p3 $0x9920;
	[sflag:s15] =	ssyncadd.s32 @!p3 $0xFFFFF0B0;
	s15 =	simm.s32 @!p3 $0xF50  }
0x2e: {  	[tilespmem:s16], [sflag:$0x4] =	stream.indirect.gather @!p3 [hbm4b:s2+s15], $0x8, s15, s15, $0xb8;
	[tilespmem:$0x1CB60] =	vst v63  }
0x2f: {  	s15 =	sshrl.u32 @!p2 s17, $0x3;
	_ =	swait.ge [sflag:s25], $0x7A80  }
0x30: {  	p1 =	seq.s32 s23, $0x0;
	s15 =	sadd.s32 @!p2 s1, s15;
	[sflag:s25] =	ssyncset.done $0x0  }
0x31: {  	s16 =	simm.s32 @!p2 $0x0;
	s15 =	sadd.s32 @!p2 $0x7A80, s15;
	[sflag:s25] =	ssyncadd.s32 $0xFFFF8580  }
0x32: {  	[tilespmem:s16], [sflag:$0x1] =	stream.linear.gather @!p2 [hbm4b:s15+s16], $0xF50, $0x38;
	[tilespmem:$0x1CB60] =	vst v63  }
0x33: {  	s15 =	simm.s32 @!p1 $0x5  }
0x34: {  	_ =	swait.ge @!p1 [sflag:s15], $0xF50  }
0x35: {  	[sflag:s15] =	ssyncset.done @!p1 $0x0  }
0x36: {  	[sflag:s15] =	ssyncadd.s32 @!p1 $0xFFFFF0B0  }
0x37: {  	_ =	swait.ge @!p1 [sflag:s15], $0xF50  }
0x38: {  	[sflag:s15] =	ssyncset.done @!p1 $0x0  }
0x39: {  	[sflag:s15] =	ssyncadd.s32 @!p1 $0xFFFFF0B0  }
0x3a: {  	_ =	swait.ge @!p1 [sflag:s15], $0xF50  }
0x3b: {  	[sflag:s15] =	ssyncset.done @!p1 $0x0  }
0x3c: {  	[sflag:s15] =	ssyncadd.s32 @!p1 $0xFFFFF0B0  }
0x3d: {  	_ =	swait.ge @!p1 [sflag:s15], $0xF50  }
0x3e: {  	s22 =	simm.s32 $0x0;
	[sflag:s15] =	ssyncset.done @!p1 $0x0  }
0x3f: {  	v1 =	vmov s22;
	[sflag:s15] =	ssyncadd.s32 @!p1 $0xFFFFF0B0  }
0x40: {  	v1 =	vshll.u32 v1, $0x3;
	_ =	swait.ge @!p1 [sflag:s15], $0xF50  }
0x41: {  	v1 =	vor.u32 v0, v1;
	[sflag:s15] =	ssyncset.done @!p1 $0x0  }
0x42: {  	[sflag:s15] =	ssyncadd.s32 @!p1 $0xFFFFF0B0  }
0x43: {  	_ =	swait.ge @!p1 [sflag:s15], $0xF50  }
0x44: {  	[sflag:s15] =	ssyncset.done @!p1 $0x0  }
0x45: {  	[sflag:s15] =	ssyncadd.s32 @!p1 $0xFFFFF0B0  }
0x46: {  	v2 =	vld.idx.msk [tilespmem:v1+s24+$0x0], $0xffff  }
0x47: {  	v3 =	vor.u32 $0x1, v1;
	_ =	sdelay $0x2  }
0x48: {  	s16 =	simm.s32 $0x113A0  }
0x49: {  	[tilespmem:s16+$0x0] =	vst v2  }
0x4a: {  	v2 =	vld.idx.msk [tilespmem:v3+s24+$0x0], $0xffff  }
0x4b: {  	v3 =	vor.u32 $0x2, v1;
	_ =	sdelay $0x2  }
0x4c: {  	s17 =	simm.s32 $0x122F0  }
0x4d: {  	[tilespmem:s17+$0x0] =	vst v2  }
0x4e: {  	v2 =	vld.idx.msk [tilespmem:v3+s24+$0x0], $0xffff  }
0x4f: {  	v3 =	vor.u32 $0x3, v1;
	_ =	sdelay $0x2  }
0x50: {  	s18 =	simm.s32 $0x13240  }
0x51: {  	[tilespmem:s18+$0x0] =	vst v2  }
0x52: {  	v2 =	vld.idx.msk [tilespmem:v3+s24+$0x0], $0xffff  }
0x53: {  	v3 =	vor.u32 $0x4, v1;
	_ =	sdelay $0x2  }
0x54: {  	s19 =	simm.s32 $0x14190  }
0x55: {  	[tilespmem:s19+$0x0] =	vst v2  }
0x56: {  	v2 =	vld.idx.msk [tilespmem:v3+s24+$0x0], $0xffff  }
0x57: {  	v1 =	vor.u32 $0x5, v1;
	_ =	sdelay $0x2  }
0x58: {  	s20 =	simm.s32 $0x150E0;
	s22 =	simm.s32 $0x10  }
0x59: {  	[tilespmem:s20+$0x0] =	vst v2;
	v2 =	vmov s22  }
0x5a: {  	v1 =	vld.idx.msk [tilespmem:v1+s24+$0x0], $0xffff;
	v2 =	vshll.u32 v2, $0x3  }
0x5b: {  	v2 =	vor.u32 v0, v2;
	_ =	sdelay $0x2  }
0x5c: {  	s15 =	simm.s32 $0x16030  }
0x5d: {  	[tilespmem:s15+$0x0] =	vst v1  }
0x5e: {  	v1 =	vld.idx.msk [tilespmem:v2+s24+$0x0], $0xffff  }
0x5f: {  	v3 =	vor.u32 $0x1, v2;
	_ =	sdelay $0x2  }
0x60: {  	s16 =	simm.s32 $0x113B0  }
0x61: {  	[tilespmem:s16+$0x0] =	vst v1  }
0x62: {  	v1 =	vld.idx.msk [tilespmem:v3+s24+$0x0], $0xffff  }
0x63: {  	v3 =	vor.u32 $0x2, v2;
	_ =	sdelay $0x2  }
0x64: {  	s17 =	simm.s32 $0x12300  }
0x65: {  	[tilespmem:s17+$0x0] =	vst v1  }
0x66: {  	v1 =	vld.idx.msk [tilespmem:v3+s24+$0x0], $0xffff  }
0x67: {  	v3 =	vor.u32 $0x3, v2;
	_ =	sdelay $0x2  }
0x68: {  	s18 =	simm.s32 $0x13250  }
0x69: {  	[tilespmem:s18+$0x0] =	vst v1  }
0x6a: {  	v1 =	vld.idx.msk [tilespmem:v3+s24+$0x0], $0xffff  }
0x6b: {  	v3 =	vor.u32 $0x4, v2;
	_ =	sdelay $0x2  }
0x6c: {  	s19 =	simm.s32 $0x141A0  }
0x6d: {  	[tilespmem:s19+$0x0] =	vst v1  }
0x6e: {  	v1 =	vld.idx.msk [tilespmem:v3+s24+$0x0], $0xffff  }
0x6f: {  	v3 =	vor.u32 $0x5, v2;
	_ =	sdelay $0x2  }
0x70: {  	s20 =	simm.s32 $0x150F0  }
0x71: {  	s22 =	simm.s32 $0x20;
	[tilespmem:s20+$0x0] =	vst v1  }
0x72: {  	v2 =	vmov s22;
	s22 =	simm.s32 $0x30;
	v1 =	vld.idx.msk [tilespmem:v3+s24+$0x0], $0xffff  }
.LBB2_3:
0x73: {  	p4 =	sne.s32 s22, $0xF40;
	v2 =	vshll.u32 v2, $0x3  }
0x74: {  	v2 =	vor.u32 v0, v2;
	_ =	sdelay $0x2  }
0x75: {  	s15 =	sadd.s32 $0x10, s15  }
0x76: {  	[tilespmem:s15+$0x0] =	vst v1  }
0x77: {  	v1 =	vld.idx.msk [tilespmem:v2+s24+$0x0], $0xffff;
	_ =	sdelay $0x1  }
0x78: {  	v3 =	vor.u32 $0x1, v2;
	_ =	sdelay $0x2  }
0x79: {  	s16 =	sadd.s32 $0x10, s16  }
0x7a: {  	[tilespmem:s16+$0x0] =	vst v1  }
0x7b: {  	v1 =	vld.idx.msk [tilespmem:v3+s24+$0x0], $0xffff;
	_ =	sdelay $0x1  }
0x7c: {  	v3 =	vor.u32 $0x2, v2;
	_ =	sdelay $0x2  }
0x7d: {  	s17 =	sadd.s32 $0x10, s17  }
0x7e: {  	[tilespmem:s17+$0x0] =	vst v1  }
0x7f: {  	v1 =	vld.idx.msk [tilespmem:v3+s24+$0x0], $0xffff;
	_ =	sdelay $0x1  }
0x80: {  	v3 =	vor.u32 $0x3, v2;
	_ =	sdelay $0x2  }
0x81: {  	s18 =	sadd.s32 $0x10, s18  }
0x82: {  	[tilespmem:s18+$0x0] =	vst v1  }
0x83: {  	v1 =	vld.idx.msk [tilespmem:v3+s24+$0x0], $0xffff;
	_ =	sdelay $0x1  }
0x84: {  	v3 =	vor.u32 $0x4, v2;
	_ =	sdelay $0x2  }
0x85: {  	s19 =	sadd.s32 $0x10, s19  }
0x86: {  	[tilespmem:s19+$0x0] =	vst v1  }
0x87: {  	v1 =	vld.idx.msk [tilespmem:v3+s24+$0x0], $0xffff;
	_ =	sdelay $0x1  }
0x88: {  	v3 =	vor.u32 $0x5, v2  }
.Ltmp4:
0x89: {  	(pc) =	sbr.rel @p4 .LBB2_3-.Ltmp4, $4  }
0x8a: {  	_ = 	snop  }
0x8b: {  	s20 =	sadd.s32 $0x10, s20  }
0x8c: {  	[tilespmem:s20+$0x0] =	vst v1  }
0x8d: {  	v2 =	vmov s22;
	s22 =	sadd.s32 $0x10, s22;
	v1 =	vld.idx.msk [tilespmem:v3+s24+$0x0], $0xffff  }
0x8e: {  	v2 =	vshll.u32 v2, $0x3  }
0x8f: {  	v2 =	vor.u32 v0, v2;
	_ =	sdelay $0x2  }
0x90: {  	s15 =	sadd.s32 $0x10, s15  }
0x91: {  	[tilespmem:s15+$0x0] =	vst v1  }
0x92: {  	v1 =	vld.idx.msk [tilespmem:v2+s24+$0x0], $0xffff  }
0x93: {  	v3 =	vor.u32 $0x1, v2;
	_ =	sdelay $0x2  }
0x94: {  	s16 =	sadd.s32 $0x10, s16  }
0x95: {  	[tilespmem:s16+$0x0] =	vst v1  }
0x96: {  	v1 =	vld.idx.msk [tilespmem:v3+s24+$0x0], $0xffff  }
0x97: {  	v3 =	vor.u32 $0x2, v2;
	_ =	sdelay $0x2  }
0x98: {  	s17 =	sadd.s32 $0x10, s17  }
0x99: {  	[tilespmem:s17+$0x0] =	vst v1  }
0x9a: {  	v1 =	vld.idx.msk [tilespmem:v3+s24+$0x0], $0xffff  }
0x9b: {  	v3 =	vor.u32 $0x3, v2;
	_ =	sdelay $0x2  }
0x9c: {  	s18 =	sadd.s32 $0x10, s18  }
0x9d: {  	[tilespmem:s18+$0x0] =	vst v1  }
0x9e: {  	v1 =	vld.idx.msk [tilespmem:v3+s24+$0x0], $0xffff  }
0x9f: {  	v3 =	vor.u32 $0x4, v2;
	_ =	sdelay $0x2  }
0xa0: {  	s19 =	sadd.s32 $0x10, s19  }
0xa1: {  	[tilespmem:s19+$0x0] =	vst v1  }
0xa2: {  	v1 =	vld.idx.msk [tilespmem:v3+s24+$0x0], $0xffff  }
0xa3: {  	v2 =	vor.u32 $0x5, v2;
	_ =	sdelay $0x2  }
0xa4: {  	s20 =	sadd.s32 $0x10, s20  }
0xa5: {  	[tilespmem:s20+$0x0] =	vst v1  }
0xa6: {  	v1 =	vld.idx.msk [tilespmem:v2+s24+$0x0], $0xffff;
	_ =	sdelay $0x2  }
0xa7: {  	s16 =	smul.u32 $0x1EA, s12  }
0xa8: {  	s15 =	sadd.s32 $0x10, s15  }
0xa9: {  	s22 =	sadd.s32 s5, s16;
	[tilespmem:s15+$0x0] =	vst v1  }
0xaa: {  	[hbm4b:s22+s4] =	stream.linear.scatter [tilespmem:s26], [sflag:$0x5], $0xF50, $0x38;
	[tilespmem:$0x1CB60] =	vst v63  }
0xab: {  	s17 =	sadd.s32 s6, s16  }
0xac: {  	[hbm4b:s17+s4] =	stream.linear.scatter [tilespmem:s28], [sflag:$0x5], $0xF50, $0x38;
	[tilespmem:$0x1CB60] =	vst v63  }
0xad: {  	s18 =	sadd.s32 s8, s16  }
0xae: {  	[hbm4b:s18+s4] =	stream.linear.scatter [tilespmem:s29], [sflag:$0x5], $0xF50, $0x38;
	[tilespmem:$0x1CB60] =	vst v63  }
0xaf: {  	s19 =	sadd.s32 s9, s16  }
0xb0: {  	[hbm4b:s19+s4] =	stream.linear.scatter [tilespmem:s30], [sflag:$0x5], $0xF50, $0x38;
	[tilespmem:$0x1CB60] =	vst v63  }
.Ltmp5:
0xb1: {  	_ = 	snop;
	(pc) =	sbr.rel @p3 .LBB2_8-.Ltmp5, $4  }
0xb2: {  	s20 =	sadd.s32 s10, s16  }
0xb3: {  	[hbm4b:s20+s4] =	stream.linear.scatter [tilespmem:s31], [sflag:$0x5], $0xF50, $0x38;
	[tilespmem:$0x1CB60] =	vst v63  }
0xb4: {  	s22 =	sadd.s32 s11, s16  }
0xb5: {  	[hbm4b:s22+s4] =	stream.linear.scatter [tilespmem:s0], [sflag:$0x5], $0xF50, $0x38;
	[tilespmem:$0x1CB60] =	vst v63  }
0xb6: {  	s15 =	simm.s32 @!p2 $0x1  }
0xb7: {  	_ =	swait.ge @!p2 [sflag:s15], $0xF50  }
0xb8: {  	s16 =	simm.s32 @!p2 $0x0;
	[sflag:s15] =	ssyncset.done @!p2 $0x0  }
0xb9: {  	s17 =	simm.s32 @!p2 $0x1EA0;
	[sflag:s15] =	ssyncadd.s32 @!p2 $0xFFFFF0B0;
	s15 =	simm.s32 @!p2 $0xF50  }
0xba: {  	[tilespmem:s17], [sflag:$0x3] =	stream.indirect.gather @!p2 [hbm4b:s2+s15], $0x8, s16, s15, $0xb8;
	[tilespmem:$0x1CB60] =	vst v63  }
0xbb: {  	p2 =	sgt.u32 s12, $0x9E  }
0xbc: {  	s12 =	smul.u32 @!p2 $0xF50, s12;
	_ =	sdelay $0x1  }
0xbd: {  	_ =	swait.ge [sflag:s3], $0x7A80;
	s12 =	sshrl.u32 @!p2 s12, $0x3  }
0xbe: {  	s15 =	simm.s32 @!p2 $0x0;
	[sflag:s3] =	ssyncset.done $0x0;
	s12 =	sadd.s32 @!p2 s1, s12  }
0xbf: {  	s16 =	simm.s32 @!p2 $0xF50;
	[sflag:s3] =	ssyncadd.s32 $0xFFFF8580;
	s12 =	sadd.s32 @!p2 $0xB7C0, s12  }
0xc0: {  	[tilespmem:s16], [sflag:$0x2] =	stream.linear.gather @!p2 [hbm4b:s12+s15], $0xF50, $0x38;
	[tilespmem:$0x1CB60] =	vst v63  }
0xc1: {  	s12 =	simm.s32 @!p1 $0x6  }
0xc2: {  	_ =	swait.ge @!p1 [sflag:s12], $0xF50  }
0xc3: {  	[sflag:s12] =	ssyncset.done @!p1 $0x0  }
0xc4: {  	[sflag:s12] =	ssyncadd.s32 @!p1 $0xFFFFF0B0  }
0xc5: {  	_ =	swait.ge @!p1 [sflag:s12], $0xF50  }
0xc6: {  	[sflag:s12] =	ssyncset.done @!p1 $0x0  }
0xc7: {  	[sflag:s12] =	ssyncadd.s32 @!p1 $0xFFFFF0B0  }
0xc8: {  	_ =	swait.ge @!p1 [sflag:s12], $0xF50  }
0xc9: {  	[sflag:s12] =	ssyncset.done @!p1 $0x0  }
0xca: {  	[sflag:s12] =	ssyncadd.s32 @!p1 $0xFFFFF0B0  }
0xcb: {  	_ =	swait.ge @!p1 [sflag:s12], $0xF50  }
0xcc: {  	s22 =	simm.s32 $0x0;
	[sflag:s12] =	ssyncset.done @!p1 $0x0  }
0xcd: {  	v1 =	vmov s22;
	[sflag:s12] =	ssyncadd.s32 @!p1 $0xFFFFF0B0  }
0xce: {  	v1 =	vshll.u32 v1, $0x3;
	_ =	swait.ge @!p1 [sflag:s12], $0xF50  }
0xcf: {  	v1 =	vor.u32 v0, v1;
	[sflag:s12] =	ssyncset.done @!p1 $0x0  }
0xd0: {  	[sflag:s12] =	ssyncadd.s32 @!p1 $0xFFFFF0B0  }
0xd1: {  	_ =	swait.ge @!p1 [sflag:s12], $0xF50  }
0xd2: {  	[sflag:s12] =	ssyncset.done @!p1 $0x0  }
0xd3: {  	[sflag:s12] =	ssyncadd.s32 @!p1 $0xFFFFF0B0  }
0xd4: {  	v2 =	vld.idx.msk [tilespmem:v1+s14+$0x0], $0xffff  }
0xd5: {  	v3 =	vor.u32 $0x1, v1;
	_ =	sdelay $0x2  }
0xd6: {  	s16 =	simm.s32 $0x16F80  }
0xd7: {  	[tilespmem:s16+$0x0] =	vst v2  }
0xd8: {  	v2 =	vld.idx.msk [tilespmem:v3+s14+$0x0], $0xffff  }
0xd9: {  	v3 =	vor.u32 $0x2, v1;
	_ =	sdelay $0x2  }
0xda: {  	s17 =	simm.s32 $0x17ED0  }
0xdb: {  	[tilespmem:s17+$0x0] =	vst v2  }
0xdc: {  	v2 =	vld.idx.msk [tilespmem:v3+s14+$0x0], $0xffff  }
0xdd: {  	v3 =	vor.u32 $0x3, v1;
	_ =	sdelay $0x2  }
0xde: {  	s18 =	simm.s32 $0x18E20  }
0xdf: {  	[tilespmem:s18+$0x0] =	vst v2  }
0xe0: {  	v2 =	vld.idx.msk [tilespmem:v3+s14+$0x0], $0xffff  }
0xe1: {  	v3 =	vor.u32 $0x4, v1;
	_ =	sdelay $0x2  }
0xe2: {  	s19 =	simm.s32 $0x19D70  }
0xe3: {  	[tilespmem:s19+$0x0] =	vst v2  }
0xe4: {  	v2 =	vld.idx.msk [tilespmem:v3+s14+$0x0], $0xffff  }
0xe5: {  	v1 =	vor.u32 $0x5, v1;
	_ =	sdelay $0x2  }
0xe6: {  	s20 =	simm.s32 $0x1ACC0;
	s22 =	simm.s32 $0x10  }
0xe7: {  	[tilespmem:s20+$0x0] =	vst v2;
	v2 =	vmov s22  }
0xe8: {  	v1 =	vld.idx.msk [tilespmem:v1+s14+$0x0], $0xffff;
	v2 =	vshll.u32 v2, $0x3  }
0xe9: {  	v2 =	vor.u32 v0, v2;
	_ =	sdelay $0x2  }
0xea: {  	s12 =	simm.s32 $0x1BC10  }
0xeb: {  	[tilespmem:s12+$0x0] =	vst v1  }
0xec: {  	v1 =	vld.idx.msk [tilespmem:v2+s14+$0x0], $0xffff  }
0xed: {  	v3 =	vor.u32 $0x1, v2;
	_ =	sdelay $0x2  }
0xee: {  	s15 =	simm.s32 $0x16F90  }
0xef: {  	[tilespmem:s15+$0x0] =	vst v1  }
0xf0: {  	v1 =	vld.idx.msk [tilespmem:v3+s14+$0x0], $0xffff  }
0xf1: {  	v3 =	vor.u32 $0x2, v2;
	_ =	sdelay $0x2  }
0xf2: {  	s16 =	simm.s32 $0x17EE0  }
0xf3: {  	[tilespmem:s16+$0x0] =	vst v1  }
0xf4: {  	v1 =	vld.idx.msk [tilespmem:v3+s14+$0x0], $0xffff  }
0xf5: {  	v3 =	vor.u32 $0x3, v2;
	_ =	sdelay $0x2  }
0xf6: {  	s17 =	simm.s32 $0x18E30  }
0xf7: {  	[tilespmem:s17+$0x0] =	vst v1  }
0xf8: {  	v1 =	vld.idx.msk [tilespmem:v3+s14+$0x0], $0xffff  }
0xf9: {  	v3 =	vor.u32 $0x4, v2;
	_ =	sdelay $0x2  }
0xfa: {  	s18 =	simm.s32 $0x19D80  }
0xfb: {  	[tilespmem:s18+$0x0] =	vst v1  }
0xfc: {  	v1 =	vld.idx.msk [tilespmem:v3+s14+$0x0], $0xffff  }
0xfd: {  	v3 =	vor.u32 $0x5, v2;
	_ =	sdelay $0x2  }
0xfe: {  	s19 =	simm.s32 $0x1ACD0  }
0xff: {  	s20 =	simm.s32 $0x20;
	[tilespmem:s19+$0x0] =	vst v1  }
0x100: {  	v2 =	vmov s20;
	s20 =	simm.s32 $0x30;
	v1 =	vld.idx.msk [tilespmem:v3+s14+$0x0], $0xffff  }
.LBB2_6:
0x101: {  	p1 =	sne.s32 s20, $0xF40;
	v2 =	vshll.u32 v2, $0x3  }
0x102: {  	v2 =	vor.u32 v0, v2;
	_ =	sdelay $0x2  }
0x103: {  	s12 =	sadd.s32 $0x10, s12  }
0x104: {  	[tilespmem:s12+$0x0] =	vst v1  }
0x105: {  	v1 =	vld.idx.msk [tilespmem:v2+s14+$0x0], $0xffff;
	_ =	sdelay $0x1  }
0x106: {  	v3 =	vor.u32 $0x1, v2;
	_ =	sdelay $0x2  }
0x107: {  	s15 =	sadd.s32 $0x10, s15  }
0x108: {  	[tilespmem:s15+$0x0] =	vst v1  }
0x109: {  	v1 =	vld.idx.msk [tilespmem:v3+s14+$0x0], $0xffff;
	_ =	sdelay $0x1  }
0x10a: {  	v3 =	vor.u32 $0x2, v2;
	_ =	sdelay $0x2  }
0x10b: {  	s16 =	sadd.s32 $0x10, s16  }
0x10c: {  	[tilespmem:s16+$0x0] =	vst v1  }
0x10d: {  	v1 =	vld.idx.msk [tilespmem:v3+s14+$0x0], $0xffff;
	_ =	sdelay $0x1  }
0x10e: {  	v3 =	vor.u32 $0x3, v2;
	_ =	sdelay $0x2  }
0x10f: {  	s17 =	sadd.s32 $0x10, s17  }
0x110: {  	[tilespmem:s17+$0x0] =	vst v1  }
0x111: {  	v1 =	vld.idx.msk [tilespmem:v3+s14+$0x0], $0xffff;
	_ =	sdelay $0x1  }
0x112: {  	v3 =	vor.u32 $0x4, v2;
	_ =	sdelay $0x2  }
0x113: {  	s18 =	sadd.s32 $0x10, s18  }
0x114: {  	[tilespmem:s18+$0x0] =	vst v1  }
0x115: {  	v1 =	vld.idx.msk [tilespmem:v3+s14+$0x0], $0xffff;
	_ =	sdelay $0x1  }
0x116: {  	v3 =	vor.u32 $0x5, v2  }
.Ltmp6:
0x117: {  	(pc) =	sbr.rel @p1 .LBB2_6-.Ltmp6, $4  }
0x118: {  	_ = 	snop  }
0x119: {  	s19 =	sadd.s32 $0x10, s19  }
0x11a: {  	[tilespmem:s19+$0x0] =	vst v1  }
0x11b: {  	v2 =	vmov s20;
	s20 =	sadd.s32 $0x10, s20;
	v1 =	vld.idx.msk [tilespmem:v3+s14+$0x0], $0xffff  }
0x11c: {  	v2 =	vshll.u32 v2, $0x3  }
0x11d: {  	v2 =	vor.u32 v0, v2;
	_ =	sdelay $0x2  }
0x11e: {  	s12 =	sadd.s32 $0x10, s12  }
0x11f: {  	[tilespmem:s12+$0x0] =	vst v1  }
0x120: {  	v1 =	vld.idx.msk [tilespmem:v2+s14+$0x0], $0xffff  }
0x121: {  	v3 =	vor.u32 $0x1, v2;
	_ =	sdelay $0x2  }
0x122: {  	s15 =	sadd.s32 $0x10, s15  }
0x123: {  	[tilespmem:s15+$0x0] =	vst v1  }
0x124: {  	v1 =	vld.idx.msk [tilespmem:v3+s14+$0x0], $0xffff  }
0x125: {  	v3 =	vor.u32 $0x2, v2;
	_ =	sdelay $0x2  }
0x126: {  	s16 =	sadd.s32 $0x10, s16  }
0x127: {  	[tilespmem:s16+$0x0] =	vst v1  }
0x128: {  	v1 =	vld.idx.msk [tilespmem:v3+s14+$0x0], $0xffff  }
0x129: {  	v3 =	vor.u32 $0x3, v2;
	_ =	sdelay $0x2  }
0x12a: {  	s20 =	sadd.s32 $0x10, s17  }
0x12b: {  	[tilespmem:s20+$0x0] =	vst v1  }
0x12c: {  	v1 =	vld.idx.msk [tilespmem:v3+s14+$0x0], $0xffff  }
0x12d: {  	v3 =	vor.u32 $0x4, v2;
	_ =	sdelay $0x2  }
0x12e: {  	s22 =	sadd.s32 $0x10, s18  }
0x12f: {  	[tilespmem:s22+$0x0] =	vst v1  }
0x130: {  	v1 =	vld.idx.msk [tilespmem:v3+s14+$0x0], $0xffff  }
0x131: {  	v2 =	vor.u32 $0x5, v2;
	_ =	sdelay $0x2  }
0x132: {  	s16 =	sadd.s32 $0x10, s19  }
0x133: {  	[tilespmem:s16+$0x0] =	vst v1  }
0x134: {  	v1 =	vld.idx.msk [tilespmem:v2+s14+$0x0], $0xffff;
	_ =	sdelay $0x2  }
0x135: {  	s15 =	smul.u32 $0x1EA, s21  }
0x136: {  	s12 =	sadd.s32 $0x10, s12  }
0x137: {  	s18 =	simm.s32 $0x16F80;
	s17 =	sadd.s32 s5, s15;
	[tilespmem:s12+$0x0] =	vst v1  }
0x138: {  	[hbm4b:s17+s4] =	stream.linear.scatter [tilespmem:s18], [sflag:$0x6], $0xF50, $0x38;
	[tilespmem:$0x1CB60] =	vst v63  }
0x139: {  	s19 =	sadd.s32 s6, s15;
	s20 =	simm.s32 $0x17ED0  }
0x13a: {  	[hbm4b:s19+s4] =	stream.linear.scatter [tilespmem:s20], [sflag:$0x6], $0xF50, $0x38;
	[tilespmem:$0x1CB60] =	vst v63  }
0x13b: {  	s21 =	sadd.s32 s8, s15;
	s22 =	simm.s32 $0x18E20  }
0x13c: {  	[hbm4b:s21+s4] =	stream.linear.scatter [tilespmem:s22], [sflag:$0x6], $0xF50, $0x38;
	[tilespmem:$0x1CB60] =	vst v63  }
0x13d: {  	s17 =	sadd.s32 s9, s15;
	s18 =	simm.s32 $0x19D70  }
0x13e: {  	[hbm4b:s17+s4] =	stream.linear.scatter [tilespmem:s18], [sflag:$0x6], $0xF50, $0x38;
	[tilespmem:$0x1CB60] =	vst v63  }
.Ltmp7:
0x13f: {  	_ = 	snop;
	(pc) =	sbr.rel .LBB2_8-.Ltmp7, $4  }
0x140: {  	s19 =	sadd.s32 s10, s15;
	s20 =	simm.s32 $0x1ACC0  }
0x141: {  	[hbm4b:s19+s4] =	stream.linear.scatter [tilespmem:s20], [sflag:$0x6], $0xF50, $0x38;
	[tilespmem:$0x1CB60] =	vst v63  }
0x142: {  	s21 =	sadd.s32 s11, s15;
	s22 =	simm.s32 $0x1BC10  }
0x143: {  	[hbm4b:s21+s4] =	stream.linear.scatter [tilespmem:s22], [sflag:$0x6], $0xF50, $0x38;
	[tilespmem:$0x1CB60] =	vst v63  }
.LBB2_9:
0x144: {  	s12 =	simm.s32 $0x5  }
0x145: {  	_ =	swait.ge [sflag:s12], $0xF50  }
0x146: {  	[sflag:s12] =	ssyncset.done $0x0  }
0x147: {  	[sflag:s12] =	ssyncadd.s32 $0xFFFFF0B0  }
0x148: {  	_ =	swait.ge [sflag:s12], $0xF50  }
0x149: {  	[sflag:s12] =	ssyncset.done $0x0  }
0x14a: {  	[sflag:s12] =	ssyncadd.s32 $0xFFFFF0B0  }
0x14b: {  	_ =	swait.ge [sflag:s12], $0xF50  }
0x14c: {  	[sflag:s12] =	ssyncset.done $0x0  }
0x14d: {  	[sflag:s12] =	ssyncadd.s32 $0xFFFFF0B0  }
0x14e: {  	_ =	swait.ge [sflag:s12], $0xF50  }
0x14f: {  	[sflag:s12] =	ssyncset.done $0x0  }
0x150: {  	[sflag:s12] =	ssyncadd.s32 $0xFFFFF0B0  }
0x151: {  	_ =	swait.ge [sflag:s12], $0xF50  }
0x152: {  	[sflag:s12] =	ssyncset.done $0x0  }
0x153: {  	[sflag:s12] =	ssyncadd.s32 $0xFFFFF0B0  }
0x154: {  	_ =	swait.ge [sflag:s12], $0xF50  }
0x155: {  	[sflag:s12] =	ssyncset.done $0x0  }
0x156: {  	[sflag:s12] =	ssyncadd.s32 $0xFFFFF0B0  }
0x157: {  	_ =	swait.ge [sflag:s13], $0xF50  }
0x158: {  	[sflag:s13] =	ssyncset.done $0x0  }
0x159: {  	[sflag:s13] =	ssyncadd.s32 $0xFFFFF0B0  }
0x15a: {  	_ =	swait.ge [sflag:s13], $0xF50  }
0x15b: {  	[sflag:s13] =	ssyncset.done $0x0  }
0x15c: {  	[sflag:s13] =	ssyncadd.s32 $0xFFFFF0B0  }
0x15d: {  	_ =	swait.ge [sflag:s13], $0xF50  }
0x15e: {  	[sflag:s13] =	ssyncset.done $0x0  }
0x15f: {  	[sflag:s13] =	ssyncadd.s32 $0xFFFFF0B0  }
0x160: {  	_ =	swait.ge [sflag:s13], $0xF50  }
0x161: {  	[sflag:s13] =	ssyncset.done $0x0  }
0x162: {  	[sflag:s13] =	ssyncadd.s32 $0xFFFFF0B0  }
0x163: {  	_ =	swait.ge [sflag:s13], $0xF50  }
.Ltmp8:
0x164: {  	[sflag:s13] =	ssyncset.done $0x0;
	(pc) =	sbr.rel @p0 .LBB2_13-.Ltmp8, $4  }
0x165: {  	[sflag:s13] =	ssyncadd.s32 $0xFFFFF0B0  }
0x166: {  	_ =	swait.ge [sflag:s13], $0xF50  }
0x167: {  	[sflag:s13] =	ssyncset.done $0x0  }
0x168: {  	s15 =	rddreg [dreg:$0xe];
	[sflag:s13] =	ssyncadd.s32 $0xFFFFF0B0  }
0x169: {  	s12 =	simm.s32 $0x0;
	s15 =	rddreg [dreg:$0x6];
	s16 =	simm.s32 $0x7  }
0x16a: {  	[tilespmem:s12], [sflag:$0x7] =	stream.linear.gather [hbm4b:s15+s12], $0x190, $0x38;
	[tilespmem:$0x1CB60] =	vst v63  }
0x16b: {  	v1 =	vmov s12;
	_ =	swait.ge [sflag:s16], $0x190  }
0x16c: {  	v1 =	vshll.u32 v1, $0x3;
	[sflag:s16] =	ssyncset.done $0x0  }
0x16d: {  	s17 =	simm.s32 $0x190;
	v1 =	vor.u32 v0, v1;
	[sflag:s16] =	ssyncadd.s32 $0xFFFFFE70  }
0x16e: {  	[tilespmem:s24], [sflag:$0x3] =	stream.indirect.gather [hbm4b:s2+s17], $0x8, s12, s17, $0xb8;
	[tilespmem:$0x1CB60] =	vst v63  }
0x16f: {  	_ =	swait.ge [sflag:s25], $0xC80  }
0x170: {  	[sflag:s25] =	ssyncset.done $0x0  }
0x171: {  	[sflag:s25] =	ssyncadd.s32 $0xFFFFF380  }
0x172: {  	v2 =	vld.idx.msk [tilespmem:v1+s24+$0x0], $0xffff  }
0x173: {  	v3 =	vor.u32 $0x1, v1;
	_ =	sdelay $0x2  }
0x174: {  	s18 =	simm.s32 $0x113A0  }
0x175: {  	[tilespmem:s18+$0x0] =	vst v2  }
0x176: {  	v2 =	vld.idx.msk [tilespmem:v3+s24+$0x0], $0xffff  }
0x177: {  	v3 =	vor.u32 $0x2, v1;
	_ =	sdelay $0x2  }
0x178: {  	s19 =	simm.s32 $0x122F0  }
0x179: {  	[tilespmem:s19+$0x0] =	vst v2  }
0x17a: {  	v2 =	vld.idx.msk [tilespmem:v3+s24+$0x0], $0xffff  }
0x17b: {  	v3 =	vor.u32 $0x3, v1;
	_ =	sdelay $0x2  }
0x17c: {  	s20 =	simm.s32 $0x13240  }
0x17d: {  	[tilespmem:s20+$0x0] =	vst v2  }
0x17e: {  	v2 =	vld.idx.msk [tilespmem:v3+s24+$0x0], $0xffff  }
0x17f: {  	v3 =	vor.u32 $0x4, v1;
	_ =	sdelay $0x2  }
0x180: {  	s21 =	simm.s32 $0x14190  }
0x181: {  	[tilespmem:s21+$0x0] =	vst v2  }
0x182: {  	v2 =	vld.idx.msk [tilespmem:v3+s24+$0x0], $0xffff  }
0x183: {  	v1 =	vor.u32 $0x5, v1;
	_ =	sdelay $0x2  }
0x184: {  	s22 =	simm.s32 $0x150E0;
	s23 =	simm.s32 $0x10  }
0x185: {  	[tilespmem:s22+$0x0] =	vst v2;
	v2 =	vmov s23  }
0x186: {  	v1 =	vld.idx.msk [tilespmem:v1+s24+$0x0], $0xffff;
	v2 =	vshll.u32 v2, $0x3  }
0x187: {  	v2 =	vor.u32 v0, v2;
	_ =	sdelay $0x2  }
0x188: {  	s12 =	simm.s32 $0x16030  }
0x189: {  	[tilespmem:s12+$0x0] =	vst v1  }
0x18a: {  	v1 =	vld.idx.msk [tilespmem:v2+s24+$0x0], $0xffff  }
0x18b: {  	v3 =	vor.u32 $0x1, v2;
	_ =	sdelay $0x2  }
0x18c: {  	s15 =	simm.s32 $0x113B0  }
0x18d: {  	[tilespmem:s15+$0x0] =	vst v1  }
0x18e: {  	v1 =	vld.idx.msk [tilespmem:v3+s24+$0x0], $0xffff  }
0x18f: {  	v3 =	vor.u32 $0x2, v2;
	_ =	sdelay $0x2  }
0x190: {  	s16 =	simm.s32 $0x12300  }
0x191: {  	[tilespmem:s16+$0x0] =	vst v1  }
0x192: {  	v1 =	vld.idx.msk [tilespmem:v3+s24+$0x0], $0xffff  }
0x193: {  	v3 =	vor.u32 $0x3, v2;
	_ =	sdelay $0x2  }
0x194: {  	s17 =	simm.s32 $0x13250  }
0x195: {  	[tilespmem:s17+$0x0] =	vst v1  }
0x196: {  	v1 =	vld.idx.msk [tilespmem:v3+s24+$0x0], $0xffff  }
0x197: {  	v3 =	vor.u32 $0x4, v2;
	_ =	sdelay $0x2  }
0x198: {  	s18 =	simm.s32 $0x141A0  }
0x199: {  	[tilespmem:s18+$0x0] =	vst v1  }
0x19a: {  	v1 =	vld.idx.msk [tilespmem:v3+s24+$0x0], $0xffff  }
0x19b: {  	v3 =	vor.u32 $0x5, v2;
	_ =	sdelay $0x2  }
0x19c: {  	s19 =	simm.s32 $0x150F0  }
0x19d: {  	s20 =	simm.s32 $0x20;
	[tilespmem:s19+$0x0] =	vst v1  }
0x19e: {  	v2 =	vmov s20;
	s20 =	simm.s32 $0x30;
	v1 =	vld.idx.msk [tilespmem:v3+s24+$0x0], $0xffff  }
.LBB2_11:
0x19f: {  	p1 =	sne.s32 s20, $0x180;
	v2 =	vshll.u32 v2, $0x3  }
0x1a0: {  	v2 =	vor.u32 v0, v2;
	_ =	sdelay $0x2  }
0x1a1: {  	s12 =	sadd.s32 $0x10, s12  }
0x1a2: {  	[tilespmem:s12+$0x0] =	vst v1  }
0x1a3: {  	v1 =	vld.idx.msk [tilespmem:v2+s24+$0x0], $0xffff;
	_ =	sdelay $0x1  }
0x1a4: {  	v3 =	vor.u32 $0x1, v2;
	_ =	sdelay $0x2  }
0x1a5: {  	s15 =	sadd.s32 $0x10, s15  }
0x1a6: {  	[tilespmem:s15+$0x0] =	vst v1  }
0x1a7: {  	v1 =	vld.idx.msk [tilespmem:v3+s24+$0x0], $0xffff;
	_ =	sdelay $0x1  }
0x1a8: {  	v3 =	vor.u32 $0x2, v2;
	_ =	sdelay $0x2  }
0x1a9: {  	s16 =	sadd.s32 $0x10, s16  }
0x1aa: {  	[tilespmem:s16+$0x0] =	vst v1  }
0x1ab: {  	v1 =	vld.idx.msk [tilespmem:v3+s24+$0x0], $0xffff;
	_ =	sdelay $0x1  }
0x1ac: {  	v3 =	vor.u32 $0x3, v2;
	_ =	sdelay $0x2  }
0x1ad: {  	s17 =	sadd.s32 $0x10, s17  }
0x1ae: {  	[tilespmem:s17+$0x0] =	vst v1  }
0x1af: {  	v1 =	vld.idx.msk [tilespmem:v3+s24+$0x0], $0xffff;
	_ =	sdelay $0x1  }
0x1b0: {  	v3 =	vor.u32 $0x4, v2;
	_ =	sdelay $0x2  }
0x1b1: {  	s18 =	sadd.s32 $0x10, s18  }
0x1b2: {  	[tilespmem:s18+$0x0] =	vst v1  }
0x1b3: {  	v1 =	vld.idx.msk [tilespmem:v3+s24+$0x0], $0xffff;
	_ =	sdelay $0x1  }
0x1b4: {  	v3 =	vor.u32 $0x5, v2  }
.Ltmp9:
0x1b5: {  	(pc) =	sbr.rel @p1 .LBB2_11-.Ltmp9, $4  }
0x1b6: {  	_ = 	snop  }
0x1b7: {  	s19 =	sadd.s32 $0x10, s19  }
0x1b8: {  	[tilespmem:s19+$0x0] =	vst v1  }
0x1b9: {  	v2 =	vmov s20;
	s20 =	sadd.s32 $0x10, s20;
	v1 =	vld.idx.msk [tilespmem:v3+s24+$0x0], $0xffff  }
0x1ba: {  	v2 =	vshll.u32 v2, $0x3  }
0x1bb: {  	v2 =	vor.u32 v0, v2;
	_ =	sdelay $0x2  }
0x1bc: {  	s12 =	sadd.s32 $0x10, s12  }
0x1bd: {  	[tilespmem:s12+$0x0] =	vst v1  }
0x1be: {  	v1 =	vld.idx.msk [tilespmem:v2+s24+$0x0], $0xffff  }
0x1bf: {  	v3 =	vor.u32 $0x1, v2;
	_ =	sdelay $0x2  }
0x1c0: {  	s15 =	sadd.s32 $0x10, s15  }
0x1c1: {  	[tilespmem:s15+$0x0] =	vst v1  }
0x1c2: {  	v1 =	vld.idx.msk [tilespmem:v3+s24+$0x0], $0xffff  }
0x1c3: {  	v3 =	vor.u32 $0x2, v2;
	_ =	sdelay $0x2  }
0x1c4: {  	s21 =	sadd.s32 $0x10, s16  }
0x1c5: {  	[tilespmem:s21+$0x0] =	vst v1  }
0x1c6: {  	v1 =	vld.idx.msk [tilespmem:v3+s24+$0x0], $0xffff  }
0x1c7: {  	v3 =	vor.u32 $0x3, v2;
	_ =	sdelay $0x2  }
0x1c8: {  	s22 =	sadd.s32 $0x10, s17  }
0x1c9: {  	[tilespmem:s22+$0x0] =	vst v1  }
0x1ca: {  	v1 =	vld.idx.msk [tilespmem:v3+s24+$0x0], $0xffff  }
0x1cb: {  	v3 =	vor.u32 $0x4, v2;
	_ =	sdelay $0x2  }
0x1cc: {  	s23 =	sadd.s32 $0x10, s18  }
0x1cd: {  	[tilespmem:s23+$0x0] =	vst v1  }
0x1ce: {  	v1 =	vld.idx.msk [tilespmem:v3+s24+$0x0], $0xffff  }
0x1cf: {  	v2 =	vor.u32 $0x5, v2;
	_ =	sdelay $0x2  }
0x1d0: {  	s16 =	sadd.s32 $0x10, s19  }
0x1d1: {  	[tilespmem:s16+$0x0] =	vst v1  }
0x1d2: {  	v1 =	vld.idx.msk [tilespmem:v2+s24+$0x0], $0xffff;
	_ =	sdelay $0x3  }
0x1d3: {  	s12 =	sadd.s32 $0x10, s12  }
0x1d4: {  	s17 =	rddreg [dreg:$0x7];
	s18 =	simm.s32 $0x7;
	[tilespmem:s12+$0x0] =	vst v1  }
0x1d5: {  	[hbm4b:s17+s4] =	stream.linear.scatter [tilespmem:s26], [sflag:$0x7], $0x190, $0x38;
	[tilespmem:$0x1CB60] =	vst v63  }
0x1d6: {  	_ =	swait.ge [sflag:s18], $0x190  }
0x1d7: {  	[sflag:s18] =	ssyncset.done $0x0  }
0x1d8: {  	s19 =	rddreg [dreg:$0x8];
	[sflag:s18] =	ssyncadd.s32 $0xFFFFFE70  }
0x1d9: {  	[hbm4b:s19+s4] =	stream.linear.scatter [tilespmem:s28], [sflag:$0x7], $0x190, $0x38;
	[tilespmem:$0x1CB60] =	vst v63  }
0x1da: {  	_ =	swait.ge [sflag:s18], $0x190  }
0x1db: {  	[sflag:s18] =	ssyncset.done $0x0  }
0x1dc: {  	s20 =	rddreg [dreg:$0x9];
	[sflag:s18] =	ssyncadd.s32 $0xFFFFFE70  }
0x1dd: {  	[hbm4b:s20+s4] =	stream.linear.scatter [tilespmem:s29], [sflag:$0x7], $0x190, $0x38;
	[tilespmem:$0x1CB60] =	vst v63  }
0x1de: {  	_ =	swait.ge [sflag:s18], $0x190  }
0x1df: {  	[sflag:s18] =	ssyncset.done $0x0  }
0x1e0: {  	s21 =	rddreg [dreg:$0xa];
	[sflag:s18] =	ssyncadd.s32 $0xFFFFFE70  }
0x1e1: {  	[hbm4b:s21+s4] =	stream.linear.scatter [tilespmem:s30], [sflag:$0x7], $0x190, $0x38;
	[tilespmem:$0x1CB60] =	vst v63  }
0x1e2: {  	_ =	swait.ge [sflag:s18], $0x190  }
0x1e3: {  	[sflag:s18] =	ssyncset.done $0x0  }
0x1e4: {  	s22 =	rddreg [dreg:$0xb];
	[sflag:s18] =	ssyncadd.s32 $0xFFFFFE70  }
0x1e5: {  	[hbm4b:s22+s4] =	stream.linear.scatter [tilespmem:s31], [sflag:$0x7], $0x190, $0x38;
	[tilespmem:$0x1CB60] =	vst v63  }
0x1e6: {  	_ =	swait.ge [sflag:s18], $0x190  }
0x1e7: {  	[sflag:s18] =	ssyncset.done $0x0  }
.Ltmp10:
0x1e8: {  	s23 =	rddreg [dreg:$0xc];
	[sflag:s18] =	ssyncadd.s32 $0xFFFFFE70;
	(pc) =	sbr.rel .LBB2_13-.Ltmp10, $4  }
0x1e9: {  	[hbm4b:s23+s4] =	stream.linear.scatter [tilespmem:s0], [sflag:$0x7], $0x190, $0x38;
	[tilespmem:$0x1CB60] =	vst v63  }
0x1ea: {  	_ =	swait.ge [sflag:s18], $0x190  }
0x1eb: {  	[sflag:s18] =	ssyncset.done $0x0  }
0x1ec: {  	s15 =	rddreg [dreg:$0xe];
	[sflag:s18] =	ssyncadd.s32 $0xFFFFFE70  }
.LBB2_14:
0x1ed: {  	_ =	sfence.sel $0x180000  }
0x1ee: {  	[bflag:$0x0] =	sbarrier.arrive $0xFFFF  }
0x1ef: {  	_ =	strace $0x9000004D  }
0x1f0: {  	s0 =	stileid.u32;
	[bflag:$0x2] =	sbarrier.arrive $0xFFFF  }
0x1f1: {  	p0 =	sne.s32 s0, $0x0;
	s0 =	rddreg [dreg:$0x3]  }
0x1f2: {  	s0 =	sadd.s32 @!p0 $0x100000, s0  }
0x1f3: {  	[sflag:s0] =	ssyncadd.tile.s32 @!p0 $0x1;
	_ =	shalt  }
.Lfunc_end2:
_tile_overlayer_lowered:
.L_overlay_start_2:
0x1f4: {  	(tag) =	ssettag $0x2  }
0x1f5: {  	s0 =	rddreg [dreg:$0x0];
	s2 =	stileid.u32  }
0x1f6: {  	s1 =	rddreg [dreg:$0x1];
	p0 =	sne.s32 s2, $0x0  }
0x1f7: {  	s3 =	rddreg [dreg:$0x2];
	[bflag:$0x3] =	sbarrier.arrive $0xFFFF;
	s2 =	simm.s32 @!p0 $0x1C07  }
0x1f8: {  	[timem:s3], [sflag:s2] =	dma.local @!p0 [hbm:s0], s1  }
0x1f9: {  	s0 =	simm.s32 @!p0 $0x7  }
0x1fa: {  	_ =	swait.ge @!p0 [sflag:s0], s1  }
0x1fb: {  	s1 =	ssub.s32 @!p0 $0x0, s1;
	[sflag:s0] =	ssyncset.done @!p0 $0x0  }
0x1fc: {  	[sflag:s0] =	ssyncadd.s32 @!p0 s1  }
0x1fd: {  	[bflag:$0x3] =	sbarrier.arrive $0xFFFF  }
0x1fe: {  	_ =	shalt  }

// kernel: kernel.6.cloned.1.call-start
scs
__scs_entry_jumppad:
0x0: {  	(pc) =	sbr.rel $0x88, $3  }
0x1: {  	(tag) =	ssettag $0x0;
	lr =	simm.s32 $0x1  }
0x2: {  	[smem:$0x3F9C] =	sst lr;
	_ =	strace $0xD0000000  }
0x3: {  	_ = 	snop  }
0x4: {  	_ = 	snop  }
0x5: {  	_ = 	snop  }
0x6: {  	_ = 	snop  }
0x7: {  	_ = 	snop  }
__scs_overlays_trampoline_lowered:
0x8: {  	[smem:$0x3FAB] =	sst s0  }
0x9: {  	[smem:$0x3FAC] =	sst s1  }
0xa: {  	[smem:$0x3FAD] =	sst s2  }
0xb: {  	[smem:$0x3FAE] =	sst s3  }
0xc: {  	[smem:$0x3FAF] =	sst s4  }
0xd: {  	[smem:$0x3FB0] =	sst s5  }
0xe: {  	[smem:$0x3FB1] =	sst s6  }
0xf: {  	[smem:$0x3FB2] =	sst s7  }
0x10: {  	[smem:$0x3FB3] =	sst s8  }
0x11: {  	[smem:$0x3FB4] =	sst s9;
	s0 =	simm.s32 @!p0 $0x0  }
0x12: {  	s1 =	sld [smem:$0x3F9A];
	s0 =	simm.s32 @p0 $0x1  }
0x13: {  	[smem:$0x3FB5] =	sst s0;
	s0 =	simm.s32 @!p1 $0x0  }
0x14: {  	s2 =	sld [smem:$0x3F99];
	s0 =	simm.s32 @p1 $0x1  }
0x15: {  	[smem:$0x3FB6] =	sst s0;
	s0 =	simm.s32 @!p2 $0x0  }
0x16: {  	s3 =	sld [smem:$0x3FDB];
	s0 =	simm.s32 @p2 $0x1  }
0x17: {  	s4 =	simm.s32 $0x1BF5;
	[smem:$0x3FB8] =	sst s0  }
0x18: {  	s0 =	sld [smem:$0x3F9B];
	_ =	swait.ge [sflag:s4], $0x0  }
0x19: {  	s7 =	sld [smem:$0x3F9C]  }
0x1a: {  	s8 =	sadd.s32 $0xFFFFE003, lr  }
0x1b: {  	s9 =	sadd.s32 $0xFFFFFEF7, lr;
	s5 =	simm.s32 $0xFFFFFFFF;
	p2 =	slt.u32 s8, $0xFFFFF086  }
0x1c: {  	p1 =	slt.u32 s9, $0xF7A;
	s5 =	simm.s32 @!p2 $0x0  }
0x1d: {  	s5 =	simm.s32 @p1 $0x1;
	p0 =	seq.s32 s7, s2  }
0x1e: {  	s7 =	smul.u32 @!p0 $0xF7A, s2;
	p2 =	seq.s32 @!p0 s5, $0x0  }
0x1f: {  	s9 =	smul.u32 $0xF7A, s1;
	s8 =	simm.s32 @!p0 $0x1BF5;
	p2 =	por !p2, p0  }
0x20: {  	[sflag:s8] =	ssyncset.s32 @!p0 $0xFFFFF086;
	s6 =	sadd.s32 @!p0 s3, s7;
	s7 =	simm.s32 @!p0 $0x108  }
0x21: {  	s3 =	sadd.s32 s3, s9;
	s6 =	sadd.s32 @!p0 $0x88, s6;
	s7 =	simm.s32 @p2 $0x1082  }
0x22: {  	[simem:s7], [sflag:s8] =	dma.local @!p0 [hbm:s6], $0xF7A  }
0x23: {  	s9 =	sor.u32 $0xD0000000, s2;
	s6 =	simm.s32 $0x108;
	_ =	swait.ge @!p0 [sflag:s8], $0x0  }
0x24: {  	s3 =	sadd.s32 $0x88, s3;
	s6 =	simm.s32 @!p1 $0x1082;
	[sflag:s4] =	ssyncset.s32 $0xFFFFF086  }
0x25: {  	[simem:s6], [sflag:s4] =	dma.local [hbm:s3], $0xF7A  }
0x26: {  	[smem:$0x3F9C] =	sst s1;
	(tag) =	ssettag s2;
	_ =	strace s9  }
0x27: {  	s1 =	sld [smem:$0x3FAC]  }
0x28: {  	s2 =	sld [smem:$0x3FAD]  }
0x29: {  	s4 =	sld [smem:$0x3FAF]  }
0x2a: {  	p0 =	seq.s32 s5, $0x0;
	s5 =	sld [smem:$0x3FB0]  }
0x2b: {  	s6 =	sld [smem:$0x3FB1]  }
0x2c: {  	s7 =	sld [smem:$0x3FB2]  }
0x2d: {  	s3 =	simm.s32 $0x108;
	s8 =	sld [smem:$0x3FB3]  }
0x2e: {  	s3 =	simm.s32 @!p0 $0x1082;
	s9 =	sld [smem:$0x3FB4]  }
0x2f: {  	lr =	sadd.s32 s0, s3;
	s0 =	sld [smem:$0x3FAB]  }
0x30: {  	s3 =	sld [smem:$0x3FAE]  }
0x31: {  	[smem:$0x3FB7] =	sst s10  }
0x32: {  	s10 =	sld [smem:$0x3FB5];
	_ =	sdelay $0x3  }
0x33: {  	p0 =	seq.s32 s10, $0x1;
	s10 =	sld [smem:$0x3FB7];
	_ =	sdelay $0x3  }
0x34: {  	[smem:$0x3FB7] =	sst s10  }
0x35: {  	s10 =	sld [smem:$0x3FB6];
	_ =	sdelay $0x3  }
0x36: {  	p1 =	seq.s32 s10, $0x1;
	s10 =	sld [smem:$0x3FB7];
	_ =	sdelay $0x3  }
0x37: {  	[smem:$0x3FB7] =	sst s10  }
0x38: {  	s10 =	sld [smem:$0x3FB8]  }
0x39: {  	_ = 	snop;
	(pc) =	sbr.ind lr, $3  }
0x3a: {  	_ = 	snop  }
0x3b: {  	_ = 	snop  }
0x3c: {  	p2 =	seq.s32 s10, $0x1;
	s10 =	sld [smem:$0x3FB7]  }
0x3d: {  	_ =	shalt  }
0x3e: {  	_ =	shalt  }
0x3f: {  	_ =	shalt  }
0x40: {  	_ =	shalt  }
0x41: {  	_ =	shalt  }
0x42: {  	_ =	shalt  }
0x43: {  	_ =	shalt  }
0x44: {  	_ =	shalt  }
0x45: {  	_ =	shalt  }
0x46: {  	_ =	shalt  }
0x47: {  	_ =	shalt  }
0x48: {  	_ =	shalt  }
0x49: {  	_ =	shalt  }
0x4a: {  	_ =	shalt  }
0x4b: {  	_ =	shalt  }
0x4c: {  	_ =	shalt  }
0x4d: {  	_ =	shalt  }
0x4e: {  	_ =	shalt  }
0x4f: {  	_ =	shalt  }
0x50: {  	_ =	shalt  }
0x51: {  	_ =	shalt  }
0x52: {  	_ =	shalt  }
0x53: {  	_ =	shalt  }
0x54: {  	_ =	shalt  }
0x55: {  	_ =	shalt  }
0x56: {  	_ =	shalt  }
0x57: {  	_ =	shalt  }
0x58: {  	_ =	shalt  }
0x59: {  	_ =	shalt  }
0x5a: {  	_ =	shalt  }
0x5b: {  	_ =	shalt  }
0x5c: {  	_ =	shalt  }
0x5d: {  	_ =	shalt  }
0x5e: {  	_ =	shalt  }
0x5f: {  	_ =	shalt  }
0x60: {  	_ =	shalt  }
0x61: {  	_ =	shalt  }
0x62: {  	_ =	shalt  }
0x63: {  	_ =	shalt  }
0x64: {  	_ =	shalt  }
0x65: {  	_ =	shalt  }
0x66: {  	_ =	shalt  }
0x67: {  	_ =	shalt  }
0x68: {  	_ =	shalt  }
0x69: {  	_ =	shalt  }
0x6a: {  	_ =	shalt  }
0x6b: {  	_ =	shalt  }
0x6c: {  	_ =	shalt  }
0x6d: {  	_ =	shalt  }
0x6e: {  	_ =	shalt  }
0x6f: {  	_ =	shalt  }
0x70: {  	_ =	shalt  }
0x71: {  	_ =	shalt  }
0x72: {  	_ =	shalt  }
0x73: {  	_ =	shalt  }
0x74: {  	_ =	shalt  }
0x75: {  	_ =	shalt  }
0x76: {  	_ =	shalt  }
0x77: {  	_ =	shalt  }
0x78: {  	_ =	shalt  }
0x79: {  	_ =	shalt  }
0x7a: {  	_ =	shalt  }
0x7b: {  	_ =	shalt  }
0x7c: {  	_ =	shalt  }
0x7d: {  	_ =	shalt  }
0x7e: {  	_ =	shalt  }
0x7f: {  	_ =	shalt  }
0x80: {  	_ =	shalt  }
0x81: {  	_ =	shalt  }
0x82: {  	_ =	shalt  }
0x83: {  	_ =	shalt  }
0x84: {  	_ =	shalt  }
0x85: {  	_ =	shalt  }
0x86: {  	_ =	shalt  }
0x87: {  	_ =	shalt  }
.Lfunc_end0:
.L_simem_size_0:
called_computation_lowered:
.L_overlay_start_0:
0x88: {  	s2 =	sld [smem:$0x3FD9]  }
0x89: {  	s3 =	sld [smem:$0x3FFE];
	_ =	sdelay $0x1  }
0x8a: {  	s1 =	srdreg.scid  }
0x8b: {  	s0 =	sand.u32 $0x1, s1  }
0x8c: {  	s17 =	sshll.u32 s0, $0xA;
	s2 =	sadd.s32 s3, s2  }
0x8d: {  	s2 =	sadd.s32 s2, s17  }
0x8e: {  	[smem:$0x3FC3] =	sst s2  }
0x8f: {  	_ = 	snop  }
0x90: {  	s2 =	sld [smem:$0x3FD0];
	(tm) =	ssettm $0x1  }
0x91: {  	s18 =	sld [smem:$0x3FFB];
	_ =	sdelay $0x3  }
0x92: {  	_ =	strace s18  }
0x93: {  	s3 =	sld [smem:$0x3FFC];
	_ =	sdelay $0x3  }
0x94: {  	_ =	strace s3  }
0x95: {  	s3 =	sld [smem:$0x3FFD];
	_ =	sdelay $0x3  }
0x96: {  	_ =	strace s3  }
0x97: {  	_ =	strace $0x8FFFFFFF  }
0x98: {  	s19 =	sld [smem:$0x3FDB];
	_ =	sdelay $0x1  }
0x99: {  	s4 =	simm.s32 $_scs_section_size  }
0x9a: {  	s5 =	simm.s32 $_size__tile_overlayer_lowered;
	s6 =	simm.s32 $_tile_overlayer_lowered  }
0x9b: {  	s22 =	simm.s32 $0x1BFF;
	s21 =	sshll.u32 s6, $0x1;
	s3 =	sadd.s32 s4, s19  }
0x9c: {  	s7 =	simm.s32 $0x0;
	s20 =	sshll.u32 s5, $0x1;
	s5 =	sadd.s32 s21, s3  }
0x9d: {  	[timem:s7], [sflag:s22] =	dma.local [hbm:s5], s20  }
0x9e: {  	_ =	swait.ge [sflag:s22], s20  }
0x9f: {  	s4 =	ssub.s32 $0x0, s20;
	[sflag:s22] =	ssyncset.done $0x0  }
0xa0: {  	[sflag:s22] =	ssyncadd.s32 s4;
	_ =	sdelay $0x1  }
0xa1: {  	s23 =	simm.s32 $0x1B8B  }
0xa2: {  	_ =	swait.ge [sflag:s23], $0x1  }
0xa3: {  	[sflag:s23] =	ssyncset.done $0x0  }
0xa4: {  	s25 =	simm.s32 $0x1B8E;
	s24 =	sld [smem:$0x3FFE];
	[sflag:s23] =	ssyncadd.s32 $0xFFFFFFFF  }
0xa5: {  	s26 =	simm.s32 $execute0_lowered;
	[smem:$0x3FD2] =	sst s25  }
0xa6: {  	s5 =	sshll.u32 s26, $0x1;
	_ =	strace $0x80000046;
	[dreg:$0x1] =	wrdreg $0xFFFFFFFF  }
0xa7: {  	s28 =	simm.s32 $_size_execute0_lowered;
	s3 =	sadd.s32 s3, s5;
	[dreg:$0x0] =	wrdreg $0x0  }
0xa8: {  	s5 =	sshll.u32 s28, $0x1;
	[dreg:$0x2] =	wrdreg s3  }
0xa9: {  	[dreg:$0x3] =	wrdreg s5  }
0xaa: {  	[dreg:$0x4] =	wrdreg $0xC0  }
0xab: {  	_ =	task [dreg:s7], $0x5FFFF  }
0xac: {  	[dreg:$0x1] =	wrdreg $0xFFFFFFFF  }
0xad: {  	[dreg:$0x0] =	wrdreg $0x60  }
0xae: {  	[dreg:$0x2] =	wrdreg s2  }
0xaf: {  	[dreg:$0x3] =	wrdreg s24  }
0xb0: {  	[dreg:$0x4] =	wrdreg $0x9  }
0xb1: {  	_ =	task.clear_ibuf [dreg:s7], $0x5FFFF;
	_ =	strace $0x90000046  }
0xb2: {  	s29 =	simm.s32 $0x9;
	_ =	strace $0x80000048  }
0xb3: {  	_ =	swait.ge [sflag:s29], $0x1  }
0xb4: {  	[sflag:s29] =	ssyncadd.s32 $0xFFFFFFFF  }
0xb5: {  	_ =	strace $0x90000048  }
0xb6: {  	_ =	sfence  }
0xb7: {  	s30 =	sld [smem:$0x0];
	_ =	sdelay $0x2  }
0xb8: {  	s31 =	sshll.u32 s1, $0xD;
	s1 =	sshrl.u32 s1, $0x2  }
0xb9: {  	s3 =	sand.u32 $0x4000, s31;
	s1 =	sadd.s32 s1, s30  }
0xba: {  	s0 =	sor.u32 s3, s0;
	s1 =	sshll.u32 s1, $0x11  }
0xbb: {  	s0 =	sor.u32 s1, s0  }
0xbc: {  	s0 =	sadd.s32 $0x8F2B, s0  }
0xbd: {  	[sflag:s0] =	ssyncadd.remote.s32 $0x1  }
0xbe: {  	_ =	sfence.sel $0xFFFF  }
0xbf: {  	[dreg:$0x0] =	wrdreg $0xFFFFFFFF;
	(pc) =	sbr.abs _section_cstart, $3  }
0xc0: {  	[dreg:$0x1] =	wrdreg $0xFFFFFFFF  }
0xc1: {  	_ =	task.clear_ibuf [dreg:s7], $0x2FFFF;
	_ =	strace $0x9FFFFFFF  }
0xc2: {  	(tm) =	ssettm $0x7FFFFFFF  }
0xc3: {  	_ =	shalt  }
tec
execute0_lowered:
.L_overlay_start_1:
0x0: {  	(tag) =	ssettag $0x1  }
0x1: {  	s1 =	rddreg [dreg:$0x0]  }
0x2: {  	s12 =	rddreg [dreg:$0x1]  }
0x3: {  	s0 =	rddreg [dreg:$0x2];
	s4 =	srdreg.scid;
	s3 =	simm.s32 $0x0  }
0x4: {  	s2 =	stileid.u32;
	s14 =	simm.s32 $0x1;
	s15 =	simm.s32 $0x1880  }
0x5: {  	s16 =	simm.s32 $0x0;
	s4 =	sand.u32 $0x1, s4;
	[smem:$0x7FF] =	sst s3  }
0x6: {  	s5 =	sshll.u32 s2, $0x1;
	s8 =	sadd.s32 $0x303C, s1;
	s9 =	sadd.s32 $0x6110, s1  }
.Ltmp0:
0x7: {  	s10 =	sadd.s32 $0x4C3C, s12;
	s11 =	sadd.s32 $0x7D10, s12;
	(pc) =	sbr.rel .LBB2_1-.Ltmp0, $4  }
0x8: {  	s6 =	ssub.s32 $0x2, s4;
	_ =	strace $0x80000047;
	s4 =	sor.u32 s4, s5  }
0x9: {  	s5 =	sadd.s32 $0x1C00, s12;
	s7 =	sshrl.u32 s6, $0x1;
	s31 =	ssub.s32 $0x5E, s4  }
0xa: {  	v0 =	vlaneseq.u32;
	p0 =	sne.s32 s4, $0x1F;
	s13 =	ssub.s32 s6, s7;
	s6 =	sshrl.u32 s31, $0x5  }
0xb: {  	v0 =	vmul.u32 $0x8, v0;
	s7 =	sadd.s32 $0x7E01, s12;
	s12 =	sadd.s32 $0x1FFE1, s12;
	s13 =	smax.u32 s13, $0x1  }
.LBB2_9:
0xc: {  	s16 =	sadd.s32 $0x1, s16  }
0xd: {  	p1 =	sne.s32 s16, s13  }
.Ltmp1:
0xe: {  	_ = 	snop;
	(pc) =	sbr.rel @!p1 .LBB2_10-.Ltmp1, $1  }
0xf: {  	_ =	sdelay $0x3  }
.LBB2_1:
0x10: {  	s17 =	simm.s32 $0x0  }
.LBB2_2:
0x11: {  	s18 =	sshll.u32 s17, $0x5  }
0x12: {  	s18 =	sor.u32 s4, s18  }
0x13: {  	s18 =	smul.u32 $0x620, s18;
	_ =	sdelay $0x1  }
0x14: {  	s21 =	sshrl.u32 s18, $0x3  }
0x15: {  	s19 =	simm.s32 $0x0;
	s20 =	sadd.s32 s1, s21  }
0x16: {  	[tilespmem:s19], [sflag:$0x1] =	stream.linear.gather [hbm4b:s20+s19], $0x620, $0x38;
	[tilespmem:$0x4980] =	vst v63  }
0x17: {  	_ =	swait.ge [sflag:s14], $0x620  }
0x18: {  	s22 =	sadd.s32 $0x30D4, s21;
	[sflag:s14] =	ssyncset.done $0x0  }
0x19: {  	s23 =	sadd.s32 s1, s22;
	s20 =	simm.s32 $0x620;
	[sflag:s14] =	ssyncadd.s32 $0xFFFFF9E0  }
0x1a: {  	[tilespmem:s20], [sflag:$0x1] =	stream.linear.gather [hbm4b:s23+s19], $0x620, $0x38;
	[tilespmem:$0x4980] =	vst v63  }
0x1b: {  	_ =	swait.ge [sflag:s14], $0x620  }
0x1c: {  	[sflag:s14] =	ssyncset.done $0x0  }
0x1d: {  	s29 =	sadd.s32 s5, s21;
	s21 =	simm.s32 $0xC40;
	[sflag:s14] =	ssyncadd.s32 $0xFFFFF9E0  }
0x1e: {  	[tilespmem:s21], [sflag:$0x1] =	stream.linear.gather [hbm4b:s29+s19], $0x620, $0x38;
	[tilespmem:$0x4980] =	vst v63  }
0x1f: {  	_ =	swait.ge [sflag:s14], $0x620  }
0x20: {  	[sflag:s14] =	ssyncset.done $0x0  }
0x21: {  	s30 =	sadd.s32 s5, s22;
	s22 =	simm.s32 $0x1260;
	[sflag:s14] =	ssyncadd.s32 $0xFFFFF9E0  }
0x22: {  	[tilespmem:s22], [sflag:$0x1] =	stream.linear.gather [hbm4b:s30+s19], $0x620, $0x38;
	[tilespmem:$0x4980] =	vst v63  }
0x23: {  	_ =	swait.ge [sflag:s14], $0x620  }
0x24: {  	v1 =	vmov s19;
	[sflag:s14] =	ssyncset.done $0x0  }
0x25: {  	v1 =	vshll.u32 v1, $0x3;
	[sflag:s14] =	ssyncadd.s32 $0xFFFFF9E0  }
0x26: {  	v3 =	vor.u32 v0, v1;
	v2 =	vld [tilespmem:s19+$0x0];
	_ =	sdelay $0x4  }
0x27: {  	[tilespmem:v3+s15+$0x0] =	vst.idx.msk $0xffff, v2  }
0x28: {  	v2 =	vor.u32 $0x1, v3;
	v1 =	vld [tilespmem:s20+$0x0];
	_ =	sdelay $0x4  }
0x29: {  	[tilespmem:v2+s15+$0x0] =	vst.idx.msk $0xffff, v1  }
0x2a: {  	v2 =	vor.u32 $0x2, v3;
	v1 =	vld [tilespmem:s21+$0x0];
	_ =	sdelay $0x4  }
0x2b: {  	[tilespmem:v2+s15+$0x0] =	vst.idx.msk $0xffff, v1  }
0x2c: {  	v2 =	vor.u32 $0x3, v3;
	v1 =	vld [tilespmem:s22+$0x0];
	_ =	sdelay $0x2  }
0x2d: {  	s31 =	simm.s32 $0x10  }
0x2e: {  	s23 =	simm.s32 $0x20;
	v3 =	vmov s31  }
.LBB2_3:
0x2f: {  	p1 =	sne.s32 s23, $0x610;
	v3 =	vshll.u32 v3, $0x3;
	[tilespmem:v2+s15+$0x0] =	vst.idx.msk $0xffff, v1;
	s19 =	sadd.s32 $0x10, s19  }
0x30: {  	v1 =	vld [tilespmem:s19+$0x0];
	v2 =	vor.u32 v0, v3;
	_ =	sdelay $0x4  }
0x31: {  	s20 =	sadd.s32 $0x10, s20;
	[tilespmem:v2+s15+$0x0] =	vst.idx.msk $0xffff, v1  }
0x32: {  	v3 =	vor.u32 $0x1, v2;
	v1 =	vld [tilespmem:s20+$0x0];
	_ =	sdelay $0x4  }
0x33: {  	s21 =	sadd.s32 $0x10, s21;
	[tilespmem:v3+s15+$0x0] =	vst.idx.msk $0xffff, v1  }
0x34: {  	v3 =	vor.u32 $0x2, v2;
	v1 =	vld [tilespmem:s21+$0x0];
	_ =	sdelay $0x4  }
0x35: {  	s22 =	sadd.s32 $0x10, s22;
	[tilespmem:v3+s15+$0x0] =	vst.idx.msk $0xffff, v1  }
.Ltmp2:
0x36: {  	v2 =	vor.u32 $0x3, v2;
	v1 =	vld [tilespmem:s22+$0x0];
	(pc) =	sbr.rel @p1 .LBB2_3-.Ltmp2, $2  }
0x37: {  	_ =	sdelay $0x2  }
0x38: {  	v3 =	vmov s23;
	s23 =	sadd.s32 $0x10, s23  }
0x39: {  	_ =	sdelay $0x3  }
0x3a: {  	v3 =	vshll.u32 v3, $0x3;
	[tilespmem:v2+s15+$0x0] =	vst.idx.msk $0xffff, v1;
	s19 =	sadd.s32 $0x10, s19  }
0x3b: {  	v1 =	vld [tilespmem:s19+$0x0];
	v2 =	vor.u32 v0, v3;
	_ =	sdelay $0x4  }
0x3c: {  	s29 =	sadd.s32 $0x10, s20;
	[tilespmem:v2+s15+$0x0] =	vst.idx.msk $0xffff, v1  }
0x3d: {  	v3 =	vor.u32 $0x1, v2;
	v1 =	vld [tilespmem:s29+$0x0];
	_ =	sdelay $0x4  }
0x3e: {  	s30 =	sadd.s32 $0x10, s21;
	[tilespmem:v3+s15+$0x0] =	vst.idx.msk $0xffff, v1  }
0x3f: {  	v3 =	vor.u32 $0x2, v2;
	v1 =	vld [tilespmem:s30+$0x0];
	_ =	sdelay $0x4  }
0x40: {  	s31 =	sadd.s32 $0x10, s22;
	[tilespmem:v3+s15+$0x0] =	vst.idx.msk $0xffff, v1  }
0x41: {  	v2 =	vor.u32 $0x3, v2;
	v1 =	vld [tilespmem:s31+$0x0];
	_ =	sdelay $0x2  }
0x42: {  	s17 =	sadd.s32 $0x1, s17  }
0x43: {  	p1 =	sne.s32 s17, s6  }
.Ltmp3:
0x44: {  	s18 =	sadd.s32 s18, s7;
	[tilespmem:v2+s15+$0x0] =	vst.idx.msk $0xffff, v1;
	(pc) =	sbr.rel @p1 .LBB2_2-.Ltmp3, $4  }
0x45: {  	[hbm4b:s18+s3] =	stream.linear.scatter [tilespmem:s15], [sflag:$0x1], $0x3100, $0x38;
	[tilespmem:$0x4980] =	vst v63  }
0x46: {  	_ =	swait.ge [sflag:s14], $0x3100  }
0x47: {  	[sflag:s14] =	ssyncset.done $0x0  }
0x48: {  	[sflag:s14] =	ssyncadd.s32 $0xFFFFCF00  }
.Ltmp4:
0x49: {  	(pc) =	sbr.rel @p0 .LBB2_9-.Ltmp4, $1  }
0x4a: {  	_ =	sdelay $0x3  }
0x4b: {  	s17 =	simm.s32 $0x0  }
0x4c: {  	[tilespmem:s17], [sflag:$0x1] =	stream.linear.gather [hbm4b:s8+s17], $0x4C0, $0x38;
	[tilespmem:$0x4980] =	vst v63  }
0x4d: {  	_ =	swait.ge [sflag:s14], $0x4C0  }
0x4e: {  	[sflag:s14] =	ssyncset.done $0x0  }
0x4f: {  	s18 =	simm.s32 $0x620;
	[sflag:s14] =	ssyncadd.s32 $0xFFFFFB40  }
0x50: {  	[tilespmem:s18], [sflag:$0x1] =	stream.linear.gather [hbm4b:s9+s17], $0x4C0, $0x38;
	[tilespmem:$0x4980] =	vst v63  }
0x51: {  	_ =	swait.ge [sflag:s14], $0x4C0  }
0x52: {  	[sflag:s14] =	ssyncset.done $0x0  }
0x53: {  	s19 =	simm.s32 $0xC40;
	[sflag:s14] =	ssyncadd.s32 $0xFFFFFB40  }
0x54: {  	[tilespmem:s19], [sflag:$0x1] =	stream.linear.gather [hbm4b:s10+s17], $0x4C0, $0x38;
	[tilespmem:$0x4980] =	vst v63  }
0x55: {  	_ =	swait.ge [sflag:s14], $0x4C0  }
0x56: {  	[sflag:s14] =	ssyncset.done $0x0  }
0x57: {  	s20 =	simm.s32 $0x1260;
	[sflag:s14] =	ssyncadd.s32 $0xFFFFFB40  }
0x58: {  	[tilespmem:s20], [sflag:$0x1] =	stream.linear.gather [hbm4b:s11+s17], $0x4C0, $0x38;
	[tilespmem:$0x4980] =	vst v63  }
0x59: {  	_ =	swait.ge [sflag:s14], $0x4C0  }
0x5a: {  	v1 =	vmov s17;
	[sflag:s14] =	ssyncset.done $0x0  }
0x5b: {  	v1 =	vshll.u32 v1, $0x3;
	[sflag:s14] =	ssyncadd.s32 $0xFFFFFB40  }
0x5c: {  	v3 =	vor.u32 v0, v1;
	v2 =	vld [tilespmem:s17+$0x0];
	_ =	sdelay $0x4  }
0x5d: {  	[tilespmem:v3+s15+$0x0] =	vst.idx.msk $0xffff, v2  }
0x5e: {  	v2 =	vor.u32 $0x1, v3;
	v1 =	vld [tilespmem:s18+$0x0];
	_ =	sdelay $0x4  }
0x5f: {  	[tilespmem:v2+s15+$0x0] =	vst.idx.msk $0xffff, v1  }
0x60: {  	v2 =	vor.u32 $0x2, v3;
	v1 =	vld [tilespmem:s19+$0x0];
	_ =	sdelay $0x4  }
0x61: {  	[tilespmem:v2+s15+$0x0] =	vst.idx.msk $0xffff, v1  }
0x62: {  	v2 =	vor.u32 $0x3, v3;
	v1 =	vld [tilespmem:s20+$0x0];
	_ =	sdelay $0x2  }
0x63: {  	s21 =	simm.s32 $0x10  }
0x64: {  	v3 =	vmov s21;
	s21 =	simm.s32 $0x20  }
.LBB2_7:
0x65: {  	p1 =	sne.s32 s21, $0x4B0;
	v3 =	vshll.u32 v3, $0x3;
	[tilespmem:v2+s15+$0x0] =	vst.idx.msk $0xffff, v1;
	s17 =	sadd.s32 $0x10, s17  }
0x66: {  	v1 =	vld [tilespmem:s17+$0x0];
	v2 =	vor.u32 v0, v3;
	_ =	sdelay $0x4  }
0x67: {  	s18 =	sadd.s32 $0x10, s18;
	[tilespmem:v2+s15+$0x0] =	vst.idx.msk $0xffff, v1  }
0x68: {  	v3 =	vor.u32 $0x1, v2;
	v1 =	vld [tilespmem:s18+$0x0];
	_ =	sdelay $0x4  }
0x69: {  	s19 =	sadd.s32 $0x10, s19;
	[tilespmem:v3+s15+$0x0] =	vst.idx.msk $0xffff, v1  }
0x6a: {  	v3 =	vor.u32 $0x2, v2;
	v1 =	vld [tilespmem:s19+$0x0];
	_ =	sdelay $0x4  }
0x6b: {  	s20 =	sadd.s32 $0x10, s20;
	[tilespmem:v3+s15+$0x0] =	vst.idx.msk $0xffff, v1  }
.Ltmp5:
0x6c: {  	v2 =	vor.u32 $0x3, v2;
	v1 =	vld [tilespmem:s20+$0x0];
	(pc) =	sbr.rel @p1 .LBB2_7-.Ltmp5, $2  }
0x6d: {  	_ =	sdelay $0x2  }
0x6e: {  	v3 =	vmov s21;
	s21 =	sadd.s32 $0x10, s21  }
0x6f: {  	_ =	sdelay $0x3  }
0x70: {  	v3 =	vshll.u32 v3, $0x3;
	[tilespmem:v2+s15+$0x0] =	vst.idx.msk $0xffff, v1;
	s17 =	sadd.s32 $0x10, s17  }
0x71: {  	v1 =	vld [tilespmem:s17+$0x0];
	v2 =	vor.u32 v0, v3;
	_ =	sdelay $0x4  }
0x72: {  	s29 =	sadd.s32 $0x10, s18;
	[tilespmem:v2+s15+$0x0] =	vst.idx.msk $0xffff, v1  }
0x73: {  	v3 =	vor.u32 $0x1, v2;
	v1 =	vld [tilespmem:s29+$0x0];
	_ =	sdelay $0x4  }
0x74: {  	s30 =	sadd.s32 $0x10, s19;
	[tilespmem:v3+s15+$0x0] =	vst.idx.msk $0xffff, v1  }
0x75: {  	v3 =	vor.u32 $0x2, v2;
	v1 =	vld [tilespmem:s30+$0x0];
	_ =	sdelay $0x4  }
0x76: {  	s31 =	sadd.s32 $0x10, s20;
	[tilespmem:v3+s15+$0x0] =	vst.idx.msk $0xffff, v1  }
0x77: {  	v2 =	vor.u32 $0x3, v2;
	v1 =	vld [tilespmem:s31+$0x0];
	_ =	sdelay $0x4  }
.Ltmp6:
0x78: {  	[tilespmem:v2+s15+$0x0] =	vst.idx.msk $0xffff, v1;
	(pc) =	sbr.rel .LBB2_9-.Ltmp6, $4  }
0x79: {  	[hbm4b:s12+s3] =	stream.linear.scatter [tilespmem:s15], [sflag:$0x1], $0x2600, $0x38;
	[tilespmem:$0x4980] =	vst v63  }
0x7a: {  	_ =	swait.ge [sflag:s14], $0x2600  }
0x7b: {  	[sflag:s14] =	ssyncset.done $0x0  }
0x7c: {  	[sflag:s14] =	ssyncadd.s32 $0xFFFFDA00  }
.LBB2_10:
0x7d: {  	_ =	sfence.sel $0x180000  }
0x7e: {  	[bflag:$0x0] =	sbarrier.arrive $0xFFFF  }
0x7f: {  	p0 =	sne.s32 s2, $0x0;
	_ =	strace $0x90000047  }
0x80: {  	s0 =	sadd.s32 @!p0 $0x100000, s0;
	[bflag:$0x2] =	sbarrier.arrive $0xFFFF  }
0x81: {  	[sflag:s0] =	ssyncadd.tile.s32 @!p0 $0x1;
	_ =	shalt  }
.Lfunc_end2:
_tile_overlayer_lowered:
.L_overlay_start_2:
0x82: {  	(tag) =	ssettag $0x2  }
0x83: {  	s0 =	rddreg [dreg:$0x0];
	s2 =	stileid.u32  }
0x84: {  	s1 =	rddreg [dreg:$0x1];
	p0 =	sne.s32 s2, $0x0  }
0x85: {  	s3 =	rddreg [dreg:$0x2];
	[bflag:$0x3] =	sbarrier.arrive $0xFFFF;
	s2 =	simm.s32 @!p0 $0x1C01  }
0x86: {  	[timem:s3], [sflag:s2] =	dma.local @!p0 [hbm:s0], s1  }
0x87: {  	s0 =	simm.s32 @!p0 $0x1  }
0x88: {  	_ =	swait.ge @!p0 [sflag:s0], s1  }
0x89: {  	s1 =	ssub.s32 @!p0 $0x0, s1;
	[sflag:s0] =	ssyncset.done @!p0 $0x0  }
0x8a: {  	[sflag:s0] =	ssyncadd.s32 @!p0 s1  }
0x8b: {  	[bflag:$0x3] =	sbarrier.arrive $0xFFFF  }
0x8c: {  	_ =	shalt  }

// kernel: kernel.9.cloned.1.call-start
scs
__scs_entry_jumppad:
0x0: {  	(pc) =	sbr.rel $0x88, $3  }
0x1: {  	(tag) =	ssettag $0x0;
	lr =	simm.s32 $0x1  }
0x2: {  	[smem:$0x3F9C] =	sst lr;
	_ =	strace $0xD0000000  }
0x3: {  	_ = 	snop  }
0x4: {  	_ = 	snop  }
0x5: {  	_ = 	snop  }
0x6: {  	_ = 	snop  }
0x7: {  	_ = 	snop  }
__scs_overlays_trampoline_lowered:
0x8: {  	[smem:$0x3FAB] =	sst s0  }
0x9: {  	[smem:$0x3FAC] =	sst s1  }
0xa: {  	[smem:$0x3FAD] =	sst s2  }
0xb: {  	[smem:$0x3FAE] =	sst s3  }
0xc: {  	[smem:$0x3FAF] =	sst s4  }
0xd: {  	[smem:$0x3FB0] =	sst s5  }
0xe: {  	[smem:$0x3FB1] =	sst s6  }
0xf: {  	[smem:$0x3FB2] =	sst s7  }
0x10: {  	[smem:$0x3FB3] =	sst s8  }
0x11: {  	[smem:$0x3FB4] =	sst s9;
	s0 =	simm.s32 @!p0 $0x0  }
0x12: {  	s1 =	sld [smem:$0x3F9A];
	s0 =	simm.s32 @p0 $0x1  }
0x13: {  	[smem:$0x3FB5] =	sst s0;
	s0 =	simm.s32 @!p1 $0x0  }
0x14: {  	s2 =	sld [smem:$0x3F99];
	s0 =	simm.s32 @p1 $0x1  }
0x15: {  	[smem:$0x3FB6] =	sst s0;
	s0 =	simm.s32 @!p2 $0x0  }
0x16: {  	s3 =	sld [smem:$0x3FDB];
	s0 =	simm.s32 @p2 $0x1  }
0x17: {  	s4 =	simm.s32 $0x1BF5;
	[smem:$0x3FB8] =	sst s0  }
0x18: {  	s0 =	sld [smem:$0x3F9B];
	_ =	swait.ge [sflag:s4], $0x0  }
0x19: {  	s7 =	sld [smem:$0x3F9C]  }
0x1a: {  	s8 =	sadd.s32 $0xFFFFE003, lr  }
0x1b: {  	s9 =	sadd.s32 $0xFFFFFEF7, lr;
	s5 =	simm.s32 $0xFFFFFFFF;
	p2 =	slt.u32 s8, $0xFFFFF086  }
0x1c: {  	p1 =	slt.u32 s9, $0xF7A;
	s5 =	simm.s32 @!p2 $0x0  }
0x1d: {  	s5 =	simm.s32 @p1 $0x1;
	p0 =	seq.s32 s7, s2  }
0x1e: {  	s7 =	smul.u32 @!p0 $0xF7A, s2;
	p2 =	seq.s32 @!p0 s5, $0x0  }
0x1f: {  	s9 =	smul.u32 $0xF7A, s1;
	s8 =	simm.s32 @!p0 $0x1BF5;
	p2 =	por !p2, p0  }
0x20: {  	[sflag:s8] =	ssyncset.s32 @!p0 $0xFFFFF086;
	s6 =	sadd.s32 @!p0 s3, s7;
	s7 =	simm.s32 @!p0 $0x108  }
0x21: {  	s3 =	sadd.s32 s3, s9;
	s6 =	sadd.s32 @!p0 $0x88, s6;
	s7 =	simm.s32 @p2 $0x1082  }
0x22: {  	[simem:s7], [sflag:s8] =	dma.local @!p0 [hbm:s6], $0xF7A  }
0x23: {  	s9 =	sor.u32 $0xD0000000, s2;
	s6 =	simm.s32 $0x108;
	_ =	swait.ge @!p0 [sflag:s8], $0x0  }
0x24: {  	s3 =	sadd.s32 $0x88, s3;
	s6 =	simm.s32 @!p1 $0x1082;
	[sflag:s4] =	ssyncset.s32 $0xFFFFF086  }
0x25: {  	[simem:s6], [sflag:s4] =	dma.local [hbm:s3], $0xF7A  }
0x26: {  	[smem:$0x3F9C] =	sst s1;
	(tag) =	ssettag s2;
	_ =	strace s9  }
0x27: {  	s1 =	sld [smem:$0x3FAC]  }
0x28: {  	s2 =	sld [smem:$0x3FAD]  }
0x29: {  	s4 =	sld [smem:$0x3FAF]  }
0x2a: {  	p0 =	seq.s32 s5, $0x0;
	s5 =	sld [smem:$0x3FB0]  }
0x2b: {  	s6 =	sld [smem:$0x3FB1]  }
0x2c: {  	s7 =	sld [smem:$0x3FB2]  }
0x2d: {  	s3 =	simm.s32 $0x108;
	s8 =	sld [smem:$0x3FB3]  }
0x2e: {  	s3 =	simm.s32 @!p0 $0x1082;
	s9 =	sld [smem:$0x3FB4]  }
0x2f: {  	lr =	sadd.s32 s0, s3;
	s0 =	sld [smem:$0x3FAB]  }
0x30: {  	s3 =	sld [smem:$0x3FAE]  }
0x31: {  	[smem:$0x3FB7] =	sst s10  }
0x32: {  	s10 =	sld [smem:$0x3FB5];
	_ =	sdelay $0x3  }
0x33: {  	p0 =	seq.s32 s10, $0x1;
	s10 =	sld [smem:$0x3FB7];
	_ =	sdelay $0x3  }
0x34: {  	[smem:$0x3FB7] =	sst s10  }
0x35: {  	s10 =	sld [smem:$0x3FB6];
	_ =	sdelay $0x3  }
0x36: {  	p1 =	seq.s32 s10, $0x1;
	s10 =	sld [smem:$0x3FB7];
	_ =	sdelay $0x3  }
0x37: {  	[smem:$0x3FB7] =	sst s10  }
0x38: {  	s10 =	sld [smem:$0x3FB8]  }
0x39: {  	_ = 	snop;
	(pc) =	sbr.ind lr, $3  }
0x3a: {  	_ = 	snop  }
0x3b: {  	_ = 	snop  }
0x3c: {  	p2 =	seq.s32 s10, $0x1;
	s10 =	sld [smem:$0x3FB7]  }
0x3d: {  	_ =	shalt  }
0x3e: {  	_ =	shalt  }
0x3f: {  	_ =	shalt  }
0x40: {  	_ =	shalt  }
0x41: {  	_ =	shalt  }
0x42: {  	_ =	shalt  }
0x43: {  	_ =	shalt  }
0x44: {  	_ =	shalt  }
0x45: {  	_ =	shalt  }
0x46: {  	_ =	shalt  }
0x47: {  	_ =	shalt  }
0x48: {  	_ =	shalt  }
0x49: {  	_ =	shalt  }
0x4a: {  	_ =	shalt  }
0x4b: {  	_ =	shalt  }
0x4c: {  	_ =	shalt  }
0x4d: {  	_ =	shalt  }
0x4e: {  	_ =	shalt  }
0x4f: {  	_ =	shalt  }
0x50: {  	_ =	shalt  }
0x51: {  	_ =	shalt  }
0x52: {  	_ =	shalt  }
0x53: {  	_ =	shalt  }
0x54: {  	_ =	shalt  }
0x55: {  	_ =	shalt  }
0x56: {  	_ =	shalt  }
0x57: {  	_ =	shalt  }
0x58: {  	_ =	shalt  }
0x59: {  	_ =	shalt  }
0x5a: {  	_ =	shalt  }
0x5b: {  	_ =	shalt  }
0x5c: {  	_ =	shalt  }
0x5d: {  	_ =	shalt  }
0x5e: {  	_ =	shalt  }
0x5f: {  	_ =	shalt  }
0x60: {  	_ =	shalt  }
0x61: {  	_ =	shalt  }
0x62: {  	_ =	shalt  }
0x63: {  	_ =	shalt  }
0x64: {  	_ =	shalt  }
0x65: {  	_ =	shalt  }
0x66: {  	_ =	shalt  }
0x67: {  	_ =	shalt  }
0x68: {  	_ =	shalt  }
0x69: {  	_ =	shalt  }
0x6a: {  	_ =	shalt  }
0x6b: {  	_ =	shalt  }
0x6c: {  	_ =	shalt  }
0x6d: {  	_ =	shalt  }
0x6e: {  	_ =	shalt  }
0x6f: {  	_ =	shalt  }
0x70: {  	_ =	shalt  }
0x71: {  	_ =	shalt  }
0x72: {  	_ =	shalt  }
0x73: {  	_ =	shalt  }
0x74: {  	_ =	shalt  }
0x75: {  	_ =	shalt  }
0x76: {  	_ =	shalt  }
0x77: {  	_ =	shalt  }
0x78: {  	_ =	shalt  }
0x79: {  	_ =	shalt  }
0x7a: {  	_ =	shalt  }
0x7b: {  	_ =	shalt  }
0x7c: {  	_ =	shalt  }
0x7d: {  	_ =	shalt  }
0x7e: {  	_ =	shalt  }
0x7f: {  	_ =	shalt  }
0x80: {  	_ =	shalt  }
0x81: {  	_ =	shalt  }
0x82: {  	_ =	shalt  }
0x83: {  	_ =	shalt  }
0x84: {  	_ =	shalt  }
0x85: {  	_ =	shalt  }
0x86: {  	_ =	shalt  }
0x87: {  	_ =	shalt  }
.Lfunc_end0:
.L_simem_size_0:
called_computation.1_lowered:
.L_overlay_start_0:
0x88: {  	s2 =	sld [smem:$0x3FD9]  }
0x89: {  	s3 =	sld [smem:$0x3FFE];
	_ =	sdelay $0x1  }
0x8a: {  	s1 =	srdreg.scid  }
0x8b: {  	s0 =	sand.u32 $0x1, s1  }
0x8c: {  	s17 =	sshll.u32 s0, $0xA;
	s2 =	sadd.s32 s3, s2  }
0x8d: {  	s2 =	sadd.s32 s2, s17  }
0x8e: {  	[smem:$0x3FC3] =	sst s2  }
0x8f: {  	_ = 	snop  }
0x90: {  	s2 =	sld [smem:$0x3FD0];
	(tm) =	ssettm $0x1  }
0x91: {  	s18 =	sld [smem:$0x3FFB];
	_ =	sdelay $0x3  }
0x92: {  	_ =	strace s18  }
0x93: {  	s3 =	sld [smem:$0x3FFC];
	_ =	sdelay $0x3  }
0x94: {  	_ =	strace s3  }
0x95: {  	s3 =	sld [smem:$0x3FFD];
	_ =	sdelay $0x3  }
0x96: {  	_ =	strace s3  }
0x97: {  	_ =	strace $0x8FFFFFFF  }
0x98: {  	s19 =	sld [smem:$0x3FDB];
	_ =	sdelay $0x1  }
0x99: {  	s4 =	simm.s32 $_scs_section_size  }
0x9a: {  	s5 =	simm.s32 $_size__tile_overlayer_lowered;
	s6 =	simm.s32 $_tile_overlayer_lowered  }
0x9b: {  	s22 =	simm.s32 $0x1BFF;
	s21 =	sshll.u32 s6, $0x1;
	s3 =	sadd.s32 s4, s19  }
0x9c: {  	s7 =	simm.s32 $0x0;
	s20 =	sshll.u32 s5, $0x1;
	s5 =	sadd.s32 s21, s3  }
0x9d: {  	[timem:s7], [sflag:s22] =	dma.local [hbm:s5], s20  }
0x9e: {  	_ =	swait.ge [sflag:s22], s20  }
0x9f: {  	s4 =	ssub.s32 $0x0, s20;
	[sflag:s22] =	ssyncset.done $0x0  }
0xa0: {  	[sflag:s22] =	ssyncadd.s32 s4;
	_ =	sdelay $0x1  }
0xa1: {  	s23 =	simm.s32 $0x1B8B  }
0xa2: {  	_ =	swait.ge [sflag:s23], $0x1  }
0xa3: {  	[sflag:s23] =	ssyncset.done $0x0  }
0xa4: {  	s25 =	simm.s32 $0x1B8E;
	s24 =	sld [smem:$0x3FFE];
	[sflag:s23] =	ssyncadd.s32 $0xFFFFFFFF  }
0xa5: {  	s26 =	simm.s32 $execute0_lowered;
	[smem:$0x3FD2] =	sst s25  }
0xa6: {  	s5 =	sshll.u32 s26, $0x1;
	_ =	strace $0x80000049;
	[dreg:$0x1] =	wrdreg $0xFFFFFFFF  }
0xa7: {  	s28 =	simm.s32 $_size_execute0_lowered;
	s3 =	sadd.s32 s3, s5;
	[dreg:$0x0] =	wrdreg $0x0  }
0xa8: {  	s5 =	sshll.u32 s28, $0x1;
	[dreg:$0x2] =	wrdreg s3  }
0xa9: {  	[dreg:$0x3] =	wrdreg s5  }
0xaa: {  	[dreg:$0x4] =	wrdreg $0xC0  }
0xab: {  	_ =	task [dreg:s7], $0x5FFFF  }
0xac: {  	[dreg:$0x1] =	wrdreg $0xFFFFFFFF  }
0xad: {  	[dreg:$0x0] =	wrdreg $0x60  }
0xae: {  	[dreg:$0x2] =	wrdreg s24  }
0xaf: {  	[dreg:$0x3] =	wrdreg s2  }
0xb0: {  	[dreg:$0x4] =	wrdreg $0x9  }
0xb1: {  	_ =	task.clear_ibuf [dreg:s7], $0x5FFFF;
	_ =	strace $0x90000049  }
0xb2: {  	s29 =	simm.s32 $0x9;
	_ =	strace $0x8000004B  }
0xb3: {  	_ =	swait.ge [sflag:s29], $0x1  }
0xb4: {  	[sflag:s29] =	ssyncadd.s32 $0xFFFFFFFF  }
0xb5: {  	_ =	strace $0x9000004B  }
0xb6: {  	_ =	sfence  }
0xb7: {  	s30 =	sld [smem:$0x0];
	_ =	sdelay $0x2  }
0xb8: {  	s31 =	sshll.u32 s1, $0xD;
	s1 =	sshrl.u32 s1, $0x2  }
0xb9: {  	s3 =	sand.u32 $0x4000, s31;
	s1 =	sadd.s32 s1, s30  }
0xba: {  	s0 =	sor.u32 s3, s0;
	s1 =	sshll.u32 s1, $0x11  }
0xbb: {  	s0 =	sor.u32 s1, s0  }
0xbc: {  	s0 =	sadd.s32 $0x8F2B, s0  }
0xbd: {  	[sflag:s0] =	ssyncadd.remote.s32 $0x1  }
0xbe: {  	_ =	sfence.sel $0xFFFF  }
0xbf: {  	[dreg:$0x0] =	wrdreg $0xFFFFFFFF;
	(pc) =	sbr.abs _section_cstart, $3  }
0xc0: {  	[dreg:$0x1] =	wrdreg $0xFFFFFFFF  }
0xc1: {  	_ =	task.clear_ibuf [dreg:s7], $0x2FFFF;
	_ =	strace $0x9FFFFFFF  }
0xc2: {  	(tm) =	ssettm $0x7FFFFFFF  }
0xc3: {  	_ =	shalt  }
tec
execute0_lowered:
.L_overlay_start_1:
0x0: {  	(tag) =	ssettag $0x1  }
0x1: {  	s0 =	rddreg [dreg:$0x0];
	s1 =	srdreg.scid  }
0x2: {  	s3 =	stileid.u32;
	s2 =	rddreg [dreg:$0x1]  }
0x3: {  	s9 =	simm.s32 $0x500;
	s10 =	simm.s32 $0xA00;
	s28 =	simm.s32 $0x10E00  }
0x4: {  	s29 =	simm.s32 $0x4;
	s30 =	simm.s32 $0x9600;
	s31 =	simm.s32 $0x13600  }
0x5: {  	s1 =	sand.u32 $0x1, s1;
	s4 =	sshll.u32 s3, $0x1;
	s3 =	simm.s32 $0x0  }
0x6: {  	s5 =	sadd.s32 $0x20600, s0;
	s24 =	sadd.s32 $0x26780, s0;
	s25 =	sadd.s32 $0x2C928, s0  }
0x7: {  	s26 =	sadd.s32 $0x30C00, s2;
	s4 =	sor.u32 s1, s4;
	[smem:$0x7FF] =	sst s3  }
0x8: {  	s1 =	ssub.s32 $0x2, s1;
	_ =	strace $0x8000004A;
	[dreg:$0x4] =	wrdreg s24  }
0x9: {  	s6 =	smul.u32 $0x500, s4;
	s8 =	sshrl.u32 s1, $0x1;
	[dreg:$0x5] =	wrdreg s25  }
0xa: {  	s13 =	ssub.s32 $0xDB, s4;
	[dreg:$0x7] =	wrdreg s26;
	s24 =	simm.s32 $0x1  }
0xb: {  	s25 =	simm.s32 $0x1E00;
	p0 =	sne.s32 s4, $0x1C;
	s26 =	simm.s32 $0x3  }
0xc: {  	s1 =	ssub.s32 s1, s8;
	s17 =	sshrl.u32 s13, $0x6;
	s13 =	simm.s32 $0x0  }
0xd: {  	s7 =	sshrl.u32 s6, $0x3;
	s6 =	sadd.s32 $0x7E00, s0;
	s0 =	sadd.s32 $0x32AD0, s0  }
.Ltmp0:
0xe: {  	s18 =	smax.u32 s1, $0x1;
	s7 =	sadd.s32 s5, s7;
	(pc) =	sbr.rel .LBB2_1-.Ltmp0, $4  }
0xf: {  	v0 =	vlaneseq.u32;
	s1 =	simm.s32 $0x5;
	[dreg:$0x6] =	wrdreg s0;
	s21 =	sadd.s32 $0x61A8, s7  }
0x10: {  	v0 =	vmul.u32 $0x8, v0;
	s0 =	simm.s32 $0x6;
	s22 =	sadd.s32 $0xC350, s7;
	[dreg:$0x3] =	wrdreg s21  }
0x11: {  	s23 =	sadd.s32 $0x1400, s7;
	s11 =	sadd.s32 $0x75A8, s7;
	[dreg:$0x8] =	wrdreg s22  }
0x12: {  	v1 =	vor.u32 $0x5000, v0;
	v2 =	vor.u32 $0x2800, v0;
	s12 =	sadd.s32 $0xD750, s7;
	[dreg:$0x9] =	wrdreg s23;
	s22 =	simm.s32 $0x7  }
.LBB2_13:
0x13: {  	s13 =	sadd.s32 $0x1, s13  }
0x14: {  	p1 =	sne.s32 s13, s18  }
.Ltmp1:
0x15: {  	_ = 	snop;
	(pc) =	sbr.rel @!p1 .LBB2_14-.Ltmp1, $1  }
0x16: {  	_ =	sdelay $0x3  }
.LBB2_1:
0x17: {  	[tilespmem:s3], [sflag:$0x1] =	stream.linear.gather [hbm4b:s7+s3], $0x500, $0x38;
	[tilespmem:$0x15E00] =	vst v63  }
0x18: {  	s8 =	rddreg [dreg:$0x3]  }
0x19: {  	[tilespmem:s9], [sflag:$0x1] =	stream.linear.gather [hbm4b:s8+s3], $0x500, $0x38;
	[tilespmem:$0x15E00] =	vst v63  }
0x1a: {  	s19 =	rddreg [dreg:$0x8]  }
0x1b: {  	[tilespmem:s10], [sflag:$0x1] =	stream.linear.gather [hbm4b:s19+s3], $0x500, $0x38;
	[tilespmem:$0x15E00] =	vst v63  }
0x1c: {  	s20 =	rddreg [dreg:$0x9];
	s14 =	simm.s32 $0xF00  }
0x1d: {  	[tilespmem:s14], [sflag:$0x2] =	stream.linear.gather [hbm4b:s20+s3], $0x500, $0x38;
	[tilespmem:$0x15E00] =	vst v63  }
0x1e: {  	s21 =	simm.s32 $0x1400  }
0x1f: {  	[tilespmem:s21], [sflag:$0x2] =	stream.linear.gather [hbm4b:s11+s3], $0x500, $0x38;
	[tilespmem:$0x15E00] =	vst v63  }
0x20: {  	s23 =	simm.s32 $0x1900  }
0x21: {  	[tilespmem:s23], [sflag:$0x2] =	stream.linear.gather [hbm4b:s12+s3], $0x500, $0x38;
	[tilespmem:$0x15E00] =	vst v63  }
0x22: {  	_ =	swait.ge [sflag:s24], $0x500  }
0x23: {  	[sflag:s24] =	ssyncset.done $0x0  }
0x24: {  	[sflag:s24] =	ssyncadd.s32 $0xFFFFFB00  }
0x25: {  	_ =	swait.ge [sflag:s24], $0x500  }
0x26: {  	[sflag:s24] =	ssyncset.done $0x0  }
0x27: {  	[sflag:s24] =	ssyncadd.s32 $0xFFFFFB00  }
.Ltmp2:
0x28: {  	_ =	swait.ge [sflag:s24], $0x500;
	(pc) =	sbr.rel .LBB2_2-.Ltmp2, $4  }
0x29: {  	[sflag:s24] =	ssyncset.done $0x0  }
0x2a: {  	[sflag:s24] =	ssyncadd.s32 $0xFFFFFB00  }
0x2b: {  	[tilespmem:s25], [sflag:$0x3] =	stream.indirect.gather [hbm4b:s6+s14], $0x8, s3, s14, $0xb8;
	[tilespmem:$0x15E00] =	vst v63  }
0x2c: {  	s14 =	simm.s32 $0x0  }
.LBB2_8:
0x2d: {  	s14 =	sadd.s32 $0x1, s14  }
0x2e: {  	p1 =	sne.s32 s14, s17  }
.Ltmp3:
0x2f: {  	_ = 	snop;
	(pc) =	sbr.rel @!p1 .LBB2_9-.Ltmp3, $1  }
0x30: {  	_ =	sdelay $0x3  }
.LBB2_2:
0x31: {  	s19 =	sshll.u32 s14, $0x6  }
0x32: {  	s16 =	sor.u32 s4, s19  }
0x33: {  	s15 =	sor.u32 $0x20, s16  }
0x34: {  	p3 =	sgt.s32 s15, $0x9B  }
0x35: {  	s20 =	simm.s32 @!p3 $0x2  }
0x36: {  	_ =	swait.ge @!p3 [sflag:s20], $0x500  }
0x37: {  	[sflag:s20] =	ssyncset.done @!p3 $0x0  }
0x38: {  	[sflag:s20] =	ssyncadd.s32 @!p3 $0xFFFFFB00  }
0x39: {  	_ =	swait.ge @!p3 [sflag:s20], $0x500  }
0x3a: {  	[sflag:s20] =	ssyncset.done @!p3 $0x0  }
0x3b: {  	[sflag:s20] =	ssyncadd.s32 @!p3 $0xFFFFFB00  }
0x3c: {  	s23 =	sadd.s32 $0x40, s16;
	_ =	swait.ge @!p3 [sflag:s20], $0x500  }
0x3d: {  	p2 =	sgt.s32 s23, $0x9B;
	[sflag:s20] =	ssyncset.done @!p3 $0x0  }
0x3e: {  	s21 =	simm.s32 @!p3 $0x9600;
	[sflag:s20] =	ssyncadd.s32 @!p3 $0xFFFFFB00;
	s20 =	simm.s32 @!p3 $0xF00  }
0x3f: {  	[tilespmem:s21], [sflag:$0x4] =	stream.indirect.gather @!p3 [hbm4b:s6+s20], $0x8, s20, s20, $0xb8;
	[tilespmem:$0x15E00] =	vst v63  }
0x40: {  	s20 =	smul.u32 @!p2 $0x500, s23  }
0x41: {  	_ =	swait.ge [sflag:s26], $0x7800  }
0x42: {  	[sflag:s26] =	ssyncset.done $0x0;
	s21 =	sshrl.u32 @!p2 s20, $0x3  }
0x43: {  	s23 =	simm.s32 @!p2 $0x0;
	[sflag:s26] =	ssyncadd.s32 $0xFFFF8800;
	s21 =	sadd.s32 @!p2 s5, s21  }
0x44: {  	[tilespmem:s23], [sflag:$0x1] =	stream.linear.gather @!p2 [hbm4b:s21+s23], $0x500, $0x38;
	[tilespmem:$0x15E00] =	vst v63  }
0x45: {  	s21 =	sadd.s32 @!p2 $0x30D40, s20  }
0x46: {  	s21 =	sshrl.u32 @!p2 s21, $0x3  }
0x47: {  	s8 =	simm.s32 @!p2 $0x500;
	s21 =	sadd.s32 @!p2 s5, s21  }
0x48: {  	[tilespmem:s8], [sflag:$0x1] =	stream.linear.gather @!p2 [hbm4b:s21+s23], $0x500, $0x38;
	[tilespmem:$0x15E00] =	vst v63  }
0x49: {  	s8 =	sadd.s32 @!p2 $0x61A80, s20;
	s21 =	simm.s32 $0x0  }
0x4a: {  	s8 =	sshrl.u32 @!p2 s8, $0x3;
	v3 =	vmov s21  }
0x4b: {  	p1 =	slt.s32 s19, $0x1;
	s20 =	simm.s32 @!p2 $0xA00;
	s8 =	sadd.s32 @!p2 s5, s8;
	v6 =	vshll.u32 v3, $0x3  }
0x4c: {  	[tilespmem:s20], [sflag:$0x1] =	stream.linear.gather @!p2 [hbm4b:s8+s23], $0x500, $0x38;
	v4 =	vor.u32 v0, v6;
	[tilespmem:$0x15E00] =	vst v63  }
0x4d: {  	s8 =	simm.s32 @!p1 $0x5;
	v5 =	vadd.s32 v1, v6;
	v3 =	vor.u32 $0x1, v4  }
0x4e: {  	v7 =	vadd.s32 v2, v6;
	_ =	swait.ge @!p1 [sflag:s8], $0x2800;
	v6 =	vor.u32 $0x1, v5  }
0x4f: {  	v8 =	vor.u32 $0x1, v7;
	[sflag:s8] =	ssyncset.done @!p1 $0x0  }
0x50: {  	[sflag:s8] =	ssyncadd.s32 @!p1 $0xFFFFD800  }
0x51: {  	v12 =	vld.idx.msk [tilespmem:v4+s25+$0x0], $0xffff  }
0x52: {  	v9 =	vld.idx.msk [tilespmem:v3+s25+$0x0], $0xffff  }
0x53: {  	v6 =	vld.idx.msk [tilespmem:v6+s25+$0x0], $0xffff  }
0x54: {  	v13 =	vld.idx.msk [tilespmem:v8+s25+$0x0], $0xffff  }
0x55: {  	v15 =	vld.idx.msk [tilespmem:v7+s25+$0x0], $0xffff;
	_ =	sdelay $0x1  }
0x56: {  	v10 =	vsub.f32 $0.0e+00, v12  }
0x57: {  	v17 =	vld.idx.msk [tilespmem:v5+s25+$0x0], $0xffff;
	v8 =	vsub.f32 v9, v6;
	v16 =	vmul.f32 v6, v12;
	v14 =	vsub.f32 v6, v9  }
0x58: {  	v11 =	vsub.f32 v6, v13;
	v18 =	vsub.f32 v13, v6;
	v10 =	vmul.f32 v13, v10  }
0x59: {  	v20 =	vmul.f32 v6, v15;
	v21 =	vsub.f32 v13, v9;
	v19 =	vmul.f32 v8, v15  }
0x5a: {  	v22 =	vmul.f32 v11, v12;
	v6 =	vadd.f32 v16, v10;
	v10 =	vmul.f32 v15, v9  }
0x5b: {  	v18 =	vmul.f32 v18, v12;
	v23 =	vmul.f32 v14, v15;
	v14 =	vsub.f32 v9, v13  }
0x5c: {  	v21 =	vmul.f32 v17, v21;
	v19 =	vadd.f32 v19, v22;
	v6 =	vadd.f32 v6, v10  }
0x5d: {  	v18 =	vadd.f32 v23, v18;
	v22 =	vmul.f32 v17, v14  }
0x5e: {  	v9 =	vmul.f32 v17, v9;
	v21 =	vadd.f32 v19, v21;
	v6 =	vsub.f32 v6, v20  }
0x5f: {  	v22 =	vadd.f32 v18, v22  }
0x60: {  	v24 =	vmul.f32 v17, v13;
	(erf) = vrcp.f32 v21;
	v18 =	vsub.f32 v6, v9  }
0x61: {  	v23 =	vor.u32 $0x3, v7;
	(erf) = vrcp.f32 v22  }
0x62: {  	v19 =	vsub.f32 v9, v16;
	v6 =	vor.u32 $0x2, v4;
	v9 =	vadd.f32 v18, v24;
	_ =	sdelay $0x1  }
0x63: {  	v22 =	vor.u32 $0x2, v7;
	(erf) = vrcp.f32 v9  }
0x64: {  	s23 =	simm.s32 $0x10;
	v13 =	vmul.f32 v13, v12;
	v21 =	vsub.f32 v12, v17;
	v7 =	vor.u32 $0x3, v4  }
0x65: {  	v18 =	vsub.f32 v12, v15;
	v12 =	vld.idx.msk [tilespmem:v23+s25+$0x0], $0xffff;
	v23 =	vor.u32 $0x2, v5;
	v9 =	vmov s23  }
0x66: {  	s19 =	simm.s32 $0x20;
	v16 =	vsub.f32 v24, v20;
	v15 =	vsub.f32 v15, v17;
	s23 =	sadd.s32 $0x60, s16;
	v20 =	vshll.u32 v9, $0x3;
	v17 =	vld.idx.msk [tilespmem:v6+s25+$0x0], $0xffff  }
.LBB2_3:
0x67: {  	p4 =	sne.s32 s19, $0x4F0;
	v24 =	vor.u32 v0, v20;
	s20 =	smov.u32 s19;
	s19 =	sadd.s32 $0x10, s19  }
0x68: {  	v9 =	vadd.s32 v2, v20;
	v20 =	vadd.s32 v1, v20;
	v22 =	vld.idx.msk [tilespmem:v22+s25+$0x0], $0xffff;
	v25 =	vpop (erf)  }
0x69: {  	v26 =	vor.u32 $0x1, v9;
	v27 =	vor.u32 $0x1, v20;
	v28 =	vld.idx.msk [tilespmem:v7+s25+$0x0], $0xffff;
	v11 =	vmul.f32 v25, v11;
	v25 =	vpop (erf)  }
0x6a: {  	v23 =	vld.idx.msk [tilespmem:v23+s25+$0x0], $0xffff;
	v19 =	vmul.f32 v25, v19;
	v14 =	vmul.f32 v25, v14  }
0x6b: {  	v29 =	vor.u32 $0x1, v24;
	v21 =	vmul.f32 v25, v21  }
0x6c: {  	v25 =	vor.u32 $0x3, v5;
	v30 =	vmul.f32 v11, v17;
	v31 =	vmul.f32 v19, v12;
	v32 =	vpop (erf)  }
0x6d: {  	v5 =	vmov v20;
	v8 =	vmul.f32 v32, v8;
	v18 =	vmul.f32 v32, v18  }
0x6e: {  	v16 =	vmul.f32 v32, v16;
	v20 =	vmul.f32 v21, v22  }
0x6f: {  	v11 =	vmul.f32 v11, v28;
	v33 =	vmul.f32 v8, v22  }
0x70: {  	v10 =	vsub.f32 v10, v13;
	v13 =	vmul.f32 v14, v23;
	v8 =	vmul.f32 v8, v12  }
0x71: {  	v15 =	vmul.f32 v32, v15;
	v19 =	vmul.f32 v19, v22;
	v25 =	vld.idx.msk [tilespmem:v25+s25+$0x0], $0xffff;
	v30 =	vadd.f32 v33, v30  }
0x72: {  	v10 =	vmul.f32 v32, v10;
	v22 =	vmul.f32 v18, v23;
	v8 =	vadd.f32 v8, v11  }
0x73: {  	v11 =	vadd.f32 v30, v13;
	v13 =	vmul.f32 v15, v17;
	v17 =	vmul.f32 v16, v17  }
0x74: {  	v12 =	vmul.f32 v21, v12;
	v15 =	vmul.f32 v15, v28  }
0x75: {  	v13 =	vadd.f32 v13, v20;
	v17 =	vadd.f32 v17, v19;
	[tilespmem:v4+s28+$0x0] =	vst.idx.msk $0xffff, v11;
	v11 =	vor.u32 $0x5, v4  }
0x76: {  	v19 =	vmul.f32 v10, v23;
	v12 =	vadd.f32 v15, v12;
	v15 =	vmul.f32 v16, v28  }
0x77: {  	v16 =	vor.u32 $0x4, v4;
	v4 =	vmovc v24;
	v14 =	vmul.f32 v14, v25;
	v13 =	vadd.f32 v13, v22  }
0x78: {  	v18 =	vmul.f32 v18, v25;
	v17 =	vadd.f32 v17, v19;
	v15 =	vadd.f32 v15, v31  }
0x79: {  	v10 =	vmul.f32 v10, v25;
	v8 =	vadd.f32 v8, v14;
	[tilespmem:v3+s28+$0x0] =	vst.idx.msk $0xffff, v13;
	v3 =	vmov v29  }
0x7a: {  	v12 =	vadd.f32 v12, v18;
	[tilespmem:v6+s28+$0x0] =	vst.idx.msk $0xffff, v17  }
0x7b: {  	v6 =	vadd.f32 v15, v10;
	[tilespmem:v7+s28+$0x0] =	vst.idx.msk $0xffff, v8  }
0x7c: {  	[tilespmem:v16+s28+$0x0] =	vst.idx.msk $0xffff, v12  }
0x7d: {  	[tilespmem:v11+s28+$0x0] =	vst.idx.msk $0xffff, v6  }
0x7e: {  	v6 =	vld.idx.msk [tilespmem:v29+s25+$0x0], $0xffff  }
0x7f: {  	v7 =	vld.idx.msk [tilespmem:v24+s25+$0x0], $0xffff  }
0x80: {  	v10 =	vld.idx.msk [tilespmem:v27+s25+$0x0], $0xffff  }
0x81: {  	v12 =	vld.idx.msk [tilespmem:v26+s25+$0x0], $0xffff  }
0x82: {  	v15 =	vld.idx.msk [tilespmem:v9+s25+$0x0], $0xffff  }
0x83: {  	v17 =	vld.idx.msk [tilespmem:v5+s25+$0x0], $0xffff;
	_ =	sdelay $0x1  }
0x84: {  	v20 =	vor.u32 $0x3, v9;
	v13 =	vsub.f32 $0.0e+00, v7  }
0x85: {  	v8 =	vsub.f32 v6, v10;
	v16 =	vmul.f32 v10, v7;
	v14 =	vsub.f32 v10, v6  }
0x86: {  	v11 =	vsub.f32 v10, v12;
	v13 =	vmul.f32 v12, v13;
	v18 =	vsub.f32 v12, v10  }
0x87: {  	v21 =	vsub.f32 v12, v6;
	v19 =	vmul.f32 v8, v15;
	v22 =	vmul.f32 v10, v15  }
0x88: {  	v10 =	vmul.f32 v15, v6;
	v23 =	vmul.f32 v11, v7;
	v13 =	vadd.f32 v16, v13  }
0x89: {  	v24 =	vmul.f32 v14, v15;
	v14 =	vsub.f32 v6, v12;
	v18 =	vmul.f32 v18, v7  }
0x8a: {  	v21 =	vmul.f32 v17, v21;
	v19 =	vadd.f32 v19, v23;
	v13 =	vadd.f32 v13, v10  }
0x8b: {  	v6 =	vmul.f32 v17, v6;
	v18 =	vadd.f32 v24, v18;
	v23 =	vmul.f32 v17, v14  }
0x8c: {  	v25 =	vmul.f32 v17, v12;
	v21 =	vadd.f32 v19, v21;
	v24 =	vsub.f32 v13, v22  }
0x8d: {  	v23 =	vadd.f32 v18, v23;
	v19 =	vsub.f32 v6, v16;
	v13 =	vmul.f32 v12, v7  }
0x8e: {  	v16 =	vsub.f32 v25, v22;
	v12 =	vsub.f32 v24, v6;
	(erf) = vrcp.f32 v21  }
0x8f: {  	v18 =	vsub.f32 v7, v15;
	v21 =	vsub.f32 v7, v17;
	(erf) = vrcp.f32 v23  }
0x90: {  	v15 =	vsub.f32 v15, v17;
	v6 =	vor.u32 $0x2, v4;
	v7 =	vadd.f32 v12, v25  }
.Ltmp4:
0x91: {  	(pc) =	sbr.rel @p4 .LBB2_3-.Ltmp4, $4  }
0x92: {  	v22 =	vor.u32 $0x2, v9;
	(erf) = vrcp.f32 v7  }
0x93: {  	v7 =	vor.u32 $0x3, v4  }
0x94: {  	v9 =	vmov s20;
	v23 =	vor.u32 $0x2, v5;
	v12 =	vld.idx.msk [tilespmem:v20+s25+$0x0], $0xffff  }
0x95: {  	v20 =	vshll.u32 v9, $0x3;
	v17 =	vld.idx.msk [tilespmem:v6+s25+$0x0], $0xffff  }
0x96: {  	_ =	sdelay $0x3  }
0x97: {  	v22 =	vld.idx.msk [tilespmem:v22+s25+$0x0], $0xffff  }
0x98: {  	v25 =	vld.idx.msk [tilespmem:v7+s25+$0x0], $0xffff  }
0x99: {  	v42 =	vld.idx.msk [tilespmem:v23+s25+$0x0], $0xffff;
	v9 =	vpop (erf)  }
0x9a: {  	v24 =	vpop (erf);
	v9 =	vmul.f32 v9, v11  }
0x9b: {  	v41 =	vmul.f32 v24, v19;
	v21 =	vmul.f32 v24, v21  }
0x9c: {  	v14 =	vmul.f32 v24, v14;
	v43 =	vmul.f32 v9, v17  }
0x9d: {  	v44 =	vmul.f32 v41, v12;
	v47 =	vmul.f32 v21, v22  }
0x9e: {  	v27 =	vor.u32 $0x3, v5;
	v9 =	vmul.f32 v9, v25;
	v48 =	vmul.f32 v14, v42  }
0x9f: {  	v26 =	vpop (erf);
	v11 =	vmul.f32 v41, v22;
	v53 =	vmul.f32 v21, v12  }
0xa0: {  	v10 =	vsub.f32 v10, v13;
	v45 =	vmul.f32 v26, v8;
	v46 =	vmul.f32 v26, v18  }
0xa1: {  	v16 =	vmul.f32 v26, v16;
	v15 =	vmul.f32 v26, v15  }
0xa2: {  	v10 =	vmul.f32 v26, v10;
	v28 =	vmul.f32 v45, v22  }
0xa3: {  	v5 =	vor.u32 v0, v20;
	v49 =	vld.idx.msk [tilespmem:v27+s25+$0x0], $0xffff;
	v29 =	vmul.f32 v45, v12;
	v50 =	vmul.f32 v46, v42  }
0xa4: {  	v57 =	vor.u32 $0x4, v4;
	v51 =	vmul.f32 v15, v17;
	v52 =	vmul.f32 v16, v17  }
0xa5: {  	v15 =	vmul.f32 v15, v25;
	v23 =	vadd.f32 v28, v43;
	v9 =	vadd.f32 v29, v9  }
0xa6: {  	v19 =	vmul.f32 v10, v42;
	v18 =	vadd.f32 v51, v47;
	v11 =	vadd.f32 v52, v11  }
0xa7: {  	v55 =	vmul.f32 v16, v25;
	v12 =	vadd.f32 v15, v53;
	v13 =	vadd.f32 v23, v48  }
0xa8: {  	v14 =	vmul.f32 v14, v49;
	v8 =	vmul.f32 v46, v49;
	v56 =	vadd.f32 v18, v50  }
0xa9: {  	v54 =	vor.u32 $0x5, v4;
	v15 =	vadd.f32 v55, v44;
	v11 =	vadd.f32 v11, v19;
	[tilespmem:v4+s28+$0x0] =	vst.idx.msk $0xffff, v13  }
0xaa: {  	v16 =	vor.u32 $0x1, v5;
	v10 =	vmul.f32 v10, v49;
	v9 =	vadd.f32 v9, v14;
	[tilespmem:v3+s28+$0x0] =	vst.idx.msk $0xffff, v56  }
0xab: {  	v58 =	vadd.s32 v2, v20;
	v8 =	vadd.f32 v12, v8;
	[tilespmem:v6+s28+$0x0] =	vst.idx.msk $0xffff, v11  }
0xac: {  	v60 =	vor.u32 $0x1, v58;
	v10 =	vadd.f32 v15, v10;
	[tilespmem:v7+s28+$0x0] =	vst.idx.msk $0xffff, v9  }
0xad: {  	v3 =	vadd.s32 v1, v20;
	[tilespmem:v57+s28+$0x0] =	vst.idx.msk $0xffff, v8  }
0xae: {  	v59 =	vor.u32 $0x1, v3;
	[tilespmem:v54+s28+$0x0] =	vst.idx.msk $0xffff, v10  }
0xaf: {  	v4 =	vld.idx.msk [tilespmem:v16+s25+$0x0], $0xffff  }
0xb0: {  	v8 =	vld.idx.msk [tilespmem:v5+s25+$0x0], $0xffff  }
0xb1: {  	v7 =	vld.idx.msk [tilespmem:v60+s25+$0x0], $0xffff  }
0xb2: {  	v10 =	vld.idx.msk [tilespmem:v58+s25+$0x0], $0xffff  }
0xb3: {  	v9 =	vld.idx.msk [tilespmem:v59+s25+$0x0], $0xffff;
	_ =	sdelay $0x3  }
0xb4: {  	v62 =	vld.idx.msk [tilespmem:v3+s25+$0x0], $0xffff;
	v61 =	vsub.f32 $0.0e+00, v8;
	v34 =	vmul.f32 v10, v4  }
0xb5: {  	v63 =	vsub.f32 v4, v9;
	v27 =	vmul.f32 v9, v8;
	v29 =	vsub.f32 v9, v7  }
0xb6: {  	v28 =	vsub.f32 v9, v4;
	v30 =	vsub.f32 v7, v9;
	v11 =	vmul.f32 v7, v61  }
0xb7: {  	v32 =	vsub.f32 v7, v4;
	v31 =	vmul.f32 v63, v10;
	v33 =	vmul.f32 v29, v8  }
0xb8: {  	v35 =	vsub.f32 v4, v7;
	v18 =	vmul.f32 v30, v8;
	v15 =	vmul.f32 v28, v10  }
0xb9: {  	v20 =	vmul.f32 v62, v32;
	v11 =	vadd.f32 v27, v11;
	v19 =	vadd.f32 v31, v33  }
0xba: {  	v36 =	vmul.f32 v62, v35;
	v15 =	vadd.f32 v15, v18  }
0xbb: {  	v9 =	vmul.f32 v9, v10;
	v11 =	vadd.f32 v11, v34;
	v19 =	vadd.f32 v19, v20  }
0xbc: {  	v15 =	vadd.f32 v15, v36  }
0xbd: {  	v4 =	vmul.f32 v62, v4;
	v11 =	vsub.f32 v11, v9;
	(erf) = vrcp.f32 v19  }
0xbe: {  	v39 =	vor.u32 $0x2, v5;
	(erf) = vrcp.f32 v15  }
0xbf: {  	v40 =	vor.u32 $0x3, v5;
	v37 =	vmul.f32 v62, v7;
	v11 =	vsub.f32 v11, v4  }
0xc0: {  	v6 =	vor.u32 $0x2, v58  }
0xc1: {  	v38 =	vor.u32 $0x3, v58;
	v11 =	vadd.f32 v11, v37  }
0xc2: {  	v41 =	vor.u32 $0x2, v3  }
0xc3: {  	v42 =	vld.idx.msk [tilespmem:v39+s25+$0x0], $0xffff;
	v3 =	vor.u32 $0x3, v3;
	(erf) = vrcp.f32 v11  }
0xc4: {  	v46 =	vld.idx.msk [tilespmem:v40+s25+$0x0], $0xffff  }
0xc5: {  	v6 =	vld.idx.msk [tilespmem:v6+s25+$0x0], $0xffff  }
0xc6: {  	v15 =	vld.idx.msk [tilespmem:v38+s25+$0x0], $0xffff;
	v4 =	vsub.f32 v4, v27;
	v43 =	vpop (erf)  }
0xc7: {  	v47 =	vld.idx.msk [tilespmem:v41+s25+$0x0], $0xffff;
	v44 =	vsub.f32 v8, v62;
	v7 =	vmul.f32 v7, v8;
	v45 =	vpop (erf)  }
0xc8: {  	v3 =	vld.idx.msk [tilespmem:v3+s25+$0x0], $0xffff;
	v14 =	vmul.f32 v43, v29;
	v4 =	vmul.f32 v45, v4  }
0xc9: {  	v48 =	vmul.f32 v45, v35;
	v49 =	vmul.f32 v45, v44  }
0xca: {  	v50 =	vmul.f32 v14, v42;
	v14 =	vmul.f32 v14, v46  }
0xcb: {  	v8 =	vsub.f32 v8, v10;
	v51 =	vmul.f32 v4, v15;
	v53 =	vmul.f32 v49, v6  }
0xcc: {  	v9 =	vsub.f32 v37, v9;
	v55 =	vmul.f32 v48, v47;
	v4 =	vmul.f32 v4, v6;
	v52 =	vpop (erf)  }
0xcd: {  	v10 =	vsub.f32 v10, v62;
	v62 =	vmul.f32 v48, v3;
	v13 =	vmul.f32 v52, v63  }
0xce: {  	v7 =	vsub.f32 v34, v7;
	v8 =	vmul.f32 v52, v8;
	v9 =	vmul.f32 v52, v9  }
0xcf: {  	v10 =	vmul.f32 v52, v10;
	v54 =	vmul.f32 v13, v6  }
0xd0: {  	v60 =	vor.u32 $0x5, v5;
	v7 =	vmul.f32 v52, v7;
	v13 =	vmul.f32 v13, v15  }
0xd1: {  	v57 =	vmul.f32 v8, v47;
	v58 =	vmul.f32 v10, v42;
	v56 =	vadd.f32 v54, v50  }
0xd2: {  	v59 =	vmul.f32 v9, v42;
	v10 =	vmul.f32 v10, v46;
	v13 =	vadd.f32 v13, v14  }
0xd3: {  	v15 =	vmul.f32 v49, v15;
	v14 =	vadd.f32 v58, v53;
	v6 =	vadd.f32 v56, v55  }
0xd4: {  	v17 =	vmul.f32 v7, v47;
	v9 =	vmul.f32 v9, v46;
	v4 =	vadd.f32 v59, v4  }
0xd5: {  	v8 =	vmul.f32 v8, v3;
	v61 =	vadd.f32 v14, v57;
	[tilespmem:v5+s28+$0x0] =	vst.idx.msk $0xffff, v6;
	v5 =	vor.u32 $0x4, v5  }
0xd6: {  	v3 =	vmul.f32 v7, v3;
	v10 =	vadd.f32 v10, v15;
	v4 =	vadd.f32 v4, v17  }
0xd7: {  	s8 =	smul.u32 $0x2800, s16;
	v9 =	vadd.f32 v9, v51;
	v12 =	vadd.f32 v13, v62;
	[tilespmem:v16+s28+$0x0] =	vst.idx.msk $0xffff, v61  }
.Ltmp5:
0xd8: {  	v63 =	vadd.f32 v10, v8;
	[tilespmem:v39+s28+$0x0] =	vst.idx.msk $0xffff, v4;
	(pc) =	sbr.rel @p3 .LBB2_8-.Ltmp5, $4  }
0xd9: {  	v3 =	vadd.f32 v9, v3;
	[tilespmem:v40+s28+$0x0] =	vst.idx.msk $0xffff, v12  }
0xda: {  	s8 =	sshrl.u32 s8, $0x3;
	[tilespmem:v5+s28+$0x0] =	vst.idx.msk $0xffff, v63  }
0xdb: {  	s8 =	sadd.s32 s2, s8;
	[tilespmem:v60+s28+$0x0] =	vst.idx.msk $0xffff, v3  }
0xdc: {  	[hbm4b:s8+s3] =	stream.linear.scatter [tilespmem:s28], [sflag:$0x5], $0x2800, $0x38;
	[tilespmem:$0x15E00] =	vst v63  }
0xdd: {  	s8 =	simm.s32 @!p2 $0x1  }
0xde: {  	_ =	swait.ge @!p2 [sflag:s8], $0x500  }
0xdf: {  	[sflag:s8] =	ssyncset.done @!p2 $0x0  }
0xe0: {  	[sflag:s8] =	ssyncadd.s32 @!p2 $0xFFFFFB00  }
0xe1: {  	_ =	swait.ge @!p2 [sflag:s8], $0x500  }
0xe2: {  	[sflag:s8] =	ssyncset.done @!p2 $0x0  }
0xe3: {  	[sflag:s8] =	ssyncadd.s32 @!p2 $0xFFFFFB00  }
0xe4: {  	_ =	swait.ge @!p2 [sflag:s8], $0x500  }
0xe5: {  	s16 =	simm.s32 @!p2 $0x0;
	[sflag:s8] =	ssyncset.done @!p2 $0x0  }
0xe6: {  	s19 =	simm.s32 @!p2 $0x1E00;
	[sflag:s8] =	ssyncadd.s32 @!p2 $0xFFFFFB00;
	s8 =	simm.s32 @!p2 $0xF00  }
0xe7: {  	[tilespmem:s19], [sflag:$0x3] =	stream.indirect.gather @!p2 [hbm4b:s6+s8], $0x8, s16, s8, $0xb8;
	[tilespmem:$0x15E00] =	vst v63  }
0xe8: {  	p2 =	sgt.s32 s23, $0x9B  }
0xe9: {  	s8 =	smul.u32 @!p2 $0x500, s23  }
0xea: {  	_ =	swait.ge [sflag:s29], $0x7800  }
0xeb: {  	s19 =	simm.s32 @!p2 $0x0;
	[sflag:s29] =	ssyncset.done $0x0;
	s16 =	sshrl.u32 @!p2 s8, $0x3  }
0xec: {  	s20 =	simm.s32 @!p2 $0xF00;
	[sflag:s29] =	ssyncadd.s32 $0xFFFF8800;
	s16 =	sadd.s32 @!p2 s5, s16  }
0xed: {  	[tilespmem:s20], [sflag:$0x2] =	stream.linear.gather @!p2 [hbm4b:s16+s19], $0x500, $0x38;
	[tilespmem:$0x15E00] =	vst v63  }
0xee: {  	s16 =	sadd.s32 @!p2 $0x30D40, s8  }
0xef: {  	s21 =	simm.s32 $0x0;
	s8 =	sadd.s32 @!p2 $0x61A80, s8;
	s16 =	sshrl.u32 @!p2 s16, $0x3  }
0xf0: {  	v3 =	vmov s21;
	s20 =	simm.s32 @!p2 $0x1400;
	s8 =	sshrl.u32 @!p2 s8, $0x3;
	s16 =	sadd.s32 @!p2 s5, s16  }
0xf1: {  	v6 =	vshll.u32 v3, $0x3;
	[tilespmem:s20], [sflag:$0x2] =	stream.linear.gather @!p2 [hbm4b:s16+s19], $0x500, $0x38;
	[tilespmem:$0x15E00] =	vst v63  }
0xf2: {  	v4 =	vor.u32 v0, v6;
	s8 =	sadd.s32 @!p2 s5, s8;
	s16 =	simm.s32 @!p2 $0x1900  }
0xf3: {  	v3 =	vor.u32 $0x1, v4;
	[tilespmem:s16], [sflag:$0x2] =	stream.linear.gather @!p2 [hbm4b:s8+s19], $0x500, $0x38;
	[tilespmem:$0x15E00] =	vst v63  }
0xf4: {  	v5 =	vadd.s32 v1, v6;
	s8 =	simm.s32 @!p1 $0x6  }
0xf5: {  	v7 =	vadd.s32 v2, v6;
	v6 =	vor.u32 $0x1, v5;
	_ =	swait.ge @!p1 [sflag:s8], $0x2800  }
0xf6: {  	v8 =	vor.u32 $0x1, v7;
	[sflag:s8] =	ssyncset.done @!p1 $0x0  }
0xf7: {  	[sflag:s8] =	ssyncadd.s32 @!p1 $0xFFFFD800  }
0xf8: {  	v9 =	vld.idx.msk [tilespmem:v3+s30+$0x0], $0xffff  }
0xf9: {  	v12 =	vld.idx.msk [tilespmem:v4+s30+$0x0], $0xffff  }
0xfa: {  	v6 =	vld.idx.msk [tilespmem:v6+s30+$0x0], $0xffff  }
0xfb: {  	v13 =	vld.idx.msk [tilespmem:v8+s30+$0x0], $0xffff  }
0xfc: {  	v15 =	vld.idx.msk [tilespmem:v7+s30+$0x0], $0xffff;
	_ =	sdelay $0x1  }
0xfd: {  	v10 =	vsub.f32 $0.0e+00, v12  }
0xfe: {  	v17 =	vld.idx.msk [tilespmem:v5+s30+$0x0], $0xffff;
	v8 =	vsub.f32 v9, v6;
	v16 =	vmul.f32 v6, v12;
	v14 =	vsub.f32 v6, v9  }
0xff: {  	v11 =	vsub.f32 v6, v13;
	v18 =	vsub.f32 v13, v6;
	v10 =	vmul.f32 v13, v10  }
0x100: {  	v20 =	vmul.f32 v6, v15;
	v21 =	vsub.f32 v13, v9;
	v19 =	vmul.f32 v8, v15  }
0x101: {  	v22 =	vmul.f32 v11, v12;
	v6 =	vadd.f32 v16, v10;
	v10 =	vmul.f32 v15, v9  }
0x102: {  	v18 =	vmul.f32 v18, v12;
	v23 =	vmul.f32 v14, v15;
	v14 =	vsub.f32 v9, v13  }
0x103: {  	v21 =	vmul.f32 v17, v21;
	v19 =	vadd.f32 v19, v22;
	v6 =	vadd.f32 v6, v10  }
0x104: {  	v18 =	vadd.f32 v23, v18;
	v22 =	vmul.f32 v17, v14  }
0x105: {  	v9 =	vmul.f32 v17, v9;
	v21 =	vadd.f32 v19, v21;
	v6 =	vsub.f32 v6, v20  }
0x106: {  	v22 =	vadd.f32 v18, v22  }
0x107: {  	v23 =	vmul.f32 v17, v13;
	(erf) = vrcp.f32 v21;
	v18 =	vsub.f32 v6, v9  }
0x108: {  	v24 =	vor.u32 $0x3, v7;
	(erf) = vrcp.f32 v22  }
0x109: {  	v19 =	vsub.f32 v9, v16;
	v6 =	vor.u32 $0x2, v4;
	v9 =	vadd.f32 v18, v23;
	_ =	sdelay $0x1  }
0x10a: {  	v16 =	vsub.f32 v23, v20;
	v23 =	vor.u32 $0x2, v7;
	(erf) = vrcp.f32 v9  }
0x10b: {  	s23 =	simm.s32 $0x10;
	v13 =	vmul.f32 v13, v12;
	v21 =	vsub.f32 v12, v17;
	v7 =	vor.u32 $0x3, v4  }
0x10c: {  	v22 =	vor.u32 $0x2, v5;
	v18 =	vsub.f32 v12, v15;
	v12 =	vld.idx.msk [tilespmem:v24+s30+$0x0], $0xffff;
	v9 =	vmov s23  }
0x10d: {  	s16 =	simm.s32 $0x20;
	v15 =	vsub.f32 v15, v17;
	v20 =	vshll.u32 v9, $0x3;
	v17 =	vld.idx.msk [tilespmem:v6+s30+$0x0], $0xffff  }
.LBB2_6:
0x10e: {  	p1 =	sne.s32 s16, $0x4F0;
	v24 =	vor.u32 v0, v20;
	s19 =	smov.u32 s16;
	s16 =	sadd.s32 $0x10, s16  }
0x10f: {  	v9 =	vadd.s32 v2, v20;
	v20 =	vadd.s32 v1, v20;
	v23 =	vld.idx.msk [tilespmem:v23+s30+$0x0], $0xffff;
	v25 =	vpop (erf)  }
0x110: {  	v26 =	vor.u32 $0x1, v9;
	v27 =	vor.u32 $0x1, v20;
	v28 =	vld.idx.msk [tilespmem:v7+s30+$0x0], $0xffff;
	v11 =	vmul.f32 v25, v11;
	v25 =	vpop (erf)  }
0x111: {  	v22 =	vld.idx.msk [tilespmem:v22+s30+$0x0], $0xffff;
	v19 =	vmul.f32 v25, v19;
	v14 =	vmul.f32 v25, v14  }
0x112: {  	v29 =	vor.u32 $0x1, v24;
	v21 =	vmul.f32 v25, v21  }
0x113: {  	v25 =	vor.u32 $0x3, v5;
	v30 =	vmul.f32 v11, v17;
	v31 =	vmul.f32 v19, v12;
	v32 =	vpop (erf)  }
0x114: {  	v5 =	vmov v20;
	v8 =	vmul.f32 v32, v8;
	v18 =	vmul.f32 v32, v18  }
0x115: {  	v16 =	vmul.f32 v32, v16;
	v20 =	vmul.f32 v21, v23  }
0x116: {  	v11 =	vmul.f32 v11, v28;
	v33 =	vmul.f32 v8, v23  }
0x117: {  	v10 =	vsub.f32 v10, v13;
	v13 =	vmul.f32 v14, v22;
	v8 =	vmul.f32 v8, v12  }
0x118: {  	v15 =	vmul.f32 v32, v15;
	v19 =	vmul.f32 v19, v23;
	v25 =	vld.idx.msk [tilespmem:v25+s30+$0x0], $0xffff;
	v30 =	vadd.f32 v33, v30  }
0x119: {  	v10 =	vmul.f32 v32, v10;
	v23 =	vmul.f32 v18, v22;
	v8 =	vadd.f32 v8, v11  }
0x11a: {  	v11 =	vadd.f32 v30, v13;
	v13 =	vmul.f32 v15, v17;
	v17 =	vmul.f32 v16, v17  }
0x11b: {  	v12 =	vmul.f32 v21, v12;
	v15 =	vmul.f32 v15, v28  }
0x11c: {  	v13 =	vadd.f32 v13, v20;
	v17 =	vadd.f32 v17, v19;
	[tilespmem:v4+s31+$0x0] =	vst.idx.msk $0xffff, v11;
	v11 =	vor.u32 $0x5, v4  }
0x11d: {  	v19 =	vmul.f32 v10, v22;
	v12 =	vadd.f32 v15, v12;
	v15 =	vmul.f32 v16, v28  }
0x11e: {  	v16 =	vor.u32 $0x4, v4;
	v4 =	vmovc v24;
	v14 =	vmul.f32 v14, v25;
	v13 =	vadd.f32 v13, v23  }
0x11f: {  	v18 =	vmul.f32 v18, v25;
	v17 =	vadd.f32 v17, v19;
	v15 =	vadd.f32 v15, v31  }
0x120: {  	v10 =	vmul.f32 v10, v25;
	v8 =	vadd.f32 v8, v14;
	[tilespmem:v3+s31+$0x0] =	vst.idx.msk $0xffff, v13;
	v3 =	vmov v29  }
0x121: {  	v12 =	vadd.f32 v12, v18;
	[tilespmem:v6+s31+$0x0] =	vst.idx.msk $0xffff, v17  }
0x122: {  	v6 =	vadd.f32 v15, v10;
	[tilespmem:v7+s31+$0x0] =	vst.idx.msk $0xffff, v8  }
0x123: {  	[tilespmem:v16+s31+$0x0] =	vst.idx.msk $0xffff, v12  }
0x124: {  	[tilespmem:v11+s31+$0x0] =	vst.idx.msk $0xffff, v6  }
0x125: {  	v6 =	vld.idx.msk [tilespmem:v29+s30+$0x0], $0xffff  }
0x126: {  	v7 =	vld.idx.msk [tilespmem:v24+s30+$0x0], $0xffff  }
0x127: {  	v10 =	vld.idx.msk [tilespmem:v27+s30+$0x0], $0xffff  }
0x128: {  	v12 =	vld.idx.msk [tilespmem:v26+s30+$0x0], $0xffff  }
0x129: {  	v15 =	vld.idx.msk [tilespmem:v9+s30+$0x0], $0xffff  }
0x12a: {  	v17 =	vld.idx.msk [tilespmem:v5+s30+$0x0], $0xffff;
	_ =	sdelay $0x1  }
0x12b: {  	v20 =	vor.u32 $0x3, v9;
	v13 =	vsub.f32 $0.0e+00, v7  }
0x12c: {  	v8 =	vsub.f32 v6, v10;
	v16 =	vmul.f32 v10, v7;
	v14 =	vsub.f32 v10, v6  }
0x12d: {  	v11 =	vsub.f32 v10, v12;
	v13 =	vmul.f32 v12, v13;
	v18 =	vsub.f32 v12, v10  }
0x12e: {  	v21 =	vsub.f32 v12, v6;
	v19 =	vmul.f32 v8, v15;
	v22 =	vmul.f32 v10, v15  }
0x12f: {  	v10 =	vmul.f32 v15, v6;
	v23 =	vmul.f32 v11, v7;
	v13 =	vadd.f32 v16, v13  }
0x130: {  	v24 =	vmul.f32 v14, v15;
	v14 =	vsub.f32 v6, v12;
	v18 =	vmul.f32 v18, v7  }
0x131: {  	v21 =	vmul.f32 v17, v21;
	v19 =	vadd.f32 v19, v23;
	v13 =	vadd.f32 v13, v10  }
0x132: {  	v6 =	vmul.f32 v17, v6;
	v18 =	vadd.f32 v24, v18;
	v23 =	vmul.f32 v17, v14  }
0x133: {  	v25 =	vmul.f32 v17, v12;
	v21 =	vadd.f32 v19, v21;
	v24 =	vsub.f32 v13, v22  }
0x134: {  	v23 =	vadd.f32 v18, v23;
	v19 =	vsub.f32 v6, v16;
	v13 =	vmul.f32 v12, v7  }
0x135: {  	v16 =	vsub.f32 v25, v22;
	v12 =	vsub.f32 v24, v6;
	(erf) = vrcp.f32 v21  }
0x136: {  	v18 =	vsub.f32 v7, v15;
	v21 =	vsub.f32 v7, v17;
	(erf) = vrcp.f32 v23  }
0x137: {  	v15 =	vsub.f32 v15, v17;
	v6 =	vor.u32 $0x2, v4;
	v7 =	vadd.f32 v12, v25  }
.Ltmp6:
0x138: {  	(pc) =	sbr.rel @p1 .LBB2_6-.Ltmp6, $4  }
0x139: {  	v23 =	vor.u32 $0x2, v9;
	(erf) = vrcp.f32 v7  }
0x13a: {  	v7 =	vor.u32 $0x3, v4  }
0x13b: {  	v22 =	vor.u32 $0x2, v5;
	v9 =	vmov s19;
	v12 =	vld.idx.msk [tilespmem:v20+s30+$0x0], $0xffff  }
0x13c: {  	v20 =	vshll.u32 v9, $0x3;
	v17 =	vld.idx.msk [tilespmem:v6+s30+$0x0], $0xffff  }
0x13d: {  	_ =	sdelay $0x3  }
0x13e: {  	v23 =	vld.idx.msk [tilespmem:v23+s30+$0x0], $0xffff  }
0x13f: {  	v25 =	vld.idx.msk [tilespmem:v7+s30+$0x0], $0xffff  }
0x140: {  	v42 =	vld.idx.msk [tilespmem:v22+s30+$0x0], $0xffff;
	v9 =	vpop (erf)  }
0x141: {  	v24 =	vpop (erf);
	v9 =	vmul.f32 v9, v11  }
0x142: {  	v41 =	vmul.f32 v24, v19;
	v21 =	vmul.f32 v24, v21  }
0x143: {  	v14 =	vmul.f32 v24, v14;
	v43 =	vmul.f32 v9, v17  }
0x144: {  	v44 =	vmul.f32 v41, v12;
	v47 =	vmul.f32 v21, v23  }
0x145: {  	v27 =	vor.u32 $0x3, v5;
	v9 =	vmul.f32 v9, v25;
	v48 =	vmul.f32 v14, v42  }
0x146: {  	v26 =	vpop (erf);
	v11 =	vmul.f32 v41, v23;
	v53 =	vmul.f32 v21, v12  }
0x147: {  	v10 =	vsub.f32 v10, v13;
	v45 =	vmul.f32 v26, v8;
	v46 =	vmul.f32 v26, v18  }
0x148: {  	v16 =	vmul.f32 v26, v16;
	v15 =	vmul.f32 v26, v15  }
0x149: {  	v10 =	vmul.f32 v26, v10;
	v28 =	vmul.f32 v45, v23  }
0x14a: {  	v5 =	vor.u32 v0, v20;
	v49 =	vld.idx.msk [tilespmem:v27+s30+$0x0], $0xffff;
	v29 =	vmul.f32 v45, v12;
	v50 =	vmul.f32 v46, v42  }
0x14b: {  	v57 =	vor.u32 $0x4, v4;
	v51 =	vmul.f32 v15, v17;
	v52 =	vmul.f32 v16, v17  }
0x14c: {  	v15 =	vmul.f32 v15, v25;
	v22 =	vadd.f32 v28, v43;
	v9 =	vadd.f32 v29, v9  }
0x14d: {  	v19 =	vmul.f32 v10, v42;
	v18 =	vadd.f32 v51, v47;
	v11 =	vadd.f32 v52, v11  }
0x14e: {  	v55 =	vmul.f32 v16, v25;
	v12 =	vadd.f32 v15, v53;
	v13 =	vadd.f32 v22, v48  }
0x14f: {  	v14 =	vmul.f32 v14, v49;
	v8 =	vmul.f32 v46, v49;
	v56 =	vadd.f32 v18, v50  }
0x150: {  	v54 =	vor.u32 $0x5, v4;
	v15 =	vadd.f32 v55, v44;
	v11 =	vadd.f32 v11, v19;
	[tilespmem:v4+s31+$0x0] =	vst.idx.msk $0xffff, v13  }
0x151: {  	v16 =	vor.u32 $0x1, v5;
	v10 =	vmul.f32 v10, v49;
	v9 =	vadd.f32 v9, v14;
	[tilespmem:v3+s31+$0x0] =	vst.idx.msk $0xffff, v56  }
0x152: {  	v58 =	vadd.s32 v2, v20;
	v8 =	vadd.f32 v12, v8;
	[tilespmem:v6+s31+$0x0] =	vst.idx.msk $0xffff, v11  }
0x153: {  	v60 =	vor.u32 $0x1, v58;
	v10 =	vadd.f32 v15, v10;
	[tilespmem:v7+s31+$0x0] =	vst.idx.msk $0xffff, v9  }
0x154: {  	v3 =	vadd.s32 v1, v20;
	[tilespmem:v57+s31+$0x0] =	vst.idx.msk $0xffff, v8  }
0x155: {  	v59 =	vor.u32 $0x1, v3;
	[tilespmem:v54+s31+$0x0] =	vst.idx.msk $0xffff, v10  }
0x156: {  	v4 =	vld.idx.msk [tilespmem:v16+s30+$0x0], $0xffff  }
0x157: {  	v8 =	vld.idx.msk [tilespmem:v5+s30+$0x0], $0xffff  }
0x158: {  	v7 =	vld.idx.msk [tilespmem:v60+s30+$0x0], $0xffff  }
0x159: {  	v10 =	vld.idx.msk [tilespmem:v58+s30+$0x0], $0xffff  }
0x15a: {  	v9 =	vld.idx.msk [tilespmem:v59+s30+$0x0], $0xffff;
	_ =	sdelay $0x3  }
0x15b: {  	v62 =	vld.idx.msk [tilespmem:v3+s30+$0x0], $0xffff;
	v61 =	vsub.f32 $0.0e+00, v8;
	v34 =	vmul.f32 v10, v4  }
0x15c: {  	v63 =	vsub.f32 v4, v9;
	v27 =	vmul.f32 v9, v8;
	v29 =	vsub.f32 v9, v7  }
0x15d: {  	v28 =	vsub.f32 v9, v4;
	v30 =	vsub.f32 v7, v9;
	v11 =	vmul.f32 v7, v61  }
0x15e: {  	v32 =	vsub.f32 v7, v4;
	v31 =	vmul.f32 v63, v10;
	v33 =	vmul.f32 v29, v8  }
0x15f: {  	v35 =	vsub.f32 v4, v7;
	v18 =	vmul.f32 v30, v8;
	v15 =	vmul.f32 v28, v10  }
0x160: {  	v20 =	vmul.f32 v62, v32;
	v11 =	vadd.f32 v27, v11;
	v19 =	vadd.f32 v31, v33  }
0x161: {  	v36 =	vmul.f32 v62, v35;
	v15 =	vadd.f32 v15, v18  }
0x162: {  	v9 =	vmul.f32 v9, v10;
	v11 =	vadd.f32 v11, v34;
	v19 =	vadd.f32 v19, v20  }
0x163: {  	v15 =	vadd.f32 v15, v36  }
0x164: {  	v4 =	vmul.f32 v62, v4;
	v11 =	vsub.f32 v11, v9;
	(erf) = vrcp.f32 v19  }
0x165: {  	v39 =	vor.u32 $0x2, v5;
	(erf) = vrcp.f32 v15  }
0x166: {  	v40 =	vor.u32 $0x3, v5;
	v37 =	vmul.f32 v62, v7;
	v11 =	vsub.f32 v11, v4  }
0x167: {  	v6 =	vor.u32 $0x2, v58  }
0x168: {  	v38 =	vor.u32 $0x3, v58;
	v11 =	vadd.f32 v11, v37  }
0x169: {  	v41 =	vor.u32 $0x2, v3  }
0x16a: {  	v42 =	vld.idx.msk [tilespmem:v39+s30+$0x0], $0xffff;
	v3 =	vor.u32 $0x3, v3;
	(erf) = vrcp.f32 v11  }
0x16b: {  	v46 =	vld.idx.msk [tilespmem:v40+s30+$0x0], $0xffff  }
0x16c: {  	v6 =	vld.idx.msk [tilespmem:v6+s30+$0x0], $0xffff  }
0x16d: {  	v15 =	vld.idx.msk [tilespmem:v38+s30+$0x0], $0xffff;
	v4 =	vsub.f32 v4, v27;
	v43 =	vpop (erf)  }
0x16e: {  	v47 =	vld.idx.msk [tilespmem:v41+s30+$0x0], $0xffff;
	v44 =	vsub.f32 v8, v62;
	v7 =	vmul.f32 v7, v8;
	v45 =	vpop (erf)  }
0x16f: {  	v3 =	vld.idx.msk [tilespmem:v3+s30+$0x0], $0xffff;
	v14 =	vmul.f32 v43, v29;
	v4 =	vmul.f32 v45, v4  }
0x170: {  	v48 =	vmul.f32 v45, v35;
	v49 =	vmul.f32 v45, v44  }
0x171: {  	v50 =	vmul.f32 v14, v42;
	v14 =	vmul.f32 v14, v46  }
0x172: {  	v8 =	vsub.f32 v8, v10;
	v51 =	vmul.f32 v4, v15;
	v53 =	vmul.f32 v49, v6  }
0x173: {  	v9 =	vsub.f32 v37, v9;
	v55 =	vmul.f32 v48, v47;
	v4 =	vmul.f32 v4, v6;
	v52 =	vpop (erf)  }
0x174: {  	v10 =	vsub.f32 v10, v62;
	v62 =	vmul.f32 v48, v3;
	v13 =	vmul.f32 v52, v63  }
0x175: {  	v7 =	vsub.f32 v34, v7;
	v8 =	vmul.f32 v52, v8;
	v9 =	vmul.f32 v52, v9  }
0x176: {  	v10 =	vmul.f32 v52, v10;
	v54 =	vmul.f32 v13, v6  }
0x177: {  	v60 =	vor.u32 $0x5, v5;
	v7 =	vmul.f32 v52, v7;
	v13 =	vmul.f32 v13, v15  }
0x178: {  	v57 =	vmul.f32 v8, v47;
	v58 =	vmul.f32 v10, v42;
	v56 =	vadd.f32 v54, v50  }
0x179: {  	v59 =	vmul.f32 v9, v42;
	v10 =	vmul.f32 v10, v46;
	v13 =	vadd.f32 v13, v14  }
0x17a: {  	v15 =	vmul.f32 v49, v15;
	v14 =	vadd.f32 v58, v53;
	v6 =	vadd.f32 v56, v55  }
0x17b: {  	v17 =	vmul.f32 v7, v47;
	v9 =	vmul.f32 v9, v46;
	v4 =	vadd.f32 v59, v4  }
0x17c: {  	v8 =	vmul.f32 v8, v3;
	v61 =	vadd.f32 v14, v57;
	[tilespmem:v5+s31+$0x0] =	vst.idx.msk $0xffff, v6;
	v5 =	vor.u32 $0x4, v5  }
0x17d: {  	v3 =	vmul.f32 v7, v3;
	v10 =	vadd.f32 v10, v15;
	v4 =	vadd.f32 v4, v17  }
0x17e: {  	s8 =	smul.u32 $0x2800, s15;
	v9 =	vadd.f32 v9, v51;
	v12 =	vadd.f32 v13, v62;
	[tilespmem:v16+s31+$0x0] =	vst.idx.msk $0xffff, v61  }
.Ltmp7:
0x17f: {  	v63 =	vadd.f32 v10, v8;
	[tilespmem:v39+s31+$0x0] =	vst.idx.msk $0xffff, v4;
	(pc) =	sbr.rel .LBB2_8-.Ltmp7, $4  }
0x180: {  	v3 =	vadd.f32 v9, v3;
	[tilespmem:v40+s31+$0x0] =	vst.idx.msk $0xffff, v12  }
0x181: {  	s8 =	sshrl.u32 s8, $0x3;
	[tilespmem:v5+s31+$0x0] =	vst.idx.msk $0xffff, v63  }
0x182: {  	s8 =	sadd.s32 s2, s8;
	[tilespmem:v60+s31+$0x0] =	vst.idx.msk $0xffff, v3  }
0x183: {  	[hbm4b:s8+s3] =	stream.linear.scatter [tilespmem:s31], [sflag:$0x6], $0x2800, $0x38;
	[tilespmem:$0x15E00] =	vst v63  }
.LBB2_9:
0x184: {  	_ =	swait.ge [sflag:s1], $0x2800  }
.Ltmp8:
0x185: {  	[sflag:s1] =	ssyncset.done $0x0;
	(pc) =	sbr.rel @p0 .LBB2_13-.Ltmp8, $4  }
0x186: {  	[sflag:s1] =	ssyncadd.s32 $0xFFFFD800  }
0x187: {  	_ =	swait.ge [sflag:s0], $0x2800  }
0x188: {  	[sflag:s0] =	ssyncset.done $0x0  }
0x189: {  	[sflag:s0] =	ssyncadd.s32 $0xFFFFD800  }
0x18a: {  	s8 =	simm.s32 $0x0;
	s14 =	rddreg [dreg:$0x4]  }
0x18b: {  	[tilespmem:s8], [sflag:$0x7] =	stream.linear.gather [hbm4b:s14+s8], $0x140, $0x38;
	[tilespmem:$0x15E00] =	vst v63  }
0x18c: {  	_ =	swait.ge [sflag:s22], $0x140  }
0x18d: {  	[sflag:s22] =	ssyncset.done $0x0  }
0x18e: {  	s15 =	simm.s32 $0x500;
	s16 =	rddreg [dreg:$0x5];
	[sflag:s22] =	ssyncadd.s32 $0xFFFFFEC0  }
0x18f: {  	[tilespmem:s15], [sflag:$0x7] =	stream.linear.gather [hbm4b:s16+s8], $0x140, $0x38;
	[tilespmem:$0x15E00] =	vst v63  }
0x190: {  	_ =	swait.ge [sflag:s22], $0x140  }
0x191: {  	[sflag:s22] =	ssyncset.done $0x0  }
0x192: {  	s16 =	simm.s32 $0xA00;
	s19 =	rddreg [dreg:$0x6];
	[sflag:s22] =	ssyncadd.s32 $0xFFFFFEC0  }
0x193: {  	[tilespmem:s16], [sflag:$0x7] =	stream.linear.gather [hbm4b:s19+s8], $0x140, $0x38;
	[tilespmem:$0x15E00] =	vst v63  }
0x194: {  	_ =	swait.ge [sflag:s22], $0x140  }
0x195: {  	[sflag:s22] =	ssyncset.done $0x0  }
0x196: {  	s20 =	simm.s32 $0x140;
	[sflag:s22] =	ssyncadd.s32 $0xFFFFFEC0  }
0x197: {  	[tilespmem:s25], [sflag:$0x3] =	stream.indirect.gather [hbm4b:s6+s20], $0x8, s8, s20, $0xb8;
	[tilespmem:$0x15E00] =	vst v63  }
0x198: {  	s10 =	simm.s32 $0x4600  }
0x199: {  	[tilespmem:s10], [sflag:$0x3] =	stream.indirect.gather [hbm4b:s6+s20], $0x8, s15, s20, $0xb8;
	[tilespmem:$0x15E00] =	vst v63  }
0x19a: {  	s21 =	simm.s32 $0x6E00  }
0x19b: {  	[tilespmem:s21], [sflag:$0x3] =	stream.indirect.gather [hbm4b:s6+s20], $0x8, s16, s20, $0xb8;
	[tilespmem:$0x15E00] =	vst v63  }
0x19c: {  	_ =	swait.ge [sflag:s26], $0xA00  }
0x19d: {  	v3 =	vmov s8;
	[sflag:s26] =	ssyncset.done $0x0  }
0x19e: {  	v6 =	vshll.u32 v3, $0x3;
	[sflag:s26] =	ssyncadd.s32 $0xFFFFF600  }
0x19f: {  	v4 =	vor.u32 v0, v6;
	_ =	swait.ge [sflag:s26], $0xA00  }
0x1a0: {  	v3 =	vor.u32 $0x1, v4;
	[sflag:s26] =	ssyncset.done $0x0  }
0x1a1: {  	v5 =	vor.u32 v1, v6;
	[sflag:s26] =	ssyncadd.s32 $0xFFFFF600  }
0x1a2: {  	v7 =	vadd.s32 v2, v6;
	v6 =	vor.u32 $0x1, v5;
	_ =	swait.ge [sflag:s26], $0xA00  }
0x1a3: {  	v8 =	vor.u32 $0x1, v7;
	[sflag:s26] =	ssyncset.done $0x0  }
0x1a4: {  	[sflag:s26] =	ssyncadd.s32 $0xFFFFF600  }
0x1a5: {  	v9 =	vld.idx.msk [tilespmem:v3+s25+$0x0], $0xffff  }
0x1a6: {  	v12 =	vld.idx.msk [tilespmem:v4+s25+$0x0], $0xffff  }
0x1a7: {  	v6 =	vld.idx.msk [tilespmem:v6+s25+$0x0], $0xffff  }
0x1a8: {  	v13 =	vld.idx.msk [tilespmem:v8+s25+$0x0], $0xffff  }
0x1a9: {  	v15 =	vld.idx.msk [tilespmem:v7+s25+$0x0], $0xffff;
	_ =	sdelay $0x1  }
0x1aa: {  	v10 =	vsub.f32 $0.0e+00, v12  }
0x1ab: {  	v17 =	vld.idx.msk [tilespmem:v5+s25+$0x0], $0xffff;
	v8 =	vsub.f32 v9, v6;
	v16 =	vmul.f32 v6, v12;
	v14 =	vsub.f32 v6, v9  }
0x1ac: {  	v11 =	vsub.f32 v6, v13;
	v18 =	vsub.f32 v13, v6;
	v10 =	vmul.f32 v13, v10  }
0x1ad: {  	v20 =	vmul.f32 v6, v15;
	v21 =	vsub.f32 v13, v9;
	v19 =	vmul.f32 v8, v15  }
0x1ae: {  	v22 =	vmul.f32 v11, v12;
	v6 =	vadd.f32 v16, v10;
	v10 =	vmul.f32 v15, v9  }
0x1af: {  	v18 =	vmul.f32 v18, v12;
	v23 =	vmul.f32 v14, v15;
	v14 =	vsub.f32 v9, v13  }
0x1b0: {  	v21 =	vmul.f32 v17, v21;
	v19 =	vadd.f32 v19, v22;
	v6 =	vadd.f32 v6, v10  }
0x1b1: {  	v18 =	vadd.f32 v23, v18;
	v22 =	vmul.f32 v17, v14  }
0x1b2: {  	v9 =	vmul.f32 v17, v9;
	v21 =	vadd.f32 v19, v21;
	v6 =	vsub.f32 v6, v20  }
0x1b3: {  	v22 =	vadd.f32 v18, v22  }
0x1b4: {  	v23 =	vmul.f32 v17, v13;
	(erf) = vrcp.f32 v21;
	v18 =	vsub.f32 v6, v9  }
0x1b5: {  	v24 =	vor.u32 $0x3, v7;
	(erf) = vrcp.f32 v22  }
0x1b6: {  	v19 =	vsub.f32 v9, v16;
	v6 =	vor.u32 $0x2, v4;
	v9 =	vadd.f32 v18, v23;
	_ =	sdelay $0x1  }
0x1b7: {  	v16 =	vsub.f32 v23, v20;
	v23 =	vor.u32 $0x2, v7;
	(erf) = vrcp.f32 v9  }
0x1b8: {  	s23 =	simm.s32 $0x10;
	v13 =	vmul.f32 v13, v12;
	v21 =	vsub.f32 v12, v17;
	v7 =	vor.u32 $0x3, v4  }
0x1b9: {  	v22 =	vor.u32 $0x2, v5;
	v18 =	vsub.f32 v12, v15;
	v12 =	vld.idx.msk [tilespmem:v24+s25+$0x0], $0xffff;
	v9 =	vmov s23  }
0x1ba: {  	s9 =	simm.s32 $0x500;
	s14 =	simm.s32 $0x20;
	s10 =	simm.s32 $0xA00;
	v15 =	vsub.f32 v15, v17;
	v20 =	vshll.u32 v9, $0x3;
	v17 =	vld.idx.msk [tilespmem:v6+s25+$0x0], $0xffff  }
.LBB2_11:
0x1bb: {  	p1 =	sne.s32 s14, $0x130;
	v24 =	vor.u32 v0, v20;
	s15 =	smov.u32 s14;
	s14 =	sadd.s32 $0x10, s14  }
0x1bc: {  	v9 =	vadd.s32 v2, v20;
	v20 =	vor.u32 v1, v20;
	v23 =	vld.idx.msk [tilespmem:v23+s25+$0x0], $0xffff;
	v25 =	vpop (erf)  }
0x1bd: {  	v26 =	vor.u32 $0x1, v9;
	v27 =	vor.u32 $0x1, v20;
	v28 =	vld.idx.msk [tilespmem:v7+s25+$0x0], $0xffff;
	v11 =	vmul.f32 v25, v11;
	v25 =	vpop (erf)  }
0x1be: {  	v22 =	vld.idx.msk [tilespmem:v22+s25+$0x0], $0xffff;
	v19 =	vmul.f32 v25, v19;
	v14 =	vmul.f32 v25, v14  }
0x1bf: {  	v29 =	vor.u32 $0x1, v24;
	v21 =	vmul.f32 v25, v21  }
0x1c0: {  	v25 =	vor.u32 $0x3, v5;
	v30 =	vmul.f32 v11, v17;
	v31 =	vmul.f32 v19, v12;
	v32 =	vpop (erf)  }
0x1c1: {  	v5 =	vmov v20;
	v8 =	vmul.f32 v32, v8;
	v18 =	vmul.f32 v32, v18  }
0x1c2: {  	v16 =	vmul.f32 v32, v16;
	v20 =	vmul.f32 v21, v23  }
0x1c3: {  	v11 =	vmul.f32 v11, v28;
	v33 =	vmul.f32 v8, v23  }
0x1c4: {  	v10 =	vsub.f32 v10, v13;
	v13 =	vmul.f32 v14, v22;
	v8 =	vmul.f32 v8, v12  }
0x1c5: {  	v15 =	vmul.f32 v32, v15;
	v19 =	vmul.f32 v19, v23;
	v25 =	vld.idx.msk [tilespmem:v25+s25+$0x0], $0xffff;
	v30 =	vadd.f32 v33, v30  }
0x1c6: {  	v10 =	vmul.f32 v32, v10;
	v23 =	vmul.f32 v18, v22;
	v8 =	vadd.f32 v8, v11  }
0x1c7: {  	v11 =	vadd.f32 v30, v13;
	v13 =	vmul.f32 v15, v17;
	v17 =	vmul.f32 v16, v17  }
0x1c8: {  	v12 =	vmul.f32 v21, v12;
	v15 =	vmul.f32 v15, v28  }
0x1c9: {  	v13 =	vadd.f32 v13, v20;
	v17 =	vadd.f32 v17, v19;
	[tilespmem:v4+s28+$0x0] =	vst.idx.msk $0xffff, v11;
	v11 =	vor.u32 $0x5, v4  }
0x1ca: {  	v19 =	vmul.f32 v10, v22;
	v12 =	vadd.f32 v15, v12;
	v15 =	vmul.f32 v16, v28  }
0x1cb: {  	v16 =	vor.u32 $0x4, v4;
	v4 =	vmovc v24;
	v14 =	vmul.f32 v14, v25;
	v13 =	vadd.f32 v13, v23  }
0x1cc: {  	v18 =	vmul.f32 v18, v25;
	v17 =	vadd.f32 v17, v19;
	v15 =	vadd.f32 v15, v31  }
0x1cd: {  	v10 =	vmul.f32 v10, v25;
	v8 =	vadd.f32 v8, v14;
	[tilespmem:v3+s28+$0x0] =	vst.idx.msk $0xffff, v13;
	v3 =	vmov v29  }
0x1ce: {  	v12 =	vadd.f32 v12, v18;
	[tilespmem:v6+s28+$0x0] =	vst.idx.msk $0xffff, v17  }
0x1cf: {  	v6 =	vadd.f32 v15, v10;
	[tilespmem:v7+s28+$0x0] =	vst.idx.msk $0xffff, v8  }
0x1d0: {  	[tilespmem:v16+s28+$0x0] =	vst.idx.msk $0xffff, v12  }
0x1d1: {  	[tilespmem:v11+s28+$0x0] =	vst.idx.msk $0xffff, v6  }
0x1d2: {  	v6 =	vld.idx.msk [tilespmem:v29+s25+$0x0], $0xffff  }
0x1d3: {  	v7 =	vld.idx.msk [tilespmem:v24+s25+$0x0], $0xffff  }
0x1d4: {  	v10 =	vld.idx.msk [tilespmem:v27+s25+$0x0], $0xffff  }
0x1d5: {  	v12 =	vld.idx.msk [tilespmem:v26+s25+$0x0], $0xffff  }
0x1d6: {  	v15 =	vld.idx.msk [tilespmem:v9+s25+$0x0], $0xffff  }
0x1d7: {  	v17 =	vld.idx.msk [tilespmem:v5+s25+$0x0], $0xffff;
	_ =	sdelay $0x1  }
0x1d8: {  	v20 =	vor.u32 $0x3, v9;
	v13 =	vsub.f32 $0.0e+00, v7  }
0x1d9: {  	v8 =	vsub.f32 v6, v10;
	v16 =	vmul.f32 v10, v7;
	v14 =	vsub.f32 v10, v6  }
0x1da: {  	v11 =	vsub.f32 v10, v12;
	v13 =	vmul.f32 v12, v13;
	v18 =	vsub.f32 v12, v10  }
0x1db: {  	v21 =	vsub.f32 v12, v6;
	v19 =	vmul.f32 v8, v15;
	v22 =	vmul.f32 v10, v15  }
0x1dc: {  	v10 =	vmul.f32 v15, v6;
	v23 =	vmul.f32 v11, v7;
	v13 =	vadd.f32 v16, v13  }
0x1dd: {  	v24 =	vmul.f32 v14, v15;
	v14 =	vsub.f32 v6, v12;
	v18 =	vmul.f32 v18, v7  }
0x1de: {  	v21 =	vmul.f32 v17, v21;
	v19 =	vadd.f32 v19, v23;
	v13 =	vadd.f32 v13, v10  }
0x1df: {  	v6 =	vmul.f32 v17, v6;
	v18 =	vadd.f32 v24, v18;
	v23 =	vmul.f32 v17, v14  }
0x1e0: {  	v25 =	vmul.f32 v17, v12;
	v21 =	vadd.f32 v19, v21;
	v24 =	vsub.f32 v13, v22  }
0x1e1: {  	v23 =	vadd.f32 v18, v23;
	v19 =	vsub.f32 v6, v16;
	v13 =	vmul.f32 v12, v7  }
0x1e2: {  	v16 =	vsub.f32 v25, v22;
	v12 =	vsub.f32 v24, v6;
	(erf) = vrcp.f32 v21  }
0x1e3: {  	v18 =	vsub.f32 v7, v15;
	v21 =	vsub.f32 v7, v17;
	(erf) = vrcp.f32 v23  }
0x1e4: {  	v15 =	vsub.f32 v15, v17;
	v6 =	vor.u32 $0x2, v4;
	v7 =	vadd.f32 v12, v25  }
.Ltmp9:
0x1e5: {  	(pc) =	sbr.rel @p1 .LBB2_11-.Ltmp9, $4  }
0x1e6: {  	v23 =	vor.u32 $0x2, v9;
	(erf) = vrcp.f32 v7  }
0x1e7: {  	v7 =	vor.u32 $0x3, v4  }
0x1e8: {  	v22 =	vor.u32 $0x2, v5;
	v9 =	vmov s15;
	v12 =	vld.idx.msk [tilespmem:v20+s25+$0x0], $0xffff  }
0x1e9: {  	v20 =	vshll.u32 v9, $0x3;
	v17 =	vld.idx.msk [tilespmem:v6+s25+$0x0], $0xffff  }
0x1ea: {  	_ =	sdelay $0x3  }
0x1eb: {  	v23 =	vld.idx.msk [tilespmem:v23+s25+$0x0], $0xffff  }
0x1ec: {  	v25 =	vld.idx.msk [tilespmem:v7+s25+$0x0], $0xffff  }
0x1ed: {  	v42 =	vld.idx.msk [tilespmem:v22+s25+$0x0], $0xffff;
	v9 =	vpop (erf)  }
0x1ee: {  	v24 =	vpop (erf);
	v9 =	vmul.f32 v9, v11  }
0x1ef: {  	v41 =	vmul.f32 v24, v19;
	v21 =	vmul.f32 v24, v21  }
0x1f0: {  	v14 =	vmul.f32 v24, v14;
	v43 =	vmul.f32 v9, v17  }
0x1f1: {  	v44 =	vmul.f32 v41, v12;
	v47 =	vmul.f32 v21, v23  }
0x1f2: {  	v27 =	vor.u32 $0x3, v5;
	v9 =	vmul.f32 v9, v25;
	v48 =	vmul.f32 v14, v42  }
0x1f3: {  	v26 =	vpop (erf);
	v11 =	vmul.f32 v41, v23;
	v53 =	vmul.f32 v21, v12  }
0x1f4: {  	v10 =	vsub.f32 v10, v13;
	v45 =	vmul.f32 v26, v8;
	v46 =	vmul.f32 v26, v18  }
0x1f5: {  	v16 =	vmul.f32 v26, v16;
	v15 =	vmul.f32 v26, v15  }
0x1f6: {  	v10 =	vmul.f32 v26, v10;
	v28 =	vmul.f32 v45, v23  }
0x1f7: {  	v5 =	vor.u32 v0, v20;
	v49 =	vld.idx.msk [tilespmem:v27+s25+$0x0], $0xffff;
	v29 =	vmul.f32 v45, v12;
	v50 =	vmul.f32 v46, v42  }
0x1f8: {  	v57 =	vor.u32 $0x4, v4;
	v51 =	vmul.f32 v15, v17;
	v52 =	vmul.f32 v16, v17  }
0x1f9: {  	v15 =	vmul.f32 v15, v25;
	v22 =	vadd.f32 v28, v43;
	v9 =	vadd.f32 v29, v9  }
0x1fa: {  	v19 =	vmul.f32 v10, v42;
	v18 =	vadd.f32 v51, v47;
	v11 =	vadd.f32 v52, v11  }
0x1fb: {  	v55 =	vmul.f32 v16, v25;
	v12 =	vadd.f32 v15, v53;
	v13 =	vadd.f32 v22, v48  }
0x1fc: {  	v14 =	vmul.f32 v14, v49;
	v8 =	vmul.f32 v46, v49;
	v56 =	vadd.f32 v18, v50  }
0x1fd: {  	v54 =	vor.u32 $0x5, v4;
	v15 =	vadd.f32 v55, v44;
	v11 =	vadd.f32 v11, v19;
	[tilespmem:v4+s28+$0x0] =	vst.idx.msk $0xffff, v13  }
0x1fe: {  	v16 =	vor.u32 $0x1, v5;
	v10 =	vmul.f32 v10, v49;
	v9 =	vadd.f32 v9, v14;
	[tilespmem:v3+s28+$0x0] =	vst.idx.msk $0xffff, v56  }
0x1ff: {  	v58 =	vadd.s32 v2, v20;
	v8 =	vadd.f32 v12, v8;
	[tilespmem:v6+s28+$0x0] =	vst.idx.msk $0xffff, v11  }
0x200: {  	v60 =	vor.u32 $0x1, v58;
	v10 =	vadd.f32 v15, v10;
	[tilespmem:v7+s28+$0x0] =	vst.idx.msk $0xffff, v9  }
0x201: {  	v3 =	vor.u32 v1, v20;
	[tilespmem:v57+s28+$0x0] =	vst.idx.msk $0xffff, v8  }
0x202: {  	v59 =	vor.u32 $0x1, v3;
	[tilespmem:v54+s28+$0x0] =	vst.idx.msk $0xffff, v10  }
0x203: {  	v4 =	vld.idx.msk [tilespmem:v16+s25+$0x0], $0xffff  }
0x204: {  	v8 =	vld.idx.msk [tilespmem:v5+s25+$0x0], $0xffff  }
0x205: {  	v7 =	vld.idx.msk [tilespmem:v60+s25+$0x0], $0xffff  }
0x206: {  	v10 =	vld.idx.msk [tilespmem:v58+s25+$0x0], $0xffff  }
0x207: {  	v9 =	vld.idx.msk [tilespmem:v59+s25+$0x0], $0xffff;
	_ =	sdelay $0x3  }
0x208: {  	v62 =	vld.idx.msk [tilespmem:v3+s25+$0x0], $0xffff;
	v61 =	vsub.f32 $0.0e+00, v8;
	v34 =	vmul.f32 v10, v4  }
0x209: {  	v63 =	vsub.f32 v4, v9;
	v27 =	vmul.f32 v9, v8;
	v29 =	vsub.f32 v9, v7  }
0x20a: {  	v28 =	vsub.f32 v9, v4;
	v30 =	vsub.f32 v7, v9;
	v11 =	vmul.f32 v7, v61  }
0x20b: {  	v32 =	vsub.f32 v7, v4;
	v31 =	vmul.f32 v63, v10;
	v33 =	vmul.f32 v29, v8  }
0x20c: {  	v35 =	vsub.f32 v4, v7;
	v18 =	vmul.f32 v30, v8;
	v15 =	vmul.f32 v28, v10  }
0x20d: {  	v20 =	vmul.f32 v62, v32;
	v11 =	vadd.f32 v27, v11;
	v19 =	vadd.f32 v31, v33  }
0x20e: {  	v36 =	vmul.f32 v62, v35;
	v15 =	vadd.f32 v15, v18  }
0x20f: {  	v9 =	vmul.f32 v9, v10;
	v11 =	vadd.f32 v11, v34;
	v19 =	vadd.f32 v19, v20  }
0x210: {  	v15 =	vadd.f32 v15, v36  }
0x211: {  	v4 =	vmul.f32 v62, v4;
	v11 =	vsub.f32 v11, v9;
	(erf) = vrcp.f32 v19  }
0x212: {  	v39 =	vor.u32 $0x2, v5;
	(erf) = vrcp.f32 v15  }
0x213: {  	v40 =	vor.u32 $0x3, v5;
	v37 =	vmul.f32 v62, v7;
	v11 =	vsub.f32 v11, v4  }
0x214: {  	v6 =	vor.u32 $0x2, v58  }
0x215: {  	v38 =	vor.u32 $0x3, v58;
	v11 =	vadd.f32 v11, v37  }
0x216: {  	v41 =	vor.u32 $0x2, v3  }
0x217: {  	v42 =	vld.idx.msk [tilespmem:v39+s25+$0x0], $0xffff;
	v3 =	vor.u32 $0x3, v3;
	(erf) = vrcp.f32 v11  }
0x218: {  	v46 =	vld.idx.msk [tilespmem:v40+s25+$0x0], $0xffff  }
0x219: {  	v6 =	vld.idx.msk [tilespmem:v6+s25+$0x0], $0xffff  }
0x21a: {  	v15 =	vld.idx.msk [tilespmem:v38+s25+$0x0], $0xffff;
	v4 =	vsub.f32 v4, v27;
	v43 =	vpop (erf)  }
0x21b: {  	v47 =	vld.idx.msk [tilespmem:v41+s25+$0x0], $0xffff;
	v44 =	vsub.f32 v8, v62;
	v7 =	vmul.f32 v7, v8;
	v45 =	vpop (erf)  }
0x21c: {  	v3 =	vld.idx.msk [tilespmem:v3+s25+$0x0], $0xffff;
	v14 =	vmul.f32 v43, v29;
	v4 =	vmul.f32 v45, v4  }
0x21d: {  	v48 =	vmul.f32 v45, v35;
	v49 =	vmul.f32 v45, v44  }
0x21e: {  	v50 =	vmul.f32 v14, v42;
	v14 =	vmul.f32 v14, v46  }
0x21f: {  	v8 =	vsub.f32 v8, v10;
	v51 =	vmul.f32 v4, v15;
	v53 =	vmul.f32 v49, v6  }
0x220: {  	v9 =	vsub.f32 v37, v9;
	v55 =	vmul.f32 v48, v47;
	v4 =	vmul.f32 v4, v6;
	v52 =	vpop (erf)  }
0x221: {  	v10 =	vsub.f32 v10, v62;
	v62 =	vmul.f32 v48, v3;
	v13 =	vmul.f32 v52, v63  }
0x222: {  	v7 =	vsub.f32 v34, v7;
	v8 =	vmul.f32 v52, v8;
	v9 =	vmul.f32 v52, v9  }
0x223: {  	v10 =	vmul.f32 v52, v10;
	v54 =	vmul.f32 v13, v6  }
0x224: {  	v60 =	vor.u32 $0x5, v5;
	v7 =	vmul.f32 v52, v7;
	v13 =	vmul.f32 v13, v15  }
0x225: {  	v57 =	vmul.f32 v8, v47;
	v58 =	vmul.f32 v10, v42;
	v56 =	vadd.f32 v54, v50  }
0x226: {  	v59 =	vmul.f32 v9, v42;
	v10 =	vmul.f32 v10, v46;
	v13 =	vadd.f32 v13, v14  }
0x227: {  	v15 =	vmul.f32 v49, v15;
	v14 =	vadd.f32 v58, v53;
	v6 =	vadd.f32 v56, v55  }
0x228: {  	v17 =	vmul.f32 v7, v47;
	v9 =	vmul.f32 v9, v46;
	v4 =	vadd.f32 v59, v4  }
0x229: {  	v8 =	vmul.f32 v8, v3;
	v61 =	vadd.f32 v14, v57;
	[tilespmem:v5+s28+$0x0] =	vst.idx.msk $0xffff, v6;
	v5 =	vor.u32 $0x4, v5  }
0x22a: {  	v3 =	vmul.f32 v7, v3;
	v10 =	vadd.f32 v10, v15;
	v4 =	vadd.f32 v4, v17  }
0x22b: {  	v9 =	vadd.f32 v9, v51;
	v12 =	vadd.f32 v13, v62;
	[tilespmem:v16+s28+$0x0] =	vst.idx.msk $0xffff, v61  }
0x22c: {  	v63 =	vadd.f32 v10, v8;
	[tilespmem:v39+s28+$0x0] =	vst.idx.msk $0xffff, v4  }
0x22d: {  	v3 =	vadd.f32 v9, v3;
	[tilespmem:v40+s28+$0x0] =	vst.idx.msk $0xffff, v12  }
0x22e: {  	[tilespmem:v5+s28+$0x0] =	vst.idx.msk $0xffff, v63  }
.Ltmp10:
0x22f: {  	s8 =	rddreg [dreg:$0x7];
	[tilespmem:v60+s28+$0x0] =	vst.idx.msk $0xffff, v3;
	(pc) =	sbr.rel .LBB2_13-.Ltmp10, $4  }
0x230: {  	[hbm4b:s8+s3] =	stream.linear.scatter [tilespmem:s28], [sflag:$0x7], $0xA00, $0x38;
	[tilespmem:$0x15E00] =	vst v63  }
0x231: {  	_ =	swait.ge [sflag:s22], $0xA00  }
0x232: {  	[sflag:s22] =	ssyncset.done $0x0  }
0x233: {  	[sflag:s22] =	ssyncadd.s32 $0xFFFFF600  }
.LBB2_14:
0x234: {  	_ =	sfence.sel $0x180000  }
0x235: {  	[bflag:$0x0] =	sbarrier.arrive $0xFFFF  }
0x236: {  	_ =	strace $0x9000004A  }
0x237: {  	s0 =	stileid.u32;
	[bflag:$0x2] =	sbarrier.arrive $0xFFFF  }
0x238: {  	p0 =	sne.s32 s0, $0x0;
	s0 =	rddreg [dreg:$0x2]  }
0x239: {  	s0 =	sadd.s32 @!p0 $0x100000, s0  }
0x23a: {  	[sflag:s0] =	ssyncadd.tile.s32 @!p0 $0x1;
	_ =	shalt  }
.Lfunc_end2:
_tile_overlayer_lowered:
.L_overlay_start_2:
0x23b: {  	(tag) =	ssettag $0x2  }
0x23c: {  	s0 =	rddreg [dreg:$0x0];
	s2 =	stileid.u32  }
0x23d: {  	s1 =	rddreg [dreg:$0x1];
	p0 =	sne.s32 s2, $0x0  }
0x23e: {  	s3 =	rddreg [dreg:$0x2];
	[bflag:$0x3] =	sbarrier.arrive $0xFFFF;
	s2 =	simm.s32 @!p0 $0x1C07  }
0x23f: {  	[timem:s3], [sflag:s2] =	dma.local @!p0 [hbm:s0], s1  }
0x240: {  	s0 =	simm.s32 @!p0 $0x7  }
0x241: {  	_ =	swait.ge @!p0 [sflag:s0], s1  }
0x242: {  	s1 =	ssub.s32 @!p0 $0x0, s1;
	[sflag:s0] =	ssyncset.done @!p0 $0x0  }
0x243: {  	[sflag:s0] =	ssyncadd.s32 @!p0 s1  }
0x244: {  	[bflag:$0x3] =	sbarrier.arrive $0xFFFF  }
0x245: {  	_ =	shalt  }

</sc_bundles>
